<compile_context>
chip_gen: v7x
topology: tpu7x:2x2x1
jax: 0.10.2.dev20260603
libtpu: 0.0.44.dev20260713+nightly
codegen_flags: <defaults>
</compile_context>

<pallas_src>
import functools

import jax
import jax.numpy as jnp
from jax import lax
from jax.experimental import pallas as pl
from jax.experimental.pallas import tpu as pltpu
from jax.experimental.pallas import tpu_sc as plsc

_E = 1600000
_NGE = _E // 128
_NODES = 50000
_CELLS = 100000
_CELLSP = 100096
_NGC = _CELLSP // 128
_NC, _NS = 2, 16
_NW = _NC * _NS
_CH = 8
_EC = _CH * 128
_NCHK = _NGE // _CH
_NPS = _NODES // _NS
_ZR = 625


def _scatter_body(ea, nei, out0, out1, rbufA, rbufB, ibuf, zbuf, table,
                  lsem0, lsem1, ssem):
    c = lax.axis_index("c")
    s = lax.axis_index("s")
    w = s * _NC + c

    def _zb(i, carry):
        zbuf[i] = jnp.zeros((16,), jnp.float32)
        return carry

    lax.fori_loop(0, _ZR, _zb, 0)
    for k in range(_NPS // _ZR):
        pltpu.sync_copy(zbuf, table.at[pl.ds(s * _NPS + k * _ZR, _ZR)])
    plsc.subcore_barrier()

    cs = w * _NCHK // _NW
    ce = (w + 1) * _NCHK // _NW

    def _loads(ci, p, sem, start):
        g0 = ci * _CH
        e0 = g0 * 128
        pairs = (
            (ea.at[pl.ds(e0, _EC), pl.ds(0, 16)], rbufA.at[p]),
            (ea.at[pl.ds(e0, _EC), pl.ds(16, 16)], rbufB.at[p]),
            (nei.at[0, pl.ds(g0, _CH)], ibuf.at[0, p]),
            (nei.at[1, pl.ds(g0, _CH)], ibuf.at[1, p]),
        )
        for src, dst in pairs:
            if start:
                pltpu.async_copy(src, dst, sem)
            else:
                pltpu.make_async_copy(src, dst, sem).wait()

    def _chunk(ci, carry):
        p = lax.rem(ci - cs, 2)

        @pl.when(p == 0)
        def _():
            _loads(ci, 0, lsem0, start=False)

        @pl.when(p == 1)
        def _():
            _loads(ci, 1, lsem1, start=False)

        @pl.when((p == 0) & (ci + 1 < ce))
        def _():
            _loads(ci + 1, 1, lsem1, start=True)

        @pl.when((p == 1) & (ci + 1 < ce))
        def _():
            _loads(ci + 1, 0, lsem0, start=True)

        cps = []
        for j in range(_CH):
            cps.append(pltpu.async_copy(rbufA.at[p, pl.ds(j * 128, 128)],
                                        table.at[ibuf.at[0, p, j]], ssem,
                                        add=True))
            cps.append(pltpu.async_copy(rbufB.at[p, pl.ds(j * 128, 128)],
                                        table.at[ibuf.at[1, p, j]], ssem,
                                        add=True))
        for cp in cps:
            cp.wait()
        return carry

    @pl.when(cs < ce)
    def _():
        _loads(cs, 0, lsem0, start=True)

    lax.fori_loop(cs, ce, _chunk, 0)

    @pl.when(w == 0)
    def _():
        e0 = _NCHK * _EC
        g0 = _NCHK * _CH
        pltpu.sync_copy(ea.at[pl.ds(e0, 512), pl.ds(0, 16)],
                        rbufA.at[0, pl.ds(0, 512)])
        pltpu.sync_copy(ea.at[pl.ds(e0, 512), pl.ds(16, 16)],
                        rbufB.at[0, pl.ds(0, 512)])
        pltpu.sync_copy(nei.at[0, pl.ds(g0, 4)], ibuf.at[0, 0, pl.ds(0, 4)])
        pltpu.sync_copy(nei.at[1, pl.ds(g0, 4)], ibuf.at[1, 0, pl.ds(0, 4)])
        for j in range(4):
            pltpu.sync_copy(rbufA.at[0, pl.ds(j * 128, 128)],
                            table.at[ibuf.at[0, 0, j]], add=True)
            pltpu.sync_copy(rbufB.at[0, pl.ds(j * 128, 128)],
                            table.at[ibuf.at[1, 0, j]], add=True)

    plsc.subcore_barrier()

    @pl.when(c == 0)
    def _():
        pltpu.sync_copy(table.at[pl.ds(s * _NPS, _NPS)],
                        out0.at[pl.ds(s * _NPS, _NPS)])

    @pl.when(c == 1)
    def _():
        pltpu.sync_copy(table.at[pl.ds(s * _NPS, _NPS)],
                        out1.at[pl.ds(s * _NPS, _NPS)])


def _gather_body(p0, p1, fc, cells, ibuf, rbuf, obuf, isem0, isem1, gsem,
                 osem0, osem1):
    c = lax.axis_index("c")
    s = lax.axis_index("s")
    w = s * _NC + c
    gs = w * _NGC // _NW
    ge = (w + 1) * _NGC // _NW

    def _idx_loads(g, p, sem, start):
        for j in range(3):
            if start:
                pltpu.async_copy(fc.at[j, g], ibuf.at[p, j], sem)
            else:
                pltpu.make_async_copy(fc.at[j, g], ibuf.at[p, j], sem).wait()

    def _grp(g, carry):
        p = lax.rem(g - gs, 2)

        @pl.when(p == 0)
        def _():
            _idx_loads(g, 0, isem0, start=False)
            @pl.when(g - 2 >= gs)
            def _():
                pltpu.make_async_copy(
                    obuf.at[0], cells.at[pl.ds((g - 2) * 128, 128)],
                    osem0).wait()

        @pl.when(p == 1)
        def _():
            _idx_loads(g, 1, isem1, start=False)

            @pl.when(g - 2 >= gs)
            def _():
                pltpu.make_async_copy(
                    obuf.at[1], cells.at[pl.ds((g - 2) * 128, 128)],
                    osem1).wait()

        @pl.when((p == 0) & (g + 1 < ge))
        def _():
            _idx_loads(g + 1, 1, isem1, start=True)

        @pl.when((p == 1) & (g + 1 < ge))
        def _():
            _idx_loads(g + 1, 0, isem0, start=True)

        cps = []
        for j in range(3):
            cps.append(pltpu.async_copy(p0.at[ibuf.at[p, j]], rbuf.at[j],
                                        gsem))
            cps.append(pltpu.async_copy(p1.at[ibuf.at[p, j]], rbuf.at[3 + j],
                                        gsem))
        for cp in cps:
            cp.wait()

        def _cell(i, cc):
            acc = ((rbuf[0, i] + rbuf[1, i]) + (rbuf[2, i] + rbuf[3, i])
                   + (rbuf[4, i] + rbuf[5, i]))
            obuf[p, i] = acc
            return cc

        lax.fori_loop(0, 128, _cell, 0)

        @pl.when(p == 0)
        def _():
            pltpu.async_copy(obuf.at[0], cells.at[pl.ds(g * 128, 128)], osem0)

        @pl.when(p == 1)
        def _():
            pltpu.async_copy(obuf.at[1], cells.at[pl.ds(g * 128, 128)], osem1)

        return carry

    @pl.when(gs < ge)
    def _():
        _idx_loads(gs, 0, isem0, start=True)

    lax.fori_loop(gs, ge, _grp, 0)

    @pl.when(gs < ge)
    def _():
        n = ge - gs
        pg = lax.rem(n - 1, 2)

        @pl.when(pg == 0)
        def _():
            pltpu.make_async_copy(obuf.at[0],
                                  cells.at[pl.ds((ge - 1) * 128, 128)],
                                  osem0).wait()

        @pl.when(pg == 1)
        def _():
            pltpu.make_async_copy(obuf.at[1],
                                  cells.at[pl.ds((ge - 1) * 128, 128)],
                                  osem1).wait()

    @pl.when(gs < ge - 1)
    def _():
        n = ge - gs
        pg = lax.rem(n - 2, 2)

        @pl.when(pg == 0)
        def _():
            pltpu.make_async_copy(obuf.at[0],
                                  cells.at[pl.ds((ge - 2) * 128, 128)],
                                  osem0).wait()

        @pl.when(pg == 1)
        def _():
            pltpu.make_async_copy(obuf.at[1],
                                  cells.at[pl.ds((ge - 2) * 128, 128)],
                                  osem1).wait()


def _mm_body(x_ref, cl_ref, wx_ref, wc_ref, b_ref, o_ref):
    o_ref[...] = (jnp.dot(x_ref[...], wx_ref[...],
                          preferred_element_type=jnp.float32)
                  + jnp.dot(cl_ref[...], wc_ref[...],
                            preferred_element_type=jnp.float32)
                  + b_ref[...])


def _make_sc_kernels():
    mesh = plsc.VectorSubcoreMesh(core_axis_name="c", subcore_axis_name="s",
                                  num_cores=_NC, num_subcores=_NS)
    params = pltpu.CompilerParams(use_tc_tiling_on_sc=False)
    scatter = pl.kernel(
        _scatter_body,
        compiler_params=params,
        out_type=(jax.ShapeDtypeStruct((_NODES, 16), jnp.float32),
                  jax.ShapeDtypeStruct((_NODES, 16), jnp.float32)),
        mesh=mesh,
        scratch_types=[
            pltpu.VMEM((2, _EC, 16), jnp.float32),
            pltpu.VMEM((2, _EC, 16), jnp.float32),
            pltpu.VMEM((2, 2, _CH, 128), jnp.int32),
            pltpu.VMEM((_ZR, 16), jnp.float32),
            pltpu.VMEM_SHARED((_NODES, 16), jnp.float32),
            pltpu.SemaphoreType.DMA,
            pltpu.SemaphoreType.DMA,
            pltpu.SemaphoreType.DMA,
        ],
    )
    gather = pl.kernel(
        _gather_body,
        compiler_params=params,
        out_type=jax.ShapeDtypeStruct((_CELLSP, 16), jnp.float32),
        mesh=mesh,
        scratch_types=[
            pltpu.VMEM((2, 3, 128), jnp.int32),
            pltpu.VMEM((6, 128, 16), jnp.float32),
            pltpu.VMEM((2, 128, 16), jnp.float32),
            pltpu.SemaphoreType.DMA,
            pltpu.SemaphoreType.DMA,
            pltpu.SemaphoreType.DMA,
            pltpu.SemaphoreType.DMA,
            pltpu.SemaphoreType.DMA,
        ],
    )
    return scatter, gather


def _matmul(x, cl, wx, wc, b2):
    blk = 2000
    return pl.pallas_call(
        _mm_body,
        grid=(_CELLS // blk,),
        in_specs=[
            pl.BlockSpec((blk, 128), lambda i: (i, 0)),
            pl.BlockSpec((blk, 16), lambda i: (i, 0)),
            pl.BlockSpec((128, 128), lambda i: (0, 0)),
            pl.BlockSpec((16, 128), lambda i: (0, 0)),
            pl.BlockSpec((1, 128), lambda i: (0, 0)),
        ],
        out_specs=pl.BlockSpec((blk, 128), lambda i: (i, 0)),
        out_shape=jax.ShapeDtypeStruct((_CELLS, 128), jnp.float32),
    )(x, cl, wx, wc, b2)


def kernel(x, edge_attr, edge_index, node_edge_index, face, W, b):
    nei = node_edge_index.astype(jnp.int32).reshape(2, _NGE, 128)
    fcp = jnp.pad(face.astype(jnp.int32),
                  ((0, 0), (0, _CELLSP - _CELLS))).reshape(3, _NGC, 128)
    scatter, gather = _make_sc_kernels()
    p0, p1 = scatter(edge_attr, nei)
    cells = gather(p0, p1, fcp)
    wx = W[:128]
    wc = W[128:] * (1.0 / 3.0)
    out = _matmul(x, cells, wx, wc, b.reshape(1, 128))
    return (out, edge_attr, edge_index)

# --- scband reference (transcript-rebuilt; emitter-appended) ---
"""Pipeline reference for scband-cell-block-5952824672853 (READ-ONLY COPY).

The authoritative reference and input builder live on the scoring server;
editing this copy changes nothing except your own understanding.
"""

import jax, jax.numpy as jnp
import numpy as np

NUM_CELLS = 100000
NUM_MESH_NODES = 50000
E = 1600000
D_EDGE2 = 32  # edge_attr stores forward+reverse halves, chunked into 2 x 16
D_X = 128
INPUT_SIZE = D_X + D_EDGE2 // 2  # 144
ATTENTION_SIZE = 128


def setup_inputs(seed: int = 0) -> dict:
    key = jax.random.key(seed)
    k1, k2, k3, k4, k5, k6, k7 = jax.random.split(key, 7)
    x = jax.random.normal(k1, (NUM_CELLS, D_X), dtype=jnp.float32)
    edge_attr = jax.random.normal(k2, (E, D_EDGE2), dtype=jnp.float32)
    edge_index = jax.random.randint(k3, (2, E), 0, NUM_CELLS, dtype=jnp.int64)
    node_edge_index = jax.random.randint(k4, (2, E), 0, NUM_MESH_NODES, dtype=jnp.int64)
    face = jax.random.randint(k5, (3, NUM_CELLS), 0, NUM_MESH_NODES, dtype=jnp.int64)
    # custom_func net materialized as a Linear(input_size, attention_size)
    W = jax.random.normal(k6, (INPUT_SIZE, ATTENTION_SIZE), dtype=jnp.float32) / np.sqrt(INPUT_SIZE)
    b = jax.random.normal(k7, (ATTENTION_SIZE,), dtype=jnp.float32) * 0.01
    return {"x": x, "edge_attr": edge_attr, "edge_index": edge_index,
            "node_edge_index": node_edge_index, "face": face, "W": W, "b": b}


def reference(x, edge_attr, edge_index, node_edge_index, face, W, b):
    # dual_edge=False: chunk edge_attr into 2 along last dim, cat along dim 0
    a, bb = jnp.split(edge_attr, 2, axis=-1)
    twoway_edge_attr = jnp.concatenate([a, bb], axis=0)  # [2E, 16]
    # mp_times >= 2 path
    senders_node_idx = node_edge_index[0]
    receivers_node_idx = node_edge_index[1]
    twoway_node_connections = jnp.concatenate([senders_node_idx, receivers_node_idx], axis=0)  # [2E]
    # first message aggregation to mesh nodes (scatter_add)
    node_agg_received_edges = jax.ops.segment_sum(
        twoway_edge_attr, twoway_node_connections, num_segments=NUM_MESH_NODES)
    # second message aggregation to cells (gather 3 face nodes, average)
    cell_agg = (jnp.take(node_agg_received_edges, face[0], axis=0)
                + jnp.take(node_agg_received_edges, face[1], axis=0)
                + jnp.take(node_agg_received_edges, face[2], axis=0)) / 3.0
    collected_nodes = jnp.concatenate([x, cell_agg], axis=-1)  # [NUM_CELLS, 144]
    out_x = collected_nodes @ W + b  # custom_func net
    # original returns Data(x=out_x, edge_attr=edge_attr, edge_index=edge_index)
    return (out_x, edge_attr, edge_index)

if __name__ == "__main__":
    import jax
    _d = setup_inputs()
    print(jax.jit(kernel)(*tuple(_d.values())))

</pallas_src>

<mosaic_0001>
#map = affine_map<(d0, d1) -> (0, 0)>
#map1 = affine_map<(d0, d1) -> (0, 0, 0)>
module attributes {stable_mosaic.version = 14 : i64} {
  func.func @_scatter_body(%arg0: i32, %arg1: i32, %arg2: memref<1600000x32xf32, #tpu.memory_space<hbm>>, %arg3: memref<2x12500x128xi32, #tpu.memory_space<hbm>>, %arg4: memref<50000x16xf32, #tpu.memory_space<hbm>>, %arg5: memref<50000x16xf32, #tpu.memory_space<hbm>>, %arg6: memref<2x1024x16xf32, #tpu.memory_space<vmem>>, %arg7: memref<2x1024x16xf32, #tpu.memory_space<vmem>>, %arg8: memref<2x2x8x128xi32, #tpu.memory_space<vmem>>, %arg9: memref<625x16xf32, #tpu.memory_space<vmem>>, %arg10: memref<50000x16xf32, #tpu.memory_space<vmem_shared>>, %arg11: memref<!tpu.dma_semaphore, #tpu.memory_space<semaphore_mem>>, %arg12: memref<!tpu.dma_semaphore, #tpu.memory_space<semaphore_mem>>, %arg13: memref<!tpu.dma_semaphore, #tpu.memory_space<semaphore_mem>>) attributes {dimension_semantics = [#tpu.dimension_semantics<core_parallel>, #tpu.dimension_semantics<subcore_parallel>], iteration_bounds = array<i64: 2, 16>, scalar_prefetch = 0 : i64, scratch_operands = 8 : i64, tpu.core_type = #tpu.core_type<sc_vector_subcore>, window_params = [{transform_indices = #map}, {transform_indices = #map1}, {transform_indices = #map}, {transform_indices = #map}]} {
    %mul3A = arith.constant 2 : i32
    %mul3A_0 = arith.muli %arg1, %mul3A : i32
    %add3A = arith.addi %mul3A_0, %arg0 : i32
    %scan3A = arith.constant 0 : i32
    %scan3A_1 = arith.constant 0 : i32
    %scan3A_2 = arith.constant 625 : i32
    %scan3A_3 = arith.addi %scan3A_1, %scan3A_2 : i32
    %scan3A_4 = arith.constant 1 : i32
    scf.for %scan3A_96 = %scan3A_1 to %scan3A_3 step %scan3A_4  : i32 {
      %broadcast_in_dim3A = arith.constant 0.000000e+00 : f32
      %broadcast_in_dim3A_97 = vector.broadcast %broadcast_in_dim3A : f32 to vector<16xf32>
      %swap3A = arith.index_cast %scan3A_96 : i32 to index
      %swap3A_98 = arith.constant 0 : index
      %swap3A_99 = tpu.vector_load %arg9[%swap3A, %swap3A_98] {strides = array<i32>} : memref<625x16xf32, #tpu.memory_space<vmem>>, vector<1x16xf32>,
      %swap3A_100 = vector.shape_cast %swap3A_99 : vector<1x16xf32> to vector<16xf32>
      %swap3A_101 = vector.shape_cast %broadcast_in_dim3A_97 : vector<16xf32> to vector<1x16xf32>
      tpu.vector_store %arg9[%swap3A, %swap3A_98], %swap3A_101 {strides = array<i32>} : memref<625x16xf32, #tpu.memory_space<vmem>>, vector<1x16xf32>,
    }
    %scan3A_5 = arith.constant 625 : i32
    %mul3A_6 = arith.constant 3125 : i32
    %mul3A_7 = arith.muli %arg1, %mul3A_6 : i32
    %add3A_8 = arith.constant 0 : i32
    %add3A_9 = arith.addi %mul3A_7, %add3A_8 : i32
    "tpu.region"() ({
      %run_scoped3A = tpu.sem_alloc : memref<!tpu.dma_semaphore, #tpu.memory_space<semaphore_mem>>
      %dma_start3A = arith.constant 0 : i32
      %dma_start3A_96 = tpu.memref_slice %arg10[%add3A_9, %dma_start3A] : memref<50000x16xf32, #tpu.memory_space<vmem_shared>> -> memref<625x16xf32, #tpu.memory_space<vmem_shared>>
      %dma_start3A_97 = arith.constant 0 : i32
      %dma_start3A_98 = tpu.memref_slice %arg10[%add3A_9, %dma_start3A_97] : memref<50000x16xf32, #tpu.memory_space<vmem_shared>> -> memref<625x16xf32, #tpu.memory_space<vmem_shared>>
      tpu.enqueue_dma source(%arg9 : memref<625x16xf32, #tpu.memory_space<vmem>>) target(%dma_start3A_98 : memref<625x16xf32, #tpu.memory_space<vmem_shared>>) target_semaphore(%run_scoped3A : memref<!tpu.dma_semaphore, #tpu.memory_space<semaphore_mem>>)
      %dma_wait3A = arith.constant 0 : i32
      %dma_wait3A_99 = tpu.memref_slice %arg10[%add3A_9, %dma_wait3A] : memref<50000x16xf32, #tpu.memory_space<vmem_shared>> -> memref<625x16xf32, #tpu.memory_space<vmem_shared>>
      %dma_wait3A_100 = arith.constant 0 : i32
      %dma_wait3A_101 = tpu.memref_slice %arg10[%add3A_9, %dma_wait3A_100] : memref<50000x16xf32, #tpu.memory_space<vmem_shared>> -> memref<625x16xf32, #tpu.memory_space<vmem_shared>>
      tpu.wait_dma2 semaphore(%run_scoped3A : memref<!tpu.dma_semaphore, #tpu.memory_space<semaphore_mem>>) src(%arg9 : memref<625x16xf32, #tpu.memory_space<vmem>>) dst(%dma_wait3A_101 : memref<625x16xf32, #tpu.memory_space<vmem_shared>>)
      tpu.yield
    }) : () -> ()
    %mul3A_10 = arith.constant 3125 : i32
    %mul3A_11 = arith.muli %arg1, %mul3A_10 : i32
    %add3A_12 = arith.constant 625 : i32
    %add3A_13 = arith.addi %mul3A_11, %add3A_12 : i32
    "tpu.region"() ({
      %run_scoped3A = tpu.sem_alloc : memref<!tpu.dma_semaphore, #tpu.memory_space<semaphore_mem>>
      %dma_start3A = arith.constant 0 : i32
      %dma_start3A_96 = tpu.memref_slice %arg10[%add3A_13, %dma_start3A] : memref<50000x16xf32, #tpu.memory_space<vmem_shared>> -> memref<625x16xf32, #tpu.memory_space<vmem_shared>>
      %dma_start3A_97 = arith.constant 0 : i32
      %dma_start3A_98 = tpu.memref_slice %arg10[%add3A_13, %dma_start3A_97] : memref<50000x16xf32, #tpu.memory_space<vmem_shared>> -> memref<625x16xf32, #tpu.memory_space<vmem_shared>>
      tpu.enqueue_dma source(%arg9 : memref<625x16xf32, #tpu.memory_space<vmem>>) target(%dma_start3A_98 : memref<625x16xf32, #tpu.memory_space<vmem_shared>>) target_semaphore(%run_scoped3A : memref<!tpu.dma_semaphore, #tpu.memory_space<semaphore_mem>>)
      %dma_wait3A = arith.constant 0 : i32
      %dma_wait3A_99 = tpu.memref_slice %arg10[%add3A_13, %dma_wait3A] : memref<50000x16xf32, #tpu.memory_space<vmem_shared>> -> memref<625x16xf32, #tpu.memory_space<vmem_shared>>
      %dma_wait3A_100 = arith.constant 0 : i32
      %dma_wait3A_101 = tpu.memref_slice %arg10[%add3A_13, %dma_wait3A_100] : memref<50000x16xf32, #tpu.memory_space<vmem_shared>> -> memref<625x16xf32, #tpu.memory_space<vmem_shared>>
      tpu.wait_dma2 semaphore(%run_scoped3A : memref<!tpu.dma_semaphore, #tpu.memory_space<semaphore_mem>>) src(%arg9 : memref<625x16xf32, #tpu.memory_space<vmem>>) dst(%dma_wait3A_101 : memref<625x16xf32, #tpu.memory_space<vmem_shared>>)
      tpu.yield
    }) : () -> ()
    %mul3A_14 = arith.constant 3125 : i32
    %mul3A_15 = arith.muli %arg1, %mul3A_14 : i32
    %add3A_16 = arith.constant 1250 : i32
    %add3A_17 = arith.addi %mul3A_15, %add3A_16 : i32
    "tpu.region"() ({
      %run_scoped3A = tpu.sem_alloc : memref<!tpu.dma_semaphore, #tpu.memory_space<semaphore_mem>>
      %dma_start3A = arith.constant 0 : i32
      %dma_start3A_96 = tpu.memref_slice %arg10[%add3A_17, %dma_start3A] : memref<50000x16xf32, #tpu.memory_space<vmem_shared>> -> memref<625x16xf32, #tpu.memory_space<vmem_shared>>
      %dma_start3A_97 = arith.constant 0 : i32
      %dma_start3A_98 = tpu.memref_slice %arg10[%add3A_17, %dma_start3A_97] : memref<50000x16xf32, #tpu.memory_space<vmem_shared>> -> memref<625x16xf32, #tpu.memory_space<vmem_shared>>
      tpu.enqueue_dma source(%arg9 : memref<625x16xf32, #tpu.memory_space<vmem>>) target(%dma_start3A_98 : memref<625x16xf32, #tpu.memory_space<vmem_shared>>) target_semaphore(%run_scoped3A : memref<!tpu.dma_semaphore, #tpu.memory_space<semaphore_mem>>)
      %dma_wait3A = arith.constant 0 : i32
      %dma_wait3A_99 = tpu.memref_slice %arg10[%add3A_17, %dma_wait3A] : memref<50000x16xf32, #tpu.memory_space<vmem_shared>> -> memref<625x16xf32, #tpu.memory_space<vmem_shared>>
      %dma_wait3A_100 = arith.constant 0 : i32
      %dma_wait3A_101 = tpu.memref_slice %arg10[%add3A_17, %dma_wait3A_100] : memref<50000x16xf32, #tpu.memory_space<vmem_shared>> -> memref<625x16xf32, #tpu.memory_space<vmem_shared>>
      tpu.wait_dma2 semaphore(%run_scoped3A : memref<!tpu.dma_semaphore, #tpu.memory_space<semaphore_mem>>) src(%arg9 : memref<625x16xf32, #tpu.memory_space<vmem>>) dst(%dma_wait3A_101 : memref<625x16xf32, #tpu.memory_space<vmem_shared>>)
      tpu.yield
    }) : () -> ()
    %mul3A_18 = arith.constant 3125 : i32
    %mul3A_19 = arith.muli %arg1, %mul3A_18 : i32
    %add3A_20 = arith.constant 1875 : i32
    %add3A_21 = arith.addi %mul3A_19, %add3A_20 : i32
    "tpu.region"() ({
      %run_scoped3A = tpu.sem_alloc : memref<!tpu.dma_semaphore, #tpu.memory_space<semaphore_mem>>
      %dma_start3A = arith.constant 0 : i32
      %dma_start3A_96 = tpu.memref_slice %arg10[%add3A_21, %dma_start3A] : memref<50000x16xf32, #tpu.memory_space<vmem_shared>> -> memref<625x16xf32, #tpu.memory_space<vmem_shared>>
      %dma_start3A_97 = arith.constant 0 : i32
      %dma_start3A_98 = tpu.memref_slice %arg10[%add3A_21, %dma_start3A_97] : memref<50000x16xf32, #tpu.memory_space<vmem_shared>> -> memref<625x16xf32, #tpu.memory_space<vmem_shared>>
      tpu.enqueue_dma source(%arg9 : memref<625x16xf32, #tpu.memory_space<vmem>>) target(%dma_start3A_98 : memref<625x16xf32, #tpu.memory_space<vmem_shared>>) target_semaphore(%run_scoped3A : memref<!tpu.dma_semaphore, #tpu.memory_space<semaphore_mem>>)
      %dma_wait3A = arith.constant 0 : i32
      %dma_wait3A_99 = tpu.memref_slice %arg10[%add3A_21, %dma_wait3A] : memref<50000x16xf32, #tpu.memory_space<vmem_shared>> -> memref<625x16xf32, #tpu.memory_space<vmem_shared>>
      %dma_wait3A_100 = arith.constant 0 : i32
      %dma_wait3A_101 = tpu.memref_slice %arg10[%add3A_21, %dma_wait3A_100] : memref<50000x16xf32, #tpu.memory_space<vmem_shared>> -> memref<625x16xf32, #tpu.memory_space<vmem_shared>>
      tpu.wait_dma2 semaphore(%run_scoped3A : memref<!tpu.dma_semaphore, #tpu.memory_space<semaphore_mem>>) src(%arg9 : memref<625x16xf32, #tpu.memory_space<vmem>>) dst(%dma_wait3A_101 : memref<625x16xf32, #tpu.memory_space<vmem_shared>>)
      tpu.yield
    }) : () -> ()
    %mul3A_22 = arith.constant 3125 : i32
    %mul3A_23 = arith.muli %arg1, %mul3A_22 : i32
    %add3A_24 = arith.constant 2500 : i32
    %add3A_25 = arith.addi %mul3A_23, %add3A_24 : i32
    "tpu.region"() ({
      %run_scoped3A = tpu.sem_alloc : memref<!tpu.dma_semaphore, #tpu.memory_space<semaphore_mem>>
      %dma_start3A = arith.constant 0 : i32
      %dma_start3A_96 = tpu.memref_slice %arg10[%add3A_25, %dma_start3A] : memref<50000x16xf32, #tpu.memory_space<vmem_shared>> -> memref<625x16xf32, #tpu.memory_space<vmem_shared>>
      %dma_start3A_97 = arith.constant 0 : i32
      %dma_start3A_98 = tpu.memref_slice %arg10[%add3A_25, %dma_start3A_97] : memref<50000x16xf32, #tpu.memory_space<vmem_shared>> -> memref<625x16xf32, #tpu.memory_space<vmem_shared>>
      tpu.enqueue_dma source(%arg9 : memref<625x16xf32, #tpu.memory_space<vmem>>) target(%dma_start3A_98 : memref<625x16xf32, #tpu.memory_space<vmem_shared>>) target_semaphore(%run_scoped3A : memref<!tpu.dma_semaphore, #tpu.memory_space<semaphore_mem>>)
      %dma_wait3A = arith.constant 0 : i32
      %dma_wait3A_99 = tpu.memref_slice %arg10[%add3A_25, %dma_wait3A] : memref<50000x16xf32, #tpu.memory_space<vmem_shared>> -> memref<625x16xf32, #tpu.memory_space<vmem_shared>>
      %dma_wait3A_100 = arith.constant 0 : i32
      %dma_wait3A_101 = tpu.memref_slice %arg10[%add3A_25, %dma_wait3A_100] : memref<50000x16xf32, #tpu.memory_space<vmem_shared>> -> memref<625x16xf32, #tpu.memory_space<vmem_shared>>
      tpu.wait_dma2 semaphore(%run_scoped3A : memref<!tpu.dma_semaphore, #tpu.memory_space<semaphore_mem>>) src(%arg9 : memref<625x16xf32, #tpu.memory_space<vmem>>) dst(%dma_wait3A_101 : memref<625x16xf32, #tpu.memory_space<vmem_shared>>)
      tpu.yield
    }) : () -> ()
    %barrier3A = arith.constant 0 : index
    tpu.barrier barrier_id(%barrier3A)
    %mul3A_26 = arith.constant 1562 : i32
    %mul3A_27 = arith.muli %add3A, %mul3A_26 : i32
    %jit3A = arith.constant 32 : i32
    %div3A = arith.divsi %mul3A_27, %jit3A : i32
    %sign3A = arith.constant 0 : i32
    %sign3A_28 = arith.cmpi sgt, %mul3A_27, %sign3A : i32
    %sign3A_29 = arith.extui %sign3A_28 : i1 to i32
    %sign3A_30 = arith.constant 0 : i32
    %sign3A_31 = arith.cmpi slt, %mul3A_27, %sign3A_30 : i32
    %sign3A_32 = arith.extui %sign3A_31 : i1 to i32
    %sign3A_33 = arith.subi %sign3A_29, %sign3A_32 : i32
    %sign3A_34 = arith.constant 0 : i32
    %sign3A_35 = arith.cmpi sgt, %jit3A, %sign3A_34 : i32
    %sign3A_36 = arith.extui %sign3A_35 : i1 to i32
    %sign3A_37 = arith.constant 0 : i32
    %sign3A_38 = arith.cmpi slt, %jit3A, %sign3A_37 : i32
    %sign3A_39 = arith.extui %sign3A_38 : i1 to i32
    %sign3A_40 = arith.subi %sign3A_36, %sign3A_39 : i32
    %ne3A = arith.cmpi ne, %sign3A_33, %sign3A_40 : i32
    %rem3A = arith.remsi %mul3A_27, %jit3A : i32
    %ne3A_41 = arith.constant 0 : i32
    %ne3A_42 = arith.cmpi ne, %rem3A, %ne3A_41 : i32
    %and3A = arith.andi %ne3A, %ne3A_42 : i1
    %sub3A = arith.constant 1 : i32
    %sub3A_43 = arith.subi %div3A, %sub3A : i32
    %select_n3A = arith.select %and3A, %sub3A_43, %div3A : i32
    %add3A_44 = arith.constant 1 : i32
    %add3A_45 = arith.addi %add3A, %add3A_44 : i32
    %mul3A_46 = arith.constant 1562 : i32
    %mul3A_47 = arith.muli %add3A_45, %mul3A_46 : i32
    %jit3A_48 = arith.constant 32 : i32
    %div3A_49 = arith.divsi %mul3A_47, %jit3A_48 : i32
    %sign3A_50 = arith.constant 0 : i32
    %sign3A_51 = arith.cmpi sgt, %mul3A_47, %sign3A_50 : i32
    %sign3A_52 = arith.extui %sign3A_51 : i1 to i32
    %sign3A_53 = arith.constant 0 : i32
    %sign3A_54 = arith.cmpi slt, %mul3A_47, %sign3A_53 : i32
    %sign3A_55 = arith.extui %sign3A_54 : i1 to i32
    %sign3A_56 = arith.subi %sign3A_52, %sign3A_55 : i32
    %sign3A_57 = arith.constant 0 : i32
    %sign3A_58 = arith.cmpi sgt, %jit3A_48, %sign3A_57 : i32
    %sign3A_59 = arith.extui %sign3A_58 : i1 to i32
    %sign3A_60 = arith.constant 0 : i32
    %sign3A_61 = arith.cmpi slt, %jit3A_48, %sign3A_60 : i32
    %sign3A_62 = arith.extui %sign3A_61 : i1 to i32
    %sign3A_63 = arith.subi %sign3A_59, %sign3A_62 : i32
    %ne3A_64 = arith.cmpi ne, %sign3A_56, %sign3A_63 : i32
    %rem3A_65 = arith.remsi %mul3A_47, %jit3A_48 : i32
    %ne3A_66 = arith.constant 0 : i32
    %ne3A_67 = arith.cmpi ne, %rem3A_65, %ne3A_66 : i32
    %and3A_68 = arith.andi %ne3A_64, %ne3A_67 : i1
    %sub3A_69 = arith.constant 1 : i32
    %sub3A_70 = arith.subi %div3A_49, %sub3A_69 : i32
    %select_n3A_71 = arith.select %and3A_68, %sub3A_70, %div3A_49 : i32
    %lt3A = arith.cmpi slt, %select_n3A, %select_n3A_71 : i32
    %convert_element_type3A = arith.extui %lt3A : i1 to i32
    %cond3A = arith.constant 0 : i32
    %cond3A_72 = arith.cmpi ne, %convert_element_type3A, %cond3A : i32
    scf.if %cond3A_72 {
      %mul3A_96 = arith.constant 8 : i32
      %mul3A_97 = arith.muli %select_n3A, %mul3A_96 : i32
      %mul3A_98 = arith.constant 128 : i32
      %mul3A_99 = arith.muli %mul3A_97, %mul3A_98 : i32
      %dma_start3A = arith.constant 0 : i32
      %dma_start3A_100 = arith.constant 0 : i32
      %dma_start3A_101 = arith.constant 0 : i32
      %dma_start3A_102 = tpu.memref_slice %arg6[%dma_start3A, %dma_start3A_100, %dma_start3A_101] : memref<2x1024x16xf32, #tpu.memory_space<vmem>> -> memref<1x1024x16xf32, #tpu.memory_space<vmem>>
      %dma_start3A_103 = tpu.memref_squeeze %dma_start3A_102 : memref<1x1024x16xf32, #tpu.memory_space<vmem>> -> memref<1024x16xf32, #tpu.memory_space<vmem>>
      %dma_start3A_104 = arith.constant 0 : i32
      %dma_start3A_105 = tpu.memref_slice %arg2[%mul3A_99, %dma_start3A_104] : memref<1600000x32xf32, #tpu.memory_space<hbm>> -> memref<1024x16xf32, #tpu.memory_space<hbm>>
      %dma_start3A_106 = arith.constant 0 : i32
      %dma_start3A_107 = arith.constant 0 : i32
      %dma_start3A_108 = tpu.memref_slice %arg6[%dma_start3A, %dma_start3A_106, %dma_start3A_107] : memref<2x1024x16xf32, #tpu.memory_space<vmem>> -> memref<1x1024x16xf32, #tpu.memory_space<vmem>>
      %dma_start3A_109 = tpu.memref_squeeze %dma_start3A_108 : memref<1x1024x16xf32, #tpu.memory_space<vmem>> -> memref<1024x16xf32, #tpu.memory_space<vmem>>
      %dma_start3A_110 = arith.constant 0 : i32
      %dma_start3A_111 = tpu.memref_slice %arg2[%mul3A_99, %dma_start3A_110] : memref<1600000x32xf32, #tpu.memory_space<hbm>> -> memref<1024x16xf32, #tpu.memory_space<hbm>>
      tpu.enqueue_dma source(%dma_start3A_111 : memref<1024x16xf32, #tpu.memory_space<hbm>>) target(%dma_start3A_109 : memref<1024x16xf32, #tpu.memory_space<vmem>>) target_semaphore(%arg11 : memref<!tpu.dma_semaphore, #tpu.memory_space<semaphore_mem>>)
      %dma_start3A_112 = arith.constant 0 : i32
      %dma_start3A_113 = arith.constant 0 : i32
      %dma_start3A_114 = arith.constant 0 : i32
      %dma_start3A_115 = tpu.memref_slice %arg7[%dma_start3A_112, %dma_start3A_113, %dma_start3A_114] : memref<2x1024x16xf32, #tpu.memory_space<vmem>> -> memref<1x1024x16xf32, #tpu.memory_space<vmem>>
      %dma_start3A_116 = tpu.memref_squeeze %dma_start3A_115 : memref<1x1024x16xf32, #tpu.memory_space<vmem>> -> memref<1024x16xf32, #tpu.memory_space<vmem>>
      %dma_start3A_117 = arith.constant 16 : i32
      %dma_start3A_118 = tpu.memref_slice %arg2[%mul3A_99, %dma_start3A_117] : memref<1600000x32xf32, #tpu.memory_space<hbm>> -> memref<1024x16xf32, #tpu.memory_space<hbm>>
      %dma_start3A_119 = arith.constant 0 : i32
      %dma_start3A_120 = arith.constant 0 : i32
      %dma_start3A_121 = tpu.memref_slice %arg7[%dma_start3A_112, %dma_start3A_119, %dma_start3A_120] : memref<2x1024x16xf32, #tpu.memory_space<vmem>> -> memref<1x1024x16xf32, #tpu.memory_space<vmem>>
      %dma_start3A_122 = tpu.memref_squeeze %dma_start3A_121 : memref<1x1024x16xf32, #tpu.memory_space<vmem>> -> memref<1024x16xf32, #tpu.memory_space<vmem>>
      %dma_start3A_123 = arith.constant 16 : i32
      %dma_start3A_124 = tpu.memref_slice %arg2[%mul3A_99, %dma_start3A_123] : memref<1600000x32xf32, #tpu.memory_space<hbm>> -> memref<1024x16xf32, #tpu.memory_space<hbm>>
      tpu.enqueue_dma source(%dma_start3A_124 : memref<1024x16xf32, #tpu.memory_space<hbm>>) target(%dma_start3A_122 : memref<1024x16xf32, #tpu.memory_space<vmem>>) target_semaphore(%arg11 : memref<!tpu.dma_semaphore, #tpu.memory_space<semaphore_mem>>)
      %dma_start3A_125 = arith.constant 0 : i32
      %dma_start3A_126 = arith.constant 0 : i32
      %dma_start3A_127 = arith.constant 0 : i32
      %dma_start3A_128 = arith.constant 0 : i32
      %dma_start3A_129 = arith.constant 0 : i32
      %dma_start3A_130 = tpu.memref_slice %arg8[%dma_start3A_126, %dma_start3A_127, %dma_start3A_128, %dma_start3A_129] : memref<2x2x8x128xi32, #tpu.memory_space<vmem>> -> memref<1x1x8x128xi32, #tpu.memory_space<vmem>>
      %dma_start3A_131 = tpu.memref_squeeze %dma_start3A_130 : memref<1x1x8x128xi32, #tpu.memory_space<vmem>> -> memref<8x128xi32, #tpu.memory_space<vmem>>
      %dma_start3A_132 = arith.constant 0 : i32
      %dma_start3A_133 = tpu.memref_slice %arg3[%dma_start3A_125, %mul3A_97, %dma_start3A_132] : memref<2x12500x128xi32, #tpu.memory_space<hbm>> -> memref<1x8x128xi32, #tpu.memory_space<hbm>>
      %dma_start3A_134 = tpu.memref_squeeze %dma_start3A_133 : memref<1x8x128xi32, #tpu.memory_space<hbm>> -> memref<8x128xi32, #tpu.memory_space<hbm>>
      %dma_start3A_135 = arith.constant 0 : i32
      %dma_start3A_136 = arith.constant 0 : i32
      %dma_start3A_137 = tpu.memref_slice %arg8[%dma_start3A_126, %dma_start3A_127, %dma_start3A_135, %dma_start3A_136] : memref<2x2x8x128xi32, #tpu.memory_space<vmem>> -> memref<1x1x8x128xi32, #tpu.memory_space<vmem>>
      %dma_start3A_138 = tpu.memref_squeeze %dma_start3A_137 : memref<1x1x8x128xi32, #tpu.memory_space<vmem>> -> memref<8x128xi32, #tpu.memory_space<vmem>>
      %dma_start3A_139 = arith.constant 0 : i32
      %dma_start3A_140 = tpu.memref_slice %arg3[%dma_start3A_125, %mul3A_97, %dma_start3A_139] : memref<2x12500x128xi32, #tpu.memory_space<hbm>> -> memref<1x8x128xi32, #tpu.memory_space<hbm>>
      %dma_start3A_141 = tpu.memref_squeeze %dma_start3A_140 : memref<1x8x128xi32, #tpu.memory_space<hbm>> -> memref<8x128xi32, #tpu.memory_space<hbm>>
      tpu.enqueue_dma source(%dma_start3A_141 : memref<8x128xi32, #tpu.memory_space<hbm>>) target(%dma_start3A_138 : memref<8x128xi32, #tpu.memory_space<vmem>>) target_semaphore(%arg11 : memref<!tpu.dma_semaphore, #tpu.memory_space<semaphore_mem>>)
      %dma_start3A_142 = arith.constant 1 : i32
      %dma_start3A_143 = arith.constant 1 : i32
      %dma_start3A_144 = arith.constant 0 : i32
      %dma_start3A_145 = arith.constant 0 : i32
      %dma_start3A_146 = arith.constant 0 : i32
      %dma_start3A_147 = tpu.memref_slice %arg8[%dma_start3A_143, %dma_start3A_144, %dma_start3A_145, %dma_start3A_146] : memref<2x2x8x128xi32, #tpu.memory_space<vmem>> -> memref<1x1x8x128xi32, #tpu.memory_space<vmem>>
      %dma_start3A_148 = tpu.memref_squeeze %dma_start3A_147 : memref<1x1x8x128xi32, #tpu.memory_space<vmem>> -> memref<8x128xi32, #tpu.memory_space<vmem>>
      %dma_start3A_149 = arith.constant 0 : i32
      %dma_start3A_150 = tpu.memref_slice %arg3[%dma_start3A_142, %mul3A_97, %dma_start3A_149] : memref<2x12500x128xi32, #tpu.memory_space<hbm>> -> memref<1x8x128xi32, #tpu.memory_space<hbm>>
      %dma_start3A_151 = tpu.memref_squeeze %dma_start3A_150 : memref<1x8x128xi32, #tpu.memory_space<hbm>> -> memref<8x128xi32, #tpu.memory_space<hbm>>
      %dma_start3A_152 = arith.constant 0 : i32
      %dma_start3A_153 = arith.constant 0 : i32
      %dma_start3A_154 = tpu.memref_slice %arg8[%dma_start3A_143, %dma_start3A_144, %dma_start3A_152, %dma_start3A_153] : memref<2x2x8x128xi32, #tpu.memory_space<vmem>> -> memref<1x1x8x128xi32, #tpu.memory_space<vmem>>
      %dma_start3A_155 = tpu.memref_squeeze %dma_start3A_154 : memref<1x1x8x128xi32, #tpu.memory_space<vmem>> -> memref<8x128xi32, #tpu.memory_space<vmem>>
      %dma_start3A_156 = arith.constant 0 : i32
      %dma_start3A_157 = tpu.memref_slice %arg3[%dma_start3A_142, %mul3A_97, %dma_start3A_156] : memref<2x12500x128xi32, #tpu.memory_space<hbm>> -> memref<1x8x128xi32, #tpu.memory_space<hbm>>
      %dma_start3A_158 = tpu.memref_squeeze %dma_start3A_157 : memref<1x8x128xi32, #tpu.memory_space<hbm>> -> memref<8x128xi32, #tpu.memory_space<hbm>>
      tpu.enqueue_dma source(%dma_start3A_158 : memref<8x128xi32, #tpu.memory_space<hbm>>) target(%dma_start3A_155 : memref<8x128xi32, #tpu.memory_space<vmem>>) target_semaphore(%arg11 : memref<!tpu.dma_semaphore, #tpu.memory_space<semaphore_mem>>)
    } else {
    }
    %while3A = arith.constant 0 : i32
    %while3A_73 = arith.subi %select_n3A_71, %select_n3A : i32
    %while3A_74 = arith.addi %select_n3A, %while3A_73 : i32
    %while3A_75 = arith.constant 1 : i32
    %while3A_76 = arith.divsi %while3A_73, %while3A_75 : i32
    %while3A_77 = arith.muli %while3A_76, %while3A_75 : i32
    %while3A_78 = arith.addi %select_n3A, %while3A_77 : i32
    %while3A_79 = arith.constant 1 : i32
    scf.for %while3A_96 = %select_n3A to %while3A_78 step %while3A_79  : i32 {
      %sub3A_97 = arith.subi %while3A_96, %select_n3A : i32
      %rem3A_98 = arith.constant 2 : i32
      %rem3A_99 = arith.remsi %sub3A_97, %rem3A_98 : i32
      %eq3A_100 = arith.constant 0 : i32
      %eq3A_101 = arith.cmpi eq, %rem3A_99, %eq3A_100 : i32
      %convert_element_type3A_102 = arith.extui %eq3A_101 : i1 to i32
      %cond3A_103 = arith.constant 0 : i32
      %cond3A_104 = arith.cmpi ne, %convert_element_type3A_102, %cond3A_103 : i32
      scf.if %cond3A_104 {
        %mul3A_510 = arith.constant 8 : i32
        %mul3A_511 = arith.muli %while3A_96, %mul3A_510 : i32
        %mul3A_512 = arith.constant 128 : i32
        %mul3A_513 = arith.muli %mul3A_511, %mul3A_512 : i32
        %dma_wait3A_514 = arith.constant 0 : i32
        %dma_wait3A_515 = arith.constant 0 : i32
        %dma_wait3A_516 = arith.constant 0 : i32
        %dma_wait3A_517 = tpu.memref_slice %arg6[%dma_wait3A_514, %dma_wait3A_515, %dma_wait3A_516] : memref<2x1024x16xf32, #tpu.memory_space<vmem>> -> memref<1x1024x16xf32, #tpu.memory_space<vmem>>
        %dma_wait3A_518 = tpu.memref_squeeze %dma_wait3A_517 : memref<1x1024x16xf32, #tpu.memory_space<vmem>> -> memref<1024x16xf32, #tpu.memory_space<vmem>>
        %dma_wait3A_519 = arith.constant 0 : i32
        %dma_wait3A_520 = tpu.memref_slice %arg2[%mul3A_513, %dma_wait3A_519] : memref<1600000x32xf32, #tpu.memory_space<hbm>> -> memref<1024x16xf32, #tpu.memory_space<hbm>>
        %dma_wait3A_521 = arith.constant 0 : i32
        %dma_wait3A_522 = arith.constant 0 : i32
        %dma_wait3A_523 = tpu.memref_slice %arg6[%dma_wait3A_514, %dma_wait3A_521, %dma_wait3A_522] : memref<2x1024x16xf32, #tpu.memory_space<vmem>> -> memref<1x1024x16xf32, #tpu.memory_space<vmem>>
        %dma_wait3A_524 = tpu.memref_squeeze %dma_wait3A_523 : memref<1x1024x16xf32, #tpu.memory_space<vmem>> -> memref<1024x16xf32, #tpu.memory_space<vmem>>
        %dma_wait3A_525 = arith.constant 0 : i32
        %dma_wait3A_526 = tpu.memref_slice %arg2[%mul3A_513, %dma_wait3A_525] : memref<1600000x32xf32, #tpu.memory_space<hbm>> -> memref<1024x16xf32, #tpu.memory_space<hbm>>
        tpu.wait_dma2 semaphore(%arg11 : memref<!tpu.dma_semaphore, #tpu.memory_space<semaphore_mem>>) src(%dma_wait3A_526 : memref<1024x16xf32, #tpu.memory_space<hbm>>) dst(%dma_wait3A_524 : memref<1024x16xf32, #tpu.memory_space<vmem>>)
        %dma_wait3A_527 = arith.constant 0 : i32
        %dma_wait3A_528 = arith.constant 0 : i32
        %dma_wait3A_529 = arith.constant 0 : i32
        %dma_wait3A_530 = tpu.memref_slice %arg7[%dma_wait3A_527, %dma_wait3A_528, %dma_wait3A_529] : memref<2x1024x16xf32, #tpu.memory_space<vmem>> -> memref<1x1024x16xf32, #tpu.memory_space<vmem>>
        %dma_wait3A_531 = tpu.memref_squeeze %dma_wait3A_530 : memref<1x1024x16xf32, #tpu.memory_space<vmem>> -> memref<1024x16xf32, #tpu.memory_space<vmem>>
        %dma_wait3A_532 = arith.constant 16 : i32
        %dma_wait3A_533 = tpu.memref_slice %arg2[%mul3A_513, %dma_wait3A_532] : memref<1600000x32xf32, #tpu.memory_space<hbm>> -> memref<1024x16xf32, #tpu.memory_space<hbm>>
        %dma_wait3A_534 = arith.constant 0 : i32
        %dma_wait3A_535 = arith.constant 0 : i32
        %dma_wait3A_536 = tpu.memref_slice %arg7[%dma_wait3A_527, %dma_wait3A_534, %dma_wait3A_535] : memref<2x1024x16xf32, #tpu.memory_space<vmem>> -> memref<1x1024x16xf32, #tpu.memory_space<vmem>>
        %dma_wait3A_537 = tpu.memref_squeeze %dma_wait3A_536 : memref<1x1024x16xf32, #tpu.memory_space<vmem>> -> memref<1024x16xf32, #tpu.memory_space<vmem>>
        %dma_wait3A_538 = arith.constant 16 : i32
        %dma_wait3A_539 = tpu.memref_slice %arg2[%mul3A_513, %dma_wait3A_538] : memref<1600000x32xf32, #tpu.memory_space<hbm>> -> memref<1024x16xf32, #tpu.memory_space<hbm>>
        tpu.wait_dma2 semaphore(%arg11 : memref<!tpu.dma_semaphore, #tpu.memory_space<semaphore_mem>>) src(%dma_wait3A_539 : memref<1024x16xf32, #tpu.memory_space<hbm>>) dst(%dma_wait3A_537 : memref<1024x16xf32, #tpu.memory_space<vmem>>)
        %dma_wait3A_540 = arith.constant 0 : i32
        %dma_wait3A_541 = arith.constant 0 : i32
        %dma_wait3A_542 = arith.constant 0 : i32
        %dma_wait3A_543 = arith.constant 0 : i32
        %dma_wait3A_544 = arith.constant 0 : i32
        %dma_wait3A_545 = tpu.memref_slice %arg8[%dma_wait3A_541, %dma_wait3A_542, %dma_wait3A_543, %dma_wait3A_544] : memref<2x2x8x128xi32, #tpu.memory_space<vmem>> -> memref<1x1x8x128xi32, #tpu.memory_space<vmem>>
        %dma_wait3A_546 = tpu.memref_squeeze %dma_wait3A_545 : memref<1x1x8x128xi32, #tpu.memory_space<vmem>> -> memref<8x128xi32, #tpu.memory_space<vmem>>
        %dma_wait3A_547 = arith.constant 0 : i32
        %dma_wait3A_548 = tpu.memref_slice %arg3[%dma_wait3A_540, %mul3A_511, %dma_wait3A_547] : memref<2x12500x128xi32, #tpu.memory_space<hbm>> -> memref<1x8x128xi32, #tpu.memory_space<hbm>>
        %dma_wait3A_549 = tpu.memref_squeeze %dma_wait3A_548 : memref<1x8x128xi32, #tpu.memory_space<hbm>> -> memref<8x128xi32, #tpu.memory_space<hbm>>
        %dma_wait3A_550 = arith.constant 0 : i32
        %dma_wait3A_551 = arith.constant 0 : i32
        %dma_wait3A_552 = tpu.memref_slice %arg8[%dma_wait3A_541, %dma_wait3A_542, %dma_wait3A_550, %dma_wait3A_551] : memref<2x2x8x128xi32, #tpu.memory_space<vmem>> -> memref<1x1x8x128xi32, #tpu.memory_space<vmem>>
        %dma_wait3A_553 = tpu.memref_squeeze %dma_wait3A_552 : memref<1x1x8x128xi32, #tpu.memory_space<vmem>> -> memref<8x128xi32, #tpu.memory_space<vmem>>
        %dma_wait3A_554 = arith.constant 0 : i32
        %dma_wait3A_555 = tpu.memref_slice %arg3[%dma_wait3A_540, %mul3A_511, %dma_wait3A_554] : memref<2x12500x128xi32, #tpu.memory_space<hbm>> -> memref<1x8x128xi32, #tpu.memory_space<hbm>>
        %dma_wait3A_556 = tpu.memref_squeeze %dma_wait3A_555 : memref<1x8x128xi32, #tpu.memory_space<hbm>> -> memref<8x128xi32, #tpu.memory_space<hbm>>
        tpu.wait_dma2 semaphore(%arg11 : memref<!tpu.dma_semaphore, #tpu.memory_space<semaphore_mem>>) src(%dma_wait3A_556 : memref<8x128xi32, #tpu.memory_space<hbm>>) dst(%dma_wait3A_553 : memref<8x128xi32, #tpu.memory_space<vmem>>)
        %dma_wait3A_557 = arith.constant 1 : i32
        %dma_wait3A_558 = arith.constant 1 : i32
        %dma_wait3A_559 = arith.constant 0 : i32
        %dma_wait3A_560 = arith.constant 0 : i32
        %dma_wait3A_561 = arith.constant 0 : i32
        %dma_wait3A_562 = tpu.memref_slice %arg8[%dma_wait3A_558, %dma_wait3A_559, %dma_wait3A_560, %dma_wait3A_561] : memref<2x2x8x128xi32, #tpu.memory_space<vmem>> -> memref<1x1x8x128xi32, #tpu.memory_space<vmem>>
        %dma_wait3A_563 = tpu.memref_squeeze %dma_wait3A_562 : memref<1x1x8x128xi32, #tpu.memory_space<vmem>> -> memref<8x128xi32, #tpu.memory_space<vmem>>
        %dma_wait3A_564 = arith.constant 0 : i32
        %dma_wait3A_565 = tpu.memref_slice %arg3[%dma_wait3A_557, %mul3A_511, %dma_wait3A_564] : memref<2x12500x128xi32, #tpu.memory_space<hbm>> -> memref<1x8x128xi32, #tpu.memory_space<hbm>>
        %dma_wait3A_566 = tpu.memref_squeeze %dma_wait3A_565 : memref<1x8x128xi32, #tpu.memory_space<hbm>> -> memref<8x128xi32, #tpu.memory_space<hbm>>
        %dma_wait3A_567 = arith.constant 0 : i32
        %dma_wait3A_568 = arith.constant 0 : i32
        %dma_wait3A_569 = tpu.memref_slice %arg8[%dma_wait3A_558, %dma_wait3A_559, %dma_wait3A_567, %dma_wait3A_568] : memref<2x2x8x128xi32, #tpu.memory_space<vmem>> -> memref<1x1x8x128xi32, #tpu.memory_space<vmem>>
        %dma_wait3A_570 = tpu.memref_squeeze %dma_wait3A_569 : memref<1x1x8x128xi32, #tpu.memory_space<vmem>> -> memref<8x128xi32, #tpu.memory_space<vmem>>
        %dma_wait3A_571 = arith.constant 0 : i32
        %dma_wait3A_572 = tpu.memref_slice %arg3[%dma_wait3A_557, %mul3A_511, %dma_wait3A_571] : memref<2x12500x128xi32, #tpu.memory_space<hbm>> -> memref<1x8x128xi32, #tpu.memory_space<hbm>>
        %dma_wait3A_573 = tpu.memref_squeeze %dma_wait3A_572 : memref<1x8x128xi32, #tpu.memory_space<hbm>> -> memref<8x128xi32, #tpu.memory_space<hbm>>
        tpu.wait_dma2 semaphore(%arg11 : memref<!tpu.dma_semaphore, #tpu.memory_space<semaphore_mem>>) src(%dma_wait3A_573 : memref<8x128xi32, #tpu.memory_space<hbm>>) dst(%dma_wait3A_570 : memref<8x128xi32, #tpu.memory_space<vmem>>)
      } else {
      }
      %eq3A_105 = arith.constant 1 : i32
      %eq3A_106 = arith.cmpi eq, %rem3A_99, %eq3A_105 : i32
      %convert_element_type3A_107 = arith.extui %eq3A_106 : i1 to i32
      %cond3A_108 = arith.constant 0 : i32
      %cond3A_109 = arith.cmpi ne, %convert_element_type3A_107, %cond3A_108 : i32
      scf.if %cond3A_109 {
        %mul3A_510 = arith.constant 8 : i32
        %mul3A_511 = arith.muli %while3A_96, %mul3A_510 : i32
        %mul3A_512 = arith.constant 128 : i32
        %mul3A_513 = arith.muli %mul3A_511, %mul3A_512 : i32
        %dma_wait3A_514 = arith.constant 1 : i32
        %dma_wait3A_515 = arith.constant 0 : i32
        %dma_wait3A_516 = arith.constant 0 : i32
        %dma_wait3A_517 = tpu.memref_slice %arg6[%dma_wait3A_514, %dma_wait3A_515, %dma_wait3A_516] : memref<2x1024x16xf32, #tpu.memory_space<vmem>> -> memref<1x1024x16xf32, #tpu.memory_space<vmem>>
        %dma_wait3A_518 = tpu.memref_squeeze %dma_wait3A_517 : memref<1x1024x16xf32, #tpu.memory_space<vmem>> -> memref<1024x16xf32, #tpu.memory_space<vmem>>
        %dma_wait3A_519 = arith.constant 0 : i32
        %dma_wait3A_520 = tpu.memref_slice %arg2[%mul3A_513, %dma_wait3A_519] : memref<1600000x32xf32, #tpu.memory_space<hbm>> -> memref<1024x16xf32, #tpu.memory_space<hbm>>
        %dma_wait3A_521 = arith.constant 0 : i32
        %dma_wait3A_522 = arith.constant 0 : i32
        %dma_wait3A_523 = tpu.memref_slice %arg6[%dma_wait3A_514, %dma_wait3A_521, %dma_wait3A_522] : memref<2x1024x16xf32, #tpu.memory_space<vmem>> -> memref<1x1024x16xf32, #tpu.memory_space<vmem>>
        %dma_wait3A_524 = tpu.memref_squeeze %dma_wait3A_523 : memref<1x1024x16xf32, #tpu.memory_space<vmem>> -> memref<1024x16xf32, #tpu.memory_space<vmem>>
        %dma_wait3A_525 = arith.constant 0 : i32
        %dma_wait3A_526 = tpu.memref_slice %arg2[%mul3A_513, %dma_wait3A_525] : memref<1600000x32xf32, #tpu.memory_space<hbm>> -> memref<1024x16xf32, #tpu.memory_space<hbm>>
        tpu.wait_dma2 semaphore(%arg12 : memref<!tpu.dma_semaphore, #tpu.memory_space<semaphore_mem>>) src(%dma_wait3A_526 : memref<1024x16xf32, #tpu.memory_space<hbm>>) dst(%dma_wait3A_524 : memref<1024x16xf32, #tpu.memory_space<vmem>>)
        %dma_wait3A_527 = arith.constant 1 : i32
        %dma_wait3A_528 = arith.constant 0 : i32
        %dma_wait3A_529 = arith.constant 0 : i32
        %dma_wait3A_530 = tpu.memref_slice %arg7[%dma_wait3A_527, %dma_wait3A_528, %dma_wait3A_529] : memref<2x1024x16xf32, #tpu.memory_space<vmem>> -> memref<1x1024x16xf32, #tpu.memory_space<vmem>>
        %dma_wait3A_531 = tpu.memref_squeeze %dma_wait3A_530 : memref<1x1024x16xf32, #tpu.memory_space<vmem>> -> memref<1024x16xf32, #tpu.memory_space<vmem>>
        %dma_wait3A_532 = arith.constant 16 : i32
        %dma_wait3A_533 = tpu.memref_slice %arg2[%mul3A_513, %dma_wait3A_532] : memref<1600000x32xf32, #tpu.memory_space<hbm>> -> memref<1024x16xf32, #tpu.memory_space<hbm>>
        %dma_wait3A_534 = arith.constant 0 : i32
        %dma_wait3A_535 = arith.constant 0 : i32
        %dma_wait3A_536 = tpu.memref_slice %arg7[%dma_wait3A_527, %dma_wait3A_534, %dma_wait3A_535] : memref<2x1024x16xf32, #tpu.memory_space<vmem>> -> memref<1x1024x16xf32, #tpu.memory_space<vmem>>
        %dma_wait3A_537 = tpu.memref_squeeze %dma_wait3A_536 : memref<1x1024x16xf32, #tpu.memory_space<vmem>> -> memref<1024x16xf32, #tpu.memory_space<vmem>>
        %dma_wait3A_538 = arith.constant 16 : i32
        %dma_wait3A_539 = tpu.memref_slice %arg2[%mul3A_513, %dma_wait3A_538] : memref<1600000x32xf32, #tpu.memory_space<hbm>> -> memref<1024x16xf32, #tpu.memory_space<hbm>>
        tpu.wait_dma2 semaphore(%arg12 : memref<!tpu.dma_semaphore, #tpu.memory_space<semaphore_mem>>) src(%dma_wait3A_539 : memref<1024x16xf32, #tpu.memory_space<hbm>>) dst(%dma_wait3A_537 : memref<1024x16xf32, #tpu.memory_space<vmem>>)
        %dma_wait3A_540 = arith.constant 0 : i32
        %dma_wait3A_541 = arith.constant 0 : i32
        %dma_wait3A_542 = arith.constant 1 : i32
        %dma_wait3A_543 = arith.constant 0 : i32
        %dma_wait3A_544 = arith.constant 0 : i32
        %dma_wait3A_545 = tpu.memref_slice %arg8[%dma_wait3A_541, %dma_wait3A_542, %dma_wait3A_543, %dma_wait3A_544] : memref<2x2x8x128xi32, #tpu.memory_space<vmem>> -> memref<1x1x8x128xi32, #tpu.memory_space<vmem>>
        %dma_wait3A_546 = tpu.memref_squeeze %dma_wait3A_545 : memref<1x1x8x128xi32, #tpu.memory_space<vmem>> -> memref<8x128xi32, #tpu.memory_space<vmem>>
        %dma_wait3A_547 = arith.constant 0 : i32
        %dma_wait3A_548 = tpu.memref_slice %arg3[%dma_wait3A_540, %mul3A_511, %dma_wait3A_547] : memref<2x12500x128xi32, #tpu.memory_space<hbm>> -> memref<1x8x128xi32, #tpu.memory_space<hbm>>
        %dma_wait3A_549 = tpu.memref_squeeze %dma_wait3A_548 : memref<1x8x128xi32, #tpu.memory_space<hbm>> -> memref<8x128xi32, #tpu.memory_space<hbm>>
        %dma_wait3A_550 = arith.constant 0 : i32
        %dma_wait3A_551 = arith.constant 0 : i32
        %dma_wait3A_552 = tpu.memref_slice %arg8[%dma_wait3A_541, %dma_wait3A_542, %dma_wait3A_550, %dma_wait3A_551] : memref<2x2x8x128xi32, #tpu.memory_space<vmem>> -> memref<1x1x8x128xi32, #tpu.memory_space<vmem>>
        %dma_wait3A_553 = tpu.memref_squeeze %dma_wait3A_552 : memref<1x1x8x128xi32, #tpu.memory_space<vmem>> -> memref<8x128xi32, #tpu.memory_space<vmem>>
        %dma_wait3A_554 = arith.constant 0 : i32
        %dma_wait3A_555 = tpu.memref_slice %arg3[%dma_wait3A_540, %mul3A_511, %dma_wait3A_554] : memref<2x12500x128xi32, #tpu.memory_space<hbm>> -> memref<1x8x128xi32, #tpu.memory_space<hbm>>
        %dma_wait3A_556 = tpu.memref_squeeze %dma_wait3A_555 : memref<1x8x128xi32, #tpu.memory_space<hbm>> -> memref<8x128xi32, #tpu.memory_space<hbm>>
        tpu.wait_dma2 semaphore(%arg12 : memref<!tpu.dma_semaphore, #tpu.memory_space<semaphore_mem>>) src(%dma_wait3A_556 : memref<8x128xi32, #tpu.memory_space<hbm>>) dst(%dma_wait3A_553 : memref<8x128xi32, #tpu.memory_space<vmem>>)
        %dma_wait3A_557 = arith.constant 1 : i32
        %dma_wait3A_558 = arith.constant 1 : i32
        %dma_wait3A_559 = arith.constant 1 : i32
        %dma_wait3A_560 = arith.constant 0 : i32
        %dma_wait3A_561 = arith.constant 0 : i32
        %dma_wait3A_562 = tpu.memref_slice %arg8[%dma_wait3A_558, %dma_wait3A_559, %dma_wait3A_560, %dma_wait3A_561] : memref<2x2x8x128xi32, #tpu.memory_space<vmem>> -> memref<1x1x8x128xi32, #tpu.memory_space<vmem>>
        %dma_wait3A_563 = tpu.memref_squeeze %dma_wait3A_562 : memref<1x1x8x128xi32, #tpu.memory_space<vmem>> -> memref<8x128xi32, #tpu.memory_space<vmem>>
        %dma_wait3A_564 = arith.constant 0 : i32
        %dma_wait3A_565 = tpu.memref_slice %arg3[%dma_wait3A_557, %mul3A_511, %dma_wait3A_564] : memref<2x12500x128xi32, #tpu.memory_space<hbm>> -> memref<1x8x128xi32, #tpu.memory_space<hbm>>
        %dma_wait3A_566 = tpu.memref_squeeze %dma_wait3A_565 : memref<1x8x128xi32, #tpu.memory_space<hbm>> -> memref<8x128xi32, #tpu.memory_space<hbm>>
        %dma_wait3A_567 = arith.constant 0 : i32
        %dma_wait3A_568 = arith.constant 0 : i32
        %dma_wait3A_569 = tpu.memref_slice %arg8[%dma_wait3A_558, %dma_wait3A_559, %dma_wait3A_567, %dma_wait3A_568] : memref<2x2x8x128xi32, #tpu.memory_space<vmem>> -> memref<1x1x8x128xi32, #tpu.memory_space<vmem>>
        %dma_wait3A_570 = tpu.memref_squeeze %dma_wait3A_569 : memref<1x1x8x128xi32, #tpu.memory_space<vmem>> -> memref<8x128xi32, #tpu.memory_space<vmem>>
        %dma_wait3A_571 = arith.constant 0 : i32
        %dma_wait3A_572 = tpu.memref_slice %arg3[%dma_wait3A_557, %mul3A_511, %dma_wait3A_571] : memref<2x12500x128xi32, #tpu.memory_space<hbm>> -> memref<1x8x128xi32, #tpu.memory_space<hbm>>
        %dma_wait3A_573 = tpu.memref_squeeze %dma_wait3A_572 : memref<1x8x128xi32, #tpu.memory_space<hbm>> -> memref<8x128xi32, #tpu.memory_space<hbm>>
        tpu.wait_dma2 semaphore(%arg12 : memref<!tpu.dma_semaphore, #tpu.memory_space<semaphore_mem>>) src(%dma_wait3A_573 : memref<8x128xi32, #tpu.memory_space<hbm>>) dst(%dma_wait3A_570 : memref<8x128xi32, #tpu.memory_space<vmem>>)
      } else {
      }
      %eq3A_110 = arith.constant 0 : i32
      %eq3A_111 = arith.cmpi eq, %rem3A_99, %eq3A_110 : i32
      %add3A_112 = arith.constant 1 : i32
      %add3A_113 = arith.addi %while3A_96, %add3A_112 : i32
      %lt3A_114 = arith.cmpi slt, %add3A_113, %select_n3A_71 : i32
      %and3A_115 = arith.andi %eq3A_111, %lt3A_114 : i1
      %convert_element_type3A_116 = arith.extui %and3A_115 : i1 to i32
      %cond3A_117 = arith.constant 0 : i32
      %cond3A_118 = arith.cmpi ne, %convert_element_type3A_116, %cond3A_117 : i32
      scf.if %cond3A_118 {
        %add3A_510 = arith.constant 1 : i32
        %add3A_511 = arith.addi %while3A_96, %add3A_510 : i32
        %mul3A_512 = arith.constant 8 : i32
        %mul3A_513 = arith.muli %add3A_511, %mul3A_512 : i32
        %mul3A_514 = arith.constant 128 : i32
        %mul3A_515 = arith.muli %mul3A_513, %mul3A_514 : i32
        %dma_start3A_516 = arith.constant 1 : i32
        %dma_start3A_517 = arith.constant 0 : i32
        %dma_start3A_518 = arith.constant 0 : i32
        %dma_start3A_519 = tpu.memref_slice %arg6[%dma_start3A_516, %dma_start3A_517, %dma_start3A_518] : memref<2x1024x16xf32, #tpu.memory_space<vmem>> -> memref<1x1024x16xf32, #tpu.memory_space<vmem>>
        %dma_start3A_520 = tpu.memref_squeeze %dma_start3A_519 : memref<1x1024x16xf32, #tpu.memory_space<vmem>> -> memref<1024x16xf32, #tpu.memory_space<vmem>>
        %dma_start3A_521 = arith.constant 0 : i32
        %dma_start3A_522 = tpu.memref_slice %arg2[%mul3A_515, %dma_start3A_521] : memref<1600000x32xf32, #tpu.memory_space<hbm>> -> memref<1024x16xf32, #tpu.memory_space<hbm>>
        %dma_start3A_523 = arith.constant 0 : i32
        %dma_start3A_524 = arith.constant 0 : i32
        %dma_start3A_525 = tpu.memref_slice %arg6[%dma_start3A_516, %dma_start3A_523, %dma_start3A_524] : memref<2x1024x16xf32, #tpu.memory_space<vmem>> -> memref<1x1024x16xf32, #tpu.memory_space<vmem>>
        %dma_start3A_526 = tpu.memref_squeeze %dma_start3A_525 : memref<1x1024x16xf32, #tpu.memory_space<vmem>> -> memref<1024x16xf32, #tpu.memory_space<vmem>>
        %dma_start3A_527 = arith.constant 0 : i32
        %dma_start3A_528 = tpu.memref_slice %arg2[%mul3A_515, %dma_start3A_527] : memref<1600000x32xf32, #tpu.memory_space<hbm>> -> memref<1024x16xf32, #tpu.memory_space<hbm>>
        tpu.enqueue_dma source(%dma_start3A_528 : memref<1024x16xf32, #tpu.memory_space<hbm>>) target(%dma_start3A_526 : memref<1024x16xf32, #tpu.memory_space<vmem>>) target_semaphore(%arg12 : memref<!tpu.dma_semaphore, #tpu.memory_space<semaphore_mem>>)
        %dma_start3A_529 = arith.constant 1 : i32
        %dma_start3A_530 = arith.constant 0 : i32
        %dma_start3A_531 = arith.constant 0 : i32
        %dma_start3A_532 = tpu.memref_slice %arg7[%dma_start3A_529, %dma_start3A_530, %dma_start3A_531] : memref<2x1024x16xf32, #tpu.memory_space<vmem>> -> memref<1x1024x16xf32, #tpu.memory_space<vmem>>
        %dma_start3A_533 = tpu.memref_squeeze %dma_start3A_532 : memref<1x1024x16xf32, #tpu.memory_space<vmem>> -> memref<1024x16xf32, #tpu.memory_space<vmem>>
        %dma_start3A_534 = arith.constant 16 : i32
        %dma_start3A_535 = tpu.memref_slice %arg2[%mul3A_515, %dma_start3A_534] : memref<1600000x32xf32, #tpu.memory_space<hbm>> -> memref<1024x16xf32, #tpu.memory_space<hbm>>
        %dma_start3A_536 = arith.constant 0 : i32
        %dma_start3A_537 = arith.constant 0 : i32
        %dma_start3A_538 = tpu.memref_slice %arg7[%dma_start3A_529, %dma_start3A_536, %dma_start3A_537] : memref<2x1024x16xf32, #tpu.memory_space<vmem>> -> memref<1x1024x16xf32, #tpu.memory_space<vmem>>
        %dma_start3A_539 = tpu.memref_squeeze %dma_start3A_538 : memref<1x1024x16xf32, #tpu.memory_space<vmem>> -> memref<1024x16xf32, #tpu.memory_space<vmem>>
        %dma_start3A_540 = arith.constant 16 : i32
        %dma_start3A_541 = tpu.memref_slice %arg2[%mul3A_515, %dma_start3A_540] : memref<1600000x32xf32, #tpu.memory_space<hbm>> -> memref<1024x16xf32, #tpu.memory_space<hbm>>
        tpu.enqueue_dma source(%dma_start3A_541 : memref<1024x16xf32, #tpu.memory_space<hbm>>) target(%dma_start3A_539 : memref<1024x16xf32, #tpu.memory_space<vmem>>) target_semaphore(%arg12 : memref<!tpu.dma_semaphore, #tpu.memory_space<semaphore_mem>>)
        %dma_start3A_542 = arith.constant 0 : i32
        %dma_start3A_543 = arith.constant 0 : i32
        %dma_start3A_544 = arith.constant 1 : i32
        %dma_start3A_545 = arith.constant 0 : i32
        %dma_start3A_546 = arith.constant 0 : i32
        %dma_start3A_547 = tpu.memref_slice %arg8[%dma_start3A_543, %dma_start3A_544, %dma_start3A_545, %dma_start3A_546] : memref<2x2x8x128xi32, #tpu.memory_space<vmem>> -> memref<1x1x8x128xi32, #tpu.memory_space<vmem>>
        %dma_start3A_548 = tpu.memref_squeeze %dma_start3A_547 : memref<1x1x8x128xi32, #tpu.memory_space<vmem>> -> memref<8x128xi32, #tpu.memory_space<vmem>>
        %dma_start3A_549 = arith.constant 0 : i32
        %dma_start3A_550 = tpu.memref_slice %arg3[%dma_start3A_542, %mul3A_513, %dma_start3A_549] : memref<2x12500x128xi32, #tpu.memory_space<hbm>> -> memref<1x8x128xi32, #tpu.memory_space<hbm>>
        %dma_start3A_551 = tpu.memref_squeeze %dma_start3A_550 : memref<1x8x128xi32, #tpu.memory_space<hbm>> -> memref<8x128xi32, #tpu.memory_space<hbm>>
        %dma_start3A_552 = arith.constant 0 : i32
        %dma_start3A_553 = arith.constant 0 : i32
        %dma_start3A_554 = tpu.memref_slice %arg8[%dma_start3A_543, %dma_start3A_544, %dma_start3A_552, %dma_start3A_553] : memref<2x2x8x128xi32, #tpu.memory_space<vmem>> -> memref<1x1x8x128xi32, #tpu.memory_space<vmem>>
        %dma_start3A_555 = tpu.memref_squeeze %dma_start3A_554 : memref<1x1x8x128xi32, #tpu.memory_space<vmem>> -> memref<8x128xi32, #tpu.memory_space<vmem>>
        %dma_start3A_556 = arith.constant 0 : i32
        %dma_start3A_557 = tpu.memref_slice %arg3[%dma_start3A_542, %mul3A_513, %dma_start3A_556] : memref<2x12500x128xi32, #tpu.memory_space<hbm>> -> memref<1x8x128xi32, #tpu.memory_space<hbm>>
        %dma_start3A_558 = tpu.memref_squeeze %dma_start3A_557 : memref<1x8x128xi32, #tpu.memory_space<hbm>> -> memref<8x128xi32, #tpu.memory_space<hbm>>
        tpu.enqueue_dma source(%dma_start3A_558 : memref<8x128xi32, #tpu.memory_space<hbm>>) target(%dma_start3A_555 : memref<8x128xi32, #tpu.memory_space<vmem>>) target_semaphore(%arg12 : memref<!tpu.dma_semaphore, #tpu.memory_space<semaphore_mem>>)
        %dma_start3A_559 = arith.constant 1 : i32
        %dma_start3A_560 = arith.constant 1 : i32
        %dma_start3A_561 = arith.constant 1 : i32
        %dma_start3A_562 = arith.constant 0 : i32
        %dma_start3A_563 = arith.constant 0 : i32
        %dma_start3A_564 = tpu.memref_slice %arg8[%dma_start3A_560, %dma_start3A_561, %dma_start3A_562, %dma_start3A_563] : memref<2x2x8x128xi32, #tpu.memory_space<vmem>> -> memref<1x1x8x128xi32, #tpu.memory_space<vmem>>
        %dma_start3A_565 = tpu.memref_squeeze %dma_start3A_564 : memref<1x1x8x128xi32, #tpu.memory_space<vmem>> -> memref<8x128xi32, #tpu.memory_space<vmem>>
        %dma_start3A_566 = arith.constant 0 : i32
        %dma_start3A_567 = tpu.memref_slice %arg3[%dma_start3A_559, %mul3A_513, %dma_start3A_566] : memref<2x12500x128xi32, #tpu.memory_space<hbm>> -> memref<1x8x128xi32, #tpu.memory_space<hbm>>
        %dma_start3A_568 = tpu.memref_squeeze %dma_start3A_567 : memref<1x8x128xi32, #tpu.memory_space<hbm>> -> memref<8x128xi32, #tpu.memory_space<hbm>>
        %dma_start3A_569 = arith.constant 0 : i32
        %dma_start3A_570 = arith.constant 0 : i32
        %dma_start3A_571 = tpu.memref_slice %arg8[%dma_start3A_560, %dma_start3A_561, %dma_start3A_569, %dma_start3A_570] : memref<2x2x8x128xi32, #tpu.memory_space<vmem>> -> memref<1x1x8x128xi32, #tpu.memory_space<vmem>>
        %dma_start3A_572 = tpu.memref_squeeze %dma_start3A_571 : memref<1x1x8x128xi32, #tpu.memory_space<vmem>> -> memref<8x128xi32, #tpu.memory_space<vmem>>
        %dma_start3A_573 = arith.constant 0 : i32
        %dma_start3A_574 = tpu.memref_slice %arg3[%dma_start3A_559, %mul3A_513, %dma_start3A_573] : memref<2x12500x128xi32, #tpu.memory_space<hbm>> -> memref<1x8x128xi32, #tpu.memory_space<hbm>>
        %dma_start3A_575 = tpu.memref_squeeze %dma_start3A_574 : memref<1x8x128xi32, #tpu.memory_space<hbm>> -> memref<8x128xi32, #tpu.memory_space<hbm>>
        tpu.enqueue_dma source(%dma_start3A_575 : memref<8x128xi32, #tpu.memory_space<hbm>>) target(%dma_start3A_572 : memref<8x128xi32, #tpu.memory_space<vmem>>) target_semaphore(%arg12 : memref<!tpu.dma_semaphore, #tpu.memory_space<semaphore_mem>>)
      } else {
      }
      %eq3A_119 = arith.constant 1 : i32
      %eq3A_120 = arith.cmpi eq, %rem3A_99, %eq3A_119 : i32
      %add3A_121 = arith.constant 1 : i32
      %add3A_122 = arith.addi %while3A_96, %add3A_121 : i32
      %lt3A_123 = arith.cmpi slt, %add3A_122, %select_n3A_71 : i32
      %and3A_124 = arith.andi %eq3A_120, %lt3A_123 : i1
      %convert_element_type3A_125 = arith.extui %and3A_124 : i1 to i32
      %cond3A_126 = arith.constant 0 : i32
      %cond3A_127 = arith.cmpi ne, %convert_element_type3A_125, %cond3A_126 : i32
      scf.if %cond3A_127 {
        %add3A_510 = arith.constant 1 : i32
        %add3A_511 = arith.addi %while3A_96, %add3A_510 : i32
        %mul3A_512 = arith.constant 8 : i32
        %mul3A_513 = arith.muli %add3A_511, %mul3A_512 : i32
        %mul3A_514 = arith.constant 128 : i32
        %mul3A_515 = arith.muli %mul3A_513, %mul3A_514 : i32
        %dma_start3A_516 = arith.constant 0 : i32
        %dma_start3A_517 = arith.constant 0 : i32
        %dma_start3A_518 = arith.constant 0 : i32
        %dma_start3A_519 = tpu.memref_slice %arg6[%dma_start3A_516, %dma_start3A_517, %dma_start3A_518] : memref<2x1024x16xf32, #tpu.memory_space<vmem>> -> memref<1x1024x16xf32, #tpu.memory_space<vmem>>
        %dma_start3A_520 = tpu.memref_squeeze %dma_start3A_519 : memref<1x1024x16xf32, #tpu.memory_space<vmem>> -> memref<1024x16xf32, #tpu.memory_space<vmem>>
        %dma_start3A_521 = arith.constant 0 : i32
        %dma_start3A_522 = tpu.memref_slice %arg2[%mul3A_515, %dma_start3A_521] : memref<1600000x32xf32, #tpu.memory_space<hbm>> -> memref<1024x16xf32, #tpu.memory_space<hbm>>
        %dma_start3A_523 = arith.constant 0 : i32
        %dma_start3A_524 = arith.constant 0 : i32
        %dma_start3A_525 = tpu.memref_slice %arg6[%dma_start3A_516, %dma_start3A_523, %dma_start3A_524] : memref<2x1024x16xf32, #tpu.memory_space<vmem>> -> memref<1x1024x16xf32, #tpu.memory_space<vmem>>
        %dma_start3A_526 = tpu.memref_squeeze %dma_start3A_525 : memref<1x1024x16xf32, #tpu.memory_space<vmem>> -> memref<1024x16xf32, #tpu.memory_space<vmem>>
        %dma_start3A_527 = arith.constant 0 : i32
        %dma_start3A_528 = tpu.memref_slice %arg2[%mul3A_515, %dma_start3A_527] : memref<1600000x32xf32, #tpu.memory_space<hbm>> -> memref<1024x16xf32, #tpu.memory_space<hbm>>
        tpu.enqueue_dma source(%dma_start3A_528 : memref<1024x16xf32, #tpu.memory_space<hbm>>) target(%dma_start3A_526 : memref<1024x16xf32, #tpu.memory_space<vmem>>) target_semaphore(%arg11 : memref<!tpu.dma_semaphore, #tpu.memory_space<semaphore_mem>>)
        %dma_start3A_529 = arith.constant 0 : i32
        %dma_start3A_530 = arith.constant 0 : i32
        %dma_start3A_531 = arith.constant 0 : i32
        %dma_start3A_532 = tpu.memref_slice %arg7[%dma_start3A_529, %dma_start3A_530, %dma_start3A_531] : memref<2x1024x16xf32, #tpu.memory_space<vmem>> -> memref<1x1024x16xf32, #tpu.memory_space<vmem>>
        %dma_start3A_533 = tpu.memref_squeeze %dma_start3A_532 : memref<1x1024x16xf32, #tpu.memory_space<vmem>> -> memref<1024x16xf32, #tpu.memory_space<vmem>>
        %dma_start3A_534 = arith.constant 16 : i32
        %dma_start3A_535 = tpu.memref_slice %arg2[%mul3A_515, %dma_start3A_534] : memref<1600000x32xf32, #tpu.memory_space<hbm>> -> memref<1024x16xf32, #tpu.memory_space<hbm>>
        %dma_start3A_536 = arith.constant 0 : i32
        %dma_start3A_537 = arith.constant 0 : i32
        %dma_start3A_538 = tpu.memref_slice %arg7[%dma_start3A_529, %dma_start3A_536, %dma_start3A_537] : memref<2x1024x16xf32, #tpu.memory_space<vmem>> -> memref<1x1024x16xf32, #tpu.memory_space<vmem>>
        %dma_start3A_539 = tpu.memref_squeeze %dma_start3A_538 : memref<1x1024x16xf32, #tpu.memory_space<vmem>> -> memref<1024x16xf32, #tpu.memory_space<vmem>>
        %dma_start3A_540 = arith.constant 16 : i32
        %dma_start3A_541 = tpu.memref_slice %arg2[%mul3A_515, %dma_start3A_540] : memref<1600000x32xf32, #tpu.memory_space<hbm>> -> memref<1024x16xf32, #tpu.memory_space<hbm>>
        tpu.enqueue_dma source(%dma_start3A_541 : memref<1024x16xf32, #tpu.memory_space<hbm>>) target(%dma_start3A_539 : memref<1024x16xf32, #tpu.memory_space<vmem>>) target_semaphore(%arg11 : memref<!tpu.dma_semaphore, #tpu.memory_space<semaphore_mem>>)
        %dma_start3A_542 = arith.constant 0 : i32
        %dma_start3A_543 = arith.constant 0 : i32
        %dma_start3A_544 = arith.constant 0 : i32
        %dma_start3A_545 = arith.constant 0 : i32
        %dma_start3A_546 = arith.constant 0 : i32
        %dma_start3A_547 = tpu.memref_slice %arg8[%dma_start3A_543, %dma_start3A_544, %dma_start3A_545, %dma_start3A_546] : memref<2x2x8x128xi32, #tpu.memory_space<vmem>> -> memref<1x1x8x128xi32, #tpu.memory_space<vmem>>
        %dma_start3A_548 = tpu.memref_squeeze %dma_start3A_547 : memref<1x1x8x128xi32, #tpu.memory_space<vmem>> -> memref<8x128xi32, #tpu.memory_space<vmem>>
        %dma_start3A_549 = arith.constant 0 : i32
        %dma_start3A_550 = tpu.memref_slice %arg3[%dma_start3A_542, %mul3A_513, %dma_start3A_549] : memref<2x12500x128xi32, #tpu.memory_space<hbm>> -> memref<1x8x128xi32, #tpu.memory_space<hbm>>
        %dma_start3A_551 = tpu.memref_squeeze %dma_start3A_550 : memref<1x8x128xi32, #tpu.memory_space<hbm>> -> memref<8x128xi32, #tpu.memory_space<hbm>>
        %dma_start3A_552 = arith.constant 0 : i32
        %dma_start3A_553 = arith.constant 0 : i32
        %dma_start3A_554 = tpu.memref_slice %arg8[%dma_start3A_543, %dma_start3A_544, %dma_start3A_552, %dma_start3A_553] : memref<2x2x8x128xi32, #tpu.memory_space<vmem>> -> memref<1x1x8x128xi32, #tpu.memory_space<vmem>>
        %dma_start3A_555 = tpu.memref_squeeze %dma_start3A_554 : memref<1x1x8x128xi32, #tpu.memory_space<vmem>> -> memref<8x128xi32, #tpu.memory_space<vmem>>
        %dma_start3A_556 = arith.constant 0 : i32
        %dma_start3A_557 = tpu.memref_slice %arg3[%dma_start3A_542, %mul3A_513, %dma_start3A_556] : memref<2x12500x128xi32, #tpu.memory_space<hbm>> -> memref<1x8x128xi32, #tpu.memory_space<hbm>>
        %dma_start3A_558 = tpu.memref_squeeze %dma_start3A_557 : memref<1x8x128xi32, #tpu.memory_space<hbm>> -> memref<8x128xi32, #tpu.memory_space<hbm>>
        tpu.enqueue_dma source(%dma_start3A_558 : memref<8x128xi32, #tpu.memory_space<hbm>>) target(%dma_start3A_555 : memref<8x128xi32, #tpu.memory_space<vmem>>) target_semaphore(%arg11 : memref<!tpu.dma_semaphore, #tpu.memory_space<semaphore_mem>>)
        %dma_start3A_559 = arith.constant 1 : i32
        %dma_start3A_560 = arith.constant 1 : i32
        %dma_start3A_561 = arith.constant 0 : i32
        %dma_start3A_562 = arith.constant 0 : i32
        %dma_start3A_563 = arith.constant 0 : i32
        %dma_start3A_564 = tpu.memref_slice %arg8[%dma_start3A_560, %dma_start3A_561, %dma_start3A_562, %dma_start3A_563] : memref<2x2x8x128xi32, #tpu.memory_space<vmem>> -> memref<1x1x8x128xi32, #tpu.memory_space<vmem>>
        %dma_start3A_565 = tpu.memref_squeeze %dma_start3A_564 : memref<1x1x8x128xi32, #tpu.memory_space<vmem>> -> memref<8x128xi32, #tpu.memory_space<vmem>>
        %dma_start3A_566 = arith.constant 0 : i32
        %dma_start3A_567 = tpu.memref_slice %arg3[%dma_start3A_559, %mul3A_513, %dma_start3A_566] : memref<2x12500x128xi32, #tpu.memory_space<hbm>> -> memref<1x8x128xi32, #tpu.memory_space<hbm>>
        %dma_start3A_568 = tpu.memref_squeeze %dma_start3A_567 : memref<1x8x128xi32, #tpu.memory_space<hbm>> -> memref<8x128xi32, #tpu.memory_space<hbm>>
        %dma_start3A_569 = arith.constant 0 : i32
        %dma_start3A_570 = arith.constant 0 : i32
        %dma_start3A_571 = tpu.memref_slice %arg8[%dma_start3A_560, %dma_start3A_561, %dma_start3A_569, %dma_start3A_570] : memref<2x2x8x128xi32, #tpu.memory_space<vmem>> -> memref<1x1x8x128xi32, #tpu.memory_space<vmem>>
        %dma_start3A_572 = tpu.memref_squeeze %dma_start3A_571 : memref<1x1x8x128xi32, #tpu.memory_space<vmem>> -> memref<8x128xi32, #tpu.memory_space<vmem>>
        %dma_start3A_573 = arith.constant 0 : i32
        %dma_start3A_574 = tpu.memref_slice %arg3[%dma_start3A_559, %mul3A_513, %dma_start3A_573] : memref<2x12500x128xi32, #tpu.memory_space<hbm>> -> memref<1x8x128xi32, #tpu.memory_space<hbm>>
        %dma_start3A_575 = tpu.memref_squeeze %dma_start3A_574 : memref<1x8x128xi32, #tpu.memory_space<hbm>> -> memref<8x128xi32, #tpu.memory_space<hbm>>
        tpu.enqueue_dma source(%dma_start3A_575 : memref<8x128xi32, #tpu.memory_space<hbm>>) target(%dma_start3A_572 : memref<8x128xi32, #tpu.memory_space<vmem>>) target_semaphore(%arg11 : memref<!tpu.dma_semaphore, #tpu.memory_space<semaphore_mem>>)
      } else {
      }
      %dma_start3A = arith.constant 0 : i32
      %dma_start3A_128 = arith.constant 0 : i32
      %dma_start3A_129 = arith.constant 0 : i32
      %dma_start3A_130 = arith.constant 0 : i32
      %dma_start3A_131 = tpu.memref_slice %arg6[%rem3A_99, %dma_start3A_129, %dma_start3A_130] : memref<2x1024x16xf32, #tpu.memory_space<vmem>> -> memref<1x128x16xf32, #tpu.memory_space<vmem>>
      %dma_start3A_132 = tpu.memref_squeeze %dma_start3A_131 : memref<1x128x16xf32, #tpu.memory_space<vmem>> -> memref<128x16xf32, #tpu.memory_space<vmem>>
      %dma_start3A_133 = arith.constant 0 : i32
      %dma_start3A_134 = tpu.memref_slice %arg8[%dma_start3A, %rem3A_99, %dma_start3A_128, %dma_start3A_133] : memref<2x2x8x128xi32, #tpu.memory_space<vmem>> -> memref<1x1x1x128xi32, #tpu.memory_space<vmem>>
      %dma_start3A_135 = tpu.memref_squeeze %dma_start3A_134 : memref<1x1x1x128xi32, #tpu.memory_space<vmem>> -> memref<128xi32, #tpu.memory_space<vmem>>
      %dma_start3A_136 = arith.constant 0 : i32
      %dma_start3A_137 = arith.constant 0 : i32
      %dma_start3A_138 = tpu.memref_slice %arg10[%dma_start3A_136, %dma_start3A_137] : memref<50000x16xf32, #tpu.memory_space<vmem_shared>> -> memref<50000x16xf32, #tpu.memory_space<vmem_shared>>
      tpu.enqueue_indirect_dma source(%dma_start3A_132 : memref<128x16xf32, #tpu.memory_space<vmem>>) target(%dma_start3A_138 : memref<50000x16xf32, #tpu.memory_space<vmem_shared>>) offsets(%dma_start3A_135 : memref<128xi32, #tpu.memory_space<vmem>>) semaphore(%arg13 : memref<!tpu.dma_semaphore, #tpu.memory_space<semaphore_mem>>) {add = true}
      %dma_start3A_139 = arith.constant 1 : i32
      %dma_start3A_140 = arith.constant 0 : i32
      %dma_start3A_141 = arith.constant 0 : i32
      %dma_start3A_142 = arith.constant 0 : i32
      %dma_start3A_143 = tpu.memref_slice %arg7[%rem3A_99, %dma_start3A_141, %dma_start3A_142] : memref<2x1024x16xf32, #tpu.memory_space<vmem>> -> memref<1x128x16xf32, #tpu.memory_space<vmem>>
      %dma_start3A_144 = tpu.memref_squeeze %dma_start3A_143 : memref<1x128x16xf32, #tpu.memory_space<vmem>> -> memref<128x16xf32, #tpu.memory_space<vmem>>
      %dma_start3A_145 = arith.constant 0 : i32
      %dma_start3A_146 = tpu.memref_slice %arg8[%dma_start3A_139, %rem3A_99, %dma_start3A_140, %dma_start3A_145] : memref<2x2x8x128xi32, #tpu.memory_space<vmem>> -> memref<1x1x1x128xi32, #tpu.memory_space<vmem>>
      %dma_start3A_147 = tpu.memref_squeeze %dma_start3A_146 : memref<1x1x1x128xi32, #tpu.memory_space<vmem>> -> memref<128xi32, #tpu.memory_space<vmem>>
      %dma_start3A_148 = arith.constant 0 : i32
      %dma_start3A_149 = arith.constant 0 : i32
      %dma_start3A_150 = tpu.memref_slice %arg10[%dma_start3A_148, %dma_start3A_149] : memref<50000x16xf32, #tpu.memory_space<vmem_shared>> -> memref<50000x16xf32, #tpu.memory_space<vmem_shared>>
      tpu.enqueue_indirect_dma source(%dma_start3A_144 : memref<128x16xf32, #tpu.memory_space<vmem>>) target(%dma_start3A_150 : memref<50000x16xf32, #tpu.memory_space<vmem_shared>>) offsets(%dma_start3A_147 : memref<128xi32, #tpu.memory_space<vmem>>) semaphore(%arg13 : memref<!tpu.dma_semaphore, #tpu.memory_space<semaphore_mem>>) {add = true}
      %dma_start3A_151 = arith.constant 0 : i32
      %dma_start3A_152 = arith.constant 1 : i32
      %dma_start3A_153 = arith.constant 128 : i32
      %dma_start3A_154 = arith.constant 0 : i32
      %dma_start3A_155 = tpu.memref_slice %arg6[%rem3A_99, %dma_start3A_153, %dma_start3A_154] : memref<2x1024x16xf32, #tpu.memory_space<vmem>> -> memref<1x128x16xf32, #tpu.memory_space<vmem>>
      %dma_start3A_156 = tpu.memref_squeeze %dma_start3A_155 : memref<1x128x16xf32, #tpu.memory_space<vmem>> -> memref<128x16xf32, #tpu.memory_space<vmem>>
      %dma_start3A_157 = arith.constant 0 : i32
      %dma_start3A_158 = tpu.memref_slice %arg8[%dma_start3A_151, %rem3A_99, %dma_start3A_152, %dma_start3A_157] : memref<2x2x8x128xi32, #tpu.memory_space<vmem>> -> memref<1x1x1x128xi32, #tpu.memory_space<vmem>>
      %dma_start3A_159 = tpu.memref_squeeze %dma_start3A_158 : memref<1x1x1x128xi32, #tpu.memory_space<vmem>> -> memref<128xi32, #tpu.memory_space<vmem>>
      %dma_start3A_160 = arith.constant 0 : i32
      %dma_start3A_161 = arith.constant 0 : i32
      %dma_start3A_162 = tpu.memref_slice %arg10[%dma_start3A_160, %dma_start3A_161] : memref<50000x16xf32, #tpu.memory_space<vmem_shared>> -> memref<50000x16xf32, #tpu.memory_space<vmem_shared>>
      tpu.enqueue_indirect_dma source(%dma_start3A_156 : memref<128x16xf32, #tpu.memory_space<vmem>>) target(%dma_start3A_162 : memref<50000x16xf32, #tpu.memory_space<vmem_shared>>) offsets(%dma_start3A_159 : memref<128xi32, #tpu.memory_space<vmem>>) semaphore(%arg13 : memref<!tpu.dma_semaphore, #tpu.memory_space<semaphore_mem>>) {add = true}
      %dma_start3A_163 = arith.constant 1 : i32
      %dma_start3A_164 = arith.constant 1 : i32
      %dma_start3A_165 = arith.constant 128 : i32
      %dma_start3A_166 = arith.constant 0 : i32
      %dma_start3A_167 = tpu.memref_slice %arg7[%rem3A_99, %dma_start3A_165, %dma_start3A_166] : memref<2x1024x16xf32, #tpu.memory_space<vmem>> -> memref<1x128x16xf32, #tpu.memory_space<vmem>>
      %dma_start3A_168 = tpu.memref_squeeze %dma_start3A_167 : memref<1x128x16xf32, #tpu.memory_space<vmem>> -> memref<128x16xf32, #tpu.memory_space<vmem>>
      %dma_start3A_169 = arith.constant 0 : i32
      %dma_start3A_170 = tpu.memref_slice %arg8[%dma_start3A_163, %rem3A_99, %dma_start3A_164, %dma_start3A_169] : memref<2x2x8x128xi32, #tpu.memory_space<vmem>> -> memref<1x1x1x128xi32, #tpu.memory_space<vmem>>
      %dma_start3A_171 = tpu.memref_squeeze %dma_start3A_170 : memref<1x1x1x128xi32, #tpu.memory_space<vmem>> -> memref<128xi32, #tpu.memory_space<vmem>>
      %dma_start3A_172 = arith.constant 0 : i32
      %dma_start3A_173 = arith.constant 0 : i32
      %dma_start3A_174 = tpu.memref_slice %arg10[%dma_start3A_172, %dma_start3A_173] : memref<50000x16xf32, #tpu.memory_space<vmem_shared>> -> memref<50000x16xf32, #tpu.memory_space<vmem_shared>>
      tpu.enqueue_indirect_dma source(%dma_start3A_168 : memref<128x16xf32, #tpu.memory_space<vmem>>) target(%dma_start3A_174 : memref<50000x16xf32, #tpu.memory_space<vmem_shared>>) offsets(%dma_start3A_171 : memref<128xi32, #tpu.memory_space<vmem>>) semaphore(%arg13 : memref<!tpu.dma_semaphore, #tpu.memory_space<semaphore_mem>>) {add = true}
      %dma_start3A_175 = arith.constant 0 : i32
      %dma_start3A_176 = arith.constant 2 : i32
      %dma_start3A_177 = arith.constant 256 : i32
      %dma_start3A_178 = arith.constant 0 : i32
      %dma_start3A_179 = tpu.memref_slice %arg6[%rem3A_99, %dma_start3A_177, %dma_start3A_178] : memref<2x1024x16xf32, #tpu.memory_space<vmem>> -> memref<1x128x16xf32, #tpu.memory_space<vmem>>
      %dma_start3A_180 = tpu.memref_squeeze %dma_start3A_179 : memref<1x128x16xf32, #tpu.memory_space<vmem>> -> memref<128x16xf32, #tpu.memory_space<vmem>>
      %dma_start3A_181 = arith.constant 0 : i32
      %dma_start3A_182 = tpu.memref_slice %arg8[%dma_start3A_175, %rem3A_99, %dma_start3A_176, %dma_start3A_181] : memref<2x2x8x128xi32, #tpu.memory_space<vmem>> -> memref<1x1x1x128xi32, #tpu.memory_space<vmem>>
      %dma_start3A_183 = tpu.memref_squeeze %dma_start3A_182 : memref<1x1x1x128xi32, #tpu.memory_space<vmem>> -> memref<128xi32, #tpu.memory_space<vmem>>
      %dma_start3A_184 = arith.constant 0 : i32
      %dma_start3A_185 = arith.constant 0 : i32
      %dma_start3A_186 = tpu.memref_slice %arg10[%dma_start3A_184, %dma_start3A_185] : memref<50000x16xf32, #tpu.memory_space<vmem_shared>> -> memref<50000x16xf32, #tpu.memory_space<vmem_shared>>
      tpu.enqueue_indirect_dma source(%dma_start3A_180 : memref<128x16xf32, #tpu.memory_space<vmem>>) target(%dma_start3A_186 : memref<50000x16xf32, #tpu.memory_space<vmem_shared>>) offsets(%dma_start3A_183 : memref<128xi32, #tpu.memory_space<vmem>>) semaphore(%arg13 : memref<!tpu.dma_semaphore, #tpu.memory_space<semaphore_mem>>) {add = true}
      %dma_start3A_187 = arith.constant 1 : i32
      %dma_start3A_188 = arith.constant 2 : i32
      %dma_start3A_189 = arith.constant 256 : i32
      %dma_start3A_190 = arith.constant 0 : i32
      %dma_start3A_191 = tpu.memref_slice %arg7[%rem3A_99, %dma_start3A_189, %dma_start3A_190] : memref<2x1024x16xf32, #tpu.memory_space<vmem>> -> memref<1x128x16xf32, #tpu.memory_space<vmem>>
      %dma_start3A_192 = tpu.memref_squeeze %dma_start3A_191 : memref<1x128x16xf32, #tpu.memory_space<vmem>> -> memref<128x16xf32, #tpu.memory_space<vmem>>
      %dma_start3A_193 = arith.constant 0 : i32
      %dma_start3A_194 = tpu.memref_slice %arg8[%dma_start3A_187, %rem3A_99, %dma_start3A_188, %dma_start3A_193] : memref<2x2x8x128xi32, #tpu.memory_space<vmem>> -> memref<1x1x1x128xi32, #tpu.memory_space<vmem>>
      %dma_start3A_195 = tpu.memref_squeeze %dma_start3A_194 : memref<1x1x1x128xi32, #tpu.memory_space<vmem>> -> memref<128xi32, #tpu.memory_space<vmem>>
      %dma_start3A_196 = arith.constant 0 : i32
      %dma_start3A_197 = arith.constant 0 : i32
      %dma_start3A_198 = tpu.memref_slice %arg10[%dma_start3A_196, %dma_start3A_197] : memref<50000x16xf32, #tpu.memory_space<vmem_shared>> -> memref<50000x16xf32, #tpu.memory_space<vmem_shared>>
      tpu.enqueue_indirect_dma source(%dma_start3A_192 : memref<128x16xf32, #tpu.memory_space<vmem>>) target(%dma_start3A_198 : memref<50000x16xf32, #tpu.memory_space<vmem_shared>>) offsets(%dma_start3A_195 : memref<128xi32, #tpu.memory_space<vmem>>) semaphore(%arg13 : memref<!tpu.dma_semaphore, #tpu.memory_space<semaphore_mem>>) {add = true}
      %dma_start3A_199 = arith.constant 0 : i32
      %dma_start3A_200 = arith.constant 3 : i32
      %dma_start3A_201 = arith.constant 384 : i32
      %dma_start3A_202 = arith.constant 0 : i32
      %dma_start3A_203 = tpu.memref_slice %arg6[%rem3A_99, %dma_start3A_201, %dma_start3A_202] : memref<2x1024x16xf32, #tpu.memory_space<vmem>> -> memref<1x128x16xf32, #tpu.memory_space<vmem>>
      %dma_start3A_204 = tpu.memref_squeeze %dma_start3A_203 : memref<1x128x16xf32, #tpu.memory_space<vmem>> -> memref<128x16xf32, #tpu.memory_space<vmem>>
      %dma_start3A_205 = arith.constant 0 : i32
      %dma_start3A_206 = tpu.memref_slice %arg8[%dma_start3A_199, %rem3A_99, %dma_start3A_200, %dma_start3A_205] : memref<2x2x8x128xi32, #tpu.memory_space<vmem>> -> memref<1x1x1x128xi32, #tpu.memory_space<vmem>>
      %dma_start3A_207 = tpu.memref_squeeze %dma_start3A_206 : memref<1x1x1x128xi32, #tpu.memory_space<vmem>> -> memref<128xi32, #tpu.memory_space<vmem>>
      %dma_start3A_208 = arith.constant 0 : i32
      %dma_start3A_209 = arith.constant 0 : i32
      %dma_start3A_210 = tpu.memref_slice %arg10[%dma_start3A_208, %dma_start3A_209] : memref<50000x16xf32, #tpu.memory_space<vmem_shared>> -> memref<50000x16xf32, #tpu.memory_space<vmem_shared>>
      tpu.enqueue_indirect_dma source(%dma_start3A_204 : memref<128x16xf32, #tpu.memory_space<vmem>>) target(%dma_start3A_210 : memref<50000x16xf32, #tpu.memory_space<vmem_shared>>) offsets(%dma_start3A_207 : memref<128xi32, #tpu.memory_space<vmem>>) semaphore(%arg13 : memref<!tpu.dma_semaphore, #tpu.memory_space<semaphore_mem>>) {add = true}
      %dma_start3A_211 = arith.constant 1 : i32
      %dma_start3A_212 = arith.constant 3 : i32
      %dma_start3A_213 = arith.constant 384 : i32
      %dma_start3A_214 = arith.constant 0 : i32
      %dma_start3A_215 = tpu.memref_slice %arg7[%rem3A_99, %dma_start3A_213, %dma_start3A_214] : memref<2x1024x16xf32, #tpu.memory_space<vmem>> -> memref<1x128x16xf32, #tpu.memory_space<vmem>>
      %dma_start3A_216 = tpu.memref_squeeze %dma_start3A_215 : memref<1x128x16xf32, #tpu.memory_space<vmem>> -> memref<128x16xf32, #tpu.memory_space<vmem>>
      %dma_start3A_217 = arith.constant 0 : i32
      %dma_start3A_218 = tpu.memref_slice %arg8[%dma_start3A_211, %rem3A_99, %dma_start3A_212, %dma_start3A_217] : memref<2x2x8x128xi32, #tpu.memory_space<vmem>> -> memref<1x1x1x128xi32, #tpu.memory_space<vmem>>
      %dma_start3A_219 = tpu.memref_squeeze %dma_start3A_218 : memref<1x1x1x128xi32, #tpu.memory_space<vmem>> -> memref<128xi32, #tpu.memory_space<vmem>>
      %dma_start3A_220 = arith.constant 0 : i32
      %dma_start3A_221 = arith.constant 0 : i32
      %dma_start3A_222 = tpu.memref_slice %arg10[%dma_start3A_220, %dma_start3A_221] : memref<50000x16xf32, #tpu.memory_space<vmem_shared>> -> memref<50000x16xf32, #tpu.memory_space<vmem_shared>>
      tpu.enqueue_indirect_dma source(%dma_start3A_216 : memref<128x16xf32, #tpu.memory_space<vmem>>) target(%dma_start3A_222 : memref<50000x16xf32, #tpu.memory_space<vmem_shared>>) offsets(%dma_start3A_219 : memref<128xi32, #tpu.memory_space<vmem>>) semaphore(%arg13 : memref<!tpu.dma_semaphore, #tpu.memory_space<semaphore_mem>>) {add = true}
      %dma_start3A_223 = arith.constant 0 : i32
      %dma_start3A_224 = arith.constant 4 : i32
      %dma_start3A_225 = arith.constant 512 : i32
      %dma_start3A_226 = arith.constant 0 : i32
      %dma_start3A_227 = tpu.memref_slice %arg6[%rem3A_99, %dma_start3A_225, %dma_start3A_226] : memref<2x1024x16xf32, #tpu.memory_space<vmem>> -> memref<1x128x16xf32, #tpu.memory_space<vmem>>
      %dma_start3A_228 = tpu.memref_squeeze %dma_start3A_227 : memref<1x128x16xf32, #tpu.memory_space<vmem>> -> memref<128x16xf32, #tpu.memory_space<vmem>>
      %dma_start3A_229 = arith.constant 0 : i32
      %dma_start3A_230 = tpu.memref_slice %arg8[%dma_start3A_223, %rem3A_99, %dma_start3A_224, %dma_start3A_229] : memref<2x2x8x128xi32, #tpu.memory_space<vmem>> -> memref<1x1x1x128xi32, #tpu.memory_space<vmem>>
      %dma_start3A_231 = tpu.memref_squeeze %dma_start3A_230 : memref<1x1x1x128xi32, #tpu.memory_space<vmem>> -> memref<128xi32, #tpu.memory_space<vmem>>
      %dma_start3A_232 = arith.constant 0 : i32
      %dma_start3A_233 = arith.constant 0 : i32
      %dma_start3A_234 = tpu.memref_slice %arg10[%dma_start3A_232, %dma_start3A_233] : memref<50000x16xf32, #tpu.memory_space<vmem_shared>> -> memref<50000x16xf32, #tpu.memory_space<vmem_shared>>
      tpu.enqueue_indirect_dma source(%dma_start3A_228 : memref<128x16xf32, #tpu.memory_space<vmem>>) target(%dma_start3A_234 : memref<50000x16xf32, #tpu.memory_space<vmem_shared>>) offsets(%dma_start3A_231 : memref<128xi32, #tpu.memory_space<vmem>>) semaphore(%arg13 : memref<!tpu.dma_semaphore, #tpu.memory_space<semaphore_mem>>) {add = true}
      %dma_start3A_235 = arith.constant 1 : i32
      %dma_start3A_236 = arith.constant 4 : i32
      %dma_start3A_237 = arith.constant 512 : i32
      %dma_start3A_238 = arith.constant 0 : i32
      %dma_start3A_239 = tpu.memref_slice %arg7[%rem3A_99, %dma_start3A_237, %dma_start3A_238] : memref<2x1024x16xf32, #tpu.memory_space<vmem>> -> memref<1x128x16xf32, #tpu.memory_space<vmem>>
      %dma_start3A_240 = tpu.memref_squeeze %dma_start3A_239 : memref<1x128x16xf32, #tpu.memory_space<vmem>> -> memref<128x16xf32, #tpu.memory_space<vmem>>
      %dma_start3A_241 = arith.constant 0 : i32
      %dma_start3A_242 = tpu.memref_slice %arg8[%dma_start3A_235, %rem3A_99, %dma_start3A_236, %dma_start3A_241] : memref<2x2x8x128xi32, #tpu.memory_space<vmem>> -> memref<1x1x1x128xi32, #tpu.memory_space<vmem>>
      %dma_start3A_243 = tpu.memref_squeeze %dma_start3A_242 : memref<1x1x1x128xi32, #tpu.memory_space<vmem>> -> memref<128xi32, #tpu.memory_space<vmem>>
      %dma_start3A_244 = arith.constant 0 : i32
      %dma_start3A_245 = arith.constant 0 : i32
      %dma_start3A_246 = tpu.memref_slice %arg10[%dma_start3A_244, %dma_start3A_245] : memref<50000x16xf32, #tpu.memory_space<vmem_shared>> -> memref<50000x16xf32, #tpu.memory_space<vmem_shared>>
      tpu.enqueue_indirect_dma source(%dma_start3A_240 : memref<128x16xf32, #tpu.memory_space<vmem>>) target(%dma_start3A_246 : memref<50000x16xf32, #tpu.memory_space<vmem_shared>>) offsets(%dma_start3A_243 : memref<128xi32, #tpu.memory_space<vmem>>) semaphore(%arg13 : memref<!tpu.dma_semaphore, #tpu.memory_space<semaphore_mem>>) {add = true}
      %dma_start3A_247 = arith.constant 0 : i32
      %dma_start3A_248 = arith.constant 5 : i32
      %dma_start3A_249 = arith.constant 640 : i32
      %dma_start3A_250 = arith.constant 0 : i32
      %dma_start3A_251 = tpu.memref_slice %arg6[%rem3A_99, %dma_start3A_249, %dma_start3A_250] : memref<2x1024x16xf32, #tpu.memory_space<vmem>> -> memref<1x128x16xf32, #tpu.memory_space<vmem>>
      %dma_start3A_252 = tpu.memref_squeeze %dma_start3A_251 : memref<1x128x16xf32, #tpu.memory_space<vmem>> -> memref<128x16xf32, #tpu.memory_space<vmem>>
      %dma_start3A_253 = arith.constant 0 : i32
      %dma_start3A_254 = tpu.memref_slice %arg8[%dma_start3A_247, %rem3A_99, %dma_start3A_248, %dma_start3A_253] : memref<2x2x8x128xi32, #tpu.memory_space<vmem>> -> memref<1x1x1x128xi32, #tpu.memory_space<vmem>>
      %dma_start3A_255 = tpu.memref_squeeze %dma_start3A_254 : memref<1x1x1x128xi32, #tpu.memory_space<vmem>> -> memref<128xi32, #tpu.memory_space<vmem>>
      %dma_start3A_256 = arith.constant 0 : i32
      %dma_start3A_257 = arith.constant 0 : i32
      %dma_start3A_258 = tpu.memref_slice %arg10[%dma_start3A_256, %dma_start3A_257] : memref<50000x16xf32, #tpu.memory_space<vmem_shared>> -> memref<50000x16xf32, #tpu.memory_space<vmem_shared>>
      tpu.enqueue_indirect_dma source(%dma_start3A_252 : memref<128x16xf32, #tpu.memory_space<vmem>>) target(%dma_start3A_258 : memref<50000x16xf32, #tpu.memory_space<vmem_shared>>) offsets(%dma_start3A_255 : memref<128xi32, #tpu.memory_space<vmem>>) semaphore(%arg13 : memref<!tpu.dma_semaphore, #tpu.memory_space<semaphore_mem>>) {add = true}
      %dma_start3A_259 = arith.constant 1 : i32
      %dma_start3A_260 = arith.constant 5 : i32
      %dma_start3A_261 = arith.constant 640 : i32
      %dma_start3A_262 = arith.constant 0 : i32
      %dma_start3A_263 = tpu.memref_slice %arg7[%rem3A_99, %dma_start3A_261, %dma_start3A_262] : memref<2x1024x16xf32, #tpu.memory_space<vmem>> -> memref<1x128x16xf32, #tpu.memory_space<vmem>>
      %dma_start3A_264 = tpu.memref_squeeze %dma_start3A_263 : memref<1x128x16xf32, #tpu.memory_space<vmem>> -> memref<128x16xf32, #tpu.memory_space<vmem>>
      %dma_start3A_265 = arith.constant 0 : i32
      %dma_start3A_266 = tpu.memref_slice %arg8[%dma_start3A_259, %rem3A_99, %dma_start3A_260, %dma_start3A_265] : memref<2x2x8x128xi32, #tpu.memory_space<vmem>> -> memref<1x1x1x128xi32, #tpu.memory_space<vmem>>
      %dma_start3A_267 = tpu.memref_squeeze %dma_start3A_266 : memref<1x1x1x128xi32, #tpu.memory_space<vmem>> -> memref<128xi32, #tpu.memory_space<vmem>>
      %dma_start3A_268 = arith.constant 0 : i32
      %dma_start3A_269 = arith.constant 0 : i32
      %dma_start3A_270 = tpu.memref_slice %arg10[%dma_start3A_268, %dma_start3A_269] : memref<50000x16xf32, #tpu.memory_space<vmem_shared>> -> memref<50000x16xf32, #tpu.memory_space<vmem_shared>>
      tpu.enqueue_indirect_dma source(%dma_start3A_264 : memref<128x16xf32, #tpu.memory_space<vmem>>) target(%dma_start3A_270 : memref<50000x16xf32, #tpu.memory_space<vmem_shared>>) offsets(%dma_start3A_267 : memref<128xi32, #tpu.memory_space<vmem>>) semaphore(%arg13 : memref<!tpu.dma_semaphore, #tpu.memory_space<semaphore_mem>>) {add = true}
      %dma_start3A_271 = arith.constant 0 : i32
      %dma_start3A_272 = arith.constant 6 : i32
      %dma_start3A_273 = arith.constant 768 : i32
      %dma_start3A_274 = arith.constant 0 : i32
      %dma_start3A_275 = tpu.memref_slice %arg6[%rem3A_99, %dma_start3A_273, %dma_start3A_274] : memref<2x1024x16xf32, #tpu.memory_space<vmem>> -> memref<1x128x16xf32, #tpu.memory_space<vmem>>
      %dma_start3A_276 = tpu.memref_squeeze %dma_start3A_275 : memref<1x128x16xf32, #tpu.memory_space<vmem>> -> memref<128x16xf32, #tpu.memory_space<vmem>>
      %dma_start3A_277 = arith.constant 0 : i32
      %dma_start3A_278 = tpu.memref_slice %arg8[%dma_start3A_271, %rem3A_99, %dma_start3A_272, %dma_start3A_277] : memref<2x2x8x128xi32, #tpu.memory_space<vmem>> -> memref<1x1x1x128xi32, #tpu.memory_space<vmem>>
      %dma_start3A_279 = tpu.memref_squeeze %dma_start3A_278 : memref<1x1x1x128xi32, #tpu.memory_space<vmem>> -> memref<128xi32, #tpu.memory_space<vmem>>
      %dma_start3A_280 = arith.constant 0 : i32
      %dma_start3A_281 = arith.constant 0 : i32
      %dma_start3A_282 = tpu.memref_slice %arg10[%dma_start3A_280, %dma_start3A_281] : memref<50000x16xf32, #tpu.memory_space<vmem_shared>> -> memref<50000x16xf32, #tpu.memory_space<vmem_shared>>
      tpu.enqueue_indirect_dma source(%dma_start3A_276 : memref<128x16xf32, #tpu.memory_space<vmem>>) target(%dma_start3A_282 : memref<50000x16xf32, #tpu.memory_space<vmem_shared>>) offsets(%dma_start3A_279 : memref<128xi32, #tpu.memory_space<vmem>>) semaphore(%arg13 : memref<!tpu.dma_semaphore, #tpu.memory_space<semaphore_mem>>) {add = true}
      %dma_start3A_283 = arith.constant 1 : i32
      %dma_start3A_284 = arith.constant 6 : i32
      %dma_start3A_285 = arith.constant 768 : i32
      %dma_start3A_286 = arith.constant 0 : i32
      %dma_start3A_287 = tpu.memref_slice %arg7[%rem3A_99, %dma_start3A_285, %dma_start3A_286] : memref<2x1024x16xf32, #tpu.memory_space<vmem>> -> memref<1x128x16xf32, #tpu.memory_space<vmem>>
      %dma_start3A_288 = tpu.memref_squeeze %dma_start3A_287 : memref<1x128x16xf32, #tpu.memory_space<vmem>> -> memref<128x16xf32, #tpu.memory_space<vmem>>
      %dma_start3A_289 = arith.constant 0 : i32
      %dma_start3A_290 = tpu.memref_slice %arg8[%dma_start3A_283, %rem3A_99, %dma_start3A_284, %dma_start3A_289] : memref<2x2x8x128xi32, #tpu.memory_space<vmem>> -> memref<1x1x1x128xi32, #tpu.memory_space<vmem>>
      %dma_start3A_291 = tpu.memref_squeeze %dma_start3A_290 : memref<1x1x1x128xi32, #tpu.memory_space<vmem>> -> memref<128xi32, #tpu.memory_space<vmem>>
      %dma_start3A_292 = arith.constant 0 : i32
      %dma_start3A_293 = arith.constant 0 : i32
      %dma_start3A_294 = tpu.memref_slice %arg10[%dma_start3A_292, %dma_start3A_293] : memref<50000x16xf32, #tpu.memory_space<vmem_shared>> -> memref<50000x16xf32, #tpu.memory_space<vmem_shared>>
      tpu.enqueue_indirect_dma source(%dma_start3A_288 : memref<128x16xf32, #tpu.memory_space<vmem>>) target(%dma_start3A_294 : memref<50000x16xf32, #tpu.memory_space<vmem_shared>>) offsets(%dma_start3A_291 : memref<128xi32, #tpu.memory_space<vmem>>) semaphore(%arg13 : memref<!tpu.dma_semaphore, #tpu.memory_space<semaphore_mem>>) {add = true}
      %dma_start3A_295 = arith.constant 0 : i32
      %dma_start3A_296 = arith.constant 7 : i32
      %dma_start3A_297 = arith.constant 896 : i32
      %dma_start3A_298 = arith.constant 0 : i32
      %dma_start3A_299 = tpu.memref_slice %arg6[%rem3A_99, %dma_start3A_297, %dma_start3A_298] : memref<2x1024x16xf32, #tpu.memory_space<vmem>> -> memref<1x128x16xf32, #tpu.memory_space<vmem>>
      %dma_start3A_300 = tpu.memref_squeeze %dma_start3A_299 : memref<1x128x16xf32, #tpu.memory_space<vmem>> -> memref<128x16xf32, #tpu.memory_space<vmem>>
      %dma_start3A_301 = arith.constant 0 : i32
      %dma_start3A_302 = tpu.memref_slice %arg8[%dma_start3A_295, %rem3A_99, %dma_start3A_296, %dma_start3A_301] : memref<2x2x8x128xi32, #tpu.memory_space<vmem>> -> memref<1x1x1x128xi32, #tpu.memory_space<vmem>>
      %dma_start3A_303 = tpu.memref_squeeze %dma_start3A_302 : memref<1x1x1x128xi32, #tpu.memory_space<vmem>> -> memref<128xi32, #tpu.memory_space<vmem>>
      %dma_start3A_304 = arith.constant 0 : i32
      %dma_start3A_305 = arith.constant 0 : i32
      %dma_start3A_306 = tpu.memref_slice %arg10[%dma_start3A_304, %dma_start3A_305] : memref<50000x16xf32, #tpu.memory_space<vmem_shared>> -> memref<50000x16xf32, #tpu.memory_space<vmem_shared>>
      tpu.enqueue_indirect_dma source(%dma_start3A_300 : memref<128x16xf32, #tpu.memory_space<vmem>>) target(%dma_start3A_306 : memref<50000x16xf32, #tpu.memory_space<vmem_shared>>) offsets(%dma_start3A_303 : memref<128xi32, #tpu.memory_space<vmem>>) semaphore(%arg13 : memref<!tpu.dma_semaphore, #tpu.memory_space<semaphore_mem>>) {add = true}
      %dma_start3A_307 = arith.constant 1 : i32
      %dma_start3A_308 = arith.constant 7 : i32
      %dma_start3A_309 = arith.constant 896 : i32
      %dma_start3A_310 = arith.constant 0 : i32
      %dma_start3A_311 = tpu.memref_slice %arg7[%rem3A_99, %dma_start3A_309, %dma_start3A_310] : memref<2x1024x16xf32, #tpu.memory_space<vmem>> -> memref<1x128x16xf32, #tpu.memory_space<vmem>>
      %dma_start3A_312 = tpu.memref_squeeze %dma_start3A_311 : memref<1x128x16xf32, #tpu.memory_space<vmem>> -> memref<128x16xf32, #tpu.memory_space<vmem>>
      %dma_start3A_313 = arith.constant 0 : i32
      %dma_start3A_314 = tpu.memref_slice %arg8[%dma_start3A_307, %rem3A_99, %dma_start3A_308, %dma_start3A_313] : memref<2x2x8x128xi32, #tpu.memory_space<vmem>> -> memref<1x1x1x128xi32, #tpu.memory_space<vmem>>
      %dma_start3A_315 = tpu.memref_squeeze %dma_start3A_314 : memref<1x1x1x128xi32, #tpu.memory_space<vmem>> -> memref<128xi32, #tpu.memory_space<vmem>>
      %dma_start3A_316 = arith.constant 0 : i32
      %dma_start3A_317 = arith.constant 0 : i32
      %dma_start3A_318 = tpu.memref_slice %arg10[%dma_start3A_316, %dma_start3A_317] : memref<50000x16xf32, #tpu.memory_space<vmem_shared>> -> memref<50000x16xf32, #tpu.memory_space<vmem_shared>>
      tpu.enqueue_indirect_dma source(%dma_start3A_312 : memref<128x16xf32, #tpu.memory_space<vmem>>) target(%dma_start3A_318 : memref<50000x16xf32, #tpu.memory_space<vmem_shared>>) offsets(%dma_start3A_315 : memref<128xi32, #tpu.memory_space<vmem>>) semaphore(%arg13 : memref<!tpu.dma_semaphore, #tpu.memory_space<semaphore_mem>>) {add = true}
      %dma_wait3A = arith.constant 0 : i32
      %dma_wait3A_319 = arith.constant 0 : i32
      %dma_wait3A_320 = arith.constant 0 : i32
      %dma_wait3A_321 = arith.constant 0 : i32
      %dma_wait3A_322 = tpu.memref_slice %arg6[%rem3A_99, %dma_wait3A_320, %dma_wait3A_321] : memref<2x1024x16xf32, #tpu.memory_space<vmem>> -> memref<1x128x16xf32, #tpu.memory_space<vmem>>
      %dma_wait3A_323 = tpu.memref_squeeze %dma_wait3A_322 : memref<1x128x16xf32, #tpu.memory_space<vmem>> -> memref<128x16xf32, #tpu.memory_space<vmem>>
      %dma_wait3A_324 = arith.constant 0 : i32
      %dma_wait3A_325 = tpu.memref_slice %arg8[%dma_wait3A, %rem3A_99, %dma_wait3A_319, %dma_wait3A_324] : memref<2x2x8x128xi32, #tpu.memory_space<vmem>> -> memref<1x1x1x128xi32, #tpu.memory_space<vmem>>
      %dma_wait3A_326 = tpu.memref_squeeze %dma_wait3A_325 : memref<1x1x1x128xi32, #tpu.memory_space<vmem>> -> memref<128xi32, #tpu.memory_space<vmem>>
      %dma_wait3A_327 = arith.constant 0 : i32
      %dma_wait3A_328 = arith.constant 0 : i32
      %dma_wait3A_329 = tpu.memref_slice %arg10[%dma_wait3A_327, %dma_wait3A_328] : memref<50000x16xf32, #tpu.memory_space<vmem_shared>> -> memref<50000x16xf32, #tpu.memory_space<vmem_shared>>
      tpu.wait_indirect_dma semaphore(%arg13 : memref<!tpu.dma_semaphore, #tpu.memory_space<semaphore_mem>>) src(%dma_wait3A_323 : memref<128x16xf32, #tpu.memory_space<vmem>>) dst(%dma_wait3A_329 : memref<50000x16xf32, #tpu.memory_space<vmem_shared>>)
      %dma_wait3A_330 = arith.constant 1 : i32
      %dma_wait3A_331 = arith.constant 0 : i32
      %dma_wait3A_332 = arith.constant 0 : i32
      %dma_wait3A_333 = arith.constant 0 : i32
      %dma_wait3A_334 = tpu.memref_slice %arg7[%rem3A_99, %dma_wait3A_332, %dma_wait3A_333] : memref<2x1024x16xf32, #tpu.memory_space<vmem>> -> memref<1x128x16xf32, #tpu.memory_space<vmem>>
      %dma_wait3A_335 = tpu.memref_squeeze %dma_wait3A_334 : memref<1x128x16xf32, #tpu.memory_space<vmem>> -> memref<128x16xf32, #tpu.memory_space<vmem>>
      %dma_wait3A_336 = arith.constant 0 : i32
      %dma_wait3A_337 = tpu.memref_slice %arg8[%dma_wait3A_330, %rem3A_99, %dma_wait3A_331, %dma_wait3A_336] : memref<2x2x8x128xi32, #tpu.memory_space<vmem>> -> memref<1x1x1x128xi32, #tpu.memory_space<vmem>>
      %dma_wait3A_338 = tpu.memref_squeeze %dma_wait3A_337 : memref<1x1x1x128xi32, #tpu.memory_space<vmem>> -> memref<128xi32, #tpu.memory_space<vmem>>
      %dma_wait3A_339 = arith.constant 0 : i32
      %dma_wait3A_340 = arith.constant 0 : i32
      %dma_wait3A_341 = tpu.memref_slice %arg10[%dma_wait3A_339, %dma_wait3A_340] : memref<50000x16xf32, #tpu.memory_space<vmem_shared>> -> memref<50000x16xf32, #tpu.memory_space<vmem_shared>>
      tpu.wait_indirect_dma semaphore(%arg13 : memref<!tpu.dma_semaphore, #tpu.memory_space<semaphore_mem>>) src(%dma_wait3A_335 : memref<128x16xf32, #tpu.memory_space<vmem>>) dst(%dma_wait3A_341 : memref<50000x16xf32, #tpu.memory_space<vmem_shared>>)
      %dma_wait3A_342 = arith.constant 0 : i32
      %dma_wait3A_343 = arith.constant 1 : i32
      %dma_wait3A_344 = arith.constant 128 : i32
      %dma_wait3A_345 = arith.constant 0 : i32
      %dma_wait3A_346 = tpu.memref_slice %arg6[%rem3A_99, %dma_wait3A_344, %dma_wait3A_345] : memref<2x1024x16xf32, #tpu.memory_space<vmem>> -> memref<1x128x16xf32, #tpu.memory_space<vmem>>
      %dma_wait3A_347 = tpu.memref_squeeze %dma_wait3A_346 : memref<1x128x16xf32, #tpu.memory_space<vmem>> -> memref<128x16xf32, #tpu.memory_space<vmem>>
      %dma_wait3A_348 = arith.constant 0 : i32
      %dma_wait3A_349 = tpu.memref_slice %arg8[%dma_wait3A_342, %rem3A_99, %dma_wait3A_343, %dma_wait3A_348] : memref<2x2x8x128xi32, #tpu.memory_space<vmem>> -> memref<1x1x1x128xi32, #tpu.memory_space<vmem>>
      %dma_wait3A_350 = tpu.memref_squeeze %dma_wait3A_349 : memref<1x1x1x128xi32, #tpu.memory_space<vmem>> -> memref<128xi32, #tpu.memory_space<vmem>>
      %dma_wait3A_351 = arith.constant 0 : i32
      %dma_wait3A_352 = arith.constant 0 : i32
      %dma_wait3A_353 = tpu.memref_slice %arg10[%dma_wait3A_351, %dma_wait3A_352] : memref<50000x16xf32, #tpu.memory_space<vmem_shared>> -> memref<50000x16xf32, #tpu.memory_space<vmem_shared>>
      tpu.wait_indirect_dma semaphore(%arg13 : memref<!tpu.dma_semaphore, #tpu.memory_space<semaphore_mem>>) src(%dma_wait3A_347 : memref<128x16xf32, #tpu.memory_space<vmem>>) dst(%dma_wait3A_353 : memref<50000x16xf32, #tpu.memory_space<vmem_shared>>)
      %dma_wait3A_354 = arith.constant 1 : i32
      %dma_wait3A_355 = arith.constant 1 : i32
      %dma_wait3A_356 = arith.constant 128 : i32
      %dma_wait3A_357 = arith.constant 0 : i32
      %dma_wait3A_358 = tpu.memref_slice %arg7[%rem3A_99, %dma_wait3A_356, %dma_wait3A_357] : memref<2x1024x16xf32, #tpu.memory_space<vmem>> -> memref<1x128x16xf32, #tpu.memory_space<vmem>>
      %dma_wait3A_359 = tpu.memref_squeeze %dma_wait3A_358 : memref<1x128x16xf32, #tpu.memory_space<vmem>> -> memref<128x16xf32, #tpu.memory_space<vmem>>
      %dma_wait3A_360 = arith.constant 0 : i32
      %dma_wait3A_361 = tpu.memref_slice %arg8[%dma_wait3A_354, %rem3A_99, %dma_wait3A_355, %dma_wait3A_360] : memref<2x2x8x128xi32, #tpu.memory_space<vmem>> -> memref<1x1x1x128xi32, #tpu.memory_space<vmem>>
      %dma_wait3A_362 = tpu.memref_squeeze %dma_wait3A_361 : memref<1x1x1x128xi32, #tpu.memory_space<vmem>> -> memref<128xi32, #tpu.memory_space<vmem>>
      %dma_wait3A_363 = arith.constant 0 : i32
      %dma_wait3A_364 = arith.constant 0 : i32
      %dma_wait3A_365 = tpu.memref_slice %arg10[%dma_wait3A_363, %dma_wait3A_364] : memref<50000x16xf32, #tpu.memory_space<vmem_shared>> -> memref<50000x16xf32, #tpu.memory_space<vmem_shared>>
      tpu.wait_indirect_dma semaphore(%arg13 : memref<!tpu.dma_semaphore, #tpu.memory_space<semaphore_mem>>) src(%dma_wait3A_359 : memref<128x16xf32, #tpu.memory_space<vmem>>) dst(%dma_wait3A_365 : memref<50000x16xf32, #tpu.memory_space<vmem_shared>>)
      %dma_wait3A_366 = arith.constant 0 : i32
      %dma_wait3A_367 = arith.constant 2 : i32
      %dma_wait3A_368 = arith.constant 256 : i32
      %dma_wait3A_369 = arith.constant 0 : i32
      %dma_wait3A_370 = tpu.memref_slice %arg6[%rem3A_99, %dma_wait3A_368, %dma_wait3A_369] : memref<2x1024x16xf32, #tpu.memory_space<vmem>> -> memref<1x128x16xf32, #tpu.memory_space<vmem>>
      %dma_wait3A_371 = tpu.memref_squeeze %dma_wait3A_370 : memref<1x128x16xf32, #tpu.memory_space<vmem>> -> memref<128x16xf32, #tpu.memory_space<vmem>>
      %dma_wait3A_372 = arith.constant 0 : i32
      %dma_wait3A_373 = tpu.memref_slice %arg8[%dma_wait3A_366, %rem3A_99, %dma_wait3A_367, %dma_wait3A_372] : memref<2x2x8x128xi32, #tpu.memory_space<vmem>> -> memref<1x1x1x128xi32, #tpu.memory_space<vmem>>
      %dma_wait3A_374 = tpu.memref_squeeze %dma_wait3A_373 : memref<1x1x1x128xi32, #tpu.memory_space<vmem>> -> memref<128xi32, #tpu.memory_space<vmem>>
      %dma_wait3A_375 = arith.constant 0 : i32
      %dma_wait3A_376 = arith.constant 0 : i32
      %dma_wait3A_377 = tpu.memref_slice %arg10[%dma_wait3A_375, %dma_wait3A_376] : memref<50000x16xf32, #tpu.memory_space<vmem_shared>> -> memref<50000x16xf32, #tpu.memory_space<vmem_shared>>
      tpu.wait_indirect_dma semaphore(%arg13 : memref<!tpu.dma_semaphore, #tpu.memory_space<semaphore_mem>>) src(%dma_wait3A_371 : memref<128x16xf32, #tpu.memory_space<vmem>>) dst(%dma_wait3A_377 : memref<50000x16xf32, #tpu.memory_space<vmem_shared>>)
      %dma_wait3A_378 = arith.constant 1 : i32
      %dma_wait3A_379 = arith.constant 2 : i32
      %dma_wait3A_380 = arith.constant 256 : i32
      %dma_wait3A_381 = arith.constant 0 : i32
      %dma_wait3A_382 = tpu.memref_slice %arg7[%rem3A_99, %dma_wait3A_380, %dma_wait3A_381] : memref<2x1024x16xf32, #tpu.memory_space<vmem>> -> memref<1x128x16xf32, #tpu.memory_space<vmem>>
      %dma_wait3A_383 = tpu.memref_squeeze %dma_wait3A_382 : memref<1x128x16xf32, #tpu.memory_space<vmem>> -> memref<128x16xf32, #tpu.memory_space<vmem>>
      %dma_wait3A_384 = arith.constant 0 : i32
      %dma_wait3A_385 = tpu.memref_slice %arg8[%dma_wait3A_378, %rem3A_99, %dma_wait3A_379, %dma_wait3A_384] : memref<2x2x8x128xi32, #tpu.memory_space<vmem>> -> memref<1x1x1x128xi32, #tpu.memory_space<vmem>>
      %dma_wait3A_386 = tpu.memref_squeeze %dma_wait3A_385 : memref<1x1x1x128xi32, #tpu.memory_space<vmem>> -> memref<128xi32, #tpu.memory_space<vmem>>
      %dma_wait3A_387 = arith.constant 0 : i32
      %dma_wait3A_388 = arith.constant 0 : i32
      %dma_wait3A_389 = tpu.memref_slice %arg10[%dma_wait3A_387, %dma_wait3A_388] : memref<50000x16xf32, #tpu.memory_space<vmem_shared>> -> memref<50000x16xf32, #tpu.memory_space<vmem_shared>>
      tpu.wait_indirect_dma semaphore(%arg13 : memref<!tpu.dma_semaphore, #tpu.memory_space<semaphore_mem>>) src(%dma_wait3A_383 : memref<128x16xf32, #tpu.memory_space<vmem>>) dst(%dma_wait3A_389 : memref<50000x16xf32, #tpu.memory_space<vmem_shared>>)
      %dma_wait3A_390 = arith.constant 0 : i32
      %dma_wait3A_391 = arith.constant 3 : i32
      %dma_wait3A_392 = arith.constant 384 : i32
      %dma_wait3A_393 = arith.constant 0 : i32
      %dma_wait3A_394 = tpu.memref_slice %arg6[%rem3A_99, %dma_wait3A_392, %dma_wait3A_393] : memref<2x1024x16xf32, #tpu.memory_space<vmem>> -> memref<1x128x16xf32, #tpu.memory_space<vmem>>
      %dma_wait3A_395 = tpu.memref_squeeze %dma_wait3A_394 : memref<1x128x16xf32, #tpu.memory_space<vmem>> -> memref<128x16xf32, #tpu.memory_space<vmem>>
      %dma_wait3A_396 = arith.constant 0 : i32
      %dma_wait3A_397 = tpu.memref_slice %arg8[%dma_wait3A_390, %rem3A_99, %dma_wait3A_391, %dma_wait3A_396] : memref<2x2x8x128xi32, #tpu.memory_space<vmem>> -> memref<1x1x1x128xi32, #tpu.memory_space<vmem>>
      %dma_wait3A_398 = tpu.memref_squeeze %dma_wait3A_397 : memref<1x1x1x128xi32, #tpu.memory_space<vmem>> -> memref<128xi32, #tpu.memory_space<vmem>>
      %dma_wait3A_399 = arith.constant 0 : i32
      %dma_wait3A_400 = arith.constant 0 : i32
      %dma_wait3A_401 = tpu.memref_slice %arg10[%dma_wait3A_399, %dma_wait3A_400] : memref<50000x16xf32, #tpu.memory_space<vmem_shared>> -> memref<50000x16xf32, #tpu.memory_space<vmem_shared>>
      tpu.wait_indirect_dma semaphore(%arg13 : memref<!tpu.dma_semaphore, #tpu.memory_space<semaphore_mem>>) src(%dma_wait3A_395 : memref<128x16xf32, #tpu.memory_space<vmem>>) dst(%dma_wait3A_401 : memref<50000x16xf32, #tpu.memory_space<vmem_shared>>)
      %dma_wait3A_402 = arith.constant 1 : i32
      %dma_wait3A_403 = arith.constant 3 : i32
      %dma_wait3A_404 = arith.constant 384 : i32
      %dma_wait3A_405 = arith.constant 0 : i32
      %dma_wait3A_406 = tpu.memref_slice %arg7[%rem3A_99, %dma_wait3A_404, %dma_wait3A_405] : memref<2x1024x16xf32, #tpu.memory_space<vmem>> -> memref<1x128x16xf32, #tpu.memory_space<vmem>>
      %dma_wait3A_407 = tpu.memref_squeeze %dma_wait3A_406 : memref<1x128x16xf32, #tpu.memory_space<vmem>> -> memref<128x16xf32, #tpu.memory_space<vmem>>
      %dma_wait3A_408 = arith.constant 0 : i32
      %dma_wait3A_409 = tpu.memref_slice %arg8[%dma_wait3A_402, %rem3A_99, %dma_wait3A_403, %dma_wait3A_408] : memref<2x2x8x128xi32, #tpu.memory_space<vmem>> -> memref<1x1x1x128xi32, #tpu.memory_space<vmem>>
      %dma_wait3A_410 = tpu.memref_squeeze %dma_wait3A_409 : memref<1x1x1x128xi32, #tpu.memory_space<vmem>> -> memref<128xi32, #tpu.memory_space<vmem>>
      %dma_wait3A_411 = arith.constant 0 : i32
      %dma_wait3A_412 = arith.constant 0 : i32
      %dma_wait3A_413 = tpu.memref_slice %arg10[%dma_wait3A_411, %dma_wait3A_412] : memref<50000x16xf32, #tpu.memory_space<vmem_shared>> -> memref<50000x16xf32, #tpu.memory_space<vmem_shared>>
      tpu.wait_indirect_dma semaphore(%arg13 : memref<!tpu.dma_semaphore, #tpu.memory_space<semaphore_mem>>) src(%dma_wait3A_407 : memref<128x16xf32, #tpu.memory_space<vmem>>) dst(%dma_wait3A_413 : memref<50000x16xf32, #tpu.memory_space<vmem_shared>>)
      %dma_wait3A_414 = arith.constant 0 : i32
      %dma_wait3A_415 = arith.constant 4 : i32
      %dma_wait3A_416 = arith.constant 512 : i32
      %dma_wait3A_417 = arith.constant 0 : i32
      %dma_wait3A_418 = tpu.memref_slice %arg6[%rem3A_99, %dma_wait3A_416, %dma_wait3A_417] : memref<2x1024x16xf32, #tpu.memory_space<vmem>> -> memref<1x128x16xf32, #tpu.memory_space<vmem>>
      %dma_wait3A_419 = tpu.memref_squeeze %dma_wait3A_418 : memref<1x128x16xf32, #tpu.memory_space<vmem>> -> memref<128x16xf32, #tpu.memory_space<vmem>>
      %dma_wait3A_420 = arith.constant 0 : i32
      %dma_wait3A_421 = tpu.memref_slice %arg8[%dma_wait3A_414, %rem3A_99, %dma_wait3A_415, %dma_wait3A_420] : memref<2x2x8x128xi32, #tpu.memory_space<vmem>> -> memref<1x1x1x128xi32, #tpu.memory_space<vmem>>
      %dma_wait3A_422 = tpu.memref_squeeze %dma_wait3A_421 : memref<1x1x1x128xi32, #tpu.memory_space<vmem>> -> memref<128xi32, #tpu.memory_space<vmem>>
      %dma_wait3A_423 = arith.constant 0 : i32
      %dma_wait3A_424 = arith.constant 0 : i32
      %dma_wait3A_425 = tpu.memref_slice %arg10[%dma_wait3A_423, %dma_wait3A_424] : memref<50000x16xf32, #tpu.memory_space<vmem_shared>> -> memref<50000x16xf32, #tpu.memory_space<vmem_shared>>
      tpu.wait_indirect_dma semaphore(%arg13 : memref<!tpu.dma_semaphore, #tpu.memory_space<semaphore_mem>>) src(%dma_wait3A_419 : memref<128x16xf32, #tpu.memory_space<vmem>>) dst(%dma_wait3A_425 : memref<50000x16xf32, #tpu.memory_space<vmem_shared>>)
      %dma_wait3A_426 = arith.constant 1 : i32
      %dma_wait3A_427 = arith.constant 4 : i32
      %dma_wait3A_428 = arith.constant 512 : i32
      %dma_wait3A_429 = arith.constant 0 : i32
      %dma_wait3A_430 = tpu.memref_slice %arg7[%rem3A_99, %dma_wait3A_428, %dma_wait3A_429] : memref<2x1024x16xf32, #tpu.memory_space<vmem>> -> memref<1x128x16xf32, #tpu.memory_space<vmem>>
      %dma_wait3A_431 = tpu.memref_squeeze %dma_wait3A_430 : memref<1x128x16xf32, #tpu.memory_space<vmem>> -> memref<128x16xf32, #tpu.memory_space<vmem>>
      %dma_wait3A_432 = arith.constant 0 : i32
      %dma_wait3A_433 = tpu.memref_slice %arg8[%dma_wait3A_426, %rem3A_99, %dma_wait3A_427, %dma_wait3A_432] : memref<2x2x8x128xi32, #tpu.memory_space<vmem>> -> memref<1x1x1x128xi32, #tpu.memory_space<vmem>>
      %dma_wait3A_434 = tpu.memref_squeeze %dma_wait3A_433 : memref<1x1x1x128xi32, #tpu.memory_space<vmem>> -> memref<128xi32, #tpu.memory_space<vmem>>
      %dma_wait3A_435 = arith.constant 0 : i32
      %dma_wait3A_436 = arith.constant 0 : i32
      %dma_wait3A_437 = tpu.memref_slice %arg10[%dma_wait3A_435, %dma_wait3A_436] : memref<50000x16xf32, #tpu.memory_space<vmem_shared>> -> memref<50000x16xf32, #tpu.memory_space<vmem_shared>>
      tpu.wait_indirect_dma semaphore(%arg13 : memref<!tpu.dma_semaphore, #tpu.memory_space<semaphore_mem>>) src(%dma_wait3A_431 : memref<128x16xf32, #tpu.memory_space<vmem>>) dst(%dma_wait3A_437 : memref<50000x16xf32, #tpu.memory_space<vmem_shared>>)
      %dma_wait3A_438 = arith.constant 0 : i32
      %dma_wait3A_439 = arith.constant 5 : i32
      %dma_wait3A_440 = arith.constant 640 : i32
      %dma_wait3A_441 = arith.constant 0 : i32
      %dma_wait3A_442 = tpu.memref_slice %arg6[%rem3A_99, %dma_wait3A_440, %dma_wait3A_441] : memref<2x1024x16xf32, #tpu.memory_space<vmem>> -> memref<1x128x16xf32, #tpu.memory_space<vmem>>
      %dma_wait3A_443 = tpu.memref_squeeze %dma_wait3A_442 : memref<1x128x16xf32, #tpu.memory_space<vmem>> -> memref<128x16xf32, #tpu.memory_space<vmem>>
      %dma_wait3A_444 = arith.constant 0 : i32
      %dma_wait3A_445 = tpu.memref_slice %arg8[%dma_wait3A_438, %rem3A_99, %dma_wait3A_439, %dma_wait3A_444] : memref<2x2x8x128xi32, #tpu.memory_space<vmem>> -> memref<1x1x1x128xi32, #tpu.memory_space<vmem>>
      %dma_wait3A_446 = tpu.memref_squeeze %dma_wait3A_445 : memref<1x1x1x128xi32, #tpu.memory_space<vmem>> -> memref<128xi32, #tpu.memory_space<vmem>>
      %dma_wait3A_447 = arith.constant 0 : i32
      %dma_wait3A_448 = arith.constant 0 : i32
      %dma_wait3A_449 = tpu.memref_slice %arg10[%dma_wait3A_447, %dma_wait3A_448] : memref<50000x16xf32, #tpu.memory_space<vmem_shared>> -> memref<50000x16xf32, #tpu.memory_space<vmem_shared>>
      tpu.wait_indirect_dma semaphore(%arg13 : memref<!tpu.dma_semaphore, #tpu.memory_space<semaphore_mem>>) src(%dma_wait3A_443 : memref<128x16xf32, #tpu.memory_space<vmem>>) dst(%dma_wait3A_449 : memref<50000x16xf32, #tpu.memory_space<vmem_shared>>)
      %dma_wait3A_450 = arith.constant 1 : i32
      %dma_wait3A_451 = arith.constant 5 : i32
      %dma_wait3A_452 = arith.constant 640 : i32
      %dma_wait3A_453 = arith.constant 0 : i32
      %dma_wait3A_454 = tpu.memref_slice %arg7[%rem3A_99, %dma_wait3A_452, %dma_wait3A_453] : memref<2x1024x16xf32, #tpu.memory_space<vmem>> -> memref<1x128x16xf32, #tpu.memory_space<vmem>>
      %dma_wait3A_455 = tpu.memref_squeeze %dma_wait3A_454 : memref<1x128x16xf32, #tpu.memory_space<vmem>> -> memref<128x16xf32, #tpu.memory_space<vmem>>
      %dma_wait3A_456 = arith.constant 0 : i32
      %dma_wait3A_457 = tpu.memref_slice %arg8[%dma_wait3A_450, %rem3A_99, %dma_wait3A_451, %dma_wait3A_456] : memref<2x2x8x128xi32, #tpu.memory_space<vmem>> -> memref<1x1x1x128xi32, #tpu.memory_space<vmem>>
      %dma_wait3A_458 = tpu.memref_squeeze %dma_wait3A_457 : memref<1x1x1x128xi32, #tpu.memory_space<vmem>> -> memref<128xi32, #tpu.memory_space<vmem>>
      %dma_wait3A_459 = arith.constant 0 : i32
      %dma_wait3A_460 = arith.constant 0 : i32
      %dma_wait3A_461 = tpu.memref_slice %arg10[%dma_wait3A_459, %dma_wait3A_460] : memref<50000x16xf32, #tpu.memory_space<vmem_shared>> -> memref<50000x16xf32, #tpu.memory_space<vmem_shared>>
      tpu.wait_indirect_dma semaphore(%arg13 : memref<!tpu.dma_semaphore, #tpu.memory_space<semaphore_mem>>) src(%dma_wait3A_455 : memref<128x16xf32, #tpu.memory_space<vmem>>) dst(%dma_wait3A_461 : memref<50000x16xf32, #tpu.memory_space<vmem_shared>>)
      %dma_wait3A_462 = arith.constant 0 : i32
      %dma_wait3A_463 = arith.constant 6 : i32
      %dma_wait3A_464 = arith.constant 768 : i32
      %dma_wait3A_465 = arith.constant 0 : i32
      %dma_wait3A_466 = tpu.memref_slice %arg6[%rem3A_99, %dma_wait3A_464, %dma_wait3A_465] : memref<2x1024x16xf32, #tpu.memory_space<vmem>> -> memref<1x128x16xf32, #tpu.memory_space<vmem>>
      %dma_wait3A_467 = tpu.memref_squeeze %dma_wait3A_466 : memref<1x128x16xf32, #tpu.memory_space<vmem>> -> memref<128x16xf32, #tpu.memory_space<vmem>>
      %dma_wait3A_468 = arith.constant 0 : i32
      %dma_wait3A_469 = tpu.memref_slice %arg8[%dma_wait3A_462, %rem3A_99, %dma_wait3A_463, %dma_wait3A_468] : memref<2x2x8x128xi32, #tpu.memory_space<vmem>> -> memref<1x1x1x128xi32, #tpu.memory_space<vmem>>
      %dma_wait3A_470 = tpu.memref_squeeze %dma_wait3A_469 : memref<1x1x1x128xi32, #tpu.memory_space<vmem>> -> memref<128xi32, #tpu.memory_space<vmem>>
      %dma_wait3A_471 = arith.constant 0 : i32
      %dma_wait3A_472 = arith.constant 0 : i32
      %dma_wait3A_473 = tpu.memref_slice %arg10[%dma_wait3A_471, %dma_wait3A_472] : memref<50000x16xf32, #tpu.memory_space<vmem_shared>> -> memref<50000x16xf32, #tpu.memory_space<vmem_shared>>
      tpu.wait_indirect_dma semaphore(%arg13 : memref<!tpu.dma_semaphore, #tpu.memory_space<semaphore_mem>>) src(%dma_wait3A_467 : memref<128x16xf32, #tpu.memory_space<vmem>>) dst(%dma_wait3A_473 : memref<50000x16xf32, #tpu.memory_space<vmem_shared>>)
      %dma_wait3A_474 = arith.constant 1 : i32
      %dma_wait3A_475 = arith.constant 6 : i32
      %dma_wait3A_476 = arith.constant 768 : i32
      %dma_wait3A_477 = arith.constant 0 : i32
      %dma_wait3A_478 = tpu.memref_slice %arg7[%rem3A_99, %dma_wait3A_476, %dma_wait3A_477] : memref<2x1024x16xf32, #tpu.memory_space<vmem>> -> memref<1x128x16xf32, #tpu.memory_space<vmem>>
      %dma_wait3A_479 = tpu.memref_squeeze %dma_wait3A_478 : memref<1x128x16xf32, #tpu.memory_space<vmem>> -> memref<128x16xf32, #tpu.memory_space<vmem>>
      %dma_wait3A_480 = arith.constant 0 : i32
      %dma_wait3A_481 = tpu.memref_slice %arg8[%dma_wait3A_474, %rem3A_99, %dma_wait3A_475, %dma_wait3A_480] : memref<2x2x8x128xi32, #tpu.memory_space<vmem>> -> memref<1x1x1x128xi32, #tpu.memory_space<vmem>>
      %dma_wait3A_482 = tpu.memref_squeeze %dma_wait3A_481 : memref<1x1x1x128xi32, #tpu.memory_space<vmem>> -> memref<128xi32, #tpu.memory_space<vmem>>
      %dma_wait3A_483 = arith.constant 0 : i32
      %dma_wait3A_484 = arith.constant 0 : i32
      %dma_wait3A_485 = tpu.memref_slice %arg10[%dma_wait3A_483, %dma_wait3A_484] : memref<50000x16xf32, #tpu.memory_space<vmem_shared>> -> memref<50000x16xf32, #tpu.memory_space<vmem_shared>>
      tpu.wait_indirect_dma semaphore(%arg13 : memref<!tpu.dma_semaphore, #tpu.memory_space<semaphore_mem>>) src(%dma_wait3A_479 : memref<128x16xf32, #tpu.memory_space<vmem>>) dst(%dma_wait3A_485 : memref<50000x16xf32, #tpu.memory_space<vmem_shared>>)
      %dma_wait3A_486 = arith.constant 0 : i32
      %dma_wait3A_487 = arith.constant 7 : i32
      %dma_wait3A_488 = arith.constant 896 : i32
      %dma_wait3A_489 = arith.constant 0 : i32
      %dma_wait3A_490 = tpu.memref_slice %arg6[%rem3A_99, %dma_wait3A_488, %dma_wait3A_489] : memref<2x1024x16xf32, #tpu.memory_space<vmem>> -> memref<1x128x16xf32, #tpu.memory_space<vmem>>
      %dma_wait3A_491 = tpu.memref_squeeze %dma_wait3A_490 : memref<1x128x16xf32, #tpu.memory_space<vmem>> -> memref<128x16xf32, #tpu.memory_space<vmem>>
      %dma_wait3A_492 = arith.constant 0 : i32
      %dma_wait3A_493 = tpu.memref_slice %arg8[%dma_wait3A_486, %rem3A_99, %dma_wait3A_487, %dma_wait3A_492] : memref<2x2x8x128xi32, #tpu.memory_space<vmem>> -> memref<1x1x1x128xi32, #tpu.memory_space<vmem>>
      %dma_wait3A_494 = tpu.memref_squeeze %dma_wait3A_493 : memref<1x1x1x128xi32, #tpu.memory_space<vmem>> -> memref<128xi32, #tpu.memory_space<vmem>>
      %dma_wait3A_495 = arith.constant 0 : i32
      %dma_wait3A_496 = arith.constant 0 : i32
      %dma_wait3A_497 = tpu.memref_slice %arg10[%dma_wait3A_495, %dma_wait3A_496] : memref<50000x16xf32, #tpu.memory_space<vmem_shared>> -> memref<50000x16xf32, #tpu.memory_space<vmem_shared>>
      tpu.wait_indirect_dma semaphore(%arg13 : memref<!tpu.dma_semaphore, #tpu.memory_space<semaphore_mem>>) src(%dma_wait3A_491 : memref<128x16xf32, #tpu.memory_space<vmem>>) dst(%dma_wait3A_497 : memref<50000x16xf32, #tpu.memory_space<vmem_shared>>)
      %dma_wait3A_498 = arith.constant 1 : i32
      %dma_wait3A_499 = arith.constant 7 : i32
      %dma_wait3A_500 = arith.constant 896 : i32
      %dma_wait3A_501 = arith.constant 0 : i32
      %dma_wait3A_502 = tpu.memref_slice %arg7[%rem3A_99, %dma_wait3A_500, %dma_wait3A_501] : memref<2x1024x16xf32, #tpu.memory_space<vmem>> -> memref<1x128x16xf32, #tpu.memory_space<vmem>>
      %dma_wait3A_503 = tpu.memref_squeeze %dma_wait3A_502 : memref<1x128x16xf32, #tpu.memory_space<vmem>> -> memref<128x16xf32, #tpu.memory_space<vmem>>
      %dma_wait3A_504 = arith.constant 0 : i32
      %dma_wait3A_505 = tpu.memref_slice %arg8[%dma_wait3A_498, %rem3A_99, %dma_wait3A_499, %dma_wait3A_504] : memref<2x2x8x128xi32, #tpu.memory_space<vmem>> -> memref<1x1x1x128xi32, #tpu.memory_space<vmem>>
      %dma_wait3A_506 = tpu.memref_squeeze %dma_wait3A_505 : memref<1x1x1x128xi32, #tpu.memory_space<vmem>> -> memref<128xi32, #tpu.memory_space<vmem>>
      %dma_wait3A_507 = arith.constant 0 : i32
      %dma_wait3A_508 = arith.constant 0 : i32
      %dma_wait3A_509 = tpu.memref_slice %arg10[%dma_wait3A_507, %dma_wait3A_508] : memref<50000x16xf32, #tpu.memory_space<vmem_shared>> -> memref<50000x16xf32, #tpu.memory_space<vmem_shared>>
      tpu.wait_indirect_dma semaphore(%arg13 : memref<!tpu.dma_semaphore, #tpu.memory_space<semaphore_mem>>) src(%dma_wait3A_503 : memref<128x16xf32, #tpu.memory_space<vmem>>) dst(%dma_wait3A_509 : memref<50000x16xf32, #tpu.memory_space<vmem_shared>>)
    }
    %while3A_80 = arith.constant 1 : i32
    scf.for %while3A_96 = %while3A_78 to %while3A_74 step %while3A_80  : i32 {
      %sub3A_97 = arith.subi %while3A_96, %select_n3A : i32
      %rem3A_98 = arith.constant 2 : i32
      %rem3A_99 = arith.remsi %sub3A_97, %rem3A_98 : i32
      %eq3A_100 = arith.constant 0 : i32
      %eq3A_101 = arith.cmpi eq, %rem3A_99, %eq3A_100 : i32
      %convert_element_type3A_102 = arith.extui %eq3A_101 : i1 to i32
      %cond3A_103 = arith.constant 0 : i32
      %cond3A_104 = arith.cmpi ne, %convert_element_type3A_102, %cond3A_103 : i32
      scf.if %cond3A_104 {
        %mul3A_510 = arith.constant 8 : i32
        %mul3A_511 = arith.muli %while3A_96, %mul3A_510 : i32
        %mul3A_512 = arith.constant 128 : i32
        %mul3A_513 = arith.muli %mul3A_511, %mul3A_512 : i32
        %dma_wait3A_514 = arith.constant 0 : i32
        %dma_wait3A_515 = arith.constant 0 : i32
        %dma_wait3A_516 = arith.constant 0 : i32
        %dma_wait3A_517 = tpu.memref_slice %arg6[%dma_wait3A_514, %dma_wait3A_515, %dma_wait3A_516] : memref<2x1024x16xf32, #tpu.memory_space<vmem>> -> memref<1x1024x16xf32, #tpu.memory_space<vmem>>
        %dma_wait3A_518 = tpu.memref_squeeze %dma_wait3A_517 : memref<1x1024x16xf32, #tpu.memory_space<vmem>> -> memref<1024x16xf32, #tpu.memory_space<vmem>>
        %dma_wait3A_519 = arith.constant 0 : i32
        %dma_wait3A_520 = tpu.memref_slice %arg2[%mul3A_513, %dma_wait3A_519] : memref<1600000x32xf32, #tpu.memory_space<hbm>> -> memref<1024x16xf32, #tpu.memory_space<hbm>>
        %dma_wait3A_521 = arith.constant 0 : i32
        %dma_wait3A_522 = arith.constant 0 : i32
        %dma_wait3A_523 = tpu.memref_slice %arg6[%dma_wait3A_514, %dma_wait3A_521, %dma_wait3A_522] : memref<2x1024x16xf32, #tpu.memory_space<vmem>> -> memref<1x1024x16xf32, #tpu.memory_space<vmem>>
        %dma_wait3A_524 = tpu.memref_squeeze %dma_wait3A_523 : memref<1x1024x16xf32, #tpu.memory_space<vmem>> -> memref<1024x16xf32, #tpu.memory_space<vmem>>
        %dma_wait3A_525 = arith.constant 0 : i32
        %dma_wait3A_526 = tpu.memref_slice %arg2[%mul3A_513, %dma_wait3A_525] : memref<1600000x32xf32, #tpu.memory_space<hbm>> -> memref<1024x16xf32, #tpu.memory_space<hbm>>
        tpu.wait_dma2 semaphore(%arg11 : memref<!tpu.dma_semaphore, #tpu.memory_space<semaphore_mem>>) src(%dma_wait3A_526 : memref<1024x16xf32, #tpu.memory_space<hbm>>) dst(%dma_wait3A_524 : memref<1024x16xf32, #tpu.memory_space<vmem>>)
        %dma_wait3A_527 = arith.constant 0 : i32
        %dma_wait3A_528 = arith.constant 0 : i32
        %dma_wait3A_529 = arith.constant 0 : i32
        %dma_wait3A_530 = tpu.memref_slice %arg7[%dma_wait3A_527, %dma_wait3A_528, %dma_wait3A_529] : memref<2x1024x16xf32, #tpu.memory_space<vmem>> -> memref<1x1024x16xf32, #tpu.memory_space<vmem>>
        %dma_wait3A_531 = tpu.memref_squeeze %dma_wait3A_530 : memref<1x1024x16xf32, #tpu.memory_space<vmem>> -> memref<1024x16xf32, #tpu.memory_space<vmem>>
        %dma_wait3A_532 = arith.constant 16 : i32
        %dma_wait3A_533 = tpu.memref_slice %arg2[%mul3A_513, %dma_wait3A_532] : memref<1600000x32xf32, #tpu.memory_space<hbm>> -> memref<1024x16xf32, #tpu.memory_space<hbm>>
        %dma_wait3A_534 = arith.constant 0 : i32
        %dma_wait3A_535 = arith.constant 0 : i32
        %dma_wait3A_536 = tpu.memref_slice %arg7[%dma_wait3A_527, %dma_wait3A_534, %dma_wait3A_535] : memref<2x1024x16xf32, #tpu.memory_space<vmem>> -> memref<1x1024x16xf32, #tpu.memory_space<vmem>>
        %dma_wait3A_537 = tpu.memref_squeeze %dma_wait3A_536 : memref<1x1024x16xf32, #tpu.memory_space<vmem>> -> memref<1024x16xf32, #tpu.memory_space<vmem>>
        %dma_wait3A_538 = arith.constant 16 : i32
        %dma_wait3A_539 = tpu.memref_slice %arg2[%mul3A_513, %dma_wait3A_538] : memref<1600000x32xf32, #tpu.memory_space<hbm>> -> memref<1024x16xf32, #tpu.memory_space<hbm>>
        tpu.wait_dma2 semaphore(%arg11 : memref<!tpu.dma_semaphore, #tpu.memory_space<semaphore_mem>>) src(%dma_wait3A_539 : memref<1024x16xf32, #tpu.memory_space<hbm>>) dst(%dma_wait3A_537 : memref<1024x16xf32, #tpu.memory_space<vmem>>)
        %dma_wait3A_540 = arith.constant 0 : i32
        %dma_wait3A_541 = arith.constant 0 : i32
        %dma_wait3A_542 = arith.constant 0 : i32
        %dma_wait3A_543 = arith.constant 0 : i32
        %dma_wait3A_544 = arith.constant 0 : i32
        %dma_wait3A_545 = tpu.memref_slice %arg8[%dma_wait3A_541, %dma_wait3A_542, %dma_wait3A_543, %dma_wait3A_544] : memref<2x2x8x128xi32, #tpu.memory_space<vmem>> -> memref<1x1x8x128xi32, #tpu.memory_space<vmem>>
        %dma_wait3A_546 = tpu.memref_squeeze %dma_wait3A_545 : memref<1x1x8x128xi32, #tpu.memory_space<vmem>> -> memref<8x128xi32, #tpu.memory_space<vmem>>
        %dma_wait3A_547 = arith.constant 0 : i32
        %dma_wait3A_548 = tpu.memref_slice %arg3[%dma_wait3A_540, %mul3A_511, %dma_wait3A_547] : memref<2x12500x128xi32, #tpu.memory_space<hbm>> -> memref<1x8x128xi32, #tpu.memory_space<hbm>>
        %dma_wait3A_549 = tpu.memref_squeeze %dma_wait3A_548 : memref<1x8x128xi32, #tpu.memory_space<hbm>> -> memref<8x128xi32, #tpu.memory_space<hbm>>
        %dma_wait3A_550 = arith.constant 0 : i32
        %dma_wait3A_551 = arith.constant 0 : i32
        %dma_wait3A_552 = tpu.memref_slice %arg8[%dma_wait3A_541, %dma_wait3A_542, %dma_wait3A_550, %dma_wait3A_551] : memref<2x2x8x128xi32, #tpu.memory_space<vmem>> -> memref<1x1x8x128xi32, #tpu.memory_space<vmem>>
        %dma_wait3A_553 = tpu.memref_squeeze %dma_wait3A_552 : memref<1x1x8x128xi32, #tpu.memory_space<vmem>> -> memref<8x128xi32, #tpu.memory_space<vmem>>
        %dma_wait3A_554 = arith.constant 0 : i32
        %dma_wait3A_555 = tpu.memref_slice %arg3[%dma_wait3A_540, %mul3A_511, %dma_wait3A_554] : memref<2x12500x128xi32, #tpu.memory_space<hbm>> -> memref<1x8x128xi32, #tpu.memory_space<hbm>>
        %dma_wait3A_556 = tpu.memref_squeeze %dma_wait3A_555 : memref<1x8x128xi32, #tpu.memory_space<hbm>> -> memref<8x128xi32, #tpu.memory_space<hbm>>
        tpu.wait_dma2 semaphore(%arg11 : memref<!tpu.dma_semaphore, #tpu.memory_space<semaphore_mem>>) src(%dma_wait3A_556 : memref<8x128xi32, #tpu.memory_space<hbm>>) dst(%dma_wait3A_553 : memref<8x128xi32, #tpu.memory_space<vmem>>)
        %dma_wait3A_557 = arith.constant 1 : i32
        %dma_wait3A_558 = arith.constant 1 : i32
        %dma_wait3A_559 = arith.constant 0 : i32
        %dma_wait3A_560 = arith.constant 0 : i32
        %dma_wait3A_561 = arith.constant 0 : i32
        %dma_wait3A_562 = tpu.memref_slice %arg8[%dma_wait3A_558, %dma_wait3A_559, %dma_wait3A_560, %dma_wait3A_561] : memref<2x2x8x128xi32, #tpu.memory_space<vmem>> -> memref<1x1x8x128xi32, #tpu.memory_space<vmem>>
        %dma_wait3A_563 = tpu.memref_squeeze %dma_wait3A_562 : memref<1x1x8x128xi32, #tpu.memory_space<vmem>> -> memref<8x128xi32, #tpu.memory_space<vmem>>
        %dma_wait3A_564 = arith.constant 0 : i32
        %dma_wait3A_565 = tpu.memref_slice %arg3[%dma_wait3A_557, %mul3A_511, %dma_wait3A_564] : memref<2x12500x128xi32, #tpu.memory_space<hbm>> -> memref<1x8x128xi32, #tpu.memory_space<hbm>>
        %dma_wait3A_566 = tpu.memref_squeeze %dma_wait3A_565 : memref<1x8x128xi32, #tpu.memory_space<hbm>> -> memref<8x128xi32, #tpu.memory_space<hbm>>
        %dma_wait3A_567 = arith.constant 0 : i32
        %dma_wait3A_568 = arith.constant 0 : i32
        %dma_wait3A_569 = tpu.memref_slice %arg8[%dma_wait3A_558, %dma_wait3A_559, %dma_wait3A_567, %dma_wait3A_568] : memref<2x2x8x128xi32, #tpu.memory_space<vmem>> -> memref<1x1x8x128xi32, #tpu.memory_space<vmem>>
        %dma_wait3A_570 = tpu.memref_squeeze %dma_wait3A_569 : memref<1x1x8x128xi32, #tpu.memory_space<vmem>> -> memref<8x128xi32, #tpu.memory_space<vmem>>
        %dma_wait3A_571 = arith.constant 0 : i32
        %dma_wait3A_572 = tpu.memref_slice %arg3[%dma_wait3A_557, %mul3A_511, %dma_wait3A_571] : memref<2x12500x128xi32, #tpu.memory_space<hbm>> -> memref<1x8x128xi32, #tpu.memory_space<hbm>>
        %dma_wait3A_573 = tpu.memref_squeeze %dma_wait3A_572 : memref<1x8x128xi32, #tpu.memory_space<hbm>> -> memref<8x128xi32, #tpu.memory_space<hbm>>
        tpu.wait_dma2 semaphore(%arg11 : memref<!tpu.dma_semaphore, #tpu.memory_space<semaphore_mem>>) src(%dma_wait3A_573 : memref<8x128xi32, #tpu.memory_space<hbm>>) dst(%dma_wait3A_570 : memref<8x128xi32, #tpu.memory_space<vmem>>)
      } else {
      }
      %eq3A_105 = arith.constant 1 : i32
      %eq3A_106 = arith.cmpi eq, %rem3A_99, %eq3A_105 : i32
      %convert_element_type3A_107 = arith.extui %eq3A_106 : i1 to i32
      %cond3A_108 = arith.constant 0 : i32
      %cond3A_109 = arith.cmpi ne, %convert_element_type3A_107, %cond3A_108 : i32
      scf.if %cond3A_109 {
        %mul3A_510 = arith.constant 8 : i32
        %mul3A_511 = arith.muli %while3A_96, %mul3A_510 : i32
        %mul3A_512 = arith.constant 128 : i32
        %mul3A_513 = arith.muli %mul3A_511, %mul3A_512 : i32
        %dma_wait3A_514 = arith.constant 1 : i32
        %dma_wait3A_515 = arith.constant 0 : i32
        %dma_wait3A_516 = arith.constant 0 : i32
        %dma_wait3A_517 = tpu.memref_slice %arg6[%dma_wait3A_514, %dma_wait3A_515, %dma_wait3A_516] : memref<2x1024x16xf32, #tpu.memory_space<vmem>> -> memref<1x1024x16xf32, #tpu.memory_space<vmem>>
        %dma_wait3A_518 = tpu.memref_squeeze %dma_wait3A_517 : memref<1x1024x16xf32, #tpu.memory_space<vmem>> -> memref<1024x16xf32, #tpu.memory_space<vmem>>
        %dma_wait3A_519 = arith.constant 0 : i32
        %dma_wait3A_520 = tpu.memref_slice %arg2[%mul3A_513, %dma_wait3A_519] : memref<1600000x32xf32, #tpu.memory_space<hbm>> -> memref<1024x16xf32, #tpu.memory_space<hbm>>
        %dma_wait3A_521 = arith.constant 0 : i32
        %dma_wait3A_522 = arith.constant 0 : i32
        %dma_wait3A_523 = tpu.memref_slice %arg6[%dma_wait3A_514, %dma_wait3A_521, %dma_wait3A_522] : memref<2x1024x16xf32, #tpu.memory_space<vmem>> -> memref<1x1024x16xf32, #tpu.memory_space<vmem>>
        %dma_wait3A_524 = tpu.memref_squeeze %dma_wait3A_523 : memref<1x1024x16xf32, #tpu.memory_space<vmem>> -> memref<1024x16xf32, #tpu.memory_space<vmem>>
        %dma_wait3A_525 = arith.constant 0 : i32
        %dma_wait3A_526 = tpu.memref_slice %arg2[%mul3A_513, %dma_wait3A_525] : memref<1600000x32xf32, #tpu.memory_space<hbm>> -> memref<1024x16xf32, #tpu.memory_space<hbm>>
        tpu.wait_dma2 semaphore(%arg12 : memref<!tpu.dma_semaphore, #tpu.memory_space<semaphore_mem>>) src(%dma_wait3A_526 : memref<1024x16xf32, #tpu.memory_space<hbm>>) dst(%dma_wait3A_524 : memref<1024x16xf32, #tpu.memory_space<vmem>>)
        %dma_wait3A_527 = arith.constant 1 : i32
        %dma_wait3A_528 = arith.constant 0 : i32
        %dma_wait3A_529 = arith.constant 0 : i32
        %dma_wait3A_530 = tpu.memref_slice %arg7[%dma_wait3A_527, %dma_wait3A_528, %dma_wait3A_529] : memref<2x1024x16xf32, #tpu.memory_space<vmem>> -> memref<1x1024x16xf32, #tpu.memory_space<vmem>>
        %dma_wait3A_531 = tpu.memref_squeeze %dma_wait3A_530 : memref<1x1024x16xf32, #tpu.memory_space<vmem>> -> memref<1024x16xf32, #tpu.memory_space<vmem>>
        %dma_wait3A_532 = arith.constant 16 : i32
        %dma_wait3A_533 = tpu.memref_slice %arg2[%mul3A_513, %dma_wait3A_532] : memref<1600000x32xf32, #tpu.memory_space<hbm>> -> memref<1024x16xf32, #tpu.memory_space<hbm>>
        %dma_wait3A_534 = arith.constant 0 : i32
        %dma_wait3A_535 = arith.constant 0 : i32
        %dma_wait3A_536 = tpu.memref_slice %arg7[%dma_wait3A_527, %dma_wait3A_534, %dma_wait3A_535] : memref<2x1024x16xf32, #tpu.memory_space<vmem>> -> memref<1x1024x16xf32, #tpu.memory_space<vmem>>
        %dma_wait3A_537 = tpu.memref_squeeze %dma_wait3A_536 : memref<1x1024x16xf32, #tpu.memory_space<vmem>> -> memref<1024x16xf32, #tpu.memory_space<vmem>>
        %dma_wait3A_538 = arith.constant 16 : i32
        %dma_wait3A_539 = tpu.memref_slice %arg2[%mul3A_513, %dma_wait3A_538] : memref<1600000x32xf32, #tpu.memory_space<hbm>> -> memref<1024x16xf32, #tpu.memory_space<hbm>>
        tpu.wait_dma2 semaphore(%arg12 : memref<!tpu.dma_semaphore, #tpu.memory_space<semaphore_mem>>) src(%dma_wait3A_539 : memref<1024x16xf32, #tpu.memory_space<hbm>>) dst(%dma_wait3A_537 : memref<1024x16xf32, #tpu.memory_space<vmem>>)
        %dma_wait3A_540 = arith.constant 0 : i32
        %dma_wait3A_541 = arith.constant 0 : i32
        %dma_wait3A_542 = arith.constant 1 : i32
        %dma_wait3A_543 = arith.constant 0 : i32
        %dma_wait3A_544 = arith.constant 0 : i32
        %dma_wait3A_545 = tpu.memref_slice %arg8[%dma_wait3A_541, %dma_wait3A_542, %dma_wait3A_543, %dma_wait3A_544] : memref<2x2x8x128xi32, #tpu.memory_space<vmem>> -> memref<1x1x8x128xi32, #tpu.memory_space<vmem>>
        %dma_wait3A_546 = tpu.memref_squeeze %dma_wait3A_545 : memref<1x1x8x128xi32, #tpu.memory_space<vmem>> -> memref<8x128xi32, #tpu.memory_space<vmem>>
        %dma_wait3A_547 = arith.constant 0 : i32
        %dma_wait3A_548 = tpu.memref_slice %arg3[%dma_wait3A_540, %mul3A_511, %dma_wait3A_547] : memref<2x12500x128xi32, #tpu.memory_space<hbm>> -> memref<1x8x128xi32, #tpu.memory_space<hbm>>
        %dma_wait3A_549 = tpu.memref_squeeze %dma_wait3A_548 : memref<1x8x128xi32, #tpu.memory_space<hbm>> -> memref<8x128xi32, #tpu.memory_space<hbm>>
        %dma_wait3A_550 = arith.constant 0 : i32
        %dma_wait3A_551 = arith.constant 0 : i32
        %dma_wait3A_552 = tpu.memref_slice %arg8[%dma_wait3A_541, %dma_wait3A_542, %dma_wait3A_550, %dma_wait3A_551] : memref<2x2x8x128xi32, #tpu.memory_space<vmem>> -> memref<1x1x8x128xi32, #tpu.memory_space<vmem>>
        %dma_wait3A_553 = tpu.memref_squeeze %dma_wait3A_552 : memref<1x1x8x128xi32, #tpu.memory_space<vmem>> -> memref<8x128xi32, #tpu.memory_space<vmem>>
        %dma_wait3A_554 = arith.constant 0 : i32
        %dma_wait3A_555 = tpu.memref_slice %arg3[%dma_wait3A_540, %mul3A_511, %dma_wait3A_554] : memref<2x12500x128xi32, #tpu.memory_space<hbm>> -> memref<1x8x128xi32, #tpu.memory_space<hbm>>
        %dma_wait3A_556 = tpu.memref_squeeze %dma_wait3A_555 : memref<1x8x128xi32, #tpu.memory_space<hbm>> -> memref<8x128xi32, #tpu.memory_space<hbm>>
        tpu.wait_dma2 semaphore(%arg12 : memref<!tpu.dma_semaphore, #tpu.memory_space<semaphore_mem>>) src(%dma_wait3A_556 : memref<8x128xi32, #tpu.memory_space<hbm>>) dst(%dma_wait3A_553 : memref<8x128xi32, #tpu.memory_space<vmem>>)
        %dma_wait3A_557 = arith.constant 1 : i32
        %dma_wait3A_558 = arith.constant 1 : i32
        %dma_wait3A_559 = arith.constant 1 : i32
        %dma_wait3A_560 = arith.constant 0 : i32
        %dma_wait3A_561 = arith.constant 0 : i32
        %dma_wait3A_562 = tpu.memref_slice %arg8[%dma_wait3A_558, %dma_wait3A_559, %dma_wait3A_560, %dma_wait3A_561] : memref<2x2x8x128xi32, #tpu.memory_space<vmem>> -> memref<1x1x8x128xi32, #tpu.memory_space<vmem>>
        %dma_wait3A_563 = tpu.memref_squeeze %dma_wait3A_562 : memref<1x1x8x128xi32, #tpu.memory_space<vmem>> -> memref<8x128xi32, #tpu.memory_space<vmem>>
        %dma_wait3A_564 = arith.constant 0 : i32
        %dma_wait3A_565 = tpu.memref_slice %arg3[%dma_wait3A_557, %mul3A_511, %dma_wait3A_564] : memref<2x12500x128xi32, #tpu.memory_space<hbm>> -> memref<1x8x128xi32, #tpu.memory_space<hbm>>
        %dma_wait3A_566 = tpu.memref_squeeze %dma_wait3A_565 : memref<1x8x128xi32, #tpu.memory_space<hbm>> -> memref<8x128xi32, #tpu.memory_space<hbm>>
        %dma_wait3A_567 = arith.constant 0 : i32
        %dma_wait3A_568 = arith.constant 0 : i32
        %dma_wait3A_569 = tpu.memref_slice %arg8[%dma_wait3A_558, %dma_wait3A_559, %dma_wait3A_567, %dma_wait3A_568] : memref<2x2x8x128xi32, #tpu.memory_space<vmem>> -> memref<1x1x8x128xi32, #tpu.memory_space<vmem>>
        %dma_wait3A_570 = tpu.memref_squeeze %dma_wait3A_569 : memref<1x1x8x128xi32, #tpu.memory_space<vmem>> -> memref<8x128xi32, #tpu.memory_space<vmem>>
        %dma_wait3A_571 = arith.constant 0 : i32
        %dma_wait3A_572 = tpu.memref_slice %arg3[%dma_wait3A_557, %mul3A_511, %dma_wait3A_571] : memref<2x12500x128xi32, #tpu.memory_space<hbm>> -> memref<1x8x128xi32, #tpu.memory_space<hbm>>
        %dma_wait3A_573 = tpu.memref_squeeze %dma_wait3A_572 : memref<1x8x128xi32, #tpu.memory_space<hbm>> -> memref<8x128xi32, #tpu.memory_space<hbm>>
        tpu.wait_dma2 semaphore(%arg12 : memref<!tpu.dma_semaphore, #tpu.memory_space<semaphore_mem>>) src(%dma_wait3A_573 : memref<8x128xi32, #tpu.memory_space<hbm>>) dst(%dma_wait3A_570 : memref<8x128xi32, #tpu.memory_space<vmem>>)
      } else {
      }
      %eq3A_110 = arith.constant 0 : i32
      %eq3A_111 = arith.cmpi eq, %rem3A_99, %eq3A_110 : i32
      %add3A_112 = arith.constant 1 : i32
      %add3A_113 = arith.addi %while3A_96, %add3A_112 : i32
      %lt3A_114 = arith.cmpi slt, %add3A_113, %select_n3A_71 : i32
      %and3A_115 = arith.andi %eq3A_111, %lt3A_114 : i1
      %convert_element_type3A_116 = arith.extui %and3A_115 : i1 to i32
      %cond3A_117 = arith.constant 0 : i32
      %cond3A_118 = arith.cmpi ne, %convert_element_type3A_116, %cond3A_117 : i32
      scf.if %cond3A_118 {
        %add3A_510 = arith.constant 1 : i32
        %add3A_511 = arith.addi %while3A_96, %add3A_510 : i32
        %mul3A_512 = arith.constant 8 : i32
        %mul3A_513 = arith.muli %add3A_511, %mul3A_512 : i32
        %mul3A_514 = arith.constant 128 : i32
        %mul3A_515 = arith.muli %mul3A_513, %mul3A_514 : i32
        %dma_start3A_516 = arith.constant 1 : i32
        %dma_start3A_517 = arith.constant 0 : i32
        %dma_start3A_518 = arith.constant 0 : i32
        %dma_start3A_519 = tpu.memref_slice %arg6[%dma_start3A_516, %dma_start3A_517, %dma_start3A_518] : memref<2x1024x16xf32, #tpu.memory_space<vmem>> -> memref<1x1024x16xf32, #tpu.memory_space<vmem>>
        %dma_start3A_520 = tpu.memref_squeeze %dma_start3A_519 : memref<1x1024x16xf32, #tpu.memory_space<vmem>> -> memref<1024x16xf32, #tpu.memory_space<vmem>>
        %dma_start3A_521 = arith.constant 0 : i32
        %dma_start3A_522 = tpu.memref_slice %arg2[%mul3A_515, %dma_start3A_521] : memref<1600000x32xf32, #tpu.memory_space<hbm>> -> memref<1024x16xf32, #tpu.memory_space<hbm>>
        %dma_start3A_523 = arith.constant 0 : i32
        %dma_start3A_524 = arith.constant 0 : i32
        %dma_start3A_525 = tpu.memref_slice %arg6[%dma_start3A_516, %dma_start3A_523, %dma_start3A_524] : memref<2x1024x16xf32, #tpu.memory_space<vmem>> -> memref<1x1024x16xf32, #tpu.memory_space<vmem>>
        %dma_start3A_526 = tpu.memref_squeeze %dma_start3A_525 : memref<1x1024x16xf32, #tpu.memory_space<vmem>> -> memref<1024x16xf32, #tpu.memory_space<vmem>>
        %dma_start3A_527 = arith.constant 0 : i32
        %dma_start3A_528 = tpu.memref_slice %arg2[%mul3A_515, %dma_start3A_527] : memref<1600000x32xf32, #tpu.memory_space<hbm>> -> memref<1024x16xf32, #tpu.memory_space<hbm>>
        tpu.enqueue_dma source(%dma_start3A_528 : memref<1024x16xf32, #tpu.memory_space<hbm>>) target(%dma_start3A_526 : memref<1024x16xf32, #tpu.memory_space<vmem>>) target_semaphore(%arg12 : memref<!tpu.dma_semaphore, #tpu.memory_space<semaphore_mem>>)
        %dma_start3A_529 = arith.constant 1 : i32
        %dma_start3A_530 = arith.constant 0 : i32
        %dma_start3A_531 = arith.constant 0 : i32
        %dma_start3A_532 = tpu.memref_slice %arg7[%dma_start3A_529, %dma_start3A_530, %dma_start3A_531] : memref<2x1024x16xf32, #tpu.memory_space<vmem>> -> memref<1x1024x16xf32, #tpu.memory_space<vmem>>
        %dma_start3A_533 = tpu.memref_squeeze %dma_start3A_532 : memref<1x1024x16xf32, #tpu.memory_space<vmem>> -> memref<1024x16xf32, #tpu.memory_space<vmem>>
        %dma_start3A_534 = arith.constant 16 : i32
        %dma_start3A_535 = tpu.memref_slice %arg2[%mul3A_515, %dma_start3A_534] : memref<1600000x32xf32, #tpu.memory_space<hbm>> -> memref<1024x16xf32, #tpu.memory_space<hbm>>
        %dma_start3A_536 = arith.constant 0 : i32
        %dma_start3A_537 = arith.constant 0 : i32
        %dma_start3A_538 = tpu.memref_slice %arg7[%dma_start3A_529, %dma_start3A_536, %dma_start3A_537] : memref<2x1024x16xf32, #tpu.memory_space<vmem>> -> memref<1x1024x16xf32, #tpu.memory_space<vmem>>
        %dma_start3A_539 = tpu.memref_squeeze %dma_start3A_538 : memref<1x1024x16xf32, #tpu.memory_space<vmem>> -> memref<1024x16xf32, #tpu.memory_space<vmem>>
        %dma_start3A_540 = arith.constant 16 : i32
        %dma_start3A_541 = tpu.memref_slice %arg2[%mul3A_515, %dma_start3A_540] : memref<1600000x32xf32, #tpu.memory_space<hbm>> -> memref<1024x16xf32, #tpu.memory_space<hbm>>
        tpu.enqueue_dma source(%dma_start3A_541 : memref<1024x16xf32, #tpu.memory_space<hbm>>) target(%dma_start3A_539 : memref<1024x16xf32, #tpu.memory_space<vmem>>) target_semaphore(%arg12 : memref<!tpu.dma_semaphore, #tpu.memory_space<semaphore_mem>>)
        %dma_start3A_542 = arith.constant 0 : i32
        %dma_start3A_543 = arith.constant 0 : i32
        %dma_start3A_544 = arith.constant 1 : i32
        %dma_start3A_545 = arith.constant 0 : i32
        %dma_start3A_546 = arith.constant 0 : i32
        %dma_start3A_547 = tpu.memref_slice %arg8[%dma_start3A_543, %dma_start3A_544, %dma_start3A_545, %dma_start3A_546] : memref<2x2x8x128xi32, #tpu.memory_space<vmem>> -> memref<1x1x8x128xi32, #tpu.memory_space<vmem>>
        %dma_start3A_548 = tpu.memref_squeeze %dma_start3A_547 : memref<1x1x8x128xi32, #tpu.memory_space<vmem>> -> memref<8x128xi32, #tpu.memory_space<vmem>>
        %dma_start3A_549 = arith.constant 0 : i32
        %dma_start3A_550 = tpu.memref_slice %arg3[%dma_start3A_542, %mul3A_513, %dma_start3A_549] : memref<2x12500x128xi32, #tpu.memory_space<hbm>> -> memref<1x8x128xi32, #tpu.memory_space<hbm>>
        %dma_start3A_551 = tpu.memref_squeeze %dma_start3A_550 : memref<1x8x128xi32, #tpu.memory_space<hbm>> -> memref<8x128xi32, #tpu.memory_space<hbm>>
        %dma_start3A_552 = arith.constant 0 : i32
        %dma_start3A_553 = arith.constant 0 : i32
        %dma_start3A_554 = tpu.memref_slice %arg8[%dma_start3A_543, %dma_start3A_544, %dma_start3A_552, %dma_start3A_553] : memref<2x2x8x128xi32, #tpu.memory_space<vmem>> -> memref<1x1x8x128xi32, #tpu.memory_space<vmem>>
        %dma_start3A_555 = tpu.memref_squeeze %dma_start3A_554 : memref<1x1x8x128xi32, #tpu.memory_space<vmem>> -> memref<8x128xi32, #tpu.memory_space<vmem>>
        %dma_start3A_556 = arith.constant 0 : i32
        %dma_start3A_557 = tpu.memref_slice %arg3[%dma_start3A_542, %mul3A_513, %dma_start3A_556] : memref<2x12500x128xi32, #tpu.memory_space<hbm>> -> memref<1x8x128xi32, #tpu.memory_space<hbm>>
        %dma_start3A_558 = tpu.memref_squeeze %dma_start3A_557 : memref<1x8x128xi32, #tpu.memory_space<hbm>> -> memref<8x128xi32, #tpu.memory_space<hbm>>
        tpu.enqueue_dma source(%dma_start3A_558 : memref<8x128xi32, #tpu.memory_space<hbm>>) target(%dma_start3A_555 : memref<8x128xi32, #tpu.memory_space<vmem>>) target_semaphore(%arg12 : memref<!tpu.dma_semaphore, #tpu.memory_space<semaphore_mem>>)
        %dma_start3A_559 = arith.constant 1 : i32
        %dma_start3A_560 = arith.constant 1 : i32
        %dma_start3A_561 = arith.constant 1 : i32
        %dma_start3A_562 = arith.constant 0 : i32
        %dma_start3A_563 = arith.constant 0 : i32
        %dma_start3A_564 = tpu.memref_slice %arg8[%dma_start3A_560, %dma_start3A_561, %dma_start3A_562, %dma_start3A_563] : memref<2x2x8x128xi32, #tpu.memory_space<vmem>> -> memref<1x1x8x128xi32, #tpu.memory_space<vmem>>
        %dma_start3A_565 = tpu.memref_squeeze %dma_start3A_564 : memref<1x1x8x128xi32, #tpu.memory_space<vmem>> -> memref<8x128xi32, #tpu.memory_space<vmem>>
        %dma_start3A_566 = arith.constant 0 : i32
        %dma_start3A_567 = tpu.memref_slice %arg3[%dma_start3A_559, %mul3A_513, %dma_start3A_566] : memref<2x12500x128xi32, #tpu.memory_space<hbm>> -> memref<1x8x128xi32, #tpu.memory_space<hbm>>
        %dma_start3A_568 = tpu.memref_squeeze %dma_start3A_567 : memref<1x8x128xi32, #tpu.memory_space<hbm>> -> memref<8x128xi32, #tpu.memory_space<hbm>>
        %dma_start3A_569 = arith.constant 0 : i32
        %dma_start3A_570 = arith.constant 0 : i32
        %dma_start3A_571 = tpu.memref_slice %arg8[%dma_start3A_560, %dma_start3A_561, %dma_start3A_569, %dma_start3A_570] : memref<2x2x8x128xi32, #tpu.memory_space<vmem>> -> memref<1x1x8x128xi32, #tpu.memory_space<vmem>>
        %dma_start3A_572 = tpu.memref_squeeze %dma_start3A_571 : memref<1x1x8x128xi32, #tpu.memory_space<vmem>> -> memref<8x128xi32, #tpu.memory_space<vmem>>
        %dma_start3A_573 = arith.constant 0 : i32
        %dma_start3A_574 = tpu.memref_slice %arg3[%dma_start3A_559, %mul3A_513, %dma_start3A_573] : memref<2x12500x128xi32, #tpu.memory_space<hbm>> -> memref<1x8x128xi32, #tpu.memory_space<hbm>>
        %dma_start3A_575 = tpu.memref_squeeze %dma_start3A_574 : memref<1x8x128xi32, #tpu.memory_space<hbm>> -> memref<8x128xi32, #tpu.memory_space<hbm>>
        tpu.enqueue_dma source(%dma_start3A_575 : memref<8x128xi32, #tpu.memory_space<hbm>>) target(%dma_start3A_572 : memref<8x128xi32, #tpu.memory_space<vmem>>) target_semaphore(%arg12 : memref<!tpu.dma_semaphore, #tpu.memory_space<semaphore_mem>>)
      } else {
      }
      %eq3A_119 = arith.constant 1 : i32
      %eq3A_120 = arith.cmpi eq, %rem3A_99, %eq3A_119 : i32
      %add3A_121 = arith.constant 1 : i32
      %add3A_122 = arith.addi %while3A_96, %add3A_121 : i32
      %lt3A_123 = arith.cmpi slt, %add3A_122, %select_n3A_71 : i32
      %and3A_124 = arith.andi %eq3A_120, %lt3A_123 : i1
      %convert_element_type3A_125 = arith.extui %and3A_124 : i1 to i32
      %cond3A_126 = arith.constant 0 : i32
      %cond3A_127 = arith.cmpi ne, %convert_element_type3A_125, %cond3A_126 : i32
      scf.if %cond3A_127 {
        %add3A_510 = arith.constant 1 : i32
        %add3A_511 = arith.addi %while3A_96, %add3A_510 : i32
        %mul3A_512 = arith.constant 8 : i32
        %mul3A_513 = arith.muli %add3A_511, %mul3A_512 : i32
        %mul3A_514 = arith.constant 128 : i32
        %mul3A_515 = arith.muli %mul3A_513, %mul3A_514 : i32
        %dma_start3A_516 = arith.constant 0 : i32
        %dma_start3A_517 = arith.constant 0 : i32
        %dma_start3A_518 = arith.constant 0 : i32
        %dma_start3A_519 = tpu.memref_slice %arg6[%dma_start3A_516, %dma_start3A_517, %dma_start3A_518] : memref<2x1024x16xf32, #tpu.memory_space<vmem>> -> memref<1x1024x16xf32, #tpu.memory_space<vmem>>
        %dma_start3A_520 = tpu.memref_squeeze %dma_start3A_519 : memref<1x1024x16xf32, #tpu.memory_space<vmem>> -> memref<1024x16xf32, #tpu.memory_space<vmem>>
        %dma_start3A_521 = arith.constant 0 : i32
        %dma_start3A_522 = tpu.memref_slice %arg2[%mul3A_515, %dma_start3A_521] : memref<1600000x32xf32, #tpu.memory_space<hbm>> -> memref<1024x16xf32, #tpu.memory_space<hbm>>
        %dma_start3A_523 = arith.constant 0 : i32
        %dma_start3A_524 = arith.constant 0 : i32
        %dma_start3A_525 = tpu.memref_slice %arg6[%dma_start3A_516, %dma_start3A_523, %dma_start3A_524] : memref<2x1024x16xf32, #tpu.memory_space<vmem>> -> memref<1x1024x16xf32, #tpu.memory_space<vmem>>
        %dma_start3A_526 = tpu.memref_squeeze %dma_start3A_525 : memref<1x1024x16xf32, #tpu.memory_space<vmem>> -> memref<1024x16xf32, #tpu.memory_space<vmem>>
        %dma_start3A_527 = arith.constant 0 : i32
        %dma_start3A_528 = tpu.memref_slice %arg2[%mul3A_515, %dma_start3A_527] : memref<1600000x32xf32, #tpu.memory_space<hbm>> -> memref<1024x16xf32, #tpu.memory_space<hbm>>
        tpu.enqueue_dma source(%dma_start3A_528 : memref<1024x16xf32, #tpu.memory_space<hbm>>) target(%dma_start3A_526 : memref<1024x16xf32, #tpu.memory_space<vmem>>) target_semaphore(%arg11 : memref<!tpu.dma_semaphore, #tpu.memory_space<semaphore_mem>>)
        %dma_start3A_529 = arith.constant 0 : i32
        %dma_start3A_530 = arith.constant 0 : i32
        %dma_start3A_531 = arith.constant 0 : i32
        %dma_start3A_532 = tpu.memref_slice %arg7[%dma_start3A_529, %dma_start3A_530, %dma_start3A_531] : memref<2x1024x16xf32, #tpu.memory_space<vmem>> -> memref<1x1024x16xf32, #tpu.memory_space<vmem>>
        %dma_start3A_533 = tpu.memref_squeeze %dma_start3A_532 : memref<1x1024x16xf32, #tpu.memory_space<vmem>> -> memref<1024x16xf32, #tpu.memory_space<vmem>>
        %dma_start3A_534 = arith.constant 16 : i32
        %dma_start3A_535 = tpu.memref_slice %arg2[%mul3A_515, %dma_start3A_534] : memref<1600000x32xf32, #tpu.memory_space<hbm>> -> memref<1024x16xf32, #tpu.memory_space<hbm>>
        %dma_start3A_536 = arith.constant 0 : i32
        %dma_start3A_537 = arith.constant 0 : i32
        %dma_start3A_538 = tpu.memref_slice %arg7[%dma_start3A_529, %dma_start3A_536, %dma_start3A_537] : memref<2x1024x16xf32, #tpu.memory_space<vmem>> -> memref<1x1024x16xf32, #tpu.memory_space<vmem>>
        %dma_start3A_539 = tpu.memref_squeeze %dma_start3A_538 : memref<1x1024x16xf32, #tpu.memory_space<vmem>> -> memref<1024x16xf32, #tpu.memory_space<vmem>>
        %dma_start3A_540 = arith.constant 16 : i32
        %dma_start3A_541 = tpu.memref_slice %arg2[%mul3A_515, %dma_start3A_540] : memref<1600000x32xf32, #tpu.memory_space<hbm>> -> memref<1024x16xf32, #tpu.memory_space<hbm>>
        tpu.enqueue_dma source(%dma_start3A_541 : memref<1024x16xf32, #tpu.memory_space<hbm>>) target(%dma_start3A_539 : memref<1024x16xf32, #tpu.memory_space<vmem>>) target_semaphore(%arg11 : memref<!tpu.dma_semaphore, #tpu.memory_space<semaphore_mem>>)
        %dma_start3A_542 = arith.constant 0 : i32
        %dma_start3A_543 = arith.constant 0 : i32
        %dma_start3A_544 = arith.constant 0 : i32
        %dma_start3A_545 = arith.constant 0 : i32
        %dma_start3A_546 = arith.constant 0 : i32
        %dma_start3A_547 = tpu.memref_slice %arg8[%dma_start3A_543, %dma_start3A_544, %dma_start3A_545, %dma_start3A_546] : memref<2x2x8x128xi32, #tpu.memory_space<vmem>> -> memref<1x1x8x128xi32, #tpu.memory_space<vmem>>
        %dma_start3A_548 = tpu.memref_squeeze %dma_start3A_547 : memref<1x1x8x128xi32, #tpu.memory_space<vmem>> -> memref<8x128xi32, #tpu.memory_space<vmem>>
        %dma_start3A_549 = arith.constant 0 : i32
        %dma_start3A_550 = tpu.memref_slice %arg3[%dma_start3A_542, %mul3A_513, %dma_start3A_549] : memref<2x12500x128xi32, #tpu.memory_space<hbm>> -> memref<1x8x128xi32, #tpu.memory_space<hbm>>
        %dma_start3A_551 = tpu.memref_squeeze %dma_start3A_550 : memref<1x8x128xi32, #tpu.memory_space<hbm>> -> memref<8x128xi32, #tpu.memory_space<hbm>>
        %dma_start3A_552 = arith.constant 0 : i32
        %dma_start3A_553 = arith.constant 0 : i32
        %dma_start3A_554 = tpu.memref_slice %arg8[%dma_start3A_543, %dma_start3A_544, %dma_start3A_552, %dma_start3A_553] : memref<2x2x8x128xi32, #tpu.memory_space<vmem>> -> memref<1x1x8x128xi32, #tpu.memory_space<vmem>>
        %dma_start3A_555 = tpu.memref_squeeze %dma_start3A_554 : memref<1x1x8x128xi32, #tpu.memory_space<vmem>> -> memref<8x128xi32, #tpu.memory_space<vmem>>
        %dma_start3A_556 = arith.constant 0 : i32
        %dma_start3A_557 = tpu.memref_slice %arg3[%dma_start3A_542, %mul3A_513, %dma_start3A_556] : memref<2x12500x128xi32, #tpu.memory_space<hbm>> -> memref<1x8x128xi32, #tpu.memory_space<hbm>>
        %dma_start3A_558 = tpu.memref_squeeze %dma_start3A_557 : memref<1x8x128xi32, #tpu.memory_space<hbm>> -> memref<8x128xi32, #tpu.memory_space<hbm>>
        tpu.enqueue_dma source(%dma_start3A_558 : memref<8x128xi32, #tpu.memory_space<hbm>>) target(%dma_start3A_555 : memref<8x128xi32, #tpu.memory_space<vmem>>) target_semaphore(%arg11 : memref<!tpu.dma_semaphore, #tpu.memory_space<semaphore_mem>>)
        %dma_start3A_559 = arith.constant 1 : i32
        %dma_start3A_560 = arith.constant 1 : i32
        %dma_start3A_561 = arith.constant 0 : i32
        %dma_start3A_562 = arith.constant 0 : i32
        %dma_start3A_563 = arith.constant 0 : i32
        %dma_start3A_564 = tpu.memref_slice %arg8[%dma_start3A_560, %dma_start3A_561, %dma_start3A_562, %dma_start3A_563] : memref<2x2x8x128xi32, #tpu.memory_space<vmem>> -> memref<1x1x8x128xi32, #tpu.memory_space<vmem>>
        %dma_start3A_565 = tpu.memref_squeeze %dma_start3A_564 : memref<1x1x8x128xi32, #tpu.memory_space<vmem>> -> memref<8x128xi32, #tpu.memory_space<vmem>>
        %dma_start3A_566 = arith.constant 0 : i32
        %dma_start3A_567 = tpu.memref_slice %arg3[%dma_start3A_559, %mul3A_513, %dma_start3A_566] : memref<2x12500x128xi32, #tpu.memory_space<hbm>> -> memref<1x8x128xi32, #tpu.memory_space<hbm>>
        %dma_start3A_568 = tpu.memref_squeeze %dma_start3A_567 : memref<1x8x128xi32, #tpu.memory_space<hbm>> -> memref<8x128xi32, #tpu.memory_space<hbm>>
        %dma_start3A_569 = arith.constant 0 : i32
        %dma_start3A_570 = arith.constant 0 : i32
        %dma_start3A_571 = tpu.memref_slice %arg8[%dma_start3A_560, %dma_start3A_561, %dma_start3A_569, %dma_start3A_570] : memref<2x2x8x128xi32, #tpu.memory_space<vmem>> -> memref<1x1x8x128xi32, #tpu.memory_space<vmem>>
        %dma_start3A_572 = tpu.memref_squeeze %dma_start3A_571 : memref<1x1x8x128xi32, #tpu.memory_space<vmem>> -> memref<8x128xi32, #tpu.memory_space<vmem>>
        %dma_start3A_573 = arith.constant 0 : i32
        %dma_start3A_574 = tpu.memref_slice %arg3[%dma_start3A_559, %mul3A_513, %dma_start3A_573] : memref<2x12500x128xi32, #tpu.memory_space<hbm>> -> memref<1x8x128xi32, #tpu.memory_space<hbm>>
        %dma_start3A_575 = tpu.memref_squeeze %dma_start3A_574 : memref<1x8x128xi32, #tpu.memory_space<hbm>> -> memref<8x128xi32, #tpu.memory_space<hbm>>
        tpu.enqueue_dma source(%dma_start3A_575 : memref<8x128xi32, #tpu.memory_space<hbm>>) target(%dma_start3A_572 : memref<8x128xi32, #tpu.memory_space<vmem>>) target_semaphore(%arg11 : memref<!tpu.dma_semaphore, #tpu.memory_space<semaphore_mem>>)
      } else {
      }
      %dma_start3A = arith.constant 0 : i32
      %dma_start3A_128 = arith.constant 0 : i32
      %dma_start3A_129 = arith.constant 0 : i32
      %dma_start3A_130 = arith.constant 0 : i32
      %dma_start3A_131 = tpu.memref_slice %arg6[%rem3A_99, %dma_start3A_129, %dma_start3A_130] : memref<2x1024x16xf32, #tpu.memory_space<vmem>> -> memref<1x128x16xf32, #tpu.memory_space<vmem>>
      %dma_start3A_132 = tpu.memref_squeeze %dma_start3A_131 : memref<1x128x16xf32, #tpu.memory_space<vmem>> -> memref<128x16xf32, #tpu.memory_space<vmem>>
      %dma_start3A_133 = arith.constant 0 : i32
      %dma_start3A_134 = tpu.memref_slice %arg8[%dma_start3A, %rem3A_99, %dma_start3A_128, %dma_start3A_133] : memref<2x2x8x128xi32, #tpu.memory_space<vmem>> -> memref<1x1x1x128xi32, #tpu.memory_space<vmem>>
      %dma_start3A_135 = tpu.memref_squeeze %dma_start3A_134 : memref<1x1x1x128xi32, #tpu.memory_space<vmem>> -> memref<128xi32, #tpu.memory_space<vmem>>
      %dma_start3A_136 = arith.constant 0 : i32
      %dma_start3A_137 = arith.constant 0 : i32
      %dma_start3A_138 = tpu.memref_slice %arg10[%dma_start3A_136, %dma_start3A_137] : memref<50000x16xf32, #tpu.memory_space<vmem_shared>> -> memref<50000x16xf32, #tpu.memory_space<vmem_shared>>
      tpu.enqueue_indirect_dma source(%dma_start3A_132 : memref<128x16xf32, #tpu.memory_space<vmem>>) target(%dma_start3A_138 : memref<50000x16xf32, #tpu.memory_space<vmem_shared>>) offsets(%dma_start3A_135 : memref<128xi32, #tpu.memory_space<vmem>>) semaphore(%arg13 : memref<!tpu.dma_semaphore, #tpu.memory_space<semaphore_mem>>) {add = true}
      %dma_start3A_139 = arith.constant 1 : i32
      %dma_start3A_140 = arith.constant 0 : i32
      %dma_start3A_141 = arith.constant 0 : i32
      %dma_start3A_142 = arith.constant 0 : i32
      %dma_start3A_143 = tpu.memref_slice %arg7[%rem3A_99, %dma_start3A_141, %dma_start3A_142] : memref<2x1024x16xf32, #tpu.memory_space<vmem>> -> memref<1x128x16xf32, #tpu.memory_space<vmem>>
      %dma_start3A_144 = tpu.memref_squeeze %dma_start3A_143 : memref<1x128x16xf32, #tpu.memory_space<vmem>> -> memref<128x16xf32, #tpu.memory_space<vmem>>
      %dma_start3A_145 = arith.constant 0 : i32
      %dma_start3A_146 = tpu.memref_slice %arg8[%dma_start3A_139, %rem3A_99, %dma_start3A_140, %dma_start3A_145] : memref<2x2x8x128xi32, #tpu.memory_space<vmem>> -> memref<1x1x1x128xi32, #tpu.memory_space<vmem>>
      %dma_start3A_147 = tpu.memref_squeeze %dma_start3A_146 : memref<1x1x1x128xi32, #tpu.memory_space<vmem>> -> memref<128xi32, #tpu.memory_space<vmem>>
      %dma_start3A_148 = arith.constant 0 : i32
      %dma_start3A_149 = arith.constant 0 : i32
      %dma_start3A_150 = tpu.memref_slice %arg10[%dma_start3A_148, %dma_start3A_149] : memref<50000x16xf32, #tpu.memory_space<vmem_shared>> -> memref<50000x16xf32, #tpu.memory_space<vmem_shared>>
      tpu.enqueue_indirect_dma source(%dma_start3A_144 : memref<128x16xf32, #tpu.memory_space<vmem>>) target(%dma_start3A_150 : memref<50000x16xf32, #tpu.memory_space<vmem_shared>>) offsets(%dma_start3A_147 : memref<128xi32, #tpu.memory_space<vmem>>) semaphore(%arg13 : memref<!tpu.dma_semaphore, #tpu.memory_space<semaphore_mem>>) {add = true}
      %dma_start3A_151 = arith.constant 0 : i32
      %dma_start3A_152 = arith.constant 1 : i32
      %dma_start3A_153 = arith.constant 128 : i32
      %dma_start3A_154 = arith.constant 0 : i32
      %dma_start3A_155 = tpu.memref_slice %arg6[%rem3A_99, %dma_start3A_153, %dma_start3A_154] : memref<2x1024x16xf32, #tpu.memory_space<vmem>> -> memref<1x128x16xf32, #tpu.memory_space<vmem>>
      %dma_start3A_156 = tpu.memref_squeeze %dma_start3A_155 : memref<1x128x16xf32, #tpu.memory_space<vmem>> -> memref<128x16xf32, #tpu.memory_space<vmem>>
      %dma_start3A_157 = arith.constant 0 : i32
      %dma_start3A_158 = tpu.memref_slice %arg8[%dma_start3A_151, %rem3A_99, %dma_start3A_152, %dma_start3A_157] : memref<2x2x8x128xi32, #tpu.memory_space<vmem>> -> memref<1x1x1x128xi32, #tpu.memory_space<vmem>>
      %dma_start3A_159 = tpu.memref_squeeze %dma_start3A_158 : memref<1x1x1x128xi32, #tpu.memory_space<vmem>> -> memref<128xi32, #tpu.memory_space<vmem>>
      %dma_start3A_160 = arith.constant 0 : i32
      %dma_start3A_161 = arith.constant 0 : i32
      %dma_start3A_162 = tpu.memref_slice %arg10[%dma_start3A_160, %dma_start3A_161] : memref<50000x16xf32, #tpu.memory_space<vmem_shared>> -> memref<50000x16xf32, #tpu.memory_space<vmem_shared>>
      tpu.enqueue_indirect_dma source(%dma_start3A_156 : memref<128x16xf32, #tpu.memory_space<vmem>>) target(%dma_start3A_162 : memref<50000x16xf32, #tpu.memory_space<vmem_shared>>) offsets(%dma_start3A_159 : memref<128xi32, #tpu.memory_space<vmem>>) semaphore(%arg13 : memref<!tpu.dma_semaphore, #tpu.memory_space<semaphore_mem>>) {add = true}
      %dma_start3A_163 = arith.constant 1 : i32
      %dma_start3A_164 = arith.constant 1 : i32
      %dma_start3A_165 = arith.constant 128 : i32
      %dma_start3A_166 = arith.constant 0 : i32
      %dma_start3A_167 = tpu.memref_slice %arg7[%rem3A_99, %dma_start3A_165, %dma_start3A_166] : memref<2x1024x16xf32, #tpu.memory_space<vmem>> -> memref<1x128x16xf32, #tpu.memory_space<vmem>>
      %dma_start3A_168 = tpu.memref_squeeze %dma_start3A_167 : memref<1x128x16xf32, #tpu.memory_space<vmem>> -> memref<128x16xf32, #tpu.memory_space<vmem>>
      %dma_start3A_169 = arith.constant 0 : i32
      %dma_start3A_170 = tpu.memref_slice %arg8[%dma_start3A_163, %rem3A_99, %dma_start3A_164, %dma_start3A_169] : memref<2x2x8x128xi32, #tpu.memory_space<vmem>> -> memref<1x1x1x128xi32, #tpu.memory_space<vmem>>
      %dma_start3A_171 = tpu.memref_squeeze %dma_start3A_170 : memref<1x1x1x128xi32, #tpu.memory_space<vmem>> -> memref<128xi32, #tpu.memory_space<vmem>>
      %dma_start3A_172 = arith.constant 0 : i32
      %dma_start3A_173 = arith.constant 0 : i32
      %dma_start3A_174 = tpu.memref_slice %arg10[%dma_start3A_172, %dma_start3A_173] : memref<50000x16xf32, #tpu.memory_space<vmem_shared>> -> memref<50000x16xf32, #tpu.memory_space<vmem_shared>>
      tpu.enqueue_indirect_dma source(%dma_start3A_168 : memref<128x16xf32, #tpu.memory_space<vmem>>) target(%dma_start3A_174 : memref<50000x16xf32, #tpu.memory_space<vmem_shared>>) offsets(%dma_start3A_171 : memref<128xi32, #tpu.memory_space<vmem>>) semaphore(%arg13 : memref<!tpu.dma_semaphore, #tpu.memory_space<semaphore_mem>>) {add = true}
      %dma_start3A_175 = arith.constant 0 : i32
      %dma_start3A_176 = arith.constant 2 : i32
      %dma_start3A_177 = arith.constant 256 : i32
      %dma_start3A_178 = arith.constant 0 : i32
      %dma_start3A_179 = tpu.memref_slice %arg6[%rem3A_99, %dma_start3A_177, %dma_start3A_178] : memref<2x1024x16xf32, #tpu.memory_space<vmem>> -> memref<1x128x16xf32, #tpu.memory_space<vmem>>
      %dma_start3A_180 = tpu.memref_squeeze %dma_start3A_179 : memref<1x128x16xf32, #tpu.memory_space<vmem>> -> memref<128x16xf32, #tpu.memory_space<vmem>>
      %dma_start3A_181 = arith.constant 0 : i32
      %dma_start3A_182 = tpu.memref_slice %arg8[%dma_start3A_175, %rem3A_99, %dma_start3A_176, %dma_start3A_181] : memref<2x2x8x128xi32, #tpu.memory_space<vmem>> -> memref<1x1x1x128xi32, #tpu.memory_space<vmem>>
      %dma_start3A_183 = tpu.memref_squeeze %dma_start3A_182 : memref<1x1x1x128xi32, #tpu.memory_space<vmem>> -> memref<128xi32, #tpu.memory_space<vmem>>
      %dma_start3A_184 = arith.constant 0 : i32
      %dma_start3A_185 = arith.constant 0 : i32
      %dma_start3A_186 = tpu.memref_slice %arg10[%dma_start3A_184, %dma_start3A_185] : memref<50000x16xf32, #tpu.memory_space<vmem_shared>> -> memref<50000x16xf32, #tpu.memory_space<vmem_shared>>
      tpu.enqueue_indirect_dma source(%dma_start3A_180 : memref<128x16xf32, #tpu.memory_space<vmem>>) target(%dma_start3A_186 : memref<50000x16xf32, #tpu.memory_space<vmem_shared>>) offsets(%dma_start3A_183 : memref<128xi32, #tpu.memory_space<vmem>>) semaphore(%arg13 : memref<!tpu.dma_semaphore, #tpu.memory_space<semaphore_mem>>) {add = true}
      %dma_start3A_187 = arith.constant 1 : i32
      %dma_start3A_188 = arith.constant 2 : i32
      %dma_start3A_189 = arith.constant 256 : i32
      %dma_start3A_190 = arith.constant 0 : i32
      %dma_start3A_191 = tpu.memref_slice %arg7[%rem3A_99, %dma_start3A_189, %dma_start3A_190] : memref<2x1024x16xf32, #tpu.memory_space<vmem>> -> memref<1x128x16xf32, #tpu.memory_space<vmem>>
      %dma_start3A_192 = tpu.memref_squeeze %dma_start3A_191 : memref<1x128x16xf32, #tpu.memory_space<vmem>> -> memref<128x16xf32, #tpu.memory_space<vmem>>
      %dma_start3A_193 = arith.constant 0 : i32
      %dma_start3A_194 = tpu.memref_slice %arg8[%dma_start3A_187, %rem3A_99, %dma_start3A_188, %dma_start3A_193] : memref<2x2x8x128xi32, #tpu.memory_space<vmem>> -> memref<1x1x1x128xi32, #tpu.memory_space<vmem>>
      %dma_start3A_195 = tpu.memref_squeeze %dma_start3A_194 : memref<1x1x1x128xi32, #tpu.memory_space<vmem>> -> memref<128xi32, #tpu.memory_space<vmem>>
      %dma_start3A_196 = arith.constant 0 : i32
      %dma_start3A_197 = arith.constant 0 : i32
      %dma_start3A_198 = tpu.memref_slice %arg10[%dma_start3A_196, %dma_start3A_197] : memref<50000x16xf32, #tpu.memory_space<vmem_shared>> -> memref<50000x16xf32, #tpu.memory_space<vmem_shared>>
      tpu.enqueue_indirect_dma source(%dma_start3A_192 : memref<128x16xf32, #tpu.memory_space<vmem>>) target(%dma_start3A_198 : memref<50000x16xf32, #tpu.memory_space<vmem_shared>>) offsets(%dma_start3A_195 : memref<128xi32, #tpu.memory_space<vmem>>) semaphore(%arg13 : memref<!tpu.dma_semaphore, #tpu.memory_space<semaphore_mem>>) {add = true}
      %dma_start3A_199 = arith.constant 0 : i32
      %dma_start3A_200 = arith.constant 3 : i32
      %dma_start3A_201 = arith.constant 384 : i32
      %dma_start3A_202 = arith.constant 0 : i32
      %dma_start3A_203 = tpu.memref_slice %arg6[%rem3A_99, %dma_start3A_201, %dma_start3A_202] : memref<2x1024x16xf32, #tpu.memory_space<vmem>> -> memref<1x128x16xf32, #tpu.memory_space<vmem>>
      %dma_start3A_204 = tpu.memref_squeeze %dma_start3A_203 : memref<1x128x16xf32, #tpu.memory_space<vmem>> -> memref<128x16xf32, #tpu.memory_space<vmem>>
      %dma_start3A_205 = arith.constant 0 : i32
      %dma_start3A_206 = tpu.memref_slice %arg8[%dma_start3A_199, %rem3A_99, %dma_start3A_200, %dma_start3A_205] : memref<2x2x8x128xi32, #tpu.memory_space<vmem>> -> memref<1x1x1x128xi32, #tpu.memory_space<vmem>>
      %dma_start3A_207 = tpu.memref_squeeze %dma_start3A_206 : memref<1x1x1x128xi32, #tpu.memory_space<vmem>> -> memref<128xi32, #tpu.memory_space<vmem>>
      %dma_start3A_208 = arith.constant 0 : i32
      %dma_start3A_209 = arith.constant 0 : i32
      %dma_start3A_210 = tpu.memref_slice %arg10[%dma_start3A_208, %dma_start3A_209] : memref<50000x16xf32, #tpu.memory_space<vmem_shared>> -> memref<50000x16xf32, #tpu.memory_space<vmem_shared>>
      tpu.enqueue_indirect_dma source(%dma_start3A_204 : memref<128x16xf32, #tpu.memory_space<vmem>>) target(%dma_start3A_210 : memref<50000x16xf32, #tpu.memory_space<vmem_shared>>) offsets(%dma_start3A_207 : memref<128xi32, #tpu.memory_space<vmem>>) semaphore(%arg13 : memref<!tpu.dma_semaphore, #tpu.memory_space<semaphore_mem>>) {add = true}
      %dma_start3A_211 = arith.constant 1 : i32
      %dma_start3A_212 = arith.constant 3 : i32
      %dma_start3A_213 = arith.constant 384 : i32
      %dma_start3A_214 = arith.constant 0 : i32
      %dma_start3A_215 = tpu.memref_slice %arg7[%rem3A_99, %dma_start3A_213, %dma_start3A_214] : memref<2x1024x16xf32, #tpu.memory_space<vmem>> -> memref<1x128x16xf32, #tpu.memory_space<vmem>>
      %dma_start3A_216 = tpu.memref_squeeze %dma_start3A_215 : memref<1x128x16xf32, #tpu.memory_space<vmem>> -> memref<128x16xf32, #tpu.memory_space<vmem>>
      %dma_start3A_217 = arith.constant 0 : i32
      %dma_start3A_218 = tpu.memref_slice %arg8[%dma_start3A_211, %rem3A_99, %dma_start3A_212, %dma_start3A_217] : memref<2x2x8x128xi32, #tpu.memory_space<vmem>> -> memref<1x1x1x128xi32, #tpu.memory_space<vmem>>
      %dma_start3A_219 = tpu.memref_squeeze %dma_start3A_218 : memref<1x1x1x128xi32, #tpu.memory_space<vmem>> -> memref<128xi32, #tpu.memory_space<vmem>>
      %dma_start3A_220 = arith.constant 0 : i32
      %dma_start3A_221 = arith.constant 0 : i32
      %dma_start3A_222 = tpu.memref_slice %arg10[%dma_start3A_220, %dma_start3A_221] : memref<50000x16xf32, #tpu.memory_space<vmem_shared>> -> memref<50000x16xf32, #tpu.memory_space<vmem_shared>>
      tpu.enqueue_indirect_dma source(%dma_start3A_216 : memref<128x16xf32, #tpu.memory_space<vmem>>) target(%dma_start3A_222 : memref<50000x16xf32, #tpu.memory_space<vmem_shared>>) offsets(%dma_start3A_219 : memref<128xi32, #tpu.memory_space<vmem>>) semaphore(%arg13 : memref<!tpu.dma_semaphore, #tpu.memory_space<semaphore_mem>>) {add = true}
      %dma_start3A_223 = arith.constant 0 : i32
      %dma_start3A_224 = arith.constant 4 : i32
      %dma_start3A_225 = arith.constant 512 : i32
      %dma_start3A_226 = arith.constant 0 : i32
      %dma_start3A_227 = tpu.memref_slice %arg6[%rem3A_99, %dma_start3A_225, %dma_start3A_226] : memref<2x1024x16xf32, #tpu.memory_space<vmem>> -> memref<1x128x16xf32, #tpu.memory_space<vmem>>
      %dma_start3A_228 = tpu.memref_squeeze %dma_start3A_227 : memref<1x128x16xf32, #tpu.memory_space<vmem>> -> memref<128x16xf32, #tpu.memory_space<vmem>>
      %dma_start3A_229 = arith.constant 0 : i32
      %dma_start3A_230 = tpu.memref_slice %arg8[%dma_start3A_223, %rem3A_99, %dma_start3A_224, %dma_start3A_229] : memref<2x2x8x128xi32, #tpu.memory_space<vmem>> -> memref<1x1x1x128xi32, #tpu.memory_space<vmem>>
      %dma_start3A_231 = tpu.memref_squeeze %dma_start3A_230 : memref<1x1x1x128xi32, #tpu.memory_space<vmem>> -> memref<128xi32, #tpu.memory_space<vmem>>
      %dma_start3A_232 = arith.constant 0 : i32
      %dma_start3A_233 = arith.constant 0 : i32
      %dma_start3A_234 = tpu.memref_slice %arg10[%dma_start3A_232, %dma_start3A_233] : memref<50000x16xf32, #tpu.memory_space<vmem_shared>> -> memref<50000x16xf32, #tpu.memory_space<vmem_shared>>
      tpu.enqueue_indirect_dma source(%dma_start3A_228 : memref<128x16xf32, #tpu.memory_space<vmem>>) target(%dma_start3A_234 : memref<50000x16xf32, #tpu.memory_space<vmem_shared>>) offsets(%dma_start3A_231 : memref<128xi32, #tpu.memory_space<vmem>>) semaphore(%arg13 : memref<!tpu.dma_semaphore, #tpu.memory_space<semaphore_mem>>) {add = true}
      %dma_start3A_235 = arith.constant 1 : i32
      %dma_start3A_236 = arith.constant 4 : i32
      %dma_start3A_237 = arith.constant 512 : i32
      %dma_start3A_238 = arith.constant 0 : i32
      %dma_start3A_239 = tpu.memref_slice %arg7[%rem3A_99, %dma_start3A_237, %dma_start3A_238] : memref<2x1024x16xf32, #tpu.memory_space<vmem>> -> memref<1x128x16xf32, #tpu.memory_space<vmem>>
      %dma_start3A_240 = tpu.memref_squeeze %dma_start3A_239 : memref<1x128x16xf32, #tpu.memory_space<vmem>> -> memref<128x16xf32, #tpu.memory_space<vmem>>
      %dma_start3A_241 = arith.constant 0 : i32
      %dma_start3A_242 = tpu.memref_slice %arg8[%dma_start3A_235, %rem3A_99, %dma_start3A_236, %dma_start3A_241] : memref<2x2x8x128xi32, #tpu.memory_space<vmem>> -> memref<1x1x1x128xi32, #tpu.memory_space<vmem>>
      %dma_start3A_243 = tpu.memref_squeeze %dma_start3A_242 : memref<1x1x1x128xi32, #tpu.memory_space<vmem>> -> memref<128xi32, #tpu.memory_space<vmem>>
      %dma_start3A_244 = arith.constant 0 : i32
      %dma_start3A_245 = arith.constant 0 : i32
      %dma_start3A_246 = tpu.memref_slice %arg10[%dma_start3A_244, %dma_start3A_245] : memref<50000x16xf32, #tpu.memory_space<vmem_shared>> -> memref<50000x16xf32, #tpu.memory_space<vmem_shared>>
      tpu.enqueue_indirect_dma source(%dma_start3A_240 : memref<128x16xf32, #tpu.memory_space<vmem>>) target(%dma_start3A_246 : memref<50000x16xf32, #tpu.memory_space<vmem_shared>>) offsets(%dma_start3A_243 : memref<128xi32, #tpu.memory_space<vmem>>) semaphore(%arg13 : memref<!tpu.dma_semaphore, #tpu.memory_space<semaphore_mem>>) {add = true}
      %dma_start3A_247 = arith.constant 0 : i32
      %dma_start3A_248 = arith.constant 5 : i32
      %dma_start3A_249 = arith.constant 640 : i32
      %dma_start3A_250 = arith.constant 0 : i32
      %dma_start3A_251 = tpu.memref_slice %arg6[%rem3A_99, %dma_start3A_249, %dma_start3A_250] : memref<2x1024x16xf32, #tpu.memory_space<vmem>> -> memref<1x128x16xf32, #tpu.memory_space<vmem>>
      %dma_start3A_252 = tpu.memref_squeeze %dma_start3A_251 : memref<1x128x16xf32, #tpu.memory_space<vmem>> -> memref<128x16xf32, #tpu.memory_space<vmem>>
      %dma_start3A_253 = arith.constant 0 : i32
      %dma_start3A_254 = tpu.memref_slice %arg8[%dma_start3A_247, %rem3A_99, %dma_start3A_248, %dma_start3A_253] : memref<2x2x8x128xi32, #tpu.memory_space<vmem>> -> memref<1x1x1x128xi32, #tpu.memory_space<vmem>>
      %dma_start3A_255 = tpu.memref_squeeze %dma_start3A_254 : memref<1x1x1x128xi32, #tpu.memory_space<vmem>> -> memref<128xi32, #tpu.memory_space<vmem>>
      %dma_start3A_256 = arith.constant 0 : i32
      %dma_start3A_257 = arith.constant 0 : i32
      %dma_start3A_258 = tpu.memref_slice %arg10[%dma_start3A_256, %dma_start3A_257] : memref<50000x16xf32, #tpu.memory_space<vmem_shared>> -> memref<50000x16xf32, #tpu.memory_space<vmem_shared>>
      tpu.enqueue_indirect_dma source(%dma_start3A_252 : memref<128x16xf32, #tpu.memory_space<vmem>>) target(%dma_start3A_258 : memref<50000x16xf32, #tpu.memory_space<vmem_shared>>) offsets(%dma_start3A_255 : memref<128xi32, #tpu.memory_space<vmem>>) semaphore(%arg13 : memref<!tpu.dma_semaphore, #tpu.memory_space<semaphore_mem>>) {add = true}
      %dma_start3A_259 = arith.constant 1 : i32
      %dma_start3A_260 = arith.constant 5 : i32
      %dma_start3A_261 = arith.constant 640 : i32
      %dma_start3A_262 = arith.constant 0 : i32
      %dma_start3A_263 = tpu.memref_slice %arg7[%rem3A_99, %dma_start3A_261, %dma_start3A_262] : memref<2x1024x16xf32, #tpu.memory_space<vmem>> -> memref<1x128x16xf32, #tpu.memory_space<vmem>>
      %dma_start3A_264 = tpu.memref_squeeze %dma_start3A_263 : memref<1x128x16xf32, #tpu.memory_space<vmem>> -> memref<128x16xf32, #tpu.memory_space<vmem>>
      %dma_start3A_265 = arith.constant 0 : i32
      %dma_start3A_266 = tpu.memref_slice %arg8[%dma_start3A_259, %rem3A_99, %dma_start3A_260, %dma_start3A_265] : memref<2x2x8x128xi32, #tpu.memory_space<vmem>> -> memref<1x1x1x128xi32, #tpu.memory_space<vmem>>
      %dma_start3A_267 = tpu.memref_squeeze %dma_start3A_266 : memref<1x1x1x128xi32, #tpu.memory_space<vmem>> -> memref<128xi32, #tpu.memory_space<vmem>>
      %dma_start3A_268 = arith.constant 0 : i32
      %dma_start3A_269 = arith.constant 0 : i32
      %dma_start3A_270 = tpu.memref_slice %arg10[%dma_start3A_268, %dma_start3A_269] : memref<50000x16xf32, #tpu.memory_space<vmem_shared>> -> memref<50000x16xf32, #tpu.memory_space<vmem_shared>>
      tpu.enqueue_indirect_dma source(%dma_start3A_264 : memref<128x16xf32, #tpu.memory_space<vmem>>) target(%dma_start3A_270 : memref<50000x16xf32, #tpu.memory_space<vmem_shared>>) offsets(%dma_start3A_267 : memref<128xi32, #tpu.memory_space<vmem>>) semaphore(%arg13 : memref<!tpu.dma_semaphore, #tpu.memory_space<semaphore_mem>>) {add = true}
      %dma_start3A_271 = arith.constant 0 : i32
      %dma_start3A_272 = arith.constant 6 : i32
      %dma_start3A_273 = arith.constant 768 : i32
      %dma_start3A_274 = arith.constant 0 : i32
      %dma_start3A_275 = tpu.memref_slice %arg6[%rem3A_99, %dma_start3A_273, %dma_start3A_274] : memref<2x1024x16xf32, #tpu.memory_space<vmem>> -> memref<1x128x16xf32, #tpu.memory_space<vmem>>
      %dma_start3A_276 = tpu.memref_squeeze %dma_start3A_275 : memref<1x128x16xf32, #tpu.memory_space<vmem>> -> memref<128x16xf32, #tpu.memory_space<vmem>>
      %dma_start3A_277 = arith.constant 0 : i32
      %dma_start3A_278 = tpu.memref_slice %arg8[%dma_start3A_271, %rem3A_99, %dma_start3A_272, %dma_start3A_277] : memref<2x2x8x128xi32, #tpu.memory_space<vmem>> -> memref<1x1x1x128xi32, #tpu.memory_space<vmem>>
      %dma_start3A_279 = tpu.memref_squeeze %dma_start3A_278 : memref<1x1x1x128xi32, #tpu.memory_space<vmem>> -> memref<128xi32, #tpu.memory_space<vmem>>
      %dma_start3A_280 = arith.constant 0 : i32
      %dma_start3A_281 = arith.constant 0 : i32
      %dma_start3A_282 = tpu.memref_slice %arg10[%dma_start3A_280, %dma_start3A_281] : memref<50000x16xf32, #tpu.memory_space<vmem_shared>> -> memref<50000x16xf32, #tpu.memory_space<vmem_shared>>
      tpu.enqueue_indirect_dma source(%dma_start3A_276 : memref<128x16xf32, #tpu.memory_space<vmem>>) target(%dma_start3A_282 : memref<50000x16xf32, #tpu.memory_space<vmem_shared>>) offsets(%dma_start3A_279 : memref<128xi32, #tpu.memory_space<vmem>>) semaphore(%arg13 : memref<!tpu.dma_semaphore, #tpu.memory_space<semaphore_mem>>) {add = true}
      %dma_start3A_283 = arith.constant 1 : i32
      %dma_start3A_284 = arith.constant 6 : i32
      %dma_start3A_285 = arith.constant 768 : i32
      %dma_start3A_286 = arith.constant 0 : i32
      %dma_start3A_287 = tpu.memref_slice %arg7[%rem3A_99, %dma_start3A_285, %dma_start3A_286] : memref<2x1024x16xf32, #tpu.memory_space<vmem>> -> memref<1x128x16xf32, #tpu.memory_space<vmem>>
      %dma_start3A_288 = tpu.memref_squeeze %dma_start3A_287 : memref<1x128x16xf32, #tpu.memory_space<vmem>> -> memref<128x16xf32, #tpu.memory_space<vmem>>
      %dma_start3A_289 = arith.constant 0 : i32
      %dma_start3A_290 = tpu.memref_slice %arg8[%dma_start3A_283, %rem3A_99, %dma_start3A_284, %dma_start3A_289] : memref<2x2x8x128xi32, #tpu.memory_space<vmem>> -> memref<1x1x1x128xi32, #tpu.memory_space<vmem>>
      %dma_start3A_291 = tpu.memref_squeeze %dma_start3A_290 : memref<1x1x1x128xi32, #tpu.memory_space<vmem>> -> memref<128xi32, #tpu.memory_space<vmem>>
      %dma_start3A_292 = arith.constant 0 : i32
      %dma_start3A_293 = arith.constant 0 : i32
      %dma_start3A_294 = tpu.memref_slice %arg10[%dma_start3A_292, %dma_start3A_293] : memref<50000x16xf32, #tpu.memory_space<vmem_shared>> -> memref<50000x16xf32, #tpu.memory_space<vmem_shared>>
      tpu.enqueue_indirect_dma source(%dma_start3A_288 : memref<128x16xf32, #tpu.memory_space<vmem>>) target(%dma_start3A_294 : memref<50000x16xf32, #tpu.memory_space<vmem_shared>>) offsets(%dma_start3A_291 : memref<128xi32, #tpu.memory_space<vmem>>) semaphore(%arg13 : memref<!tpu.dma_semaphore, #tpu.memory_space<semaphore_mem>>) {add = true}
      %dma_start3A_295 = arith.constant 0 : i32
      %dma_start3A_296 = arith.constant 7 : i32
      %dma_start3A_297 = arith.constant 896 : i32
      %dma_start3A_298 = arith.constant 0 : i32
      %dma_start3A_299 = tpu.memref_slice %arg6[%rem3A_99, %dma_start3A_297, %dma_start3A_298] : memref<2x1024x16xf32, #tpu.memory_space<vmem>> -> memref<1x128x16xf32, #tpu.memory_space<vmem>>
      %dma_start3A_300 = tpu.memref_squeeze %dma_start3A_299 : memref<1x128x16xf32, #tpu.memory_space<vmem>> -> memref<128x16xf32, #tpu.memory_space<vmem>>
      %dma_start3A_301 = arith.constant 0 : i32
      %dma_start3A_302 = tpu.memref_slice %arg8[%dma_start3A_295, %rem3A_99, %dma_start3A_296, %dma_start3A_301] : memref<2x2x8x128xi32, #tpu.memory_space<vmem>> -> memref<1x1x1x128xi32, #tpu.memory_space<vmem>>
      %dma_start3A_303 = tpu.memref_squeeze %dma_start3A_302 : memref<1x1x1x128xi32, #tpu.memory_space<vmem>> -> memref<128xi32, #tpu.memory_space<vmem>>
      %dma_start3A_304 = arith.constant 0 : i32
      %dma_start3A_305 = arith.constant 0 : i32
      %dma_start3A_306 = tpu.memref_slice %arg10[%dma_start3A_304, %dma_start3A_305] : memref<50000x16xf32, #tpu.memory_space<vmem_shared>> -> memref<50000x16xf32, #tpu.memory_space<vmem_shared>>
      tpu.enqueue_indirect_dma source(%dma_start3A_300 : memref<128x16xf32, #tpu.memory_space<vmem>>) target(%dma_start3A_306 : memref<50000x16xf32, #tpu.memory_space<vmem_shared>>) offsets(%dma_start3A_303 : memref<128xi32, #tpu.memory_space<vmem>>) semaphore(%arg13 : memref<!tpu.dma_semaphore, #tpu.memory_space<semaphore_mem>>) {add = true}
      %dma_start3A_307 = arith.constant 1 : i32
      %dma_start3A_308 = arith.constant 7 : i32
      %dma_start3A_309 = arith.constant 896 : i32
      %dma_start3A_310 = arith.constant 0 : i32
      %dma_start3A_311 = tpu.memref_slice %arg7[%rem3A_99, %dma_start3A_309, %dma_start3A_310] : memref<2x1024x16xf32, #tpu.memory_space<vmem>> -> memref<1x128x16xf32, #tpu.memory_space<vmem>>
      %dma_start3A_312 = tpu.memref_squeeze %dma_start3A_311 : memref<1x128x16xf32, #tpu.memory_space<vmem>> -> memref<128x16xf32, #tpu.memory_space<vmem>>
      %dma_start3A_313 = arith.constant 0 : i32
      %dma_start3A_314 = tpu.memref_slice %arg8[%dma_start3A_307, %rem3A_99, %dma_start3A_308, %dma_start3A_313] : memref<2x2x8x128xi32, #tpu.memory_space<vmem>> -> memref<1x1x1x128xi32, #tpu.memory_space<vmem>>
      %dma_start3A_315 = tpu.memref_squeeze %dma_start3A_314 : memref<1x1x1x128xi32, #tpu.memory_space<vmem>> -> memref<128xi32, #tpu.memory_space<vmem>>
      %dma_start3A_316 = arith.constant 0 : i32
      %dma_start3A_317 = arith.constant 0 : i32
      %dma_start3A_318 = tpu.memref_slice %arg10[%dma_start3A_316, %dma_start3A_317] : memref<50000x16xf32, #tpu.memory_space<vmem_shared>> -> memref<50000x16xf32, #tpu.memory_space<vmem_shared>>
      tpu.enqueue_indirect_dma source(%dma_start3A_312 : memref<128x16xf32, #tpu.memory_space<vmem>>) target(%dma_start3A_318 : memref<50000x16xf32, #tpu.memory_space<vmem_shared>>) offsets(%dma_start3A_315 : memref<128xi32, #tpu.memory_space<vmem>>) semaphore(%arg13 : memref<!tpu.dma_semaphore, #tpu.memory_space<semaphore_mem>>) {add = true}
      %dma_wait3A = arith.constant 0 : i32
      %dma_wait3A_319 = arith.constant 0 : i32
      %dma_wait3A_320 = arith.constant 0 : i32
      %dma_wait3A_321 = arith.constant 0 : i32
      %dma_wait3A_322 = tpu.memref_slice %arg6[%rem3A_99, %dma_wait3A_320, %dma_wait3A_321] : memref<2x1024x16xf32, #tpu.memory_space<vmem>> -> memref<1x128x16xf32, #tpu.memory_space<vmem>>
      %dma_wait3A_323 = tpu.memref_squeeze %dma_wait3A_322 : memref<1x128x16xf32, #tpu.memory_space<vmem>> -> memref<128x16xf32, #tpu.memory_space<vmem>>
      %dma_wait3A_324 = arith.constant 0 : i32
      %dma_wait3A_325 = tpu.memref_slice %arg8[%dma_wait3A, %rem3A_99, %dma_wait3A_319, %dma_wait3A_324] : memref<2x2x8x128xi32, #tpu.memory_space<vmem>> -> memref<1x1x1x128xi32, #tpu.memory_space<vmem>>
      %dma_wait3A_326 = tpu.memref_squeeze %dma_wait3A_325 : memref<1x1x1x128xi32, #tpu.memory_space<vmem>> -> memref<128xi32, #tpu.memory_space<vmem>>
      %dma_wait3A_327 = arith.constant 0 : i32
      %dma_wait3A_328 = arith.constant 0 : i32
      %dma_wait3A_329 = tpu.memref_slice %arg10[%dma_wait3A_327, %dma_wait3A_328] : memref<50000x16xf32, #tpu.memory_space<vmem_shared>> -> memref<50000x16xf32, #tpu.memory_space<vmem_shared>>
      tpu.wait_indirect_dma semaphore(%arg13 : memref<!tpu.dma_semaphore, #tpu.memory_space<semaphore_mem>>) src(%dma_wait3A_323 : memref<128x16xf32, #tpu.memory_space<vmem>>) dst(%dma_wait3A_329 : memref<50000x16xf32, #tpu.memory_space<vmem_shared>>)
      %dma_wait3A_330 = arith.constant 1 : i32
      %dma_wait3A_331 = arith.constant 0 : i32
      %dma_wait3A_332 = arith.constant 0 : i32
      %dma_wait3A_333 = arith.constant 0 : i32
      %dma_wait3A_334 = tpu.memref_slice %arg7[%rem3A_99, %dma_wait3A_332, %dma_wait3A_333] : memref<2x1024x16xf32, #tpu.memory_space<vmem>> -> memref<1x128x16xf32, #tpu.memory_space<vmem>>
      %dma_wait3A_335 = tpu.memref_squeeze %dma_wait3A_334 : memref<1x128x16xf32, #tpu.memory_space<vmem>> -> memref<128x16xf32, #tpu.memory_space<vmem>>
      %dma_wait3A_336 = arith.constant 0 : i32
      %dma_wait3A_337 = tpu.memref_slice %arg8[%dma_wait3A_330, %rem3A_99, %dma_wait3A_331, %dma_wait3A_336] : memref<2x2x8x128xi32, #tpu.memory_space<vmem>> -> memref<1x1x1x128xi32, #tpu.memory_space<vmem>>
      %dma_wait3A_338 = tpu.memref_squeeze %dma_wait3A_337 : memref<1x1x1x128xi32, #tpu.memory_space<vmem>> -> memref<128xi32, #tpu.memory_space<vmem>>
      %dma_wait3A_339 = arith.constant 0 : i32
      %dma_wait3A_340 = arith.constant 0 : i32
      %dma_wait3A_341 = tpu.memref_slice %arg10[%dma_wait3A_339, %dma_wait3A_340] : memref<50000x16xf32, #tpu.memory_space<vmem_shared>> -> memref<50000x16xf32, #tpu.memory_space<vmem_shared>>
      tpu.wait_indirect_dma semaphore(%arg13 : memref<!tpu.dma_semaphore, #tpu.memory_space<semaphore_mem>>) src(%dma_wait3A_335 : memref<128x16xf32, #tpu.memory_space<vmem>>) dst(%dma_wait3A_341 : memref<50000x16xf32, #tpu.memory_space<vmem_shared>>)
      %dma_wait3A_342 = arith.constant 0 : i32
      %dma_wait3A_343 = arith.constant 1 : i32
      %dma_wait3A_344 = arith.constant 128 : i32
      %dma_wait3A_345 = arith.constant 0 : i32
      %dma_wait3A_346 = tpu.memref_slice %arg6[%rem3A_99, %dma_wait3A_344, %dma_wait3A_345] : memref<2x1024x16xf32, #tpu.memory_space<vmem>> -> memref<1x128x16xf32, #tpu.memory_space<vmem>>
      %dma_wait3A_347 = tpu.memref_squeeze %dma_wait3A_346 : memref<1x128x16xf32, #tpu.memory_space<vmem>> -> memref<128x16xf32, #tpu.memory_space<vmem>>
      %dma_wait3A_348 = arith.constant 0 : i32
      %dma_wait3A_349 = tpu.memref_slice %arg8[%dma_wait3A_342, %rem3A_99, %dma_wait3A_343, %dma_wait3A_348] : memref<2x2x8x128xi32, #tpu.memory_space<vmem>> -> memref<1x1x1x128xi32, #tpu.memory_space<vmem>>
      %dma_wait3A_350 = tpu.memref_squeeze %dma_wait3A_349 : memref<1x1x1x128xi32, #tpu.memory_space<vmem>> -> memref<128xi32, #tpu.memory_space<vmem>>
      %dma_wait3A_351 = arith.constant 0 : i32
      %dma_wait3A_352 = arith.constant 0 : i32
      %dma_wait3A_353 = tpu.memref_slice %arg10[%dma_wait3A_351, %dma_wait3A_352] : memref<50000x16xf32, #tpu.memory_space<vmem_shared>> -> memref<50000x16xf32, #tpu.memory_space<vmem_shared>>
      tpu.wait_indirect_dma semaphore(%arg13 : memref<!tpu.dma_semaphore, #tpu.memory_space<semaphore_mem>>) src(%dma_wait3A_347 : memref<128x16xf32, #tpu.memory_space<vmem>>) dst(%dma_wait3A_353 : memref<50000x16xf32, #tpu.memory_space<vmem_shared>>)
      %dma_wait3A_354 = arith.constant 1 : i32
      %dma_wait3A_355 = arith.constant 1 : i32
      %dma_wait3A_356 = arith.constant 128 : i32
      %dma_wait3A_357 = arith.constant 0 : i32
      %dma_wait3A_358 = tpu.memref_slice %arg7[%rem3A_99, %dma_wait3A_356, %dma_wait3A_357] : memref<2x1024x16xf32, #tpu.memory_space<vmem>> -> memref<1x128x16xf32, #tpu.memory_space<vmem>>
      %dma_wait3A_359 = tpu.memref_squeeze %dma_wait3A_358 : memref<1x128x16xf32, #tpu.memory_space<vmem>> -> memref<128x16xf32, #tpu.memory_space<vmem>>
      %dma_wait3A_360 = arith.constant 0 : i32
      %dma_wait3A_361 = tpu.memref_slice %arg8[%dma_wait3A_354, %rem3A_99, %dma_wait3A_355, %dma_wait3A_360] : memref<2x2x8x128xi32, #tpu.memory_space<vmem>> -> memref<1x1x1x128xi32, #tpu.memory_space<vmem>>
      %dma_wait3A_362 = tpu.memref_squeeze %dma_wait3A_361 : memref<1x1x1x128xi32, #tpu.memory_space<vmem>> -> memref<128xi32, #tpu.memory_space<vmem>>
      %dma_wait3A_363 = arith.constant 0 : i32
      %dma_wait3A_364 = arith.constant 0 : i32
      %dma_wait3A_365 = tpu.memref_slice %arg10[%dma_wait3A_363, %dma_wait3A_364] : memref<50000x16xf32, #tpu.memory_space<vmem_shared>> -> memref<50000x16xf32, #tpu.memory_space<vmem_shared>>
      tpu.wait_indirect_dma semaphore(%arg13 : memref<!tpu.dma_semaphore, #tpu.memory_space<semaphore_mem>>) src(%dma_wait3A_359 : memref<128x16xf32, #tpu.memory_space<vmem>>) dst(%dma_wait3A_365 : memref<50000x16xf32, #tpu.memory_space<vmem_shared>>)
      %dma_wait3A_366 = arith.constant 0 : i32
      %dma_wait3A_367 = arith.constant 2 : i32
      %dma_wait3A_368 = arith.constant 256 : i32
      %dma_wait3A_369 = arith.constant 0 : i32
      %dma_wait3A_370 = tpu.memref_slice %arg6[%rem3A_99, %dma_wait3A_368, %dma_wait3A_369] : memref<2x1024x16xf32, #tpu.memory_space<vmem>> -> memref<1x128x16xf32, #tpu.memory_space<vmem>>
      %dma_wait3A_371 = tpu.memref_squeeze %dma_wait3A_370 : memref<1x128x16xf32, #tpu.memory_space<vmem>> -> memref<128x16xf32, #tpu.memory_space<vmem>>
      %dma_wait3A_372 = arith.constant 0 : i32
      %dma_wait3A_373 = tpu.memref_slice %arg8[%dma_wait3A_366, %rem3A_99, %dma_wait3A_367, %dma_wait3A_372] : memref<2x2x8x128xi32, #tpu.memory_space<vmem>> -> memref<1x1x1x128xi32, #tpu.memory_space<vmem>>
      %dma_wait3A_374 = tpu.memref_squeeze %dma_wait3A_373 : memref<1x1x1x128xi32, #tpu.memory_space<vmem>> -> memref<128xi32, #tpu.memory_space<vmem>>
      %dma_wait3A_375 = arith.constant 0 : i32
      %dma_wait3A_376 = arith.constant 0 : i32
      %dma_wait3A_377 = tpu.memref_slice %arg10[%dma_wait3A_375, %dma_wait3A_376] : memref<50000x16xf32, #tpu.memory_space<vmem_shared>> -> memref<50000x16xf32, #tpu.memory_space<vmem_shared>>
      tpu.wait_indirect_dma semaphore(%arg13 : memref<!tpu.dma_semaphore, #tpu.memory_space<semaphore_mem>>) src(%dma_wait3A_371 : memref<128x16xf32, #tpu.memory_space<vmem>>) dst(%dma_wait3A_377 : memref<50000x16xf32, #tpu.memory_space<vmem_shared>>)
      %dma_wait3A_378 = arith.constant 1 : i32
      %dma_wait3A_379 = arith.constant 2 : i32
      %dma_wait3A_380 = arith.constant 256 : i32
      %dma_wait3A_381 = arith.constant 0 : i32
      %dma_wait3A_382 = tpu.memref_slice %arg7[%rem3A_99, %dma_wait3A_380, %dma_wait3A_381] : memref<2x1024x16xf32, #tpu.memory_space<vmem>> -> memref<1x128x16xf32, #tpu.memory_space<vmem>>
      %dma_wait3A_383 = tpu.memref_squeeze %dma_wait3A_382 : memref<1x128x16xf32, #tpu.memory_space<vmem>> -> memref<128x16xf32, #tpu.memory_space<vmem>>
      %dma_wait3A_384 = arith.constant 0 : i32
      %dma_wait3A_385 = tpu.memref_slice %arg8[%dma_wait3A_378, %rem3A_99, %dma_wait3A_379, %dma_wait3A_384] : memref<2x2x8x128xi32, #tpu.memory_space<vmem>> -> memref<1x1x1x128xi32, #tpu.memory_space<vmem>>
      %dma_wait3A_386 = tpu.memref_squeeze %dma_wait3A_385 : memref<1x1x1x128xi32, #tpu.memory_space<vmem>> -> memref<128xi32, #tpu.memory_space<vmem>>
      %dma_wait3A_387 = arith.constant 0 : i32
      %dma_wait3A_388 = arith.constant 0 : i32
      %dma_wait3A_389 = tpu.memref_slice %arg10[%dma_wait3A_387, %dma_wait3A_388] : memref<50000x16xf32, #tpu.memory_space<vmem_shared>> -> memref<50000x16xf32, #tpu.memory_space<vmem_shared>>
      tpu.wait_indirect_dma semaphore(%arg13 : memref<!tpu.dma_semaphore, #tpu.memory_space<semaphore_mem>>) src(%dma_wait3A_383 : memref<128x16xf32, #tpu.memory_space<vmem>>) dst(%dma_wait3A_389 : memref<50000x16xf32, #tpu.memory_space<vmem_shared>>)
      %dma_wait3A_390 = arith.constant 0 : i32
      %dma_wait3A_391 = arith.constant 3 : i32
      %dma_wait3A_392 = arith.constant 384 : i32
      %dma_wait3A_393 = arith.constant 0 : i32
      %dma_wait3A_394 = tpu.memref_slice %arg6[%rem3A_99, %dma_wait3A_392, %dma_wait3A_393] : memref<2x1024x16xf32, #tpu.memory_space<vmem>> -> memref<1x128x16xf32, #tpu.memory_space<vmem>>
      %dma_wait3A_395 = tpu.memref_squeeze %dma_wait3A_394 : memref<1x128x16xf32, #tpu.memory_space<vmem>> -> memref<128x16xf32, #tpu.memory_space<vmem>>
      %dma_wait3A_396 = arith.constant 0 : i32
      %dma_wait3A_397 = tpu.memref_slice %arg8[%dma_wait3A_390, %rem3A_99, %dma_wait3A_391, %dma_wait3A_396] : memref<2x2x8x128xi32, #tpu.memory_space<vmem>> -> memref<1x1x1x128xi32, #tpu.memory_space<vmem>>
      %dma_wait3A_398 = tpu.memref_squeeze %dma_wait3A_397 : memref<1x1x1x128xi32, #tpu.memory_space<vmem>> -> memref<128xi32, #tpu.memory_space<vmem>>
      %dma_wait3A_399 = arith.constant 0 : i32
      %dma_wait3A_400 = arith.constant 0 : i32
      %dma_wait3A_401 = tpu.memref_slice %arg10[%dma_wait3A_399, %dma_wait3A_400] : memref<50000x16xf32, #tpu.memory_space<vmem_shared>> -> memref<50000x16xf32, #tpu.memory_space<vmem_shared>>
      tpu.wait_indirect_dma semaphore(%arg13 : memref<!tpu.dma_semaphore, #tpu.memory_space<semaphore_mem>>) src(%dma_wait3A_395 : memref<128x16xf32, #tpu.memory_space<vmem>>) dst(%dma_wait3A_401 : memref<50000x16xf32, #tpu.memory_space<vmem_shared>>)
      %dma_wait3A_402 = arith.constant 1 : i32
      %dma_wait3A_403 = arith.constant 3 : i32
      %dma_wait3A_404 = arith.constant 384 : i32
      %dma_wait3A_405 = arith.constant 0 : i32
      %dma_wait3A_406 = tpu.memref_slice %arg7[%rem3A_99, %dma_wait3A_404, %dma_wait3A_405] : memref<2x1024x16xf32, #tpu.memory_space<vmem>> -> memref<1x128x16xf32, #tpu.memory_space<vmem>>
      %dma_wait3A_407 = tpu.memref_squeeze %dma_wait3A_406 : memref<1x128x16xf32, #tpu.memory_space<vmem>> -> memref<128x16xf32, #tpu.memory_space<vmem>>
      %dma_wait3A_408 = arith.constant 0 : i32
      %dma_wait3A_409 = tpu.memref_slice %arg8[%dma_wait3A_402, %rem3A_99, %dma_wait3A_403, %dma_wait3A_408] : memref<2x2x8x128xi32, #tpu.memory_space<vmem>> -> memref<1x1x1x128xi32, #tpu.memory_space<vmem>>
      %dma_wait3A_410 = tpu.memref_squeeze %dma_wait3A_409 : memref<1x1x1x128xi32, #tpu.memory_space<vmem>> -> memref<128xi32, #tpu.memory_space<vmem>>
      %dma_wait3A_411 = arith.constant 0 : i32
      %dma_wait3A_412 = arith.constant 0 : i32
      %dma_wait3A_413 = tpu.memref_slice %arg10[%dma_wait3A_411, %dma_wait3A_412] : memref<50000x16xf32, #tpu.memory_space<vmem_shared>> -> memref<50000x16xf32, #tpu.memory_space<vmem_shared>>
      tpu.wait_indirect_dma semaphore(%arg13 : memref<!tpu.dma_semaphore, #tpu.memory_space<semaphore_mem>>) src(%dma_wait3A_407 : memref<128x16xf32, #tpu.memory_space<vmem>>) dst(%dma_wait3A_413 : memref<50000x16xf32, #tpu.memory_space<vmem_shared>>)
      %dma_wait3A_414 = arith.constant 0 : i32
      %dma_wait3A_415 = arith.constant 4 : i32
      %dma_wait3A_416 = arith.constant 512 : i32
      %dma_wait3A_417 = arith.constant 0 : i32
      %dma_wait3A_418 = tpu.memref_slice %arg6[%rem3A_99, %dma_wait3A_416, %dma_wait3A_417] : memref<2x1024x16xf32, #tpu.memory_space<vmem>> -> memref<1x128x16xf32, #tpu.memory_space<vmem>>
      %dma_wait3A_419 = tpu.memref_squeeze %dma_wait3A_418 : memref<1x128x16xf32, #tpu.memory_space<vmem>> -> memref<128x16xf32, #tpu.memory_space<vmem>>
      %dma_wait3A_420 = arith.constant 0 : i32
      %dma_wait3A_421 = tpu.memref_slice %arg8[%dma_wait3A_414, %rem3A_99, %dma_wait3A_415, %dma_wait3A_420] : memref<2x2x8x128xi32, #tpu.memory_space<vmem>> -> memref<1x1x1x128xi32, #tpu.memory_space<vmem>>
      %dma_wait3A_422 = tpu.memref_squeeze %dma_wait3A_421 : memref<1x1x1x128xi32, #tpu.memory_space<vmem>> -> memref<128xi32, #tpu.memory_space<vmem>>
      %dma_wait3A_423 = arith.constant 0 : i32
      %dma_wait3A_424 = arith.constant 0 : i32
      %dma_wait3A_425 = tpu.memref_slice %arg10[%dma_wait3A_423, %dma_wait3A_424] : memref<50000x16xf32, #tpu.memory_space<vmem_shared>> -> memref<50000x16xf32, #tpu.memory_space<vmem_shared>>
      tpu.wait_indirect_dma semaphore(%arg13 : memref<!tpu.dma_semaphore, #tpu.memory_space<semaphore_mem>>) src(%dma_wait3A_419 : memref<128x16xf32, #tpu.memory_space<vmem>>) dst(%dma_wait3A_425 : memref<50000x16xf32, #tpu.memory_space<vmem_shared>>)
      %dma_wait3A_426 = arith.constant 1 : i32
      %dma_wait3A_427 = arith.constant 4 : i32
      %dma_wait3A_428 = arith.constant 512 : i32
      %dma_wait3A_429 = arith.constant 0 : i32
      %dma_wait3A_430 = tpu.memref_slice %arg7[%rem3A_99, %dma_wait3A_428, %dma_wait3A_429] : memref<2x1024x16xf32, #tpu.memory_space<vmem>> -> memref<1x128x16xf32, #tpu.memory_space<vmem>>
      %dma_wait3A_431 = tpu.memref_squeeze %dma_wait3A_430 : memref<1x128x16xf32, #tpu.memory_space<vmem>> -> memref<128x16xf32, #tpu.memory_space<vmem>>
      %dma_wait3A_432 = arith.constant 0 : i32
      %dma_wait3A_433 = tpu.memref_slice %arg8[%dma_wait3A_426, %rem3A_99, %dma_wait3A_427, %dma_wait3A_432] : memref<2x2x8x128xi32, #tpu.memory_space<vmem>> -> memref<1x1x1x128xi32, #tpu.memory_space<vmem>>
      %dma_wait3A_434 = tpu.memref_squeeze %dma_wait3A_433 : memref<1x1x1x128xi32, #tpu.memory_space<vmem>> -> memref<128xi32, #tpu.memory_space<vmem>>
      %dma_wait3A_435 = arith.constant 0 : i32
      %dma_wait3A_436 = arith.constant 0 : i32
      %dma_wait3A_437 = tpu.memref_slice %arg10[%dma_wait3A_435, %dma_wait3A_436] : memref<50000x16xf32, #tpu.memory_space<vmem_shared>> -> memref<50000x16xf32, #tpu.memory_space<vmem_shared>>
      tpu.wait_indirect_dma semaphore(%arg13 : memref<!tpu.dma_semaphore, #tpu.memory_space<semaphore_mem>>) src(%dma_wait3A_431 : memref<128x16xf32, #tpu.memory_space<vmem>>) dst(%dma_wait3A_437 : memref<50000x16xf32, #tpu.memory_space<vmem_shared>>)
      %dma_wait3A_438 = arith.constant 0 : i32
      %dma_wait3A_439 = arith.constant 5 : i32
      %dma_wait3A_440 = arith.constant 640 : i32
      %dma_wait3A_441 = arith.constant 0 : i32
      %dma_wait3A_442 = tpu.memref_slice %arg6[%rem3A_99, %dma_wait3A_440, %dma_wait3A_441] : memref<2x1024x16xf32, #tpu.memory_space<vmem>> -> memref<1x128x16xf32, #tpu.memory_space<vmem>>
      %dma_wait3A_443 = tpu.memref_squeeze %dma_wait3A_442 : memref<1x128x16xf32, #tpu.memory_space<vmem>> -> memref<128x16xf32, #tpu.memory_space<vmem>>
      %dma_wait3A_444 = arith.constant 0 : i32
      %dma_wait3A_445 = tpu.memref_slice %arg8[%dma_wait3A_438, %rem3A_99, %dma_wait3A_439, %dma_wait3A_444] : memref<2x2x8x128xi32, #tpu.memory_space<vmem>> -> memref<1x1x1x128xi32, #tpu.memory_space<vmem>>
      %dma_wait3A_446 = tpu.memref_squeeze %dma_wait3A_445 : memref<1x1x1x128xi32, #tpu.memory_space<vmem>> -> memref<128xi32, #tpu.memory_space<vmem>>
      %dma_wait3A_447 = arith.constant 0 : i32
      %dma_wait3A_448 = arith.constant 0 : i32
      %dma_wait3A_449 = tpu.memref_slice %arg10[%dma_wait3A_447, %dma_wait3A_448] : memref<50000x16xf32, #tpu.memory_space<vmem_shared>> -> memref<50000x16xf32, #tpu.memory_space<vmem_shared>>
      tpu.wait_indirect_dma semaphore(%arg13 : memref<!tpu.dma_semaphore, #tpu.memory_space<semaphore_mem>>) src(%dma_wait3A_443 : memref<128x16xf32, #tpu.memory_space<vmem>>) dst(%dma_wait3A_449 : memref<50000x16xf32, #tpu.memory_space<vmem_shared>>)
      %dma_wait3A_450 = arith.constant 1 : i32
      %dma_wait3A_451 = arith.constant 5 : i32
      %dma_wait3A_452 = arith.constant 640 : i32
      %dma_wait3A_453 = arith.constant 0 : i32
      %dma_wait3A_454 = tpu.memref_slice %arg7[%rem3A_99, %dma_wait3A_452, %dma_wait3A_453] : memref<2x1024x16xf32, #tpu.memory_space<vmem>> -> memref<1x128x16xf32, #tpu.memory_space<vmem>>
      %dma_wait3A_455 = tpu.memref_squeeze %dma_wait3A_454 : memref<1x128x16xf32, #tpu.memory_space<vmem>> -> memref<128x16xf32, #tpu.memory_space<vmem>>
      %dma_wait3A_456 = arith.constant 0 : i32
      %dma_wait3A_457 = tpu.memref_slice %arg8[%dma_wait3A_450, %rem3A_99, %dma_wait3A_451, %dma_wait3A_456] : memref<2x2x8x128xi32, #tpu.memory_space<vmem>> -> memref<1x1x1x128xi32, #tpu.memory_space<vmem>>
      %dma_wait3A_458 = tpu.memref_squeeze %dma_wait3A_457 : memref<1x1x1x128xi32, #tpu.memory_space<vmem>> -> memref<128xi32, #tpu.memory_space<vmem>>
      %dma_wait3A_459 = arith.constant 0 : i32
      %dma_wait3A_460 = arith.constant 0 : i32
      %dma_wait3A_461 = tpu.memref_slice %arg10[%dma_wait3A_459, %dma_wait3A_460] : memref<50000x16xf32, #tpu.memory_space<vmem_shared>> -> memref<50000x16xf32, #tpu.memory_space<vmem_shared>>
      tpu.wait_indirect_dma semaphore(%arg13 : memref<!tpu.dma_semaphore, #tpu.memory_space<semaphore_mem>>) src(%dma_wait3A_455 : memref<128x16xf32, #tpu.memory_space<vmem>>) dst(%dma_wait3A_461 : memref<50000x16xf32, #tpu.memory_space<vmem_shared>>)
      %dma_wait3A_462 = arith.constant 0 : i32
      %dma_wait3A_463 = arith.constant 6 : i32
      %dma_wait3A_464 = arith.constant 768 : i32
      %dma_wait3A_465 = arith.constant 0 : i32
      %dma_wait3A_466 = tpu.memref_slice %arg6[%rem3A_99, %dma_wait3A_464, %dma_wait3A_465] : memref<2x1024x16xf32, #tpu.memory_space<vmem>> -> memref<1x128x16xf32, #tpu.memory_space<vmem>>
      %dma_wait3A_467 = tpu.memref_squeeze %dma_wait3A_466 : memref<1x128x16xf32, #tpu.memory_space<vmem>> -> memref<128x16xf32, #tpu.memory_space<vmem>>
      %dma_wait3A_468 = arith.constant 0 : i32
      %dma_wait3A_469 = tpu.memref_slice %arg8[%dma_wait3A_462, %rem3A_99, %dma_wait3A_463, %dma_wait3A_468] : memref<2x2x8x128xi32, #tpu.memory_space<vmem>> -> memref<1x1x1x128xi32, #tpu.memory_space<vmem>>
      %dma_wait3A_470 = tpu.memref_squeeze %dma_wait3A_469 : memref<1x1x1x128xi32, #tpu.memory_space<vmem>> -> memref<128xi32, #tpu.memory_space<vmem>>
      %dma_wait3A_471 = arith.constant 0 : i32
      %dma_wait3A_472 = arith.constant 0 : i32
      %dma_wait3A_473 = tpu.memref_slice %arg10[%dma_wait3A_471, %dma_wait3A_472] : memref<50000x16xf32, #tpu.memory_space<vmem_shared>> -> memref<50000x16xf32, #tpu.memory_space<vmem_shared>>
      tpu.wait_indirect_dma semaphore(%arg13 : memref<!tpu.dma_semaphore, #tpu.memory_space<semaphore_mem>>) src(%dma_wait3A_467 : memref<128x16xf32, #tpu.memory_space<vmem>>) dst(%dma_wait3A_473 : memref<50000x16xf32, #tpu.memory_space<vmem_shared>>)
      %dma_wait3A_474 = arith.constant 1 : i32
      %dma_wait3A_475 = arith.constant 6 : i32
      %dma_wait3A_476 = arith.constant 768 : i32
      %dma_wait3A_477 = arith.constant 0 : i32
      %dma_wait3A_478 = tpu.memref_slice %arg7[%rem3A_99, %dma_wait3A_476, %dma_wait3A_477] : memref<2x1024x16xf32, #tpu.memory_space<vmem>> -> memref<1x128x16xf32, #tpu.memory_space<vmem>>
      %dma_wait3A_479 = tpu.memref_squeeze %dma_wait3A_478 : memref<1x128x16xf32, #tpu.memory_space<vmem>> -> memref<128x16xf32, #tpu.memory_space<vmem>>
      %dma_wait3A_480 = arith.constant 0 : i32
      %dma_wait3A_481 = tpu.memref_slice %arg8[%dma_wait3A_474, %rem3A_99, %dma_wait3A_475, %dma_wait3A_480] : memref<2x2x8x128xi32, #tpu.memory_space<vmem>> -> memref<1x1x1x128xi32, #tpu.memory_space<vmem>>
      %dma_wait3A_482 = tpu.memref_squeeze %dma_wait3A_481 : memref<1x1x1x128xi32, #tpu.memory_space<vmem>> -> memref<128xi32, #tpu.memory_space<vmem>>
      %dma_wait3A_483 = arith.constant 0 : i32
      %dma_wait3A_484 = arith.constant 0 : i32
      %dma_wait3A_485 = tpu.memref_slice %arg10[%dma_wait3A_483, %dma_wait3A_484] : memref<50000x16xf32, #tpu.memory_space<vmem_shared>> -> memref<50000x16xf32, #tpu.memory_space<vmem_shared>>
      tpu.wait_indirect_dma semaphore(%arg13 : memref<!tpu.dma_semaphore, #tpu.memory_space<semaphore_mem>>) src(%dma_wait3A_479 : memref<128x16xf32, #tpu.memory_space<vmem>>) dst(%dma_wait3A_485 : memref<50000x16xf32, #tpu.memory_space<vmem_shared>>)
      %dma_wait3A_486 = arith.constant 0 : i32
      %dma_wait3A_487 = arith.constant 7 : i32
      %dma_wait3A_488 = arith.constant 896 : i32
      %dma_wait3A_489 = arith.constant 0 : i32
      %dma_wait3A_490 = tpu.memref_slice %arg6[%rem3A_99, %dma_wait3A_488, %dma_wait3A_489] : memref<2x1024x16xf32, #tpu.memory_space<vmem>> -> memref<1x128x16xf32, #tpu.memory_space<vmem>>
      %dma_wait3A_491 = tpu.memref_squeeze %dma_wait3A_490 : memref<1x128x16xf32, #tpu.memory_space<vmem>> -> memref<128x16xf32, #tpu.memory_space<vmem>>
      %dma_wait3A_492 = arith.constant 0 : i32
      %dma_wait3A_493 = tpu.memref_slice %arg8[%dma_wait3A_486, %rem3A_99, %dma_wait3A_487, %dma_wait3A_492] : memref<2x2x8x128xi32, #tpu.memory_space<vmem>> -> memref<1x1x1x128xi32, #tpu.memory_space<vmem>>
      %dma_wait3A_494 = tpu.memref_squeeze %dma_wait3A_493 : memref<1x1x1x128xi32, #tpu.memory_space<vmem>> -> memref<128xi32, #tpu.memory_space<vmem>>
      %dma_wait3A_495 = arith.constant 0 : i32
      %dma_wait3A_496 = arith.constant 0 : i32
      %dma_wait3A_497 = tpu.memref_slice %arg10[%dma_wait3A_495, %dma_wait3A_496] : memref<50000x16xf32, #tpu.memory_space<vmem_shared>> -> memref<50000x16xf32, #tpu.memory_space<vmem_shared>>
      tpu.wait_indirect_dma semaphore(%arg13 : memref<!tpu.dma_semaphore, #tpu.memory_space<semaphore_mem>>) src(%dma_wait3A_491 : memref<128x16xf32, #tpu.memory_space<vmem>>) dst(%dma_wait3A_497 : memref<50000x16xf32, #tpu.memory_space<vmem_shared>>)
      %dma_wait3A_498 = arith.constant 1 : i32
      %dma_wait3A_499 = arith.constant 7 : i32
      %dma_wait3A_500 = arith.constant 896 : i32
      %dma_wait3A_501 = arith.constant 0 : i32
      %dma_wait3A_502 = tpu.memref_slice %arg7[%rem3A_99, %dma_wait3A_500, %dma_wait3A_501] : memref<2x1024x16xf32, #tpu.memory_space<vmem>> -> memref<1x128x16xf32, #tpu.memory_space<vmem>>
      %dma_wait3A_503 = tpu.memref_squeeze %dma_wait3A_502 : memref<1x128x16xf32, #tpu.memory_space<vmem>> -> memref<128x16xf32, #tpu.memory_space<vmem>>
      %dma_wait3A_504 = arith.constant 0 : i32
      %dma_wait3A_505 = tpu.memref_slice %arg8[%dma_wait3A_498, %rem3A_99, %dma_wait3A_499, %dma_wait3A_504] : memref<2x2x8x128xi32, #tpu.memory_space<vmem>> -> memref<1x1x1x128xi32, #tpu.memory_space<vmem>>
      %dma_wait3A_506 = tpu.memref_squeeze %dma_wait3A_505 : memref<1x1x1x128xi32, #tpu.memory_space<vmem>> -> memref<128xi32, #tpu.memory_space<vmem>>
      %dma_wait3A_507 = arith.constant 0 : i32
      %dma_wait3A_508 = arith.constant 0 : i32
      %dma_wait3A_509 = tpu.memref_slice %arg10[%dma_wait3A_507, %dma_wait3A_508] : memref<50000x16xf32, #tpu.memory_space<vmem_shared>> -> memref<50000x16xf32, #tpu.memory_space<vmem_shared>>
      tpu.wait_indirect_dma semaphore(%arg13 : memref<!tpu.dma_semaphore, #tpu.memory_space<semaphore_mem>>) src(%dma_wait3A_503 : memref<128x16xf32, #tpu.memory_space<vmem>>) dst(%dma_wait3A_509 : memref<50000x16xf32, #tpu.memory_space<vmem_shared>>)
    }
    %eq3A = arith.constant 0 : i32
    %eq3A_81 = arith.cmpi eq, %add3A, %eq3A : i32
    %convert_element_type3A_82 = arith.extui %eq3A_81 : i1 to i32
    %cond3A_83 = arith.constant 0 : i32
    %cond3A_84 = arith.cmpi ne, %convert_element_type3A_82, %cond3A_83 : i32
    scf.if %cond3A_84 {
      %run_scoped3A = arith.constant 0 : i32
      "tpu.region"() ({
        %run_scoped3A_135 = tpu.sem_alloc : memref<!tpu.dma_semaphore, #tpu.memory_space<semaphore_mem>>
        %dma_start3A = arith.constant 0 : i32
        %dma_start3A_136 = arith.constant 0 : i32
        %dma_start3A_137 = tpu.memref_slice %arg6[%run_scoped3A, %dma_start3A, %dma_start3A_136] : memref<2x1024x16xf32, #tpu.memory_space<vmem>> -> memref<1x512x16xf32, #tpu.memory_space<vmem>>
        %dma_start3A_138 = tpu.memref_squeeze %dma_start3A_137 : memref<1x512x16xf32, #tpu.memory_space<vmem>> -> memref<512x16xf32, #tpu.memory_space<vmem>>
        %dma_start3A_139 = arith.constant 1599488 : i32
        %dma_start3A_140 = arith.constant 0 : i32
        %dma_start3A_141 = tpu.memref_slice %arg2[%dma_start3A_139, %dma_start3A_140] : memref<1600000x32xf32, #tpu.memory_space<hbm>> -> memref<512x16xf32, #tpu.memory_space<hbm>>
        %dma_start3A_142 = arith.constant 0 : i32
        %dma_start3A_143 = arith.constant 0 : i32
        %dma_start3A_144 = tpu.memref_slice %arg6[%run_scoped3A, %dma_start3A_142, %dma_start3A_143] : memref<2x1024x16xf32, #tpu.memory_space<vmem>> -> memref<1x512x16xf32, #tpu.memory_space<vmem>>
        %dma_start3A_145 = tpu.memref_squeeze %dma_start3A_144 : memref<1x512x16xf32, #tpu.memory_space<vmem>> -> memref<512x16xf32, #tpu.memory_space<vmem>>
        %dma_start3A_146 = arith.constant 1599488 : i32
        %dma_start3A_147 = arith.constant 0 : i32
        %dma_start3A_148 = tpu.memref_slice %arg2[%dma_start3A_146, %dma_start3A_147] : memref<1600000x32xf32, #tpu.memory_space<hbm>> -> memref<512x16xf32, #tpu.memory_space<hbm>>
        tpu.enqueue_dma source(%dma_start3A_148 : memref<512x16xf32, #tpu.memory_space<hbm>>) target(%dma_start3A_145 : memref<512x16xf32, #tpu.memory_space<vmem>>) target_semaphore(%run_scoped3A_135 : memref<!tpu.dma_semaphore, #tpu.memory_space<semaphore_mem>>)
        %dma_wait3A = arith.constant 0 : i32
        %dma_wait3A_149 = arith.constant 0 : i32
        %dma_wait3A_150 = tpu.memref_slice %arg6[%run_scoped3A, %dma_wait3A, %dma_wait3A_149] : memref<2x1024x16xf32, #tpu.memory_space<vmem>> -> memref<1x512x16xf32, #tpu.memory_space<vmem>>
        %dma_wait3A_151 = tpu.memref_squeeze %dma_wait3A_150 : memref<1x512x16xf32, #tpu.memory_space<vmem>> -> memref<512x16xf32, #tpu.memory_space<vmem>>
        %dma_wait3A_152 = arith.constant 1599488 : i32
        %dma_wait3A_153 = arith.constant 0 : i32
        %dma_wait3A_154 = tpu.memref_slice %arg2[%dma_wait3A_152, %dma_wait3A_153] : memref<1600000x32xf32, #tpu.memory_space<hbm>> -> memref<512x16xf32, #tpu.memory_space<hbm>>
        %dma_wait3A_155 = arith.constant 0 : i32
        %dma_wait3A_156 = arith.constant 0 : i32
        %dma_wait3A_157 = tpu.memref_slice %arg6[%run_scoped3A, %dma_wait3A_155, %dma_wait3A_156] : memref<2x1024x16xf32, #tpu.memory_space<vmem>> -> memref<1x512x16xf32, #tpu.memory_space<vmem>>
        %dma_wait3A_158 = tpu.memref_squeeze %dma_wait3A_157 : memref<1x512x16xf32, #tpu.memory_space<vmem>> -> memref<512x16xf32, #tpu.memory_space<vmem>>
        %dma_wait3A_159 = arith.constant 1599488 : i32
        %dma_wait3A_160 = arith.constant 0 : i32
        %dma_wait3A_161 = tpu.memref_slice %arg2[%dma_wait3A_159, %dma_wait3A_160] : memref<1600000x32xf32, #tpu.memory_space<hbm>> -> memref<512x16xf32, #tpu.memory_space<hbm>>
        tpu.wait_dma2 semaphore(%run_scoped3A_135 : memref<!tpu.dma_semaphore, #tpu.memory_space<semaphore_mem>>) src(%dma_wait3A_161 : memref<512x16xf32, #tpu.memory_space<hbm>>) dst(%dma_wait3A_158 : memref<512x16xf32, #tpu.memory_space<vmem>>)
        tpu.yield
      }) : () -> ()
      %run_scoped3A_96 = arith.constant 0 : i32
      "tpu.region"() ({
        %run_scoped3A_135 = tpu.sem_alloc : memref<!tpu.dma_semaphore, #tpu.memory_space<semaphore_mem>>
        %dma_start3A = arith.constant 0 : i32
        %dma_start3A_136 = arith.constant 0 : i32
        %dma_start3A_137 = tpu.memref_slice %arg7[%run_scoped3A_96, %dma_start3A, %dma_start3A_136] : memref<2x1024x16xf32, #tpu.memory_space<vmem>> -> memref<1x512x16xf32, #tpu.memory_space<vmem>>
        %dma_start3A_138 = tpu.memref_squeeze %dma_start3A_137 : memref<1x512x16xf32, #tpu.memory_space<vmem>> -> memref<512x16xf32, #tpu.memory_space<vmem>>
        %dma_start3A_139 = arith.constant 1599488 : i32
        %dma_start3A_140 = arith.constant 16 : i32
        %dma_start3A_141 = tpu.memref_slice %arg2[%dma_start3A_139, %dma_start3A_140] : memref<1600000x32xf32, #tpu.memory_space<hbm>> -> memref<512x16xf32, #tpu.memory_space<hbm>>
        %dma_start3A_142 = arith.constant 0 : i32
        %dma_start3A_143 = arith.constant 0 : i32
        %dma_start3A_144 = tpu.memref_slice %arg7[%run_scoped3A_96, %dma_start3A_142, %dma_start3A_143] : memref<2x1024x16xf32, #tpu.memory_space<vmem>> -> memref<1x512x16xf32, #tpu.memory_space<vmem>>
        %dma_start3A_145 = tpu.memref_squeeze %dma_start3A_144 : memref<1x512x16xf32, #tpu.memory_space<vmem>> -> memref<512x16xf32, #tpu.memory_space<vmem>>
        %dma_start3A_146 = arith.constant 1599488 : i32
        %dma_start3A_147 = arith.constant 16 : i32
        %dma_start3A_148 = tpu.memref_slice %arg2[%dma_start3A_146, %dma_start3A_147] : memref<1600000x32xf32, #tpu.memory_space<hbm>> -> memref<512x16xf32, #tpu.memory_space<hbm>>
        tpu.enqueue_dma source(%dma_start3A_148 : memref<512x16xf32, #tpu.memory_space<hbm>>) target(%dma_start3A_145 : memref<512x16xf32, #tpu.memory_space<vmem>>) target_semaphore(%run_scoped3A_135 : memref<!tpu.dma_semaphore, #tpu.memory_space<semaphore_mem>>)
        %dma_wait3A = arith.constant 0 : i32
        %dma_wait3A_149 = arith.constant 0 : i32
        %dma_wait3A_150 = tpu.memref_slice %arg7[%run_scoped3A_96, %dma_wait3A, %dma_wait3A_149] : memref<2x1024x16xf32, #tpu.memory_space<vmem>> -> memref<1x512x16xf32, #tpu.memory_space<vmem>>
        %dma_wait3A_151 = tpu.memref_squeeze %dma_wait3A_150 : memref<1x512x16xf32, #tpu.memory_space<vmem>> -> memref<512x16xf32, #tpu.memory_space<vmem>>
        %dma_wait3A_152 = arith.constant 1599488 : i32
        %dma_wait3A_153 = arith.constant 16 : i32
        %dma_wait3A_154 = tpu.memref_slice %arg2[%dma_wait3A_152, %dma_wait3A_153] : memref<1600000x32xf32, #tpu.memory_space<hbm>> -> memref<512x16xf32, #tpu.memory_space<hbm>>
        %dma_wait3A_155 = arith.constant 0 : i32
        %dma_wait3A_156 = arith.constant 0 : i32
        %dma_wait3A_157 = tpu.memref_slice %arg7[%run_scoped3A_96, %dma_wait3A_155, %dma_wait3A_156] : memref<2x1024x16xf32, #tpu.memory_space<vmem>> -> memref<1x512x16xf32, #tpu.memory_space<vmem>>
        %dma_wait3A_158 = tpu.memref_squeeze %dma_wait3A_157 : memref<1x512x16xf32, #tpu.memory_space<vmem>> -> memref<512x16xf32, #tpu.memory_space<vmem>>
        %dma_wait3A_159 = arith.constant 1599488 : i32
        %dma_wait3A_160 = arith.constant 16 : i32
        %dma_wait3A_161 = tpu.memref_slice %arg2[%dma_wait3A_159, %dma_wait3A_160] : memref<1600000x32xf32, #tpu.memory_space<hbm>> -> memref<512x16xf32, #tpu.memory_space<hbm>>
        tpu.wait_dma2 semaphore(%run_scoped3A_135 : memref<!tpu.dma_semaphore, #tpu.memory_space<semaphore_mem>>) src(%dma_wait3A_161 : memref<512x16xf32, #tpu.memory_space<hbm>>) dst(%dma_wait3A_158 : memref<512x16xf32, #tpu.memory_space<vmem>>)
        tpu.yield
      }) : () -> ()
      %run_scoped3A_97 = arith.constant 0 : i32
      %run_scoped3A_98 = arith.constant 0 : i32
      %run_scoped3A_99 = arith.constant 0 : i32
      "tpu.region"() ({
        %run_scoped3A_135 = tpu.sem_alloc : memref<!tpu.dma_semaphore, #tpu.memory_space<semaphore_mem>>
        %dma_start3A = arith.constant 0 : i32
        %dma_start3A_136 = arith.constant 0 : i32
        %dma_start3A_137 = tpu.memref_slice %arg8[%run_scoped3A_98, %run_scoped3A_99, %dma_start3A, %dma_start3A_136] : memref<2x2x8x128xi32, #tpu.memory_space<vmem>> -> memref<1x1x4x128xi32, #tpu.memory_space<vmem>>
        %dma_start3A_138 = tpu.memref_squeeze %dma_start3A_137 : memref<1x1x4x128xi32, #tpu.memory_space<vmem>> -> memref<4x128xi32, #tpu.memory_space<vmem>>
        %dma_start3A_139 = arith.constant 12496 : i32
        %dma_start3A_140 = arith.constant 0 : i32
        %dma_start3A_141 = tpu.memref_slice %arg3[%run_scoped3A_97, %dma_start3A_139, %dma_start3A_140] : memref<2x12500x128xi32, #tpu.memory_space<hbm>> -> memref<1x4x128xi32, #tpu.memory_space<hbm>>
        %dma_start3A_142 = tpu.memref_squeeze %dma_start3A_141 : memref<1x4x128xi32, #tpu.memory_space<hbm>> -> memref<4x128xi32, #tpu.memory_space<hbm>>
        %dma_start3A_143 = arith.constant 0 : i32
        %dma_start3A_144 = arith.constant 0 : i32
        %dma_start3A_145 = tpu.memref_slice %arg8[%run_scoped3A_98, %run_scoped3A_99, %dma_start3A_143, %dma_start3A_144] : memref<2x2x8x128xi32, #tpu.memory_space<vmem>> -> memref<1x1x4x128xi32, #tpu.memory_space<vmem>>
        %dma_start3A_146 = tpu.memref_squeeze %dma_start3A_145 : memref<1x1x4x128xi32, #tpu.memory_space<vmem>> -> memref<4x128xi32, #tpu.memory_space<vmem>>
        %dma_start3A_147 = arith.constant 12496 : i32
        %dma_start3A_148 = arith.constant 0 : i32
        %dma_start3A_149 = tpu.memref_slice %arg3[%run_scoped3A_97, %dma_start3A_147, %dma_start3A_148] : memref<2x12500x128xi32, #tpu.memory_space<hbm>> -> memref<1x4x128xi32, #tpu.memory_space<hbm>>
        %dma_start3A_150 = tpu.memref_squeeze %dma_start3A_149 : memref<1x4x128xi32, #tpu.memory_space<hbm>> -> memref<4x128xi32, #tpu.memory_space<hbm>>
        tpu.enqueue_dma source(%dma_start3A_150 : memref<4x128xi32, #tpu.memory_space<hbm>>) target(%dma_start3A_146 : memref<4x128xi32, #tpu.memory_space<vmem>>) target_semaphore(%run_scoped3A_135 : memref<!tpu.dma_semaphore, #tpu.memory_space<semaphore_mem>>)
        %dma_wait3A = arith.constant 0 : i32
        %dma_wait3A_151 = arith.constant 0 : i32
        %dma_wait3A_152 = tpu.memref_slice %arg8[%run_scoped3A_98, %run_scoped3A_99, %dma_wait3A, %dma_wait3A_151] : memref<2x2x8x128xi32, #tpu.memory_space<vmem>> -> memref<1x1x4x128xi32, #tpu.memory_space<vmem>>
        %dma_wait3A_153 = tpu.memref_squeeze %dma_wait3A_152 : memref<1x1x4x128xi32, #tpu.memory_space<vmem>> -> memref<4x128xi32, #tpu.memory_space<vmem>>
        %dma_wait3A_154 = arith.constant 12496 : i32
        %dma_wait3A_155 = arith.constant 0 : i32
        %dma_wait3A_156 = tpu.memref_slice %arg3[%run_scoped3A_97, %dma_wait3A_154, %dma_wait3A_155] : memref<2x12500x128xi32, #tpu.memory_space<hbm>> -> memref<1x4x128xi32, #tpu.memory_space<hbm>>
        %dma_wait3A_157 = tpu.memref_squeeze %dma_wait3A_156 : memref<1x4x128xi32, #tpu.memory_space<hbm>> -> memref<4x128xi32, #tpu.memory_space<hbm>>
        %dma_wait3A_158 = arith.constant 0 : i32
        %dma_wait3A_159 = arith.constant 0 : i32
        %dma_wait3A_160 = tpu.memref_slice %arg8[%run_scoped3A_98, %run_scoped3A_99, %dma_wait3A_158, %dma_wait3A_159] : memref<2x2x8x128xi32, #tpu.memory_space<vmem>> -> memref<1x1x4x128xi32, #tpu.memory_space<vmem>>
        %dma_wait3A_161 = tpu.memref_squeeze %dma_wait3A_160 : memref<1x1x4x128xi32, #tpu.memory_space<vmem>> -> memref<4x128xi32, #tpu.memory_space<vmem>>
        %dma_wait3A_162 = arith.constant 12496 : i32
        %dma_wait3A_163 = arith.constant 0 : i32
        %dma_wait3A_164 = tpu.memref_slice %arg3[%run_scoped3A_97, %dma_wait3A_162, %dma_wait3A_163] : memref<2x12500x128xi32, #tpu.memory_space<hbm>> -> memref<1x4x128xi32, #tpu.memory_space<hbm>>
        %dma_wait3A_165 = tpu.memref_squeeze %dma_wait3A_164 : memref<1x4x128xi32, #tpu.memory_space<hbm>> -> memref<4x128xi32, #tpu.memory_space<hbm>>
        tpu.wait_dma2 semaphore(%run_scoped3A_135 : memref<!tpu.dma_semaphore, #tpu.memory_space<semaphore_mem>>) src(%dma_wait3A_165 : memref<4x128xi32, #tpu.memory_space<hbm>>) dst(%dma_wait3A_161 : memref<4x128xi32, #tpu.memory_space<vmem>>)
        tpu.yield
      }) : () -> ()
      %run_scoped3A_100 = arith.constant 1 : i32
      %run_scoped3A_101 = arith.constant 1 : i32
      %run_scoped3A_102 = arith.constant 0 : i32
      "tpu.region"() ({
        %run_scoped3A_135 = tpu.sem_alloc : memref<!tpu.dma_semaphore, #tpu.memory_space<semaphore_mem>>
        %dma_start3A = arith.constant 0 : i32
        %dma_start3A_136 = arith.constant 0 : i32
        %dma_start3A_137 = tpu.memref_slice %arg8[%run_scoped3A_101, %run_scoped3A_102, %dma_start3A, %dma_start3A_136] : memref<2x2x8x128xi32, #tpu.memory_space<vmem>> -> memref<1x1x4x128xi32, #tpu.memory_space<vmem>>
        %dma_start3A_138 = tpu.memref_squeeze %dma_start3A_137 : memref<1x1x4x128xi32, #tpu.memory_space<vmem>> -> memref<4x128xi32, #tpu.memory_space<vmem>>
        %dma_start3A_139 = arith.constant 12496 : i32
        %dma_start3A_140 = arith.constant 0 : i32
        %dma_start3A_141 = tpu.memref_slice %arg3[%run_scoped3A_100, %dma_start3A_139, %dma_start3A_140] : memref<2x12500x128xi32, #tpu.memory_space<hbm>> -> memref<1x4x128xi32, #tpu.memory_space<hbm>>
        %dma_start3A_142 = tpu.memref_squeeze %dma_start3A_141 : memref<1x4x128xi32, #tpu.memory_space<hbm>> -> memref<4x128xi32, #tpu.memory_space<hbm>>
        %dma_start3A_143 = arith.constant 0 : i32
        %dma_start3A_144 = arith.constant 0 : i32
        %dma_start3A_145 = tpu.memref_slice %arg8[%run_scoped3A_101, %run_scoped3A_102, %dma_start3A_143, %dma_start3A_144] : memref<2x2x8x128xi32, #tpu.memory_space<vmem>> -> memref<1x1x4x128xi32, #tpu.memory_space<vmem>>
        %dma_start3A_146 = tpu.memref_squeeze %dma_start3A_145 : memref<1x1x4x128xi32, #tpu.memory_space<vmem>> -> memref<4x128xi32, #tpu.memory_space<vmem>>
        %dma_start3A_147 = arith.constant 12496 : i32
        %dma_start3A_148 = arith.constant 0 : i32
        %dma_start3A_149 = tpu.memref_slice %arg3[%run_scoped3A_100, %dma_start3A_147, %dma_start3A_148] : memref<2x12500x128xi32, #tpu.memory_space<hbm>> -> memref<1x4x128xi32, #tpu.memory_space<hbm>>
        %dma_start3A_150 = tpu.memref_squeeze %dma_start3A_149 : memref<1x4x128xi32, #tpu.memory_space<hbm>> -> memref<4x128xi32, #tpu.memory_space<hbm>>
        tpu.enqueue_dma source(%dma_start3A_150 : memref<4x128xi32, #tpu.memory_space<hbm>>) target(%dma_start3A_146 : memref<4x128xi32, #tpu.memory_space<vmem>>) target_semaphore(%run_scoped3A_135 : memref<!tpu.dma_semaphore, #tpu.memory_space<semaphore_mem>>)
        %dma_wait3A = arith.constant 0 : i32
        %dma_wait3A_151 = arith.constant 0 : i32
        %dma_wait3A_152 = tpu.memref_slice %arg8[%run_scoped3A_101, %run_scoped3A_102, %dma_wait3A, %dma_wait3A_151] : memref<2x2x8x128xi32, #tpu.memory_space<vmem>> -> memref<1x1x4x128xi32, #tpu.memory_space<vmem>>
        %dma_wait3A_153 = tpu.memref_squeeze %dma_wait3A_152 : memref<1x1x4x128xi32, #tpu.memory_space<vmem>> -> memref<4x128xi32, #tpu.memory_space<vmem>>
        %dma_wait3A_154 = arith.constant 12496 : i32
        %dma_wait3A_155 = arith.constant 0 : i32
        %dma_wait3A_156 = tpu.memref_slice %arg3[%run_scoped3A_100, %dma_wait3A_154, %dma_wait3A_155] : memref<2x12500x128xi32, #tpu.memory_space<hbm>> -> memref<1x4x128xi32, #tpu.memory_space<hbm>>
        %dma_wait3A_157 = tpu.memref_squeeze %dma_wait3A_156 : memref<1x4x128xi32, #tpu.memory_space<hbm>> -> memref<4x128xi32, #tpu.memory_space<hbm>>
        %dma_wait3A_158 = arith.constant 0 : i32
        %dma_wait3A_159 = arith.constant 0 : i32
        %dma_wait3A_160 = tpu.memref_slice %arg8[%run_scoped3A_101, %run_scoped3A_102, %dma_wait3A_158, %dma_wait3A_159] : memref<2x2x8x128xi32, #tpu.memory_space<vmem>> -> memref<1x1x4x128xi32, #tpu.memory_space<vmem>>
        %dma_wait3A_161 = tpu.memref_squeeze %dma_wait3A_160 : memref<1x1x4x128xi32, #tpu.memory_space<vmem>> -> memref<4x128xi32, #tpu.memory_space<vmem>>
        %dma_wait3A_162 = arith.constant 12496 : i32
        %dma_wait3A_163 = arith.constant 0 : i32
        %dma_wait3A_164 = tpu.memref_slice %arg3[%run_scoped3A_100, %dma_wait3A_162, %dma_wait3A_163] : memref<2x12500x128xi32, #tpu.memory_space<hbm>> -> memref<1x4x128xi32, #tpu.memory_space<hbm>>
        %dma_wait3A_165 = tpu.memref_squeeze %dma_wait3A_164 : memref<1x4x128xi32, #tpu.memory_space<hbm>> -> memref<4x128xi32, #tpu.memory_space<hbm>>
        tpu.wait_dma2 semaphore(%run_scoped3A_135 : memref<!tpu.dma_semaphore, #tpu.memory_space<semaphore_mem>>) src(%dma_wait3A_165 : memref<4x128xi32, #tpu.memory_space<hbm>>) dst(%dma_wait3A_161 : memref<4x128xi32, #tpu.memory_space<vmem>>)
        tpu.yield
      }) : () -> ()
      %run_scoped3A_103 = arith.constant 0 : i32
      %run_scoped3A_104 = arith.constant 0 : i32
      %run_scoped3A_105 = arith.constant 0 : i32
      %run_scoped3A_106 = arith.constant 0 : i32
      "tpu.region"() ({
        %run_scoped3A_135 = tpu.sem_alloc : memref<!tpu.dma_semaphore, #tpu.memory_space<semaphore_mem>>
        %dma_start3A = arith.constant 0 : i32
        %dma_start3A_136 = arith.constant 0 : i32
        %dma_start3A_137 = tpu.memref_slice %arg6[%run_scoped3A_103, %dma_start3A, %dma_start3A_136] : memref<2x1024x16xf32, #tpu.memory_space<vmem>> -> memref<1x128x16xf32, #tpu.memory_space<vmem>>
        %dma_start3A_138 = tpu.memref_squeeze %dma_start3A_137 : memref<1x128x16xf32, #tpu.memory_space<vmem>> -> memref<128x16xf32, #tpu.memory_space<vmem>>
        %dma_start3A_139 = arith.constant 0 : i32
        %dma_start3A_140 = tpu.memref_slice %arg8[%run_scoped3A_104, %run_scoped3A_105, %run_scoped3A_106, %dma_start3A_139] : memref<2x2x8x128xi32, #tpu.memory_space<vmem>> -> memref<1x1x1x128xi32, #tpu.memory_space<vmem>>
        %dma_start3A_141 = tpu.memref_squeeze %dma_start3A_140 : memref<1x1x1x128xi32, #tpu.memory_space<vmem>> -> memref<128xi32, #tpu.memory_space<vmem>>
        %dma_start3A_142 = arith.constant 0 : i32
        %dma_start3A_143 = arith.constant 0 : i32
        %dma_start3A_144 = tpu.memref_slice %arg10[%dma_start3A_142, %dma_start3A_143] : memref<50000x16xf32, #tpu.memory_space<vmem_shared>> -> memref<50000x16xf32, #tpu.memory_space<vmem_shared>>
        tpu.enqueue_indirect_dma source(%dma_start3A_138 : memref<128x16xf32, #tpu.memory_space<vmem>>) target(%dma_start3A_144 : memref<50000x16xf32, #tpu.memory_space<vmem_shared>>) offsets(%dma_start3A_141 : memref<128xi32, #tpu.memory_space<vmem>>) semaphore(%run_scoped3A_135 : memref<!tpu.dma_semaphore, #tpu.memory_space<semaphore_mem>>) {add = true}
        %dma_wait3A = arith.constant 0 : i32
        %dma_wait3A_145 = arith.constant 0 : i32
        %dma_wait3A_146 = tpu.memref_slice %arg6[%run_scoped3A_103, %dma_wait3A, %dma_wait3A_145] : memref<2x1024x16xf32, #tpu.memory_space<vmem>> -> memref<1x128x16xf32, #tpu.memory_space<vmem>>
        %dma_wait3A_147 = tpu.memref_squeeze %dma_wait3A_146 : memref<1x128x16xf32, #tpu.memory_space<vmem>> -> memref<128x16xf32, #tpu.memory_space<vmem>>
        %dma_wait3A_148 = arith.constant 0 : i32
        %dma_wait3A_149 = tpu.memref_slice %arg8[%run_scoped3A_104, %run_scoped3A_105, %run_scoped3A_106, %dma_wait3A_148] : memref<2x2x8x128xi32, #tpu.memory_space<vmem>> -> memref<1x1x1x128xi32, #tpu.memory_space<vmem>>
        %dma_wait3A_150 = tpu.memref_squeeze %dma_wait3A_149 : memref<1x1x1x128xi32, #tpu.memory_space<vmem>> -> memref<128xi32, #tpu.memory_space<vmem>>
        %dma_wait3A_151 = arith.constant 0 : i32
        %dma_wait3A_152 = arith.constant 0 : i32
        %dma_wait3A_153 = tpu.memref_slice %arg10[%dma_wait3A_151, %dma_wait3A_152] : memref<50000x16xf32, #tpu.memory_space<vmem_shared>> -> memref<50000x16xf32, #tpu.memory_space<vmem_shared>>
        tpu.wait_indirect_dma semaphore(%run_scoped3A_135 : memref<!tpu.dma_semaphore, #tpu.memory_space<semaphore_mem>>) src(%dma_wait3A_147 : memref<128x16xf32, #tpu.memory_space<vmem>>) dst(%dma_wait3A_153 : memref<50000x16xf32, #tpu.memory_space<vmem_shared>>)
        tpu.yield
      }) : () -> ()
      %run_scoped3A_107 = arith.constant 0 : i32
      %run_scoped3A_108 = arith.constant 1 : i32
      %run_scoped3A_109 = arith.constant 0 : i32
      %run_scoped3A_110 = arith.constant 0 : i32
      "tpu.region"() ({
        %run_scoped3A_135 = tpu.sem_alloc : memref<!tpu.dma_semaphore, #tpu.memory_space<semaphore_mem>>
        %dma_start3A = arith.constant 0 : i32
        %dma_start3A_136 = arith.constant 0 : i32
        %dma_start3A_137 = tpu.memref_slice %arg7[%run_scoped3A_107, %dma_start3A, %dma_start3A_136] : memref<2x1024x16xf32, #tpu.memory_space<vmem>> -> memref<1x128x16xf32, #tpu.memory_space<vmem>>
        %dma_start3A_138 = tpu.memref_squeeze %dma_start3A_137 : memref<1x128x16xf32, #tpu.memory_space<vmem>> -> memref<128x16xf32, #tpu.memory_space<vmem>>
        %dma_start3A_139 = arith.constant 0 : i32
        %dma_start3A_140 = tpu.memref_slice %arg8[%run_scoped3A_108, %run_scoped3A_109, %run_scoped3A_110, %dma_start3A_139] : memref<2x2x8x128xi32, #tpu.memory_space<vmem>> -> memref<1x1x1x128xi32, #tpu.memory_space<vmem>>
        %dma_start3A_141 = tpu.memref_squeeze %dma_start3A_140 : memref<1x1x1x128xi32, #tpu.memory_space<vmem>> -> memref<128xi32, #tpu.memory_space<vmem>>
        %dma_start3A_142 = arith.constant 0 : i32
        %dma_start3A_143 = arith.constant 0 : i32
        %dma_start3A_144 = tpu.memref_slice %arg10[%dma_start3A_142, %dma_start3A_143] : memref<50000x16xf32, #tpu.memory_space<vmem_shared>> -> memref<50000x16xf32, #tpu.memory_space<vmem_shared>>
        tpu.enqueue_indirect_dma source(%dma_start3A_138 : memref<128x16xf32, #tpu.memory_space<vmem>>) target(%dma_start3A_144 : memref<50000x16xf32, #tpu.memory_space<vmem_shared>>) offsets(%dma_start3A_141 : memref<128xi32, #tpu.memory_space<vmem>>) semaphore(%run_scoped3A_135 : memref<!tpu.dma_semaphore, #tpu.memory_space<semaphore_mem>>) {add = true}
        %dma_wait3A = arith.constant 0 : i32
        %dma_wait3A_145 = arith.constant 0 : i32
        %dma_wait3A_146 = tpu.memref_slice %arg7[%run_scoped3A_107, %dma_wait3A, %dma_wait3A_145] : memref<2x1024x16xf32, #tpu.memory_space<vmem>> -> memref<1x128x16xf32, #tpu.memory_space<vmem>>
        %dma_wait3A_147 = tpu.memref_squeeze %dma_wait3A_146 : memref<1x128x16xf32, #tpu.memory_space<vmem>> -> memref<128x16xf32, #tpu.memory_space<vmem>>
        %dma_wait3A_148 = arith.constant 0 : i32
        %dma_wait3A_149 = tpu.memref_slice %arg8[%run_scoped3A_108, %run_scoped3A_109, %run_scoped3A_110, %dma_wait3A_148] : memref<2x2x8x128xi32, #tpu.memory_space<vmem>> -> memref<1x1x1x128xi32, #tpu.memory_space<vmem>>
        %dma_wait3A_150 = tpu.memref_squeeze %dma_wait3A_149 : memref<1x1x1x128xi32, #tpu.memory_space<vmem>> -> memref<128xi32, #tpu.memory_space<vmem>>
        %dma_wait3A_151 = arith.constant 0 : i32
        %dma_wait3A_152 = arith.constant 0 : i32
        %dma_wait3A_153 = tpu.memref_slice %arg10[%dma_wait3A_151, %dma_wait3A_152] : memref<50000x16xf32, #tpu.memory_space<vmem_shared>> -> memref<50000x16xf32, #tpu.memory_space<vmem_shared>>
        tpu.wait_indirect_dma semaphore(%run_scoped3A_135 : memref<!tpu.dma_semaphore, #tpu.memory_space<semaphore_mem>>) src(%dma_wait3A_147 : memref<128x16xf32, #tpu.memory_space<vmem>>) dst(%dma_wait3A_153 : memref<50000x16xf32, #tpu.memory_space<vmem_shared>>)
        tpu.yield
      }) : () -> ()
      %run_scoped3A_111 = arith.constant 0 : i32
      %run_scoped3A_112 = arith.constant 0 : i32
      %run_scoped3A_113 = arith.constant 0 : i32
      %run_scoped3A_114 = arith.constant 1 : i32
      "tpu.region"() ({
        %run_scoped3A_135 = tpu.sem_alloc : memref<!tpu.dma_semaphore, #tpu.memory_space<semaphore_mem>>
        %dma_start3A = arith.constant 128 : i32
        %dma_start3A_136 = arith.constant 0 : i32
        %dma_start3A_137 = tpu.memref_slice %arg6[%run_scoped3A_111, %dma_start3A, %dma_start3A_136] : memref<2x1024x16xf32, #tpu.memory_space<vmem>> -> memref<1x128x16xf32, #tpu.memory_space<vmem>>
        %dma_start3A_138 = tpu.memref_squeeze %dma_start3A_137 : memref<1x128x16xf32, #tpu.memory_space<vmem>> -> memref<128x16xf32, #tpu.memory_space<vmem>>
        %dma_start3A_139 = arith.constant 0 : i32
        %dma_start3A_140 = tpu.memref_slice %arg8[%run_scoped3A_112, %run_scoped3A_113, %run_scoped3A_114, %dma_start3A_139] : memref<2x2x8x128xi32, #tpu.memory_space<vmem>> -> memref<1x1x1x128xi32, #tpu.memory_space<vmem>>
        %dma_start3A_141 = tpu.memref_squeeze %dma_start3A_140 : memref<1x1x1x128xi32, #tpu.memory_space<vmem>> -> memref<128xi32, #tpu.memory_space<vmem>>
        %dma_start3A_142 = arith.constant 0 : i32
        %dma_start3A_143 = arith.constant 0 : i32
        %dma_start3A_144 = tpu.memref_slice %arg10[%dma_start3A_142, %dma_start3A_143] : memref<50000x16xf32, #tpu.memory_space<vmem_shared>> -> memref<50000x16xf32, #tpu.memory_space<vmem_shared>>
        tpu.enqueue_indirect_dma source(%dma_start3A_138 : memref<128x16xf32, #tpu.memory_space<vmem>>) target(%dma_start3A_144 : memref<50000x16xf32, #tpu.memory_space<vmem_shared>>) offsets(%dma_start3A_141 : memref<128xi32, #tpu.memory_space<vmem>>) semaphore(%run_scoped3A_135 : memref<!tpu.dma_semaphore, #tpu.memory_space<semaphore_mem>>) {add = true}
        %dma_wait3A = arith.constant 128 : i32
        %dma_wait3A_145 = arith.constant 0 : i32
        %dma_wait3A_146 = tpu.memref_slice %arg6[%run_scoped3A_111, %dma_wait3A, %dma_wait3A_145] : memref<2x1024x16xf32, #tpu.memory_space<vmem>> -> memref<1x128x16xf32, #tpu.memory_space<vmem>>
        %dma_wait3A_147 = tpu.memref_squeeze %dma_wait3A_146 : memref<1x128x16xf32, #tpu.memory_space<vmem>> -> memref<128x16xf32, #tpu.memory_space<vmem>>
        %dma_wait3A_148 = arith.constant 0 : i32
        %dma_wait3A_149 = tpu.memref_slice %arg8[%run_scoped3A_112, %run_scoped3A_113, %run_scoped3A_114, %dma_wait3A_148] : memref<2x2x8x128xi32, #tpu.memory_space<vmem>> -> memref<1x1x1x128xi32, #tpu.memory_space<vmem>>
        %dma_wait3A_150 = tpu.memref_squeeze %dma_wait3A_149 : memref<1x1x1x128xi32, #tpu.memory_space<vmem>> -> memref<128xi32, #tpu.memory_space<vmem>>
        %dma_wait3A_151 = arith.constant 0 : i32
        %dma_wait3A_152 = arith.constant 0 : i32
        %dma_wait3A_153 = tpu.memref_slice %arg10[%dma_wait3A_151, %dma_wait3A_152] : memref<50000x16xf32, #tpu.memory_space<vmem_shared>> -> memref<50000x16xf32, #tpu.memory_space<vmem_shared>>
        tpu.wait_indirect_dma semaphore(%run_scoped3A_135 : memref<!tpu.dma_semaphore, #tpu.memory_space<semaphore_mem>>) src(%dma_wait3A_147 : memref<128x16xf32, #tpu.memory_space<vmem>>) dst(%dma_wait3A_153 : memref<50000x16xf32, #tpu.memory_space<vmem_shared>>)
        tpu.yield
      }) : () -> ()
      %run_scoped3A_115 = arith.constant 0 : i32
      %run_scoped3A_116 = arith.constant 1 : i32
      %run_scoped3A_117 = arith.constant 0 : i32
      %run_scoped3A_118 = arith.constant 1 : i32
      "tpu.region"() ({
        %run_scoped3A_135 = tpu.sem_alloc : memref<!tpu.dma_semaphore, #tpu.memory_space<semaphore_mem>>
        %dma_start3A = arith.constant 128 : i32
        %dma_start3A_136 = arith.constant 0 : i32
        %dma_start3A_137 = tpu.memref_slice %arg7[%run_scoped3A_115, %dma_start3A, %dma_start3A_136] : memref<2x1024x16xf32, #tpu.memory_space<vmem>> -> memref<1x128x16xf32, #tpu.memory_space<vmem>>
        %dma_start3A_138 = tpu.memref_squeeze %dma_start3A_137 : memref<1x128x16xf32, #tpu.memory_space<vmem>> -> memref<128x16xf32, #tpu.memory_space<vmem>>
        %dma_start3A_139 = arith.constant 0 : i32
        %dma_start3A_140 = tpu.memref_slice %arg8[%run_scoped3A_116, %run_scoped3A_117, %run_scoped3A_118, %dma_start3A_139] : memref<2x2x8x128xi32, #tpu.memory_space<vmem>> -> memref<1x1x1x128xi32, #tpu.memory_space<vmem>>
        %dma_start3A_141 = tpu.memref_squeeze %dma_start3A_140 : memref<1x1x1x128xi32, #tpu.memory_space<vmem>> -> memref<128xi32, #tpu.memory_space<vmem>>
        %dma_start3A_142 = arith.constant 0 : i32
        %dma_start3A_143 = arith.constant 0 : i32
        %dma_start3A_144 = tpu.memref_slice %arg10[%dma_start3A_142, %dma_start3A_143] : memref<50000x16xf32, #tpu.memory_space<vmem_shared>> -> memref<50000x16xf32, #tpu.memory_space<vmem_shared>>
        tpu.enqueue_indirect_dma source(%dma_start3A_138 : memref<128x16xf32, #tpu.memory_space<vmem>>) target(%dma_start3A_144 : memref<50000x16xf32, #tpu.memory_space<vmem_shared>>) offsets(%dma_start3A_141 : memref<128xi32, #tpu.memory_space<vmem>>) semaphore(%run_scoped3A_135 : memref<!tpu.dma_semaphore, #tpu.memory_space<semaphore_mem>>) {add = true}
        %dma_wait3A = arith.constant 128 : i32
        %dma_wait3A_145 = arith.constant 0 : i32
        %dma_wait3A_146 = tpu.memref_slice %arg7[%run_scoped3A_115, %dma_wait3A, %dma_wait3A_145] : memref<2x1024x16xf32, #tpu.memory_space<vmem>> -> memref<1x128x16xf32, #tpu.memory_space<vmem>>
        %dma_wait3A_147 = tpu.memref_squeeze %dma_wait3A_146 : memref<1x128x16xf32, #tpu.memory_space<vmem>> -> memref<128x16xf32, #tpu.memory_space<vmem>>
        %dma_wait3A_148 = arith.constant 0 : i32
        %dma_wait3A_149 = tpu.memref_slice %arg8[%run_scoped3A_116, %run_scoped3A_117, %run_scoped3A_118, %dma_wait3A_148] : memref<2x2x8x128xi32, #tpu.memory_space<vmem>> -> memref<1x1x1x128xi32, #tpu.memory_space<vmem>>
        %dma_wait3A_150 = tpu.memref_squeeze %dma_wait3A_149 : memref<1x1x1x128xi32, #tpu.memory_space<vmem>> -> memref<128xi32, #tpu.memory_space<vmem>>
        %dma_wait3A_151 = arith.constant 0 : i32
        %dma_wait3A_152 = arith.constant 0 : i32
        %dma_wait3A_153 = tpu.memref_slice %arg10[%dma_wait3A_151, %dma_wait3A_152] : memref<50000x16xf32, #tpu.memory_space<vmem_shared>> -> memref<50000x16xf32, #tpu.memory_space<vmem_shared>>
        tpu.wait_indirect_dma semaphore(%run_scoped3A_135 : memref<!tpu.dma_semaphore, #tpu.memory_space<semaphore_mem>>) src(%dma_wait3A_147 : memref<128x16xf32, #tpu.memory_space<vmem>>) dst(%dma_wait3A_153 : memref<50000x16xf32, #tpu.memory_space<vmem_shared>>)
        tpu.yield
      }) : () -> ()
      %run_scoped3A_119 = arith.constant 0 : i32
      %run_scoped3A_120 = arith.constant 0 : i32
      %run_scoped3A_121 = arith.constant 0 : i32
      %run_scoped3A_122 = arith.constant 2 : i32
      "tpu.region"() ({
        %run_scoped3A_135 = tpu.sem_alloc : memref<!tpu.dma_semaphore, #tpu.memory_space<semaphore_mem>>
        %dma_start3A = arith.constant 256 : i32
        %dma_start3A_136 = arith.constant 0 : i32
        %dma_start3A_137 = tpu.memref_slice %arg6[%run_scoped3A_119, %dma_start3A, %dma_start3A_136] : memref<2x1024x16xf32, #tpu.memory_space<vmem>> -> memref<1x128x16xf32, #tpu.memory_space<vmem>>
        %dma_start3A_138 = tpu.memref_squeeze %dma_start3A_137 : memref<1x128x16xf32, #tpu.memory_space<vmem>> -> memref<128x16xf32, #tpu.memory_space<vmem>>
        %dma_start3A_139 = arith.constant 0 : i32
        %dma_start3A_140 = tpu.memref_slice %arg8[%run_scoped3A_120, %run_scoped3A_121, %run_scoped3A_122, %dma_start3A_139] : memref<2x2x8x128xi32, #tpu.memory_space<vmem>> -> memref<1x1x1x128xi32, #tpu.memory_space<vmem>>
        %dma_start3A_141 = tpu.memref_squeeze %dma_start3A_140 : memref<1x1x1x128xi32, #tpu.memory_space<vmem>> -> memref<128xi32, #tpu.memory_space<vmem>>
        %dma_start3A_142 = arith.constant 0 : i32
        %dma_start3A_143 = arith.constant 0 : i32
        %dma_start3A_144 = tpu.memref_slice %arg10[%dma_start3A_142, %dma_start3A_143] : memref<50000x16xf32, #tpu.memory_space<vmem_shared>> -> memref<50000x16xf32, #tpu.memory_space<vmem_shared>>
        tpu.enqueue_indirect_dma source(%dma_start3A_138 : memref<128x16xf32, #tpu.memory_space<vmem>>) target(%dma_start3A_144 : memref<50000x16xf32, #tpu.memory_space<vmem_shared>>) offsets(%dma_start3A_141 : memref<128xi32, #tpu.memory_space<vmem>>) semaphore(%run_scoped3A_135 : memref<!tpu.dma_semaphore, #tpu.memory_space<semaphore_mem>>) {add = true}
        %dma_wait3A = arith.constant 256 : i32
        %dma_wait3A_145 = arith.constant 0 : i32
        %dma_wait3A_146 = tpu.memref_slice %arg6[%run_scoped3A_119, %dma_wait3A, %dma_wait3A_145] : memref<2x1024x16xf32, #tpu.memory_space<vmem>> -> memref<1x128x16xf32, #tpu.memory_space<vmem>>
        %dma_wait3A_147 = tpu.memref_squeeze %dma_wait3A_146 : memref<1x128x16xf32, #tpu.memory_space<vmem>> -> memref<128x16xf32, #tpu.memory_space<vmem>>
        %dma_wait3A_148 = arith.constant 0 : i32
        %dma_wait3A_149 = tpu.memref_slice %arg8[%run_scoped3A_120, %run_scoped3A_121, %run_scoped3A_122, %dma_wait3A_148] : memref<2x2x8x128xi32, #tpu.memory_space<vmem>> -> memref<1x1x1x128xi32, #tpu.memory_space<vmem>>
        %dma_wait3A_150 = tpu.memref_squeeze %dma_wait3A_149 : memref<1x1x1x128xi32, #tpu.memory_space<vmem>> -> memref<128xi32, #tpu.memory_space<vmem>>
        %dma_wait3A_151 = arith.constant 0 : i32
        %dma_wait3A_152 = arith.constant 0 : i32
        %dma_wait3A_153 = tpu.memref_slice %arg10[%dma_wait3A_151, %dma_wait3A_152] : memref<50000x16xf32, #tpu.memory_space<vmem_shared>> -> memref<50000x16xf32, #tpu.memory_space<vmem_shared>>
        tpu.wait_indirect_dma semaphore(%run_scoped3A_135 : memref<!tpu.dma_semaphore, #tpu.memory_space<semaphore_mem>>) src(%dma_wait3A_147 : memref<128x16xf32, #tpu.memory_space<vmem>>) dst(%dma_wait3A_153 : memref<50000x16xf32, #tpu.memory_space<vmem_shared>>)
        tpu.yield
      }) : () -> ()
      %run_scoped3A_123 = arith.constant 0 : i32
      %run_scoped3A_124 = arith.constant 1 : i32
      %run_scoped3A_125 = arith.constant 0 : i32
      %run_scoped3A_126 = arith.constant 2 : i32
      "tpu.region"() ({
        %run_scoped3A_135 = tpu.sem_alloc : memref<!tpu.dma_semaphore, #tpu.memory_space<semaphore_mem>>
        %dma_start3A = arith.constant 256 : i32
        %dma_start3A_136 = arith.constant 0 : i32
        %dma_start3A_137 = tpu.memref_slice %arg7[%run_scoped3A_123, %dma_start3A, %dma_start3A_136] : memref<2x1024x16xf32, #tpu.memory_space<vmem>> -> memref<1x128x16xf32, #tpu.memory_space<vmem>>
        %dma_start3A_138 = tpu.memref_squeeze %dma_start3A_137 : memref<1x128x16xf32, #tpu.memory_space<vmem>> -> memref<128x16xf32, #tpu.memory_space<vmem>>
        %dma_start3A_139 = arith.constant 0 : i32
        %dma_start3A_140 = tpu.memref_slice %arg8[%run_scoped3A_124, %run_scoped3A_125, %run_scoped3A_126, %dma_start3A_139] : memref<2x2x8x128xi32, #tpu.memory_space<vmem>> -> memref<1x1x1x128xi32, #tpu.memory_space<vmem>>
        %dma_start3A_141 = tpu.memref_squeeze %dma_start3A_140 : memref<1x1x1x128xi32, #tpu.memory_space<vmem>> -> memref<128xi32, #tpu.memory_space<vmem>>
        %dma_start3A_142 = arith.constant 0 : i32
        %dma_start3A_143 = arith.constant 0 : i32
        %dma_start3A_144 = tpu.memref_slice %arg10[%dma_start3A_142, %dma_start3A_143] : memref<50000x16xf32, #tpu.memory_space<vmem_shared>> -> memref<50000x16xf32, #tpu.memory_space<vmem_shared>>
        tpu.enqueue_indirect_dma source(%dma_start3A_138 : memref<128x16xf32, #tpu.memory_space<vmem>>) target(%dma_start3A_144 : memref<50000x16xf32, #tpu.memory_space<vmem_shared>>) offsets(%dma_start3A_141 : memref<128xi32, #tpu.memory_space<vmem>>) semaphore(%run_scoped3A_135 : memref<!tpu.dma_semaphore, #tpu.memory_space<semaphore_mem>>) {add = true}
        %dma_wait3A = arith.constant 256 : i32
        %dma_wait3A_145 = arith.constant 0 : i32
        %dma_wait3A_146 = tpu.memref_slice %arg7[%run_scoped3A_123, %dma_wait3A, %dma_wait3A_145] : memref<2x1024x16xf32, #tpu.memory_space<vmem>> -> memref<1x128x16xf32, #tpu.memory_space<vmem>>
        %dma_wait3A_147 = tpu.memref_squeeze %dma_wait3A_146 : memref<1x128x16xf32, #tpu.memory_space<vmem>> -> memref<128x16xf32, #tpu.memory_space<vmem>>
        %dma_wait3A_148 = arith.constant 0 : i32
        %dma_wait3A_149 = tpu.memref_slice %arg8[%run_scoped3A_124, %run_scoped3A_125, %run_scoped3A_126, %dma_wait3A_148] : memref<2x2x8x128xi32, #tpu.memory_space<vmem>> -> memref<1x1x1x128xi32, #tpu.memory_space<vmem>>
        %dma_wait3A_150 = tpu.memref_squeeze %dma_wait3A_149 : memref<1x1x1x128xi32, #tpu.memory_space<vmem>> -> memref<128xi32, #tpu.memory_space<vmem>>
        %dma_wait3A_151 = arith.constant 0 : i32
        %dma_wait3A_152 = arith.constant 0 : i32
        %dma_wait3A_153 = tpu.memref_slice %arg10[%dma_wait3A_151, %dma_wait3A_152] : memref<50000x16xf32, #tpu.memory_space<vmem_shared>> -> memref<50000x16xf32, #tpu.memory_space<vmem_shared>>
        tpu.wait_indirect_dma semaphore(%run_scoped3A_135 : memref<!tpu.dma_semaphore, #tpu.memory_space<semaphore_mem>>) src(%dma_wait3A_147 : memref<128x16xf32, #tpu.memory_space<vmem>>) dst(%dma_wait3A_153 : memref<50000x16xf32, #tpu.memory_space<vmem_shared>>)
        tpu.yield
      }) : () -> ()
      %run_scoped3A_127 = arith.constant 0 : i32
      %run_scoped3A_128 = arith.constant 0 : i32
      %run_scoped3A_129 = arith.constant 0 : i32
      %run_scoped3A_130 = arith.constant 3 : i32
      "tpu.region"() ({
        %run_scoped3A_135 = tpu.sem_alloc : memref<!tpu.dma_semaphore, #tpu.memory_space<semaphore_mem>>
        %dma_start3A = arith.constant 384 : i32
        %dma_start3A_136 = arith.constant 0 : i32
        %dma_start3A_137 = tpu.memref_slice %arg6[%run_scoped3A_127, %dma_start3A, %dma_start3A_136] : memref<2x1024x16xf32, #tpu.memory_space<vmem>> -> memref<1x128x16xf32, #tpu.memory_space<vmem>>
        %dma_start3A_138 = tpu.memref_squeeze %dma_start3A_137 : memref<1x128x16xf32, #tpu.memory_space<vmem>> -> memref<128x16xf32, #tpu.memory_space<vmem>>
        %dma_start3A_139 = arith.constant 0 : i32
        %dma_start3A_140 = tpu.memref_slice %arg8[%run_scoped3A_128, %run_scoped3A_129, %run_scoped3A_130, %dma_start3A_139] : memref<2x2x8x128xi32, #tpu.memory_space<vmem>> -> memref<1x1x1x128xi32, #tpu.memory_space<vmem>>
        %dma_start3A_141 = tpu.memref_squeeze %dma_start3A_140 : memref<1x1x1x128xi32, #tpu.memory_space<vmem>> -> memref<128xi32, #tpu.memory_space<vmem>>
        %dma_start3A_142 = arith.constant 0 : i32
        %dma_start3A_143 = arith.constant 0 : i32
        %dma_start3A_144 = tpu.memref_slice %arg10[%dma_start3A_142, %dma_start3A_143] : memref<50000x16xf32, #tpu.memory_space<vmem_shared>> -> memref<50000x16xf32, #tpu.memory_space<vmem_shared>>
        tpu.enqueue_indirect_dma source(%dma_start3A_138 : memref<128x16xf32, #tpu.memory_space<vmem>>) target(%dma_start3A_144 : memref<50000x16xf32, #tpu.memory_space<vmem_shared>>) offsets(%dma_start3A_141 : memref<128xi32, #tpu.memory_space<vmem>>) semaphore(%run_scoped3A_135 : memref<!tpu.dma_semaphore, #tpu.memory_space<semaphore_mem>>) {add = true}
        %dma_wait3A = arith.constant 384 : i32
        %dma_wait3A_145 = arith.constant 0 : i32
        %dma_wait3A_146 = tpu.memref_slice %arg6[%run_scoped3A_127, %dma_wait3A, %dma_wait3A_145] : memref<2x1024x16xf32, #tpu.memory_space<vmem>> -> memref<1x128x16xf32, #tpu.memory_space<vmem>>
        %dma_wait3A_147 = tpu.memref_squeeze %dma_wait3A_146 : memref<1x128x16xf32, #tpu.memory_space<vmem>> -> memref<128x16xf32, #tpu.memory_space<vmem>>
        %dma_wait3A_148 = arith.constant 0 : i32
        %dma_wait3A_149 = tpu.memref_slice %arg8[%run_scoped3A_128, %run_scoped3A_129, %run_scoped3A_130, %dma_wait3A_148] : memref<2x2x8x128xi32, #tpu.memory_space<vmem>> -> memref<1x1x1x128xi32, #tpu.memory_space<vmem>>
        %dma_wait3A_150 = tpu.memref_squeeze %dma_wait3A_149 : memref<1x1x1x128xi32, #tpu.memory_space<vmem>> -> memref<128xi32, #tpu.memory_space<vmem>>
        %dma_wait3A_151 = arith.constant 0 : i32
        %dma_wait3A_152 = arith.constant 0 : i32
        %dma_wait3A_153 = tpu.memref_slice %arg10[%dma_wait3A_151, %dma_wait3A_152] : memref<50000x16xf32, #tpu.memory_space<vmem_shared>> -> memref<50000x16xf32, #tpu.memory_space<vmem_shared>>
        tpu.wait_indirect_dma semaphore(%run_scoped3A_135 : memref<!tpu.dma_semaphore, #tpu.memory_space<semaphore_mem>>) src(%dma_wait3A_147 : memref<128x16xf32, #tpu.memory_space<vmem>>) dst(%dma_wait3A_153 : memref<50000x16xf32, #tpu.memory_space<vmem_shared>>)
        tpu.yield
      }) : () -> ()
      %run_scoped3A_131 = arith.constant 0 : i32
      %run_scoped3A_132 = arith.constant 1 : i32
      %run_scoped3A_133 = arith.constant 0 : i32
      %run_scoped3A_134 = arith.constant 3 : i32
      "tpu.region"() ({
        %run_scoped3A_135 = tpu.sem_alloc : memref<!tpu.dma_semaphore, #tpu.memory_space<semaphore_mem>>
        %dma_start3A = arith.constant 384 : i32
        %dma_start3A_136 = arith.constant 0 : i32
        %dma_start3A_137 = tpu.memref_slice %arg7[%run_scoped3A_131, %dma_start3A, %dma_start3A_136] : memref<2x1024x16xf32, #tpu.memory_space<vmem>> -> memref<1x128x16xf32, #tpu.memory_space<vmem>>
        %dma_start3A_138 = tpu.memref_squeeze %dma_start3A_137 : memref<1x128x16xf32, #tpu.memory_space<vmem>> -> memref<128x16xf32, #tpu.memory_space<vmem>>
        %dma_start3A_139 = arith.constant 0 : i32
        %dma_start3A_140 = tpu.memref_slice %arg8[%run_scoped3A_132, %run_scoped3A_133, %run_scoped3A_134, %dma_start3A_139] : memref<2x2x8x128xi32, #tpu.memory_space<vmem>> -> memref<1x1x1x128xi32, #tpu.memory_space<vmem>>
        %dma_start3A_141 = tpu.memref_squeeze %dma_start3A_140 : memref<1x1x1x128xi32, #tpu.memory_space<vmem>> -> memref<128xi32, #tpu.memory_space<vmem>>
        %dma_start3A_142 = arith.constant 0 : i32
        %dma_start3A_143 = arith.constant 0 : i32
        %dma_start3A_144 = tpu.memref_slice %arg10[%dma_start3A_142, %dma_start3A_143] : memref<50000x16xf32, #tpu.memory_space<vmem_shared>> -> memref<50000x16xf32, #tpu.memory_space<vmem_shared>>
        tpu.enqueue_indirect_dma source(%dma_start3A_138 : memref<128x16xf32, #tpu.memory_space<vmem>>) target(%dma_start3A_144 : memref<50000x16xf32, #tpu.memory_space<vmem_shared>>) offsets(%dma_start3A_141 : memref<128xi32, #tpu.memory_space<vmem>>) semaphore(%run_scoped3A_135 : memref<!tpu.dma_semaphore, #tpu.memory_space<semaphore_mem>>) {add = true}
        %dma_wait3A = arith.constant 384 : i32
        %dma_wait3A_145 = arith.constant 0 : i32
        %dma_wait3A_146 = tpu.memref_slice %arg7[%run_scoped3A_131, %dma_wait3A, %dma_wait3A_145] : memref<2x1024x16xf32, #tpu.memory_space<vmem>> -> memref<1x128x16xf32, #tpu.memory_space<vmem>>
        %dma_wait3A_147 = tpu.memref_squeeze %dma_wait3A_146 : memref<1x128x16xf32, #tpu.memory_space<vmem>> -> memref<128x16xf32, #tpu.memory_space<vmem>>
        %dma_wait3A_148 = arith.constant 0 : i32
        %dma_wait3A_149 = tpu.memref_slice %arg8[%run_scoped3A_132, %run_scoped3A_133, %run_scoped3A_134, %dma_wait3A_148] : memref<2x2x8x128xi32, #tpu.memory_space<vmem>> -> memref<1x1x1x128xi32, #tpu.memory_space<vmem>>
        %dma_wait3A_150 = tpu.memref_squeeze %dma_wait3A_149 : memref<1x1x1x128xi32, #tpu.memory_space<vmem>> -> memref<128xi32, #tpu.memory_space<vmem>>
        %dma_wait3A_151 = arith.constant 0 : i32
        %dma_wait3A_152 = arith.constant 0 : i32
        %dma_wait3A_153 = tpu.memref_slice %arg10[%dma_wait3A_151, %dma_wait3A_152] : memref<50000x16xf32, #tpu.memory_space<vmem_shared>> -> memref<50000x16xf32, #tpu.memory_space<vmem_shared>>
        tpu.wait_indirect_dma semaphore(%run_scoped3A_135 : memref<!tpu.dma_semaphore, #tpu.memory_space<semaphore_mem>>) src(%dma_wait3A_147 : memref<128x16xf32, #tpu.memory_space<vmem>>) dst(%dma_wait3A_153 : memref<50000x16xf32, #tpu.memory_space<vmem_shared>>)
        tpu.yield
      }) : () -> ()
    } else {
    }
    %barrier3A_85 = arith.constant 0 : index
    tpu.barrier barrier_id(%barrier3A_85)
    %eq3A_86 = arith.constant 0 : i32
    %eq3A_87 = arith.cmpi eq, %arg0, %eq3A_86 : i32
    %convert_element_type3A_88 = arith.extui %eq3A_87 : i1 to i32
    %cond3A_89 = arith.constant 0 : i32
    %cond3A_90 = arith.cmpi ne, %convert_element_type3A_88, %cond3A_89 : i32
    scf.if %cond3A_90 {
      %mul3A_96 = arith.constant 3125 : i32
      %mul3A_97 = arith.muli %arg1, %mul3A_96 : i32
      %mul3A_98 = arith.constant 3125 : i32
      %mul3A_99 = arith.muli %arg1, %mul3A_98 : i32
      "tpu.region"() ({
        %run_scoped3A = tpu.sem_alloc : memref<!tpu.dma_semaphore, #tpu.memory_space<semaphore_mem>>
        %dma_start3A = arith.constant 0 : i32
        %dma_start3A_100 = tpu.memref_slice %arg4[%mul3A_99, %dma_start3A] : memref<50000x16xf32, #tpu.memory_space<hbm>> -> memref<3125x16xf32, #tpu.memory_space<hbm>>
        %dma_start3A_101 = arith.constant 0 : i32
        %dma_start3A_102 = tpu.memref_slice %arg10[%mul3A_97, %dma_start3A_101] : memref<50000x16xf32, #tpu.memory_space<vmem_shared>> -> memref<3125x16xf32, #tpu.memory_space<vmem_shared>>
        tpu.enqueue_dma source(%dma_start3A_102 : memref<3125x16xf32, #tpu.memory_space<vmem_shared>>) target(%dma_start3A_100 : memref<3125x16xf32, #tpu.memory_space<hbm>>) target_semaphore(%run_scoped3A : memref<!tpu.dma_semaphore, #tpu.memory_space<semaphore_mem>>)
        %dma_wait3A = arith.constant 0 : i32
        %dma_wait3A_103 = tpu.memref_slice %arg4[%mul3A_99, %dma_wait3A] : memref<50000x16xf32, #tpu.memory_space<hbm>> -> memref<3125x16xf32, #tpu.memory_space<hbm>>
        %dma_wait3A_104 = arith.constant 0 : i32
        %dma_wait3A_105 = tpu.memref_slice %arg10[%mul3A_97, %dma_wait3A_104] : memref<50000x16xf32, #tpu.memory_space<vmem_shared>> -> memref<3125x16xf32, #tpu.memory_space<vmem_shared>>
        tpu.wait_dma2 semaphore(%run_scoped3A : memref<!tpu.dma_semaphore, #tpu.memory_space<semaphore_mem>>) src(%dma_wait3A_105 : memref<3125x16xf32, #tpu.memory_space<vmem_shared>>) dst(%dma_wait3A_103 : memref<3125x16xf32, #tpu.memory_space<hbm>>)
        tpu.yield
      }) : () -> ()
    } else {
    }
    %eq3A_91 = arith.constant 1 : i32
    %eq3A_92 = arith.cmpi eq, %arg0, %eq3A_91 : i32
    %convert_element_type3A_93 = arith.extui %eq3A_92 : i1 to i32
    %cond3A_94 = arith.constant 0 : i32
    %cond3A_95 = arith.cmpi ne, %convert_element_type3A_93, %cond3A_94 : i32
    scf.if %cond3A_95 {
      %mul3A_96 = arith.constant 3125 : i32
      %mul3A_97 = arith.muli %arg1, %mul3A_96 : i32
      %mul3A_98 = arith.constant 3125 : i32
      %mul3A_99 = arith.muli %arg1, %mul3A_98 : i32
      "tpu.region"() ({
        %run_scoped3A = tpu.sem_alloc : memref<!tpu.dma_semaphore, #tpu.memory_space<semaphore_mem>>
        %dma_start3A = arith.constant 0 : i32
        %dma_start3A_100 = tpu.memref_slice %arg5[%mul3A_99, %dma_start3A] : memref<50000x16xf32, #tpu.memory_space<hbm>> -> memref<3125x16xf32, #tpu.memory_space<hbm>>
        %dma_start3A_101 = arith.constant 0 : i32
        %dma_start3A_102 = tpu.memref_slice %arg10[%mul3A_97, %dma_start3A_101] : memref<50000x16xf32, #tpu.memory_space<vmem_shared>> -> memref<3125x16xf32, #tpu.memory_space<vmem_shared>>
        tpu.enqueue_dma source(%dma_start3A_102 : memref<3125x16xf32, #tpu.memory_space<vmem_shared>>) target(%dma_start3A_100 : memref<3125x16xf32, #tpu.memory_space<hbm>>) target_semaphore(%run_scoped3A : memref<!tpu.dma_semaphore, #tpu.memory_space<semaphore_mem>>)
        %dma_wait3A = arith.constant 0 : i32
        %dma_wait3A_103 = tpu.memref_slice %arg5[%mul3A_99, %dma_wait3A] : memref<50000x16xf32, #tpu.memory_space<hbm>> -> memref<3125x16xf32, #tpu.memory_space<hbm>>
        %dma_wait3A_104 = arith.constant 0 : i32
        %dma_wait3A_105 = tpu.memref_slice %arg10[%mul3A_97, %dma_wait3A_104] : memref<50000x16xf32, #tpu.memory_space<vmem_shared>> -> memref<3125x16xf32, #tpu.memory_space<vmem_shared>>
        tpu.wait_dma2 semaphore(%run_scoped3A : memref<!tpu.dma_semaphore, #tpu.memory_space<semaphore_mem>>) src(%dma_wait3A_105 : memref<3125x16xf32, #tpu.memory_space<vmem_shared>>) dst(%dma_wait3A_103 : memref<3125x16xf32, #tpu.memory_space<hbm>>)
        tpu.yield
      }) : () -> ()
    } else {
    }
    return
  }
}

#map = affine_map<(d0, d1) -> (0, 0)>
#map1 = affine_map<(d0, d1) -> (0, 0, 0)>
module attributes {stable_mosaic.version = 14 : i64} {
  func.func @_gather_body(%arg0: i32, %arg1: i32, %arg2: memref<50000x16xf32, #tpu.memory_space<hbm>>, %arg3: memref<50000x16xf32, #tpu.memory_space<hbm>>, %arg4: memref<3x782x128xi32, #tpu.memory_space<hbm>>, %arg5: memref<100096x16xf32, #tpu.memory_space<hbm>>, %arg6: memref<2x3x128xi32, #tpu.memory_space<vmem>>, %arg7: memref<6x128x16xf32, #tpu.memory_space<vmem>>, %arg8: memref<2x128x16xf32, #tpu.memory_space<vmem>>, %arg9: memref<!tpu.dma_semaphore, #tpu.memory_space<semaphore_mem>>, %arg10: memref<!tpu.dma_semaphore, #tpu.memory_space<semaphore_mem>>, %arg11: memref<!tpu.dma_semaphore, #tpu.memory_space<semaphore_mem>>, %arg12: memref<!tpu.dma_semaphore, #tpu.memory_space<semaphore_mem>>, %arg13: memref<!tpu.dma_semaphore, #tpu.memory_space<semaphore_mem>>) attributes {dimension_semantics = [#tpu.dimension_semantics<core_parallel>, #tpu.dimension_semantics<subcore_parallel>], iteration_bounds = array<i64: 2, 16>, scalar_prefetch = 0 : i64, scratch_operands = 8 : i64, tpu.core_type = #tpu.core_type<sc_vector_subcore>, window_params = [{transform_indices = #map}, {transform_indices = #map}, {transform_indices = #map1}, {transform_indices = #map}]} {
    %mul3A = arith.constant 2 : i32
    %mul3A_0 = arith.muli %arg1, %mul3A : i32
    %add3A = arith.addi %mul3A_0, %arg0 : i32
    %mul3A_1 = arith.constant 782 : i32
    %mul3A_2 = arith.muli %add3A, %mul3A_1 : i32
    %jit3A = arith.constant 32 : i32
    %div3A = arith.divsi %mul3A_2, %jit3A : i32
    %sign3A = arith.constant 0 : i32
    %sign3A_3 = arith.cmpi sgt, %mul3A_2, %sign3A : i32
    %sign3A_4 = arith.extui %sign3A_3 : i1 to i32
    %sign3A_5 = arith.constant 0 : i32
    %sign3A_6 = arith.cmpi slt, %mul3A_2, %sign3A_5 : i32
    %sign3A_7 = arith.extui %sign3A_6 : i1 to i32
    %sign3A_8 = arith.subi %sign3A_4, %sign3A_7 : i32
    %sign3A_9 = arith.constant 0 : i32
    %sign3A_10 = arith.cmpi sgt, %jit3A, %sign3A_9 : i32
    %sign3A_11 = arith.extui %sign3A_10 : i1 to i32
    %sign3A_12 = arith.constant 0 : i32
    %sign3A_13 = arith.cmpi slt, %jit3A, %sign3A_12 : i32
    %sign3A_14 = arith.extui %sign3A_13 : i1 to i32
    %sign3A_15 = arith.subi %sign3A_11, %sign3A_14 : i32
    %ne3A = arith.cmpi ne, %sign3A_8, %sign3A_15 : i32
    %rem3A = arith.remsi %mul3A_2, %jit3A : i32
    %ne3A_16 = arith.constant 0 : i32
    %ne3A_17 = arith.cmpi ne, %rem3A, %ne3A_16 : i32
    %and3A = arith.andi %ne3A, %ne3A_17 : i1
    %sub3A = arith.constant 1 : i32
    %sub3A_18 = arith.subi %div3A, %sub3A : i32
    %select_n3A = arith.select %and3A, %sub3A_18, %div3A : i32
    %add3A_19 = arith.constant 1 : i32
    %add3A_20 = arith.addi %add3A, %add3A_19 : i32
    %mul3A_21 = arith.constant 782 : i32
    %mul3A_22 = arith.muli %add3A_20, %mul3A_21 : i32
    %jit3A_23 = arith.constant 32 : i32
    %div3A_24 = arith.divsi %mul3A_22, %jit3A_23 : i32
    %sign3A_25 = arith.constant 0 : i32
    %sign3A_26 = arith.cmpi sgt, %mul3A_22, %sign3A_25 : i32
    %sign3A_27 = arith.extui %sign3A_26 : i1 to i32
    %sign3A_28 = arith.constant 0 : i32
    %sign3A_29 = arith.cmpi slt, %mul3A_22, %sign3A_28 : i32
    %sign3A_30 = arith.extui %sign3A_29 : i1 to i32
    %sign3A_31 = arith.subi %sign3A_27, %sign3A_30 : i32
    %sign3A_32 = arith.constant 0 : i32
    %sign3A_33 = arith.cmpi sgt, %jit3A_23, %sign3A_32 : i32
    %sign3A_34 = arith.extui %sign3A_33 : i1 to i32
    %sign3A_35 = arith.constant 0 : i32
    %sign3A_36 = arith.cmpi slt, %jit3A_23, %sign3A_35 : i32
    %sign3A_37 = arith.extui %sign3A_36 : i1 to i32
    %sign3A_38 = arith.subi %sign3A_34, %sign3A_37 : i32
    %ne3A_39 = arith.cmpi ne, %sign3A_31, %sign3A_38 : i32
    %rem3A_40 = arith.remsi %mul3A_22, %jit3A_23 : i32
    %ne3A_41 = arith.constant 0 : i32
    %ne3A_42 = arith.cmpi ne, %rem3A_40, %ne3A_41 : i32
    %and3A_43 = arith.andi %ne3A_39, %ne3A_42 : i1
    %sub3A_44 = arith.constant 1 : i32
    %sub3A_45 = arith.subi %div3A_24, %sub3A_44 : i32
    %select_n3A_46 = arith.select %and3A_43, %sub3A_45, %div3A_24 : i32
    %lt3A = arith.cmpi slt, %select_n3A, %select_n3A_46 : i32
    %convert_element_type3A = arith.extui %lt3A : i1 to i32
    %cond3A = arith.constant 0 : i32
    %cond3A_47 = arith.cmpi ne, %convert_element_type3A, %cond3A : i32
    scf.if %cond3A_47 {
      %dma_start3A = arith.constant 0 : i32
      %dma_start3A_66 = arith.constant 0 : i32
      %dma_start3A_67 = arith.constant 0 : i32
      %dma_start3A_68 = arith.constant 0 : i32
      %dma_start3A_69 = tpu.memref_slice %arg6[%dma_start3A_66, %dma_start3A_67, %dma_start3A_68] : memref<2x3x128xi32, #tpu.memory_space<vmem>> -> memref<1x1x128xi32, #tpu.memory_space<vmem>>
      %dma_start3A_70 = tpu.memref_squeeze %dma_start3A_69 : memref<1x1x128xi32, #tpu.memory_space<vmem>> -> memref<128xi32, #tpu.memory_space<vmem>>
      %dma_start3A_71 = arith.constant 0 : i32
      %dma_start3A_72 = tpu.memref_slice %arg4[%dma_start3A, %select_n3A, %dma_start3A_71] : memref<3x782x128xi32, #tpu.memory_space<hbm>> -> memref<1x1x128xi32, #tpu.memory_space<hbm>>
      %dma_start3A_73 = tpu.memref_squeeze %dma_start3A_72 : memref<1x1x128xi32, #tpu.memory_space<hbm>> -> memref<128xi32, #tpu.memory_space<hbm>>
      %dma_start3A_74 = arith.constant 0 : i32
      %dma_start3A_75 = tpu.memref_slice %arg6[%dma_start3A_66, %dma_start3A_67, %dma_start3A_74] : memref<2x3x128xi32, #tpu.memory_space<vmem>> -> memref<1x1x128xi32, #tpu.memory_space<vmem>>
      %dma_start3A_76 = tpu.memref_squeeze %dma_start3A_75 : memref<1x1x128xi32, #tpu.memory_space<vmem>> -> memref<128xi32, #tpu.memory_space<vmem>>
      %dma_start3A_77 = arith.constant 0 : i32
      %dma_start3A_78 = tpu.memref_slice %arg4[%dma_start3A, %select_n3A, %dma_start3A_77] : memref<3x782x128xi32, #tpu.memory_space<hbm>> -> memref<1x1x128xi32, #tpu.memory_space<hbm>>
      %dma_start3A_79 = tpu.memref_squeeze %dma_start3A_78 : memref<1x1x128xi32, #tpu.memory_space<hbm>> -> memref<128xi32, #tpu.memory_space<hbm>>
      tpu.enqueue_dma source(%dma_start3A_79 : memref<128xi32, #tpu.memory_space<hbm>>) target(%dma_start3A_76 : memref<128xi32, #tpu.memory_space<vmem>>) target_semaphore(%arg9 : memref<!tpu.dma_semaphore, #tpu.memory_space<semaphore_mem>>)
      %dma_start3A_80 = arith.constant 1 : i32
      %dma_start3A_81 = arith.constant 0 : i32
      %dma_start3A_82 = arith.constant 1 : i32
      %dma_start3A_83 = arith.constant 0 : i32
      %dma_start3A_84 = tpu.memref_slice %arg6[%dma_start3A_81, %dma_start3A_82, %dma_start3A_83] : memref<2x3x128xi32, #tpu.memory_space<vmem>> -> memref<1x1x128xi32, #tpu.memory_space<vmem>>
      %dma_start3A_85 = tpu.memref_squeeze %dma_start3A_84 : memref<1x1x128xi32, #tpu.memory_space<vmem>> -> memref<128xi32, #tpu.memory_space<vmem>>
      %dma_start3A_86 = arith.constant 0 : i32
      %dma_start3A_87 = tpu.memref_slice %arg4[%dma_start3A_80, %select_n3A, %dma_start3A_86] : memref<3x782x128xi32, #tpu.memory_space<hbm>> -> memref<1x1x128xi32, #tpu.memory_space<hbm>>
      %dma_start3A_88 = tpu.memref_squeeze %dma_start3A_87 : memref<1x1x128xi32, #tpu.memory_space<hbm>> -> memref<128xi32, #tpu.memory_space<hbm>>
      %dma_start3A_89 = arith.constant 0 : i32
      %dma_start3A_90 = tpu.memref_slice %arg6[%dma_start3A_81, %dma_start3A_82, %dma_start3A_89] : memref<2x3x128xi32, #tpu.memory_space<vmem>> -> memref<1x1x128xi32, #tpu.memory_space<vmem>>
      %dma_start3A_91 = tpu.memref_squeeze %dma_start3A_90 : memref<1x1x128xi32, #tpu.memory_space<vmem>> -> memref<128xi32, #tpu.memory_space<vmem>>
      %dma_start3A_92 = arith.constant 0 : i32
      %dma_start3A_93 = tpu.memref_slice %arg4[%dma_start3A_80, %select_n3A, %dma_start3A_92] : memref<3x782x128xi32, #tpu.memory_space<hbm>> -> memref<1x1x128xi32, #tpu.memory_space<hbm>>
      %dma_start3A_94 = tpu.memref_squeeze %dma_start3A_93 : memref<1x1x128xi32, #tpu.memory_space<hbm>> -> memref<128xi32, #tpu.memory_space<hbm>>
      tpu.enqueue_dma source(%dma_start3A_94 : memref<128xi32, #tpu.memory_space<hbm>>) target(%dma_start3A_91 : memref<128xi32, #tpu.memory_space<vmem>>) target_semaphore(%arg9 : memref<!tpu.dma_semaphore, #tpu.memory_space<semaphore_mem>>)
      %dma_start3A_95 = arith.constant 2 : i32
      %dma_start3A_96 = arith.constant 0 : i32
      %dma_start3A_97 = arith.constant 2 : i32
      %dma_start3A_98 = arith.constant 0 : i32
      %dma_start3A_99 = tpu.memref_slice %arg6[%dma_start3A_96, %dma_start3A_97, %dma_start3A_98] : memref<2x3x128xi32, #tpu.memory_space<vmem>> -> memref<1x1x128xi32, #tpu.memory_space<vmem>>
      %dma_start3A_100 = tpu.memref_squeeze %dma_start3A_99 : memref<1x1x128xi32, #tpu.memory_space<vmem>> -> memref<128xi32, #tpu.memory_space<vmem>>
      %dma_start3A_101 = arith.constant 0 : i32
      %dma_start3A_102 = tpu.memref_slice %arg4[%dma_start3A_95, %select_n3A, %dma_start3A_101] : memref<3x782x128xi32, #tpu.memory_space<hbm>> -> memref<1x1x128xi32, #tpu.memory_space<hbm>>
      %dma_start3A_103 = tpu.memref_squeeze %dma_start3A_102 : memref<1x1x128xi32, #tpu.memory_space<hbm>> -> memref<128xi32, #tpu.memory_space<hbm>>
      %dma_start3A_104 = arith.constant 0 : i32
      %dma_start3A_105 = tpu.memref_slice %arg6[%dma_start3A_96, %dma_start3A_97, %dma_start3A_104] : memref<2x3x128xi32, #tpu.memory_space<vmem>> -> memref<1x1x128xi32, #tpu.memory_space<vmem>>
      %dma_start3A_106 = tpu.memref_squeeze %dma_start3A_105 : memref<1x1x128xi32, #tpu.memory_space<vmem>> -> memref<128xi32, #tpu.memory_space<vmem>>
      %dma_start3A_107 = arith.constant 0 : i32
      %dma_start3A_108 = tpu.memref_slice %arg4[%dma_start3A_95, %select_n3A, %dma_start3A_107] : memref<3x782x128xi32, #tpu.memory_space<hbm>> -> memref<1x1x128xi32, #tpu.memory_space<hbm>>
      %dma_start3A_109 = tpu.memref_squeeze %dma_start3A_108 : memref<1x1x128xi32, #tpu.memory_space<hbm>> -> memref<128xi32, #tpu.memory_space<hbm>>
      tpu.enqueue_dma source(%dma_start3A_109 : memref<128xi32, #tpu.memory_space<hbm>>) target(%dma_start3A_106 : memref<128xi32, #tpu.memory_space<vmem>>) target_semaphore(%arg9 : memref<!tpu.dma_semaphore, #tpu.memory_space<semaphore_mem>>)
    } else {
    }
    %while3A = arith.constant 0 : i32
    %while3A_48 = arith.subi %select_n3A_46, %select_n3A : i32
    %while3A_49 = arith.addi %select_n3A, %while3A_48 : i32
    %while3A_50 = arith.constant 1 : i32
    %while3A_51 = arith.divsi %while3A_48, %while3A_50 : i32
    %while3A_52 = arith.muli %while3A_51, %while3A_50 : i32
    %while3A_53 = arith.addi %select_n3A, %while3A_52 : i32
    %while3A_54 = arith.constant 1 : i32
    scf.for %while3A_66 = %select_n3A to %while3A_53 step %while3A_54  : i32 {
      %sub3A_67 = arith.subi %while3A_66, %select_n3A : i32
      %rem3A_68 = arith.constant 2 : i32
      %rem3A_69 = arith.remsi %sub3A_67, %rem3A_68 : i32
      %eq3A = arith.constant 0 : i32
      %eq3A_70 = arith.cmpi eq, %rem3A_69, %eq3A : i32
      %convert_element_type3A_71 = arith.extui %eq3A_70 : i1 to i32
      %cond3A_72 = arith.constant 0 : i32
      %cond3A_73 = arith.cmpi ne, %convert_element_type3A_71, %cond3A_72 : i32
      scf.if %cond3A_73 {
        %dma_wait3A_254 = arith.constant 0 : i32
        %dma_wait3A_255 = arith.constant 0 : i32
        %dma_wait3A_256 = arith.constant 0 : i32
        %dma_wait3A_257 = arith.constant 0 : i32
        %dma_wait3A_258 = tpu.memref_slice %arg6[%dma_wait3A_255, %dma_wait3A_256, %dma_wait3A_257] : memref<2x3x128xi32, #tpu.memory_space<vmem>> -> memref<1x1x128xi32, #tpu.memory_space<vmem>>
        %dma_wait3A_259 = tpu.memref_squeeze %dma_wait3A_258 : memref<1x1x128xi32, #tpu.memory_space<vmem>> -> memref<128xi32, #tpu.memory_space<vmem>>
        %dma_wait3A_260 = arith.constant 0 : i32
        %dma_wait3A_261 = tpu.memref_slice %arg4[%dma_wait3A_254, %while3A_66, %dma_wait3A_260] : memref<3x782x128xi32, #tpu.memory_space<hbm>> -> memref<1x1x128xi32, #tpu.memory_space<hbm>>
        %dma_wait3A_262 = tpu.memref_squeeze %dma_wait3A_261 : memref<1x1x128xi32, #tpu.memory_space<hbm>> -> memref<128xi32, #tpu.memory_space<hbm>>
        %dma_wait3A_263 = arith.constant 0 : i32
        %dma_wait3A_264 = tpu.memref_slice %arg6[%dma_wait3A_255, %dma_wait3A_256, %dma_wait3A_263] : memref<2x3x128xi32, #tpu.memory_space<vmem>> -> memref<1x1x128xi32, #tpu.memory_space<vmem>>
        %dma_wait3A_265 = tpu.memref_squeeze %dma_wait3A_264 : memref<1x1x128xi32, #tpu.memory_space<vmem>> -> memref<128xi32, #tpu.memory_space<vmem>>
        %dma_wait3A_266 = arith.constant 0 : i32
        %dma_wait3A_267 = tpu.memref_slice %arg4[%dma_wait3A_254, %while3A_66, %dma_wait3A_266] : memref<3x782x128xi32, #tpu.memory_space<hbm>> -> memref<1x1x128xi32, #tpu.memory_space<hbm>>
        %dma_wait3A_268 = tpu.memref_squeeze %dma_wait3A_267 : memref<1x1x128xi32, #tpu.memory_space<hbm>> -> memref<128xi32, #tpu.memory_space<hbm>>
        tpu.wait_dma2 semaphore(%arg9 : memref<!tpu.dma_semaphore, #tpu.memory_space<semaphore_mem>>) src(%dma_wait3A_268 : memref<128xi32, #tpu.memory_space<hbm>>) dst(%dma_wait3A_265 : memref<128xi32, #tpu.memory_space<vmem>>)
        %dma_wait3A_269 = arith.constant 1 : i32
        %dma_wait3A_270 = arith.constant 0 : i32
        %dma_wait3A_271 = arith.constant 1 : i32
        %dma_wait3A_272 = arith.constant 0 : i32
        %dma_wait3A_273 = tpu.memref_slice %arg6[%dma_wait3A_270, %dma_wait3A_271, %dma_wait3A_272] : memref<2x3x128xi32, #tpu.memory_space<vmem>> -> memref<1x1x128xi32, #tpu.memory_space<vmem>>
        %dma_wait3A_274 = tpu.memref_squeeze %dma_wait3A_273 : memref<1x1x128xi32, #tpu.memory_space<vmem>> -> memref<128xi32, #tpu.memory_space<vmem>>
        %dma_wait3A_275 = arith.constant 0 : i32
        %dma_wait3A_276 = tpu.memref_slice %arg4[%dma_wait3A_269, %while3A_66, %dma_wait3A_275] : memref<3x782x128xi32, #tpu.memory_space<hbm>> -> memref<1x1x128xi32, #tpu.memory_space<hbm>>
        %dma_wait3A_277 = tpu.memref_squeeze %dma_wait3A_276 : memref<1x1x128xi32, #tpu.memory_space<hbm>> -> memref<128xi32, #tpu.memory_space<hbm>>
        %dma_wait3A_278 = arith.constant 0 : i32
        %dma_wait3A_279 = tpu.memref_slice %arg6[%dma_wait3A_270, %dma_wait3A_271, %dma_wait3A_278] : memref<2x3x128xi32, #tpu.memory_space<vmem>> -> memref<1x1x128xi32, #tpu.memory_space<vmem>>
        %dma_wait3A_280 = tpu.memref_squeeze %dma_wait3A_279 : memref<1x1x128xi32, #tpu.memory_space<vmem>> -> memref<128xi32, #tpu.memory_space<vmem>>
        %dma_wait3A_281 = arith.constant 0 : i32
        %dma_wait3A_282 = tpu.memref_slice %arg4[%dma_wait3A_269, %while3A_66, %dma_wait3A_281] : memref<3x782x128xi32, #tpu.memory_space<hbm>> -> memref<1x1x128xi32, #tpu.memory_space<hbm>>
        %dma_wait3A_283 = tpu.memref_squeeze %dma_wait3A_282 : memref<1x1x128xi32, #tpu.memory_space<hbm>> -> memref<128xi32, #tpu.memory_space<hbm>>
        tpu.wait_dma2 semaphore(%arg9 : memref<!tpu.dma_semaphore, #tpu.memory_space<semaphore_mem>>) src(%dma_wait3A_283 : memref<128xi32, #tpu.memory_space<hbm>>) dst(%dma_wait3A_280 : memref<128xi32, #tpu.memory_space<vmem>>)
        %dma_wait3A_284 = arith.constant 2 : i32
        %dma_wait3A_285 = arith.constant 0 : i32
        %dma_wait3A_286 = arith.constant 2 : i32
        %dma_wait3A_287 = arith.constant 0 : i32
        %dma_wait3A_288 = tpu.memref_slice %arg6[%dma_wait3A_285, %dma_wait3A_286, %dma_wait3A_287] : memref<2x3x128xi32, #tpu.memory_space<vmem>> -> memref<1x1x128xi32, #tpu.memory_space<vmem>>
        %dma_wait3A_289 = tpu.memref_squeeze %dma_wait3A_288 : memref<1x1x128xi32, #tpu.memory_space<vmem>> -> memref<128xi32, #tpu.memory_space<vmem>>
        %dma_wait3A_290 = arith.constant 0 : i32
        %dma_wait3A_291 = tpu.memref_slice %arg4[%dma_wait3A_284, %while3A_66, %dma_wait3A_290] : memref<3x782x128xi32, #tpu.memory_space<hbm>> -> memref<1x1x128xi32, #tpu.memory_space<hbm>>
        %dma_wait3A_292 = tpu.memref_squeeze %dma_wait3A_291 : memref<1x1x128xi32, #tpu.memory_space<hbm>> -> memref<128xi32, #tpu.memory_space<hbm>>
        %dma_wait3A_293 = arith.constant 0 : i32
        %dma_wait3A_294 = tpu.memref_slice %arg6[%dma_wait3A_285, %dma_wait3A_286, %dma_wait3A_293] : memref<2x3x128xi32, #tpu.memory_space<vmem>> -> memref<1x1x128xi32, #tpu.memory_space<vmem>>
        %dma_wait3A_295 = tpu.memref_squeeze %dma_wait3A_294 : memref<1x1x128xi32, #tpu.memory_space<vmem>> -> memref<128xi32, #tpu.memory_space<vmem>>
        %dma_wait3A_296 = arith.constant 0 : i32
        %dma_wait3A_297 = tpu.memref_slice %arg4[%dma_wait3A_284, %while3A_66, %dma_wait3A_296] : memref<3x782x128xi32, #tpu.memory_space<hbm>> -> memref<1x1x128xi32, #tpu.memory_space<hbm>>
        %dma_wait3A_298 = tpu.memref_squeeze %dma_wait3A_297 : memref<1x1x128xi32, #tpu.memory_space<hbm>> -> memref<128xi32, #tpu.memory_space<hbm>>
        tpu.wait_dma2 semaphore(%arg9 : memref<!tpu.dma_semaphore, #tpu.memory_space<semaphore_mem>>) src(%dma_wait3A_298 : memref<128xi32, #tpu.memory_space<hbm>>) dst(%dma_wait3A_295 : memref<128xi32, #tpu.memory_space<vmem>>)
        %sub3A_299 = arith.constant 2 : i32
        %sub3A_300 = arith.subi %while3A_66, %sub3A_299 : i32
        %ge3A = arith.cmpi sge, %sub3A_300, %select_n3A : i32
        %convert_element_type3A_301 = arith.extui %ge3A : i1 to i32
        %cond3A_302 = arith.constant 0 : i32
        %cond3A_303 = arith.cmpi ne, %convert_element_type3A_301, %cond3A_302 : i32
        scf.if %cond3A_303 {
          %sub3A_304 = arith.constant 2 : i32
          %sub3A_305 = arith.subi %while3A_66, %sub3A_304 : i32
          %mul3A_306 = arith.constant 128 : i32
          %mul3A_307 = arith.muli %sub3A_305, %mul3A_306 : i32
          %dma_wait3A_308 = arith.constant 0 : i32
          %dma_wait3A_309 = arith.constant 0 : i32
          %dma_wait3A_310 = arith.constant 0 : i32
          %dma_wait3A_311 = tpu.memref_slice %arg8[%dma_wait3A_308, %dma_wait3A_309, %dma_wait3A_310] : memref<2x128x16xf32, #tpu.memory_space<vmem>> -> memref<1x128x16xf32, #tpu.memory_space<vmem>>
          %dma_wait3A_312 = tpu.memref_squeeze %dma_wait3A_311 : memref<1x128x16xf32, #tpu.memory_space<vmem>> -> memref<128x16xf32, #tpu.memory_space<vmem>>
          %dma_wait3A_313 = arith.constant 0 : i32
          %dma_wait3A_314 = tpu.memref_slice %arg5[%mul3A_307, %dma_wait3A_313] : memref<100096x16xf32, #tpu.memory_space<hbm>> -> memref<128x16xf32, #tpu.memory_space<hbm>>
          %dma_wait3A_315 = arith.constant 0 : i32
          %dma_wait3A_316 = tpu.memref_slice %arg5[%mul3A_307, %dma_wait3A_315] : memref<100096x16xf32, #tpu.memory_space<hbm>> -> memref<128x16xf32, #tpu.memory_space<hbm>>
          %dma_wait3A_317 = arith.constant 0 : i32
          %dma_wait3A_318 = arith.constant 0 : i32
          %dma_wait3A_319 = tpu.memref_slice %arg8[%dma_wait3A_308, %dma_wait3A_317, %dma_wait3A_318] : memref<2x128x16xf32, #tpu.memory_space<vmem>> -> memref<1x128x16xf32, #tpu.memory_space<vmem>>
          %dma_wait3A_320 = tpu.memref_squeeze %dma_wait3A_319 : memref<1x128x16xf32, #tpu.memory_space<vmem>> -> memref<128x16xf32, #tpu.memory_space<vmem>>
          tpu.wait_dma2 semaphore(%arg12 : memref<!tpu.dma_semaphore, #tpu.memory_space<semaphore_mem>>) src(%dma_wait3A_320 : memref<128x16xf32, #tpu.memory_space<vmem>>) dst(%dma_wait3A_316 : memref<128x16xf32, #tpu.memory_space<hbm>>)
        } else {
        }
      } else {
      }
      %eq3A_74 = arith.constant 1 : i32
      %eq3A_75 = arith.cmpi eq, %rem3A_69, %eq3A_74 : i32
      %convert_element_type3A_76 = arith.extui %eq3A_75 : i1 to i32
      %cond3A_77 = arith.constant 0 : i32
      %cond3A_78 = arith.cmpi ne, %convert_element_type3A_76, %cond3A_77 : i32
      scf.if %cond3A_78 {
        %dma_wait3A_254 = arith.constant 0 : i32
        %dma_wait3A_255 = arith.constant 1 : i32
        %dma_wait3A_256 = arith.constant 0 : i32
        %dma_wait3A_257 = arith.constant 0 : i32
        %dma_wait3A_258 = tpu.memref_slice %arg6[%dma_wait3A_255, %dma_wait3A_256, %dma_wait3A_257] : memref<2x3x128xi32, #tpu.memory_space<vmem>> -> memref<1x1x128xi32, #tpu.memory_space<vmem>>
        %dma_wait3A_259 = tpu.memref_squeeze %dma_wait3A_258 : memref<1x1x128xi32, #tpu.memory_space<vmem>> -> memref<128xi32, #tpu.memory_space<vmem>>
        %dma_wait3A_260 = arith.constant 0 : i32
        %dma_wait3A_261 = tpu.memref_slice %arg4[%dma_wait3A_254, %while3A_66, %dma_wait3A_260] : memref<3x782x128xi32, #tpu.memory_space<hbm>> -> memref<1x1x128xi32, #tpu.memory_space<hbm>>
        %dma_wait3A_262 = tpu.memref_squeeze %dma_wait3A_261 : memref<1x1x128xi32, #tpu.memory_space<hbm>> -> memref<128xi32, #tpu.memory_space<hbm>>
        %dma_wait3A_263 = arith.constant 0 : i32
        %dma_wait3A_264 = tpu.memref_slice %arg6[%dma_wait3A_255, %dma_wait3A_256, %dma_wait3A_263] : memref<2x3x128xi32, #tpu.memory_space<vmem>> -> memref<1x1x128xi32, #tpu.memory_space<vmem>>
        %dma_wait3A_265 = tpu.memref_squeeze %dma_wait3A_264 : memref<1x1x128xi32, #tpu.memory_space<vmem>> -> memref<128xi32, #tpu.memory_space<vmem>>
        %dma_wait3A_266 = arith.constant 0 : i32
        %dma_wait3A_267 = tpu.memref_slice %arg4[%dma_wait3A_254, %while3A_66, %dma_wait3A_266] : memref<3x782x128xi32, #tpu.memory_space<hbm>> -> memref<1x1x128xi32, #tpu.memory_space<hbm>>
        %dma_wait3A_268 = tpu.memref_squeeze %dma_wait3A_267 : memref<1x1x128xi32, #tpu.memory_space<hbm>> -> memref<128xi32, #tpu.memory_space<hbm>>
        tpu.wait_dma2 semaphore(%arg10 : memref<!tpu.dma_semaphore, #tpu.memory_space<semaphore_mem>>) src(%dma_wait3A_268 : memref<128xi32, #tpu.memory_space<hbm>>) dst(%dma_wait3A_265 : memref<128xi32, #tpu.memory_space<vmem>>)
        %dma_wait3A_269 = arith.constant 1 : i32
        %dma_wait3A_270 = arith.constant 1 : i32
        %dma_wait3A_271 = arith.constant 1 : i32
        %dma_wait3A_272 = arith.constant 0 : i32
        %dma_wait3A_273 = tpu.memref_slice %arg6[%dma_wait3A_270, %dma_wait3A_271, %dma_wait3A_272] : memref<2x3x128xi32, #tpu.memory_space<vmem>> -> memref<1x1x128xi32, #tpu.memory_space<vmem>>
        %dma_wait3A_274 = tpu.memref_squeeze %dma_wait3A_273 : memref<1x1x128xi32, #tpu.memory_space<vmem>> -> memref<128xi32, #tpu.memory_space<vmem>>
        %dma_wait3A_275 = arith.constant 0 : i32
        %dma_wait3A_276 = tpu.memref_slice %arg4[%dma_wait3A_269, %while3A_66, %dma_wait3A_275] : memref<3x782x128xi32, #tpu.memory_space<hbm>> -> memref<1x1x128xi32, #tpu.memory_space<hbm>>
        %dma_wait3A_277 = tpu.memref_squeeze %dma_wait3A_276 : memref<1x1x128xi32, #tpu.memory_space<hbm>> -> memref<128xi32, #tpu.memory_space<hbm>>
        %dma_wait3A_278 = arith.constant 0 : i32
        %dma_wait3A_279 = tpu.memref_slice %arg6[%dma_wait3A_270, %dma_wait3A_271, %dma_wait3A_278] : memref<2x3x128xi32, #tpu.memory_space<vmem>> -> memref<1x1x128xi32, #tpu.memory_space<vmem>>
        %dma_wait3A_280 = tpu.memref_squeeze %dma_wait3A_279 : memref<1x1x128xi32, #tpu.memory_space<vmem>> -> memref<128xi32, #tpu.memory_space<vmem>>
        %dma_wait3A_281 = arith.constant 0 : i32
        %dma_wait3A_282 = tpu.memref_slice %arg4[%dma_wait3A_269, %while3A_66, %dma_wait3A_281] : memref<3x782x128xi32, #tpu.memory_space<hbm>> -> memref<1x1x128xi32, #tpu.memory_space<hbm>>
        %dma_wait3A_283 = tpu.memref_squeeze %dma_wait3A_282 : memref<1x1x128xi32, #tpu.memory_space<hbm>> -> memref<128xi32, #tpu.memory_space<hbm>>
        tpu.wait_dma2 semaphore(%arg10 : memref<!tpu.dma_semaphore, #tpu.memory_space<semaphore_mem>>) src(%dma_wait3A_283 : memref<128xi32, #tpu.memory_space<hbm>>) dst(%dma_wait3A_280 : memref<128xi32, #tpu.memory_space<vmem>>)
        %dma_wait3A_284 = arith.constant 2 : i32
        %dma_wait3A_285 = arith.constant 1 : i32
        %dma_wait3A_286 = arith.constant 2 : i32
        %dma_wait3A_287 = arith.constant 0 : i32
        %dma_wait3A_288 = tpu.memref_slice %arg6[%dma_wait3A_285, %dma_wait3A_286, %dma_wait3A_287] : memref<2x3x128xi32, #tpu.memory_space<vmem>> -> memref<1x1x128xi32, #tpu.memory_space<vmem>>
        %dma_wait3A_289 = tpu.memref_squeeze %dma_wait3A_288 : memref<1x1x128xi32, #tpu.memory_space<vmem>> -> memref<128xi32, #tpu.memory_space<vmem>>
        %dma_wait3A_290 = arith.constant 0 : i32
        %dma_wait3A_291 = tpu.memref_slice %arg4[%dma_wait3A_284, %while3A_66, %dma_wait3A_290] : memref<3x782x128xi32, #tpu.memory_space<hbm>> -> memref<1x1x128xi32, #tpu.memory_space<hbm>>
        %dma_wait3A_292 = tpu.memref_squeeze %dma_wait3A_291 : memref<1x1x128xi32, #tpu.memory_space<hbm>> -> memref<128xi32, #tpu.memory_space<hbm>>
        %dma_wait3A_293 = arith.constant 0 : i32
        %dma_wait3A_294 = tpu.memref_slice %arg6[%dma_wait3A_285, %dma_wait3A_286, %dma_wait3A_293] : memref<2x3x128xi32, #tpu.memory_space<vmem>> -> memref<1x1x128xi32, #tpu.memory_space<vmem>>
        %dma_wait3A_295 = tpu.memref_squeeze %dma_wait3A_294 : memref<1x1x128xi32, #tpu.memory_space<vmem>> -> memref<128xi32, #tpu.memory_space<vmem>>
        %dma_wait3A_296 = arith.constant 0 : i32
        %dma_wait3A_297 = tpu.memref_slice %arg4[%dma_wait3A_284, %while3A_66, %dma_wait3A_296] : memref<3x782x128xi32, #tpu.memory_space<hbm>> -> memref<1x1x128xi32, #tpu.memory_space<hbm>>
        %dma_wait3A_298 = tpu.memref_squeeze %dma_wait3A_297 : memref<1x1x128xi32, #tpu.memory_space<hbm>> -> memref<128xi32, #tpu.memory_space<hbm>>
        tpu.wait_dma2 semaphore(%arg10 : memref<!tpu.dma_semaphore, #tpu.memory_space<semaphore_mem>>) src(%dma_wait3A_298 : memref<128xi32, #tpu.memory_space<hbm>>) dst(%dma_wait3A_295 : memref<128xi32, #tpu.memory_space<vmem>>)
        %sub3A_299 = arith.constant 2 : i32
        %sub3A_300 = arith.subi %while3A_66, %sub3A_299 : i32
        %ge3A = arith.cmpi sge, %sub3A_300, %select_n3A : i32
        %convert_element_type3A_301 = arith.extui %ge3A : i1 to i32
        %cond3A_302 = arith.constant 0 : i32
        %cond3A_303 = arith.cmpi ne, %convert_element_type3A_301, %cond3A_302 : i32
        scf.if %cond3A_303 {
          %sub3A_304 = arith.constant 2 : i32
          %sub3A_305 = arith.subi %while3A_66, %sub3A_304 : i32
          %mul3A_306 = arith.constant 128 : i32
          %mul3A_307 = arith.muli %sub3A_305, %mul3A_306 : i32
          %dma_wait3A_308 = arith.constant 1 : i32
          %dma_wait3A_309 = arith.constant 0 : i32
          %dma_wait3A_310 = arith.constant 0 : i32
          %dma_wait3A_311 = tpu.memref_slice %arg8[%dma_wait3A_308, %dma_wait3A_309, %dma_wait3A_310] : memref<2x128x16xf32, #tpu.memory_space<vmem>> -> memref<1x128x16xf32, #tpu.memory_space<vmem>>
          %dma_wait3A_312 = tpu.memref_squeeze %dma_wait3A_311 : memref<1x128x16xf32, #tpu.memory_space<vmem>> -> memref<128x16xf32, #tpu.memory_space<vmem>>
          %dma_wait3A_313 = arith.constant 0 : i32
          %dma_wait3A_314 = tpu.memref_slice %arg5[%mul3A_307, %dma_wait3A_313] : memref<100096x16xf32, #tpu.memory_space<hbm>> -> memref<128x16xf32, #tpu.memory_space<hbm>>
          %dma_wait3A_315 = arith.constant 0 : i32
          %dma_wait3A_316 = tpu.memref_slice %arg5[%mul3A_307, %dma_wait3A_315] : memref<100096x16xf32, #tpu.memory_space<hbm>> -> memref<128x16xf32, #tpu.memory_space<hbm>>
          %dma_wait3A_317 = arith.constant 0 : i32
          %dma_wait3A_318 = arith.constant 0 : i32
          %dma_wait3A_319 = tpu.memref_slice %arg8[%dma_wait3A_308, %dma_wait3A_317, %dma_wait3A_318] : memref<2x128x16xf32, #tpu.memory_space<vmem>> -> memref<1x128x16xf32, #tpu.memory_space<vmem>>
          %dma_wait3A_320 = tpu.memref_squeeze %dma_wait3A_319 : memref<1x128x16xf32, #tpu.memory_space<vmem>> -> memref<128x16xf32, #tpu.memory_space<vmem>>
          tpu.wait_dma2 semaphore(%arg13 : memref<!tpu.dma_semaphore, #tpu.memory_space<semaphore_mem>>) src(%dma_wait3A_320 : memref<128x16xf32, #tpu.memory_space<vmem>>) dst(%dma_wait3A_316 : memref<128x16xf32, #tpu.memory_space<hbm>>)
        } else {
        }
      } else {
      }
      %eq3A_79 = arith.constant 0 : i32
      %eq3A_80 = arith.cmpi eq, %rem3A_69, %eq3A_79 : i32
      %add3A_81 = arith.constant 1 : i32
      %add3A_82 = arith.addi %while3A_66, %add3A_81 : i32
      %lt3A_83 = arith.cmpi slt, %add3A_82, %select_n3A_46 : i32
      %and3A_84 = arith.andi %eq3A_80, %lt3A_83 : i1
      %convert_element_type3A_85 = arith.extui %and3A_84 : i1 to i32
      %cond3A_86 = arith.constant 0 : i32
      %cond3A_87 = arith.cmpi ne, %convert_element_type3A_85, %cond3A_86 : i32
      scf.if %cond3A_87 {
        %add3A_254 = arith.constant 1 : i32
        %add3A_255 = arith.addi %while3A_66, %add3A_254 : i32
        %dma_start3A_256 = arith.constant 0 : i32
        %dma_start3A_257 = arith.constant 1 : i32
        %dma_start3A_258 = arith.constant 0 : i32
        %dma_start3A_259 = arith.constant 0 : i32
        %dma_start3A_260 = tpu.memref_slice %arg6[%dma_start3A_257, %dma_start3A_258, %dma_start3A_259] : memref<2x3x128xi32, #tpu.memory_space<vmem>> -> memref<1x1x128xi32, #tpu.memory_space<vmem>>
        %dma_start3A_261 = tpu.memref_squeeze %dma_start3A_260 : memref<1x1x128xi32, #tpu.memory_space<vmem>> -> memref<128xi32, #tpu.memory_space<vmem>>
        %dma_start3A_262 = arith.constant 0 : i32
        %dma_start3A_263 = tpu.memref_slice %arg4[%dma_start3A_256, %add3A_255, %dma_start3A_262] : memref<3x782x128xi32, #tpu.memory_space<hbm>> -> memref<1x1x128xi32, #tpu.memory_space<hbm>>
        %dma_start3A_264 = tpu.memref_squeeze %dma_start3A_263 : memref<1x1x128xi32, #tpu.memory_space<hbm>> -> memref<128xi32, #tpu.memory_space<hbm>>
        %dma_start3A_265 = arith.constant 0 : i32
        %dma_start3A_266 = tpu.memref_slice %arg6[%dma_start3A_257, %dma_start3A_258, %dma_start3A_265] : memref<2x3x128xi32, #tpu.memory_space<vmem>> -> memref<1x1x128xi32, #tpu.memory_space<vmem>>
        %dma_start3A_267 = tpu.memref_squeeze %dma_start3A_266 : memref<1x1x128xi32, #tpu.memory_space<vmem>> -> memref<128xi32, #tpu.memory_space<vmem>>
        %dma_start3A_268 = arith.constant 0 : i32
        %dma_start3A_269 = tpu.memref_slice %arg4[%dma_start3A_256, %add3A_255, %dma_start3A_268] : memref<3x782x128xi32, #tpu.memory_space<hbm>> -> memref<1x1x128xi32, #tpu.memory_space<hbm>>
        %dma_start3A_270 = tpu.memref_squeeze %dma_start3A_269 : memref<1x1x128xi32, #tpu.memory_space<hbm>> -> memref<128xi32, #tpu.memory_space<hbm>>
        tpu.enqueue_dma source(%dma_start3A_270 : memref<128xi32, #tpu.memory_space<hbm>>) target(%dma_start3A_267 : memref<128xi32, #tpu.memory_space<vmem>>) target_semaphore(%arg10 : memref<!tpu.dma_semaphore, #tpu.memory_space<semaphore_mem>>)
        %dma_start3A_271 = arith.constant 1 : i32
        %dma_start3A_272 = arith.constant 1 : i32
        %dma_start3A_273 = arith.constant 1 : i32
        %dma_start3A_274 = arith.constant 0 : i32
        %dma_start3A_275 = tpu.memref_slice %arg6[%dma_start3A_272, %dma_start3A_273, %dma_start3A_274] : memref<2x3x128xi32, #tpu.memory_space<vmem>> -> memref<1x1x128xi32, #tpu.memory_space<vmem>>
        %dma_start3A_276 = tpu.memref_squeeze %dma_start3A_275 : memref<1x1x128xi32, #tpu.memory_space<vmem>> -> memref<128xi32, #tpu.memory_space<vmem>>
        %dma_start3A_277 = arith.constant 0 : i32
        %dma_start3A_278 = tpu.memref_slice %arg4[%dma_start3A_271, %add3A_255, %dma_start3A_277] : memref<3x782x128xi32, #tpu.memory_space<hbm>> -> memref<1x1x128xi32, #tpu.memory_space<hbm>>
        %dma_start3A_279 = tpu.memref_squeeze %dma_start3A_278 : memref<1x1x128xi32, #tpu.memory_space<hbm>> -> memref<128xi32, #tpu.memory_space<hbm>>
        %dma_start3A_280 = arith.constant 0 : i32
        %dma_start3A_281 = tpu.memref_slice %arg6[%dma_start3A_272, %dma_start3A_273, %dma_start3A_280] : memref<2x3x128xi32, #tpu.memory_space<vmem>> -> memref<1x1x128xi32, #tpu.memory_space<vmem>>
        %dma_start3A_282 = tpu.memref_squeeze %dma_start3A_281 : memref<1x1x128xi32, #tpu.memory_space<vmem>> -> memref<128xi32, #tpu.memory_space<vmem>>
        %dma_start3A_283 = arith.constant 0 : i32
        %dma_start3A_284 = tpu.memref_slice %arg4[%dma_start3A_271, %add3A_255, %dma_start3A_283] : memref<3x782x128xi32, #tpu.memory_space<hbm>> -> memref<1x1x128xi32, #tpu.memory_space<hbm>>
        %dma_start3A_285 = tpu.memref_squeeze %dma_start3A_284 : memref<1x1x128xi32, #tpu.memory_space<hbm>> -> memref<128xi32, #tpu.memory_space<hbm>>
        tpu.enqueue_dma source(%dma_start3A_285 : memref<128xi32, #tpu.memory_space<hbm>>) target(%dma_start3A_282 : memref<128xi32, #tpu.memory_space<vmem>>) target_semaphore(%arg10 : memref<!tpu.dma_semaphore, #tpu.memory_space<semaphore_mem>>)
        %dma_start3A_286 = arith.constant 2 : i32
        %dma_start3A_287 = arith.constant 1 : i32
        %dma_start3A_288 = arith.constant 2 : i32
        %dma_start3A_289 = arith.constant 0 : i32
        %dma_start3A_290 = tpu.memref_slice %arg6[%dma_start3A_287, %dma_start3A_288, %dma_start3A_289] : memref<2x3x128xi32, #tpu.memory_space<vmem>> -> memref<1x1x128xi32, #tpu.memory_space<vmem>>
        %dma_start3A_291 = tpu.memref_squeeze %dma_start3A_290 : memref<1x1x128xi32, #tpu.memory_space<vmem>> -> memref<128xi32, #tpu.memory_space<vmem>>
        %dma_start3A_292 = arith.constant 0 : i32
        %dma_start3A_293 = tpu.memref_slice %arg4[%dma_start3A_286, %add3A_255, %dma_start3A_292] : memref<3x782x128xi32, #tpu.memory_space<hbm>> -> memref<1x1x128xi32, #tpu.memory_space<hbm>>
        %dma_start3A_294 = tpu.memref_squeeze %dma_start3A_293 : memref<1x1x128xi32, #tpu.memory_space<hbm>> -> memref<128xi32, #tpu.memory_space<hbm>>
        %dma_start3A_295 = arith.constant 0 : i32
        %dma_start3A_296 = tpu.memref_slice %arg6[%dma_start3A_287, %dma_start3A_288, %dma_start3A_295] : memref<2x3x128xi32, #tpu.memory_space<vmem>> -> memref<1x1x128xi32, #tpu.memory_space<vmem>>
        %dma_start3A_297 = tpu.memref_squeeze %dma_start3A_296 : memref<1x1x128xi32, #tpu.memory_space<vmem>> -> memref<128xi32, #tpu.memory_space<vmem>>
        %dma_start3A_298 = arith.constant 0 : i32
        %dma_start3A_299 = tpu.memref_slice %arg4[%dma_start3A_286, %add3A_255, %dma_start3A_298] : memref<3x782x128xi32, #tpu.memory_space<hbm>> -> memref<1x1x128xi32, #tpu.memory_space<hbm>>
        %dma_start3A_300 = tpu.memref_squeeze %dma_start3A_299 : memref<1x1x128xi32, #tpu.memory_space<hbm>> -> memref<128xi32, #tpu.memory_space<hbm>>
        tpu.enqueue_dma source(%dma_start3A_300 : memref<128xi32, #tpu.memory_space<hbm>>) target(%dma_start3A_297 : memref<128xi32, #tpu.memory_space<vmem>>) target_semaphore(%arg10 : memref<!tpu.dma_semaphore, #tpu.memory_space<semaphore_mem>>)
      } else {
      }
      %eq3A_88 = arith.constant 1 : i32
      %eq3A_89 = arith.cmpi eq, %rem3A_69, %eq3A_88 : i32
      %add3A_90 = arith.constant 1 : i32
      %add3A_91 = arith.addi %while3A_66, %add3A_90 : i32
      %lt3A_92 = arith.cmpi slt, %add3A_91, %select_n3A_46 : i32
      %and3A_93 = arith.andi %eq3A_89, %lt3A_92 : i1
      %convert_element_type3A_94 = arith.extui %and3A_93 : i1 to i32
      %cond3A_95 = arith.constant 0 : i32
      %cond3A_96 = arith.cmpi ne, %convert_element_type3A_94, %cond3A_95 : i32
      scf.if %cond3A_96 {
        %add3A_254 = arith.constant 1 : i32
        %add3A_255 = arith.addi %while3A_66, %add3A_254 : i32
        %dma_start3A_256 = arith.constant 0 : i32
        %dma_start3A_257 = arith.constant 0 : i32
        %dma_start3A_258 = arith.constant 0 : i32
        %dma_start3A_259 = arith.constant 0 : i32
        %dma_start3A_260 = tpu.memref_slice %arg6[%dma_start3A_257, %dma_start3A_258, %dma_start3A_259] : memref<2x3x128xi32, #tpu.memory_space<vmem>> -> memref<1x1x128xi32, #tpu.memory_space<vmem>>
        %dma_start3A_261 = tpu.memref_squeeze %dma_start3A_260 : memref<1x1x128xi32, #tpu.memory_space<vmem>> -> memref<128xi32, #tpu.memory_space<vmem>>
        %dma_start3A_262 = arith.constant 0 : i32
        %dma_start3A_263 = tpu.memref_slice %arg4[%dma_start3A_256, %add3A_255, %dma_start3A_262] : memref<3x782x128xi32, #tpu.memory_space<hbm>> -> memref<1x1x128xi32, #tpu.memory_space<hbm>>
        %dma_start3A_264 = tpu.memref_squeeze %dma_start3A_263 : memref<1x1x128xi32, #tpu.memory_space<hbm>> -> memref<128xi32, #tpu.memory_space<hbm>>
        %dma_start3A_265 = arith.constant 0 : i32
        %dma_start3A_266 = tpu.memref_slice %arg6[%dma_start3A_257, %dma_start3A_258, %dma_start3A_265] : memref<2x3x128xi32, #tpu.memory_space<vmem>> -> memref<1x1x128xi32, #tpu.memory_space<vmem>>
        %dma_start3A_267 = tpu.memref_squeeze %dma_start3A_266 : memref<1x1x128xi32, #tpu.memory_space<vmem>> -> memref<128xi32, #tpu.memory_space<vmem>>
        %dma_start3A_268 = arith.constant 0 : i32
        %dma_start3A_269 = tpu.memref_slice %arg4[%dma_start3A_256, %add3A_255, %dma_start3A_268] : memref<3x782x128xi32, #tpu.memory_space<hbm>> -> memref<1x1x128xi32, #tpu.memory_space<hbm>>
        %dma_start3A_270 = tpu.memref_squeeze %dma_start3A_269 : memref<1x1x128xi32, #tpu.memory_space<hbm>> -> memref<128xi32, #tpu.memory_space<hbm>>
        tpu.enqueue_dma source(%dma_start3A_270 : memref<128xi32, #tpu.memory_space<hbm>>) target(%dma_start3A_267 : memref<128xi32, #tpu.memory_space<vmem>>) target_semaphore(%arg9 : memref<!tpu.dma_semaphore, #tpu.memory_space<semaphore_mem>>)
        %dma_start3A_271 = arith.constant 1 : i32
        %dma_start3A_272 = arith.constant 0 : i32
        %dma_start3A_273 = arith.constant 1 : i32
        %dma_start3A_274 = arith.constant 0 : i32
        %dma_start3A_275 = tpu.memref_slice %arg6[%dma_start3A_272, %dma_start3A_273, %dma_start3A_274] : memref<2x3x128xi32, #tpu.memory_space<vmem>> -> memref<1x1x128xi32, #tpu.memory_space<vmem>>
        %dma_start3A_276 = tpu.memref_squeeze %dma_start3A_275 : memref<1x1x128xi32, #tpu.memory_space<vmem>> -> memref<128xi32, #tpu.memory_space<vmem>>
        %dma_start3A_277 = arith.constant 0 : i32
        %dma_start3A_278 = tpu.memref_slice %arg4[%dma_start3A_271, %add3A_255, %dma_start3A_277] : memref<3x782x128xi32, #tpu.memory_space<hbm>> -> memref<1x1x128xi32, #tpu.memory_space<hbm>>
        %dma_start3A_279 = tpu.memref_squeeze %dma_start3A_278 : memref<1x1x128xi32, #tpu.memory_space<hbm>> -> memref<128xi32, #tpu.memory_space<hbm>>
        %dma_start3A_280 = arith.constant 0 : i32
        %dma_start3A_281 = tpu.memref_slice %arg6[%dma_start3A_272, %dma_start3A_273, %dma_start3A_280] : memref<2x3x128xi32, #tpu.memory_space<vmem>> -> memref<1x1x128xi32, #tpu.memory_space<vmem>>
        %dma_start3A_282 = tpu.memref_squeeze %dma_start3A_281 : memref<1x1x128xi32, #tpu.memory_space<vmem>> -> memref<128xi32, #tpu.memory_space<vmem>>
        %dma_start3A_283 = arith.constant 0 : i32
        %dma_start3A_284 = tpu.memref_slice %arg4[%dma_start3A_271, %add3A_255, %dma_start3A_283] : memref<3x782x128xi32, #tpu.memory_space<hbm>> -> memref<1x1x128xi32, #tpu.memory_space<hbm>>
        %dma_start3A_285 = tpu.memref_squeeze %dma_start3A_284 : memref<1x1x128xi32, #tpu.memory_space<hbm>> -> memref<128xi32, #tpu.memory_space<hbm>>
        tpu.enqueue_dma source(%dma_start3A_285 : memref<128xi32, #tpu.memory_space<hbm>>) target(%dma_start3A_282 : memref<128xi32, #tpu.memory_space<vmem>>) target_semaphore(%arg9 : memref<!tpu.dma_semaphore, #tpu.memory_space<semaphore_mem>>)
        %dma_start3A_286 = arith.constant 2 : i32
        %dma_start3A_287 = arith.constant 0 : i32
        %dma_start3A_288 = arith.constant 2 : i32
        %dma_start3A_289 = arith.constant 0 : i32
        %dma_start3A_290 = tpu.memref_slice %arg6[%dma_start3A_287, %dma_start3A_288, %dma_start3A_289] : memref<2x3x128xi32, #tpu.memory_space<vmem>> -> memref<1x1x128xi32, #tpu.memory_space<vmem>>
        %dma_start3A_291 = tpu.memref_squeeze %dma_start3A_290 : memref<1x1x128xi32, #tpu.memory_space<vmem>> -> memref<128xi32, #tpu.memory_space<vmem>>
        %dma_start3A_292 = arith.constant 0 : i32
        %dma_start3A_293 = tpu.memref_slice %arg4[%dma_start3A_286, %add3A_255, %dma_start3A_292] : memref<3x782x128xi32, #tpu.memory_space<hbm>> -> memref<1x1x128xi32, #tpu.memory_space<hbm>>
        %dma_start3A_294 = tpu.memref_squeeze %dma_start3A_293 : memref<1x1x128xi32, #tpu.memory_space<hbm>> -> memref<128xi32, #tpu.memory_space<hbm>>
        %dma_start3A_295 = arith.constant 0 : i32
        %dma_start3A_296 = tpu.memref_slice %arg6[%dma_start3A_287, %dma_start3A_288, %dma_start3A_295] : memref<2x3x128xi32, #tpu.memory_space<vmem>> -> memref<1x1x128xi32, #tpu.memory_space<vmem>>
        %dma_start3A_297 = tpu.memref_squeeze %dma_start3A_296 : memref<1x1x128xi32, #tpu.memory_space<vmem>> -> memref<128xi32, #tpu.memory_space<vmem>>
        %dma_start3A_298 = arith.constant 0 : i32
        %dma_start3A_299 = tpu.memref_slice %arg4[%dma_start3A_286, %add3A_255, %dma_start3A_298] : memref<3x782x128xi32, #tpu.memory_space<hbm>> -> memref<1x1x128xi32, #tpu.memory_space<hbm>>
        %dma_start3A_300 = tpu.memref_squeeze %dma_start3A_299 : memref<1x1x128xi32, #tpu.memory_space<hbm>> -> memref<128xi32, #tpu.memory_space<hbm>>
        tpu.enqueue_dma source(%dma_start3A_300 : memref<128xi32, #tpu.memory_space<hbm>>) target(%dma_start3A_297 : memref<128xi32, #tpu.memory_space<vmem>>) target_semaphore(%arg9 : memref<!tpu.dma_semaphore, #tpu.memory_space<semaphore_mem>>)
      } else {
      }
      %dma_start3A = arith.constant 0 : i32
      %dma_start3A_97 = arith.constant 0 : i32
      %dma_start3A_98 = arith.constant 0 : i32
      %dma_start3A_99 = arith.constant 0 : i32
      %dma_start3A_100 = tpu.memref_slice %arg7[%dma_start3A_97, %dma_start3A_98, %dma_start3A_99] : memref<6x128x16xf32, #tpu.memory_space<vmem>> -> memref<1x128x16xf32, #tpu.memory_space<vmem>>
      %dma_start3A_101 = tpu.memref_squeeze %dma_start3A_100 : memref<1x128x16xf32, #tpu.memory_space<vmem>> -> memref<128x16xf32, #tpu.memory_space<vmem>>
      %dma_start3A_102 = arith.constant 0 : i32
      %dma_start3A_103 = tpu.memref_slice %arg6[%rem3A_69, %dma_start3A, %dma_start3A_102] : memref<2x3x128xi32, #tpu.memory_space<vmem>> -> memref<1x1x128xi32, #tpu.memory_space<vmem>>
      %dma_start3A_104 = tpu.memref_squeeze %dma_start3A_103 : memref<1x1x128xi32, #tpu.memory_space<vmem>> -> memref<128xi32, #tpu.memory_space<vmem>>
      %dma_start3A_105 = arith.constant 0 : i32
      %dma_start3A_106 = arith.constant 0 : i32
      %dma_start3A_107 = tpu.memref_slice %arg2[%dma_start3A_105, %dma_start3A_106] : memref<50000x16xf32, #tpu.memory_space<hbm>> -> memref<50000x16xf32, #tpu.memory_space<hbm>>
      tpu.enqueue_indirect_dma source(%dma_start3A_107 : memref<50000x16xf32, #tpu.memory_space<hbm>>) target(%dma_start3A_101 : memref<128x16xf32, #tpu.memory_space<vmem>>) offsets(%dma_start3A_104 : memref<128xi32, #tpu.memory_space<vmem>>) semaphore(%arg11 : memref<!tpu.dma_semaphore, #tpu.memory_space<semaphore_mem>>)
      %dma_start3A_108 = arith.constant 0 : i32
      %dma_start3A_109 = arith.constant 3 : i32
      %dma_start3A_110 = arith.constant 0 : i32
      %dma_start3A_111 = arith.constant 0 : i32
      %dma_start3A_112 = tpu.memref_slice %arg7[%dma_start3A_109, %dma_start3A_110, %dma_start3A_111] : memref<6x128x16xf32, #tpu.memory_space<vmem>> -> memref<1x128x16xf32, #tpu.memory_space<vmem>>
      %dma_start3A_113 = tpu.memref_squeeze %dma_start3A_112 : memref<1x128x16xf32, #tpu.memory_space<vmem>> -> memref<128x16xf32, #tpu.memory_space<vmem>>
      %dma_start3A_114 = arith.constant 0 : i32
      %dma_start3A_115 = tpu.memref_slice %arg6[%rem3A_69, %dma_start3A_108, %dma_start3A_114] : memref<2x3x128xi32, #tpu.memory_space<vmem>> -> memref<1x1x128xi32, #tpu.memory_space<vmem>>
      %dma_start3A_116 = tpu.memref_squeeze %dma_start3A_115 : memref<1x1x128xi32, #tpu.memory_space<vmem>> -> memref<128xi32, #tpu.memory_space<vmem>>
      %dma_start3A_117 = arith.constant 0 : i32
      %dma_start3A_118 = arith.constant 0 : i32
      %dma_start3A_119 = tpu.memref_slice %arg3[%dma_start3A_117, %dma_start3A_118] : memref<50000x16xf32, #tpu.memory_space<hbm>> -> memref<50000x16xf32, #tpu.memory_space<hbm>>
      tpu.enqueue_indirect_dma source(%dma_start3A_119 : memref<50000x16xf32, #tpu.memory_space<hbm>>) target(%dma_start3A_113 : memref<128x16xf32, #tpu.memory_space<vmem>>) offsets(%dma_start3A_116 : memref<128xi32, #tpu.memory_space<vmem>>) semaphore(%arg11 : memref<!tpu.dma_semaphore, #tpu.memory_space<semaphore_mem>>)
      %dma_start3A_120 = arith.constant 1 : i32
      %dma_start3A_121 = arith.constant 1 : i32
      %dma_start3A_122 = arith.constant 0 : i32
      %dma_start3A_123 = arith.constant 0 : i32
      %dma_start3A_124 = tpu.memref_slice %arg7[%dma_start3A_121, %dma_start3A_122, %dma_start3A_123] : memref<6x128x16xf32, #tpu.memory_space<vmem>> -> memref<1x128x16xf32, #tpu.memory_space<vmem>>
      %dma_start3A_125 = tpu.memref_squeeze %dma_start3A_124 : memref<1x128x16xf32, #tpu.memory_space<vmem>> -> memref<128x16xf32, #tpu.memory_space<vmem>>
      %dma_start3A_126 = arith.constant 0 : i32
      %dma_start3A_127 = tpu.memref_slice %arg6[%rem3A_69, %dma_start3A_120, %dma_start3A_126] : memref<2x3x128xi32, #tpu.memory_space<vmem>> -> memref<1x1x128xi32, #tpu.memory_space<vmem>>
      %dma_start3A_128 = tpu.memref_squeeze %dma_start3A_127 : memref<1x1x128xi32, #tpu.memory_space<vmem>> -> memref<128xi32, #tpu.memory_space<vmem>>
      %dma_start3A_129 = arith.constant 0 : i32
      %dma_start3A_130 = arith.constant 0 : i32
      %dma_start3A_131 = tpu.memref_slice %arg2[%dma_start3A_129, %dma_start3A_130] : memref<50000x16xf32, #tpu.memory_space<hbm>> -> memref<50000x16xf32, #tpu.memory_space<hbm>>
      tpu.enqueue_indirect_dma source(%dma_start3A_131 : memref<50000x16xf32, #tpu.memory_space<hbm>>) target(%dma_start3A_125 : memref<128x16xf32, #tpu.memory_space<vmem>>) offsets(%dma_start3A_128 : memref<128xi32, #tpu.memory_space<vmem>>) semaphore(%arg11 : memref<!tpu.dma_semaphore, #tpu.memory_space<semaphore_mem>>)
      %dma_start3A_132 = arith.constant 1 : i32
      %dma_start3A_133 = arith.constant 4 : i32
      %dma_start3A_134 = arith.constant 0 : i32
      %dma_start3A_135 = arith.constant 0 : i32
      %dma_start3A_136 = tpu.memref_slice %arg7[%dma_start3A_133, %dma_start3A_134, %dma_start3A_135] : memref<6x128x16xf32, #tpu.memory_space<vmem>> -> memref<1x128x16xf32, #tpu.memory_space<vmem>>
      %dma_start3A_137 = tpu.memref_squeeze %dma_start3A_136 : memref<1x128x16xf32, #tpu.memory_space<vmem>> -> memref<128x16xf32, #tpu.memory_space<vmem>>
      %dma_start3A_138 = arith.constant 0 : i32
      %dma_start3A_139 = tpu.memref_slice %arg6[%rem3A_69, %dma_start3A_132, %dma_start3A_138] : memref<2x3x128xi32, #tpu.memory_space<vmem>> -> memref<1x1x128xi32, #tpu.memory_space<vmem>>
      %dma_start3A_140 = tpu.memref_squeeze %dma_start3A_139 : memref<1x1x128xi32, #tpu.memory_space<vmem>> -> memref<128xi32, #tpu.memory_space<vmem>>
      %dma_start3A_141 = arith.constant 0 : i32
      %dma_start3A_142 = arith.constant 0 : i32
      %dma_start3A_143 = tpu.memref_slice %arg3[%dma_start3A_141, %dma_start3A_142] : memref<50000x16xf32, #tpu.memory_space<hbm>> -> memref<50000x16xf32, #tpu.memory_space<hbm>>
      tpu.enqueue_indirect_dma source(%dma_start3A_143 : memref<50000x16xf32, #tpu.memory_space<hbm>>) target(%dma_start3A_137 : memref<128x16xf32, #tpu.memory_space<vmem>>) offsets(%dma_start3A_140 : memref<128xi32, #tpu.memory_space<vmem>>) semaphore(%arg11 : memref<!tpu.dma_semaphore, #tpu.memory_space<semaphore_mem>>)
      %dma_start3A_144 = arith.constant 2 : i32
      %dma_start3A_145 = arith.constant 2 : i32
      %dma_start3A_146 = arith.constant 0 : i32
      %dma_start3A_147 = arith.constant 0 : i32
      %dma_start3A_148 = tpu.memref_slice %arg7[%dma_start3A_145, %dma_start3A_146, %dma_start3A_147] : memref<6x128x16xf32, #tpu.memory_space<vmem>> -> memref<1x128x16xf32, #tpu.memory_space<vmem>>
      %dma_start3A_149 = tpu.memref_squeeze %dma_start3A_148 : memref<1x128x16xf32, #tpu.memory_space<vmem>> -> memref<128x16xf32, #tpu.memory_space<vmem>>
      %dma_start3A_150 = arith.constant 0 : i32
      %dma_start3A_151 = tpu.memref_slice %arg6[%rem3A_69, %dma_start3A_144, %dma_start3A_150] : memref<2x3x128xi32, #tpu.memory_space<vmem>> -> memref<1x1x128xi32, #tpu.memory_space<vmem>>
      %dma_start3A_152 = tpu.memref_squeeze %dma_start3A_151 : memref<1x1x128xi32, #tpu.memory_space<vmem>> -> memref<128xi32, #tpu.memory_space<vmem>>
      %dma_start3A_153 = arith.constant 0 : i32
      %dma_start3A_154 = arith.constant 0 : i32
      %dma_start3A_155 = tpu.memref_slice %arg2[%dma_start3A_153, %dma_start3A_154] : memref<50000x16xf32, #tpu.memory_space<hbm>> -> memref<50000x16xf32, #tpu.memory_space<hbm>>
      tpu.enqueue_indirect_dma source(%dma_start3A_155 : memref<50000x16xf32, #tpu.memory_space<hbm>>) target(%dma_start3A_149 : memref<128x16xf32, #tpu.memory_space<vmem>>) offsets(%dma_start3A_152 : memref<128xi32, #tpu.memory_space<vmem>>) semaphore(%arg11 : memref<!tpu.dma_semaphore, #tpu.memory_space<semaphore_mem>>)
      %dma_start3A_156 = arith.constant 2 : i32
      %dma_start3A_157 = arith.constant 5 : i32
      %dma_start3A_158 = arith.constant 0 : i32
      %dma_start3A_159 = arith.constant 0 : i32
      %dma_start3A_160 = tpu.memref_slice %arg7[%dma_start3A_157, %dma_start3A_158, %dma_start3A_159] : memref<6x128x16xf32, #tpu.memory_space<vmem>> -> memref<1x128x16xf32, #tpu.memory_space<vmem>>
      %dma_start3A_161 = tpu.memref_squeeze %dma_start3A_160 : memref<1x128x16xf32, #tpu.memory_space<vmem>> -> memref<128x16xf32, #tpu.memory_space<vmem>>
      %dma_start3A_162 = arith.constant 0 : i32
      %dma_start3A_163 = tpu.memref_slice %arg6[%rem3A_69, %dma_start3A_156, %dma_start3A_162] : memref<2x3x128xi32, #tpu.memory_space<vmem>> -> memref<1x1x128xi32, #tpu.memory_space<vmem>>
      %dma_start3A_164 = tpu.memref_squeeze %dma_start3A_163 : memref<1x1x128xi32, #tpu.memory_space<vmem>> -> memref<128xi32, #tpu.memory_space<vmem>>
      %dma_start3A_165 = arith.constant 0 : i32
      %dma_start3A_166 = arith.constant 0 : i32
      %dma_start3A_167 = tpu.memref_slice %arg3[%dma_start3A_165, %dma_start3A_166] : memref<50000x16xf32, #tpu.memory_space<hbm>> -> memref<50000x16xf32, #tpu.memory_space<hbm>>
      tpu.enqueue_indirect_dma source(%dma_start3A_167 : memref<50000x16xf32, #tpu.memory_space<hbm>>) target(%dma_start3A_161 : memref<128x16xf32, #tpu.memory_space<vmem>>) offsets(%dma_start3A_164 : memref<128xi32, #tpu.memory_space<vmem>>) semaphore(%arg11 : memref<!tpu.dma_semaphore, #tpu.memory_space<semaphore_mem>>)
      %dma_wait3A = arith.constant 0 : i32
      %dma_wait3A_168 = arith.constant 0 : i32
      %dma_wait3A_169 = arith.constant 0 : i32
      %dma_wait3A_170 = arith.constant 0 : i32
      %dma_wait3A_171 = tpu.memref_slice %arg7[%dma_wait3A_168, %dma_wait3A_169, %dma_wait3A_170] : memref<6x128x16xf32, #tpu.memory_space<vmem>> -> memref<1x128x16xf32, #tpu.memory_space<vmem>>
      %dma_wait3A_172 = tpu.memref_squeeze %dma_wait3A_171 : memref<1x128x16xf32, #tpu.memory_space<vmem>> -> memref<128x16xf32, #tpu.memory_space<vmem>>
      %dma_wait3A_173 = arith.constant 0 : i32
      %dma_wait3A_174 = tpu.memref_slice %arg6[%rem3A_69, %dma_wait3A, %dma_wait3A_173] : memref<2x3x128xi32, #tpu.memory_space<vmem>> -> memref<1x1x128xi32, #tpu.memory_space<vmem>>
      %dma_wait3A_175 = tpu.memref_squeeze %dma_wait3A_174 : memref<1x1x128xi32, #tpu.memory_space<vmem>> -> memref<128xi32, #tpu.memory_space<vmem>>
      %dma_wait3A_176 = arith.constant 0 : i32
      %dma_wait3A_177 = arith.constant 0 : i32
      %dma_wait3A_178 = tpu.memref_slice %arg2[%dma_wait3A_176, %dma_wait3A_177] : memref<50000x16xf32, #tpu.memory_space<hbm>> -> memref<50000x16xf32, #tpu.memory_space<hbm>>
      tpu.wait_indirect_dma semaphore(%arg11 : memref<!tpu.dma_semaphore, #tpu.memory_space<semaphore_mem>>) src(%dma_wait3A_178 : memref<50000x16xf32, #tpu.memory_space<hbm>>) dst(%dma_wait3A_172 : memref<128x16xf32, #tpu.memory_space<vmem>>)
      %dma_wait3A_179 = arith.constant 0 : i32
      %dma_wait3A_180 = arith.constant 3 : i32
      %dma_wait3A_181 = arith.constant 0 : i32
      %dma_wait3A_182 = arith.constant 0 : i32
      %dma_wait3A_183 = tpu.memref_slice %arg7[%dma_wait3A_180, %dma_wait3A_181, %dma_wait3A_182] : memref<6x128x16xf32, #tpu.memory_space<vmem>> -> memref<1x128x16xf32, #tpu.memory_space<vmem>>
      %dma_wait3A_184 = tpu.memref_squeeze %dma_wait3A_183 : memref<1x128x16xf32, #tpu.memory_space<vmem>> -> memref<128x16xf32, #tpu.memory_space<vmem>>
      %dma_wait3A_185 = arith.constant 0 : i32
      %dma_wait3A_186 = tpu.memref_slice %arg6[%rem3A_69, %dma_wait3A_179, %dma_wait3A_185] : memref<2x3x128xi32, #tpu.memory_space<vmem>> -> memref<1x1x128xi32, #tpu.memory_space<vmem>>
      %dma_wait3A_187 = tpu.memref_squeeze %dma_wait3A_186 : memref<1x1x128xi32, #tpu.memory_space<vmem>> -> memref<128xi32, #tpu.memory_space<vmem>>
      %dma_wait3A_188 = arith.constant 0 : i32
      %dma_wait3A_189 = arith.constant 0 : i32
      %dma_wait3A_190 = tpu.memref_slice %arg3[%dma_wait3A_188, %dma_wait3A_189] : memref<50000x16xf32, #tpu.memory_space<hbm>> -> memref<50000x16xf32, #tpu.memory_space<hbm>>
      tpu.wait_indirect_dma semaphore(%arg11 : memref<!tpu.dma_semaphore, #tpu.memory_space<semaphore_mem>>) src(%dma_wait3A_190 : memref<50000x16xf32, #tpu.memory_space<hbm>>) dst(%dma_wait3A_184 : memref<128x16xf32, #tpu.memory_space<vmem>>)
      %dma_wait3A_191 = arith.constant 1 : i32
      %dma_wait3A_192 = arith.constant 1 : i32
      %dma_wait3A_193 = arith.constant 0 : i32
      %dma_wait3A_194 = arith.constant 0 : i32
      %dma_wait3A_195 = tpu.memref_slice %arg7[%dma_wait3A_192, %dma_wait3A_193, %dma_wait3A_194] : memref<6x128x16xf32, #tpu.memory_space<vmem>> -> memref<1x128x16xf32, #tpu.memory_space<vmem>>
      %dma_wait3A_196 = tpu.memref_squeeze %dma_wait3A_195 : memref<1x128x16xf32, #tpu.memory_space<vmem>> -> memref<128x16xf32, #tpu.memory_space<vmem>>
      %dma_wait3A_197 = arith.constant 0 : i32
      %dma_wait3A_198 = tpu.memref_slice %arg6[%rem3A_69, %dma_wait3A_191, %dma_wait3A_197] : memref<2x3x128xi32, #tpu.memory_space<vmem>> -> memref<1x1x128xi32, #tpu.memory_space<vmem>>
      %dma_wait3A_199 = tpu.memref_squeeze %dma_wait3A_198 : memref<1x1x128xi32, #tpu.memory_space<vmem>> -> memref<128xi32, #tpu.memory_space<vmem>>
      %dma_wait3A_200 = arith.constant 0 : i32
      %dma_wait3A_201 = arith.constant 0 : i32
      %dma_wait3A_202 = tpu.memref_slice %arg2[%dma_wait3A_200, %dma_wait3A_201] : memref<50000x16xf32, #tpu.memory_space<hbm>> -> memref<50000x16xf32, #tpu.memory_space<hbm>>
      tpu.wait_indirect_dma semaphore(%arg11 : memref<!tpu.dma_semaphore, #tpu.memory_space<semaphore_mem>>) src(%dma_wait3A_202 : memref<50000x16xf32, #tpu.memory_space<hbm>>) dst(%dma_wait3A_196 : memref<128x16xf32, #tpu.memory_space<vmem>>)
      %dma_wait3A_203 = arith.constant 1 : i32
      %dma_wait3A_204 = arith.constant 4 : i32
      %dma_wait3A_205 = arith.constant 0 : i32
      %dma_wait3A_206 = arith.constant 0 : i32
      %dma_wait3A_207 = tpu.memref_slice %arg7[%dma_wait3A_204, %dma_wait3A_205, %dma_wait3A_206] : memref<6x128x16xf32, #tpu.memory_space<vmem>> -> memref<1x128x16xf32, #tpu.memory_space<vmem>>
      %dma_wait3A_208 = tpu.memref_squeeze %dma_wait3A_207 : memref<1x128x16xf32, #tpu.memory_space<vmem>> -> memref<128x16xf32, #tpu.memory_space<vmem>>
      %dma_wait3A_209 = arith.constant 0 : i32
      %dma_wait3A_210 = tpu.memref_slice %arg6[%rem3A_69, %dma_wait3A_203, %dma_wait3A_209] : memref<2x3x128xi32, #tpu.memory_space<vmem>> -> memref<1x1x128xi32, #tpu.memory_space<vmem>>
      %dma_wait3A_211 = tpu.memref_squeeze %dma_wait3A_210 : memref<1x1x128xi32, #tpu.memory_space<vmem>> -> memref<128xi32, #tpu.memory_space<vmem>>
      %dma_wait3A_212 = arith.constant 0 : i32
      %dma_wait3A_213 = arith.constant 0 : i32
      %dma_wait3A_214 = tpu.memref_slice %arg3[%dma_wait3A_212, %dma_wait3A_213] : memref<50000x16xf32, #tpu.memory_space<hbm>> -> memref<50000x16xf32, #tpu.memory_space<hbm>>
      tpu.wait_indirect_dma semaphore(%arg11 : memref<!tpu.dma_semaphore, #tpu.memory_space<semaphore_mem>>) src(%dma_wait3A_214 : memref<50000x16xf32, #tpu.memory_space<hbm>>) dst(%dma_wait3A_208 : memref<128x16xf32, #tpu.memory_space<vmem>>)
      %dma_wait3A_215 = arith.constant 2 : i32
      %dma_wait3A_216 = arith.constant 2 : i32
      %dma_wait3A_217 = arith.constant 0 : i32
      %dma_wait3A_218 = arith.constant 0 : i32
      %dma_wait3A_219 = tpu.memref_slice %arg7[%dma_wait3A_216, %dma_wait3A_217, %dma_wait3A_218] : memref<6x128x16xf32, #tpu.memory_space<vmem>> -> memref<1x128x16xf32, #tpu.memory_space<vmem>>
      %dma_wait3A_220 = tpu.memref_squeeze %dma_wait3A_219 : memref<1x128x16xf32, #tpu.memory_space<vmem>> -> memref<128x16xf32, #tpu.memory_space<vmem>>
      %dma_wait3A_221 = arith.constant 0 : i32
      %dma_wait3A_222 = tpu.memref_slice %arg6[%rem3A_69, %dma_wait3A_215, %dma_wait3A_221] : memref<2x3x128xi32, #tpu.memory_space<vmem>> -> memref<1x1x128xi32, #tpu.memory_space<vmem>>
      %dma_wait3A_223 = tpu.memref_squeeze %dma_wait3A_222 : memref<1x1x128xi32, #tpu.memory_space<vmem>> -> memref<128xi32, #tpu.memory_space<vmem>>
      %dma_wait3A_224 = arith.constant 0 : i32
      %dma_wait3A_225 = arith.constant 0 : i32
      %dma_wait3A_226 = tpu.memref_slice %arg2[%dma_wait3A_224, %dma_wait3A_225] : memref<50000x16xf32, #tpu.memory_space<hbm>> -> memref<50000x16xf32, #tpu.memory_space<hbm>>
      tpu.wait_indirect_dma semaphore(%arg11 : memref<!tpu.dma_semaphore, #tpu.memory_space<semaphore_mem>>) src(%dma_wait3A_226 : memref<50000x16xf32, #tpu.memory_space<hbm>>) dst(%dma_wait3A_220 : memref<128x16xf32, #tpu.memory_space<vmem>>)
      %dma_wait3A_227 = arith.constant 2 : i32
      %dma_wait3A_228 = arith.constant 5 : i32
      %dma_wait3A_229 = arith.constant 0 : i32
      %dma_wait3A_230 = arith.constant 0 : i32
      %dma_wait3A_231 = tpu.memref_slice %arg7[%dma_wait3A_228, %dma_wait3A_229, %dma_wait3A_230] : memref<6x128x16xf32, #tpu.memory_space<vmem>> -> memref<1x128x16xf32, #tpu.memory_space<vmem>>
      %dma_wait3A_232 = tpu.memref_squeeze %dma_wait3A_231 : memref<1x128x16xf32, #tpu.memory_space<vmem>> -> memref<128x16xf32, #tpu.memory_space<vmem>>
      %dma_wait3A_233 = arith.constant 0 : i32
      %dma_wait3A_234 = tpu.memref_slice %arg6[%rem3A_69, %dma_wait3A_227, %dma_wait3A_233] : memref<2x3x128xi32, #tpu.memory_space<vmem>> -> memref<1x1x128xi32, #tpu.memory_space<vmem>>
      %dma_wait3A_235 = tpu.memref_squeeze %dma_wait3A_234 : memref<1x1x128xi32, #tpu.memory_space<vmem>> -> memref<128xi32, #tpu.memory_space<vmem>>
      %dma_wait3A_236 = arith.constant 0 : i32
      %dma_wait3A_237 = arith.constant 0 : i32
      %dma_wait3A_238 = tpu.memref_slice %arg3[%dma_wait3A_236, %dma_wait3A_237] : memref<50000x16xf32, #tpu.memory_space<hbm>> -> memref<50000x16xf32, #tpu.memory_space<hbm>>
      tpu.wait_indirect_dma semaphore(%arg11 : memref<!tpu.dma_semaphore, #tpu.memory_space<semaphore_mem>>) src(%dma_wait3A_238 : memref<50000x16xf32, #tpu.memory_space<hbm>>) dst(%dma_wait3A_232 : memref<128x16xf32, #tpu.memory_space<vmem>>)
      %scan3A = arith.constant 0 : i32
      %scan3A_239 = arith.constant 0 : i32
      %scan3A_240 = arith.constant 128 : i32
      %scan3A_241 = arith.addi %scan3A_239, %scan3A_240 : i32
      %scan3A_242 = arith.constant 1 : i32
      scf.for %scan3A_254 = %scan3A_239 to %scan3A_241 step %scan3A_242  : i32 {
        %get3A = arith.constant 0 : i32
        %get3A_255 = arith.index_cast %get3A : i32 to index
        %get3A_256 = arith.index_cast %scan3A_254 : i32 to index
        %get3A_257 = arith.constant 0 : index
        %get3A_258 = tpu.vector_load %arg7[%get3A_255, %get3A_256, %get3A_257] {strides = array<i32>} : memref<6x128x16xf32, #tpu.memory_space<vmem>>, vector<1x1x16xf32>,
        %get3A_259 = vector.shape_cast %get3A_258 : vector<1x1x16xf32> to vector<16xf32>
        %get3A_260 = arith.constant 1 : i32
        %get3A_261 = arith.index_cast %get3A_260 : i32 to index
        %get3A_262 = arith.index_cast %scan3A_254 : i32 to index
        %get3A_263 = arith.constant 0 : index
        %get3A_264 = tpu.vector_load %arg7[%get3A_261, %get3A_262, %get3A_263] {strides = array<i32>} : memref<6x128x16xf32, #tpu.memory_space<vmem>>, vector<1x1x16xf32>,
        %get3A_265 = vector.shape_cast %get3A_264 : vector<1x1x16xf32> to vector<16xf32>
        %add3A_266 = arith.addf %get3A_259, %get3A_265 : vector<16xf32>
        %get3A_267 = arith.constant 2 : i32
        %get3A_268 = arith.index_cast %get3A_267 : i32 to index
        %get3A_269 = arith.index_cast %scan3A_254 : i32 to index
        %get3A_270 = arith.constant 0 : index
        %get3A_271 = tpu.vector_load %arg7[%get3A_268, %get3A_269, %get3A_270] {strides = array<i32>} : memref<6x128x16xf32, #tpu.memory_space<vmem>>, vector<1x1x16xf32>,
        %get3A_272 = vector.shape_cast %get3A_271 : vector<1x1x16xf32> to vector<16xf32>
        %get3A_273 = arith.constant 3 : i32
        %get3A_274 = arith.index_cast %get3A_273 : i32 to index
        %get3A_275 = arith.index_cast %scan3A_254 : i32 to index
        %get3A_276 = arith.constant 0 : index
        %get3A_277 = tpu.vector_load %arg7[%get3A_274, %get3A_275, %get3A_276] {strides = array<i32>} : memref<6x128x16xf32, #tpu.memory_space<vmem>>, vector<1x1x16xf32>,
        %get3A_278 = vector.shape_cast %get3A_277 : vector<1x1x16xf32> to vector<16xf32>
        %add3A_279 = arith.addf %get3A_272, %get3A_278 : vector<16xf32>
        %add3A_280 = arith.addf %add3A_266, %add3A_279 : vector<16xf32>
        %get3A_281 = arith.constant 4 : i32
        %get3A_282 = arith.index_cast %get3A_281 : i32 to index
        %get3A_283 = arith.index_cast %scan3A_254 : i32 to index
        %get3A_284 = arith.constant 0 : index
        %get3A_285 = tpu.vector_load %arg7[%get3A_282, %get3A_283, %get3A_284] {strides = array<i32>} : memref<6x128x16xf32, #tpu.memory_space<vmem>>, vector<1x1x16xf32>,
        %get3A_286 = vector.shape_cast %get3A_285 : vector<1x1x16xf32> to vector<16xf32>
        %get3A_287 = arith.constant 5 : i32
        %get3A_288 = arith.index_cast %get3A_287 : i32 to index
        %get3A_289 = arith.index_cast %scan3A_254 : i32 to index
        %get3A_290 = arith.constant 0 : index
        %get3A_291 = tpu.vector_load %arg7[%get3A_288, %get3A_289, %get3A_290] {strides = array<i32>} : memref<6x128x16xf32, #tpu.memory_space<vmem>>, vector<1x1x16xf32>,
        %get3A_292 = vector.shape_cast %get3A_291 : vector<1x1x16xf32> to vector<16xf32>
        %add3A_293 = arith.addf %get3A_286, %get3A_292 : vector<16xf32>
        %add3A_294 = arith.addf %add3A_280, %add3A_293 : vector<16xf32>
        %swap3A = arith.index_cast %rem3A_69 : i32 to index
        %swap3A_295 = arith.index_cast %scan3A_254 : i32 to index
        %swap3A_296 = arith.constant 0 : index
        %swap3A_297 = tpu.vector_load %arg8[%swap3A, %swap3A_295, %swap3A_296] {strides = array<i32>} : memref<2x128x16xf32, #tpu.memory_space<vmem>>, vector<1x1x16xf32>,
        %swap3A_298 = vector.shape_cast %swap3A_297 : vector<1x1x16xf32> to vector<16xf32>
        %swap3A_299 = vector.shape_cast %add3A_294 : vector<16xf32> to vector<1x1x16xf32>
        tpu.vector_store %arg8[%swap3A, %swap3A_295, %swap3A_296], %swap3A_299 {strides = array<i32>} : memref<2x128x16xf32, #tpu.memory_space<vmem>>, vector<1x1x16xf32>,
      }
      %scan3A_243 = arith.constant 128 : i32
      %eq3A_244 = arith.constant 0 : i32
      %eq3A_245 = arith.cmpi eq, %rem3A_69, %eq3A_244 : i32
      %convert_element_type3A_246 = arith.extui %eq3A_245 : i1 to i32
      %cond3A_247 = arith.constant 0 : i32
      %cond3A_248 = arith.cmpi ne, %convert_element_type3A_246, %cond3A_247 : i32
      scf.if %cond3A_248 {
        %mul3A_254 = arith.constant 128 : i32
        %mul3A_255 = arith.muli %while3A_66, %mul3A_254 : i32
        %dma_start3A_256 = arith.constant 0 : i32
        %dma_start3A_257 = arith.constant 0 : i32
        %dma_start3A_258 = arith.constant 0 : i32
        %dma_start3A_259 = tpu.memref_slice %arg8[%dma_start3A_256, %dma_start3A_257, %dma_start3A_258] : memref<2x128x16xf32, #tpu.memory_space<vmem>> -> memref<1x128x16xf32, #tpu.memory_space<vmem>>
        %dma_start3A_260 = tpu.memref_squeeze %dma_start3A_259 : memref<1x128x16xf32, #tpu.memory_space<vmem>> -> memref<128x16xf32, #tpu.memory_space<vmem>>
        %dma_start3A_261 = arith.constant 0 : i32
        %dma_start3A_262 = tpu.memref_slice %arg5[%mul3A_255, %dma_start3A_261] : memref<100096x16xf32, #tpu.memory_space<hbm>> -> memref<128x16xf32, #tpu.memory_space<hbm>>
        %dma_start3A_263 = arith.constant 0 : i32
        %dma_start3A_264 = tpu.memref_slice %arg5[%mul3A_255, %dma_start3A_263] : memref<100096x16xf32, #tpu.memory_space<hbm>> -> memref<128x16xf32, #tpu.memory_space<hbm>>
        %dma_start3A_265 = arith.constant 0 : i32
        %dma_start3A_266 = arith.constant 0 : i32
        %dma_start3A_267 = tpu.memref_slice %arg8[%dma_start3A_256, %dma_start3A_265, %dma_start3A_266] : memref<2x128x16xf32, #tpu.memory_space<vmem>> -> memref<1x128x16xf32, #tpu.memory_space<vmem>>
        %dma_start3A_268 = tpu.memref_squeeze %dma_start3A_267 : memref<1x128x16xf32, #tpu.memory_space<vmem>> -> memref<128x16xf32, #tpu.memory_space<vmem>>
        tpu.enqueue_dma source(%dma_start3A_268 : memref<128x16xf32, #tpu.memory_space<vmem>>) target(%dma_start3A_264 : memref<128x16xf32, #tpu.memory_space<hbm>>) target_semaphore(%arg12 : memref<!tpu.dma_semaphore, #tpu.memory_space<semaphore_mem>>)
      } else {
      }
      %eq3A_249 = arith.constant 1 : i32
      %eq3A_250 = arith.cmpi eq, %rem3A_69, %eq3A_249 : i32
      %convert_element_type3A_251 = arith.extui %eq3A_250 : i1 to i32
      %cond3A_252 = arith.constant 0 : i32
      %cond3A_253 = arith.cmpi ne, %convert_element_type3A_251, %cond3A_252 : i32
      scf.if %cond3A_253 {
        %mul3A_254 = arith.constant 128 : i32
        %mul3A_255 = arith.muli %while3A_66, %mul3A_254 : i32
        %dma_start3A_256 = arith.constant 1 : i32
        %dma_start3A_257 = arith.constant 0 : i32
        %dma_start3A_258 = arith.constant 0 : i32
        %dma_start3A_259 = tpu.memref_slice %arg8[%dma_start3A_256, %dma_start3A_257, %dma_start3A_258] : memref<2x128x16xf32, #tpu.memory_space<vmem>> -> memref<1x128x16xf32, #tpu.memory_space<vmem>>
        %dma_start3A_260 = tpu.memref_squeeze %dma_start3A_259 : memref<1x128x16xf32, #tpu.memory_space<vmem>> -> memref<128x16xf32, #tpu.memory_space<vmem>>
        %dma_start3A_261 = arith.constant 0 : i32
        %dma_start3A_262 = tpu.memref_slice %arg5[%mul3A_255, %dma_start3A_261] : memref<100096x16xf32, #tpu.memory_space<hbm>> -> memref<128x16xf32, #tpu.memory_space<hbm>>
        %dma_start3A_263 = arith.constant 0 : i32
        %dma_start3A_264 = tpu.memref_slice %arg5[%mul3A_255, %dma_start3A_263] : memref<100096x16xf32, #tpu.memory_space<hbm>> -> memref<128x16xf32, #tpu.memory_space<hbm>>
        %dma_start3A_265 = arith.constant 0 : i32
        %dma_start3A_266 = arith.constant 0 : i32
        %dma_start3A_267 = tpu.memref_slice %arg8[%dma_start3A_256, %dma_start3A_265, %dma_start3A_266] : memref<2x128x16xf32, #tpu.memory_space<vmem>> -> memref<1x128x16xf32, #tpu.memory_space<vmem>>
        %dma_start3A_268 = tpu.memref_squeeze %dma_start3A_267 : memref<1x128x16xf32, #tpu.memory_space<vmem>> -> memref<128x16xf32, #tpu.memory_space<vmem>>
        tpu.enqueue_dma source(%dma_start3A_268 : memref<128x16xf32, #tpu.memory_space<vmem>>) target(%dma_start3A_264 : memref<128x16xf32, #tpu.memory_space<hbm>>) target_semaphore(%arg13 : memref<!tpu.dma_semaphore, #tpu.memory_space<semaphore_mem>>)
      } else {
      }
    }
    %while3A_55 = arith.constant 1 : i32
    scf.for %while3A_66 = %while3A_53 to %while3A_49 step %while3A_55  : i32 {
      %sub3A_67 = arith.subi %while3A_66, %select_n3A : i32
      %rem3A_68 = arith.constant 2 : i32
      %rem3A_69 = arith.remsi %sub3A_67, %rem3A_68 : i32
      %eq3A = arith.constant 0 : i32
      %eq3A_70 = arith.cmpi eq, %rem3A_69, %eq3A : i32
      %convert_element_type3A_71 = arith.extui %eq3A_70 : i1 to i32
      %cond3A_72 = arith.constant 0 : i32
      %cond3A_73 = arith.cmpi ne, %convert_element_type3A_71, %cond3A_72 : i32
      scf.if %cond3A_73 {
        %dma_wait3A_254 = arith.constant 0 : i32
        %dma_wait3A_255 = arith.constant 0 : i32
        %dma_wait3A_256 = arith.constant 0 : i32
        %dma_wait3A_257 = arith.constant 0 : i32
        %dma_wait3A_258 = tpu.memref_slice %arg6[%dma_wait3A_255, %dma_wait3A_256, %dma_wait3A_257] : memref<2x3x128xi32, #tpu.memory_space<vmem>> -> memref<1x1x128xi32, #tpu.memory_space<vmem>>
        %dma_wait3A_259 = tpu.memref_squeeze %dma_wait3A_258 : memref<1x1x128xi32, #tpu.memory_space<vmem>> -> memref<128xi32, #tpu.memory_space<vmem>>
        %dma_wait3A_260 = arith.constant 0 : i32
        %dma_wait3A_261 = tpu.memref_slice %arg4[%dma_wait3A_254, %while3A_66, %dma_wait3A_260] : memref<3x782x128xi32, #tpu.memory_space<hbm>> -> memref<1x1x128xi32, #tpu.memory_space<hbm>>
        %dma_wait3A_262 = tpu.memref_squeeze %dma_wait3A_261 : memref<1x1x128xi32, #tpu.memory_space<hbm>> -> memref<128xi32, #tpu.memory_space<hbm>>
        %dma_wait3A_263 = arith.constant 0 : i32
        %dma_wait3A_264 = tpu.memref_slice %arg6[%dma_wait3A_255, %dma_wait3A_256, %dma_wait3A_263] : memref<2x3x128xi32, #tpu.memory_space<vmem>> -> memref<1x1x128xi32, #tpu.memory_space<vmem>>
        %dma_wait3A_265 = tpu.memref_squeeze %dma_wait3A_264 : memref<1x1x128xi32, #tpu.memory_space<vmem>> -> memref<128xi32, #tpu.memory_space<vmem>>
        %dma_wait3A_266 = arith.constant 0 : i32
        %dma_wait3A_267 = tpu.memref_slice %arg4[%dma_wait3A_254, %while3A_66, %dma_wait3A_266] : memref<3x782x128xi32, #tpu.memory_space<hbm>> -> memref<1x1x128xi32, #tpu.memory_space<hbm>>
        %dma_wait3A_268 = tpu.memref_squeeze %dma_wait3A_267 : memref<1x1x128xi32, #tpu.memory_space<hbm>> -> memref<128xi32, #tpu.memory_space<hbm>>
        tpu.wait_dma2 semaphore(%arg9 : memref<!tpu.dma_semaphore, #tpu.memory_space<semaphore_mem>>) src(%dma_wait3A_268 : memref<128xi32, #tpu.memory_space<hbm>>) dst(%dma_wait3A_265 : memref<128xi32, #tpu.memory_space<vmem>>)
        %dma_wait3A_269 = arith.constant 1 : i32
        %dma_wait3A_270 = arith.constant 0 : i32
        %dma_wait3A_271 = arith.constant 1 : i32
        %dma_wait3A_272 = arith.constant 0 : i32
        %dma_wait3A_273 = tpu.memref_slice %arg6[%dma_wait3A_270, %dma_wait3A_271, %dma_wait3A_272] : memref<2x3x128xi32, #tpu.memory_space<vmem>> -> memref<1x1x128xi32, #tpu.memory_space<vmem>>
        %dma_wait3A_274 = tpu.memref_squeeze %dma_wait3A_273 : memref<1x1x128xi32, #tpu.memory_space<vmem>> -> memref<128xi32, #tpu.memory_space<vmem>>
        %dma_wait3A_275 = arith.constant 0 : i32
        %dma_wait3A_276 = tpu.memref_slice %arg4[%dma_wait3A_269, %while3A_66, %dma_wait3A_275] : memref<3x782x128xi32, #tpu.memory_space<hbm>> -> memref<1x1x128xi32, #tpu.memory_space<hbm>>
        %dma_wait3A_277 = tpu.memref_squeeze %dma_wait3A_276 : memref<1x1x128xi32, #tpu.memory_space<hbm>> -> memref<128xi32, #tpu.memory_space<hbm>>
        %dma_wait3A_278 = arith.constant 0 : i32
        %dma_wait3A_279 = tpu.memref_slice %arg6[%dma_wait3A_270, %dma_wait3A_271, %dma_wait3A_278] : memref<2x3x128xi32, #tpu.memory_space<vmem>> -> memref<1x1x128xi32, #tpu.memory_space<vmem>>
        %dma_wait3A_280 = tpu.memref_squeeze %dma_wait3A_279 : memref<1x1x128xi32, #tpu.memory_space<vmem>> -> memref<128xi32, #tpu.memory_space<vmem>>
        %dma_wait3A_281 = arith.constant 0 : i32
        %dma_wait3A_282 = tpu.memref_slice %arg4[%dma_wait3A_269, %while3A_66, %dma_wait3A_281] : memref<3x782x128xi32, #tpu.memory_space<hbm>> -> memref<1x1x128xi32, #tpu.memory_space<hbm>>
        %dma_wait3A_283 = tpu.memref_squeeze %dma_wait3A_282 : memref<1x1x128xi32, #tpu.memory_space<hbm>> -> memref<128xi32, #tpu.memory_space<hbm>>
        tpu.wait_dma2 semaphore(%arg9 : memref<!tpu.dma_semaphore, #tpu.memory_space<semaphore_mem>>) src(%dma_wait3A_283 : memref<128xi32, #tpu.memory_space<hbm>>) dst(%dma_wait3A_280 : memref<128xi32, #tpu.memory_space<vmem>>)
        %dma_wait3A_284 = arith.constant 2 : i32
        %dma_wait3A_285 = arith.constant 0 : i32
        %dma_wait3A_286 = arith.constant 2 : i32
        %dma_wait3A_287 = arith.constant 0 : i32
        %dma_wait3A_288 = tpu.memref_slice %arg6[%dma_wait3A_285, %dma_wait3A_286, %dma_wait3A_287] : memref<2x3x128xi32, #tpu.memory_space<vmem>> -> memref<1x1x128xi32, #tpu.memory_space<vmem>>
        %dma_wait3A_289 = tpu.memref_squeeze %dma_wait3A_288 : memref<1x1x128xi32, #tpu.memory_space<vmem>> -> memref<128xi32, #tpu.memory_space<vmem>>
        %dma_wait3A_290 = arith.constant 0 : i32
        %dma_wait3A_291 = tpu.memref_slice %arg4[%dma_wait3A_284, %while3A_66, %dma_wait3A_290] : memref<3x782x128xi32, #tpu.memory_space<hbm>> -> memref<1x1x128xi32, #tpu.memory_space<hbm>>
        %dma_wait3A_292 = tpu.memref_squeeze %dma_wait3A_291 : memref<1x1x128xi32, #tpu.memory_space<hbm>> -> memref<128xi32, #tpu.memory_space<hbm>>
        %dma_wait3A_293 = arith.constant 0 : i32
        %dma_wait3A_294 = tpu.memref_slice %arg6[%dma_wait3A_285, %dma_wait3A_286, %dma_wait3A_293] : memref<2x3x128xi32, #tpu.memory_space<vmem>> -> memref<1x1x128xi32, #tpu.memory_space<vmem>>
        %dma_wait3A_295 = tpu.memref_squeeze %dma_wait3A_294 : memref<1x1x128xi32, #tpu.memory_space<vmem>> -> memref<128xi32, #tpu.memory_space<vmem>>
        %dma_wait3A_296 = arith.constant 0 : i32
        %dma_wait3A_297 = tpu.memref_slice %arg4[%dma_wait3A_284, %while3A_66, %dma_wait3A_296] : memref<3x782x128xi32, #tpu.memory_space<hbm>> -> memref<1x1x128xi32, #tpu.memory_space<hbm>>
        %dma_wait3A_298 = tpu.memref_squeeze %dma_wait3A_297 : memref<1x1x128xi32, #tpu.memory_space<hbm>> -> memref<128xi32, #tpu.memory_space<hbm>>
        tpu.wait_dma2 semaphore(%arg9 : memref<!tpu.dma_semaphore, #tpu.memory_space<semaphore_mem>>) src(%dma_wait3A_298 : memref<128xi32, #tpu.memory_space<hbm>>) dst(%dma_wait3A_295 : memref<128xi32, #tpu.memory_space<vmem>>)
        %sub3A_299 = arith.constant 2 : i32
        %sub3A_300 = arith.subi %while3A_66, %sub3A_299 : i32
        %ge3A = arith.cmpi sge, %sub3A_300, %select_n3A : i32
        %convert_element_type3A_301 = arith.extui %ge3A : i1 to i32
        %cond3A_302 = arith.constant 0 : i32
        %cond3A_303 = arith.cmpi ne, %convert_element_type3A_301, %cond3A_302 : i32
        scf.if %cond3A_303 {
          %sub3A_304 = arith.constant 2 : i32
          %sub3A_305 = arith.subi %while3A_66, %sub3A_304 : i32
          %mul3A_306 = arith.constant 128 : i32
          %mul3A_307 = arith.muli %sub3A_305, %mul3A_306 : i32
          %dma_wait3A_308 = arith.constant 0 : i32
          %dma_wait3A_309 = arith.constant 0 : i32
          %dma_wait3A_310 = arith.constant 0 : i32
          %dma_wait3A_311 = tpu.memref_slice %arg8[%dma_wait3A_308, %dma_wait3A_309, %dma_wait3A_310] : memref<2x128x16xf32, #tpu.memory_space<vmem>> -> memref<1x128x16xf32, #tpu.memory_space<vmem>>
          %dma_wait3A_312 = tpu.memref_squeeze %dma_wait3A_311 : memref<1x128x16xf32, #tpu.memory_space<vmem>> -> memref<128x16xf32, #tpu.memory_space<vmem>>
          %dma_wait3A_313 = arith.constant 0 : i32
          %dma_wait3A_314 = tpu.memref_slice %arg5[%mul3A_307, %dma_wait3A_313] : memref<100096x16xf32, #tpu.memory_space<hbm>> -> memref<128x16xf32, #tpu.memory_space<hbm>>
          %dma_wait3A_315 = arith.constant 0 : i32
          %dma_wait3A_316 = tpu.memref_slice %arg5[%mul3A_307, %dma_wait3A_315] : memref<100096x16xf32, #tpu.memory_space<hbm>> -> memref<128x16xf32, #tpu.memory_space<hbm>>
          %dma_wait3A_317 = arith.constant 0 : i32
          %dma_wait3A_318 = arith.constant 0 : i32
          %dma_wait3A_319 = tpu.memref_slice %arg8[%dma_wait3A_308, %dma_wait3A_317, %dma_wait3A_318] : memref<2x128x16xf32, #tpu.memory_space<vmem>> -> memref<1x128x16xf32, #tpu.memory_space<vmem>>
          %dma_wait3A_320 = tpu.memref_squeeze %dma_wait3A_319 : memref<1x128x16xf32, #tpu.memory_space<vmem>> -> memref<128x16xf32, #tpu.memory_space<vmem>>
          tpu.wait_dma2 semaphore(%arg12 : memref<!tpu.dma_semaphore, #tpu.memory_space<semaphore_mem>>) src(%dma_wait3A_320 : memref<128x16xf32, #tpu.memory_space<vmem>>) dst(%dma_wait3A_316 : memref<128x16xf32, #tpu.memory_space<hbm>>)
        } else {
        }
      } else {
      }
      %eq3A_74 = arith.constant 1 : i32
      %eq3A_75 = arith.cmpi eq, %rem3A_69, %eq3A_74 : i32
      %convert_element_type3A_76 = arith.extui %eq3A_75 : i1 to i32
      %cond3A_77 = arith.constant 0 : i32
      %cond3A_78 = arith.cmpi ne, %convert_element_type3A_76, %cond3A_77 : i32
      scf.if %cond3A_78 {
        %dma_wait3A_254 = arith.constant 0 : i32
        %dma_wait3A_255 = arith.constant 1 : i32
        %dma_wait3A_256 = arith.constant 0 : i32
        %dma_wait3A_257 = arith.constant 0 : i32
        %dma_wait3A_258 = tpu.memref_slice %arg6[%dma_wait3A_255, %dma_wait3A_256, %dma_wait3A_257] : memref<2x3x128xi32, #tpu.memory_space<vmem>> -> memref<1x1x128xi32, #tpu.memory_space<vmem>>
        %dma_wait3A_259 = tpu.memref_squeeze %dma_wait3A_258 : memref<1x1x128xi32, #tpu.memory_space<vmem>> -> memref<128xi32, #tpu.memory_space<vmem>>
        %dma_wait3A_260 = arith.constant 0 : i32
        %dma_wait3A_261 = tpu.memref_slice %arg4[%dma_wait3A_254, %while3A_66, %dma_wait3A_260] : memref<3x782x128xi32, #tpu.memory_space<hbm>> -> memref<1x1x128xi32, #tpu.memory_space<hbm>>
        %dma_wait3A_262 = tpu.memref_squeeze %dma_wait3A_261 : memref<1x1x128xi32, #tpu.memory_space<hbm>> -> memref<128xi32, #tpu.memory_space<hbm>>
        %dma_wait3A_263 = arith.constant 0 : i32
        %dma_wait3A_264 = tpu.memref_slice %arg6[%dma_wait3A_255, %dma_wait3A_256, %dma_wait3A_263] : memref<2x3x128xi32, #tpu.memory_space<vmem>> -> memref<1x1x128xi32, #tpu.memory_space<vmem>>
        %dma_wait3A_265 = tpu.memref_squeeze %dma_wait3A_264 : memref<1x1x128xi32, #tpu.memory_space<vmem>> -> memref<128xi32, #tpu.memory_space<vmem>>
        %dma_wait3A_266 = arith.constant 0 : i32
        %dma_wait3A_267 = tpu.memref_slice %arg4[%dma_wait3A_254, %while3A_66, %dma_wait3A_266] : memref<3x782x128xi32, #tpu.memory_space<hbm>> -> memref<1x1x128xi32, #tpu.memory_space<hbm>>
        %dma_wait3A_268 = tpu.memref_squeeze %dma_wait3A_267 : memref<1x1x128xi32, #tpu.memory_space<hbm>> -> memref<128xi32, #tpu.memory_space<hbm>>
        tpu.wait_dma2 semaphore(%arg10 : memref<!tpu.dma_semaphore, #tpu.memory_space<semaphore_mem>>) src(%dma_wait3A_268 : memref<128xi32, #tpu.memory_space<hbm>>) dst(%dma_wait3A_265 : memref<128xi32, #tpu.memory_space<vmem>>)
        %dma_wait3A_269 = arith.constant 1 : i32
        %dma_wait3A_270 = arith.constant 1 : i32
        %dma_wait3A_271 = arith.constant 1 : i32
        %dma_wait3A_272 = arith.constant 0 : i32
        %dma_wait3A_273 = tpu.memref_slice %arg6[%dma_wait3A_270, %dma_wait3A_271, %dma_wait3A_272] : memref<2x3x128xi32, #tpu.memory_space<vmem>> -> memref<1x1x128xi32, #tpu.memory_space<vmem>>
        %dma_wait3A_274 = tpu.memref_squeeze %dma_wait3A_273 : memref<1x1x128xi32, #tpu.memory_space<vmem>> -> memref<128xi32, #tpu.memory_space<vmem>>
        %dma_wait3A_275 = arith.constant 0 : i32
        %dma_wait3A_276 = tpu.memref_slice %arg4[%dma_wait3A_269, %while3A_66, %dma_wait3A_275] : memref<3x782x128xi32, #tpu.memory_space<hbm>> -> memref<1x1x128xi32, #tpu.memory_space<hbm>>
        %dma_wait3A_277 = tpu.memref_squeeze %dma_wait3A_276 : memref<1x1x128xi32, #tpu.memory_space<hbm>> -> memref<128xi32, #tpu.memory_space<hbm>>
        %dma_wait3A_278 = arith.constant 0 : i32
        %dma_wait3A_279 = tpu.memref_slice %arg6[%dma_wait3A_270, %dma_wait3A_271, %dma_wait3A_278] : memref<2x3x128xi32, #tpu.memory_space<vmem>> -> memref<1x1x128xi32, #tpu.memory_space<vmem>>
        %dma_wait3A_280 = tpu.memref_squeeze %dma_wait3A_279 : memref<1x1x128xi32, #tpu.memory_space<vmem>> -> memref<128xi32, #tpu.memory_space<vmem>>
        %dma_wait3A_281 = arith.constant 0 : i32
        %dma_wait3A_282 = tpu.memref_slice %arg4[%dma_wait3A_269, %while3A_66, %dma_wait3A_281] : memref<3x782x128xi32, #tpu.memory_space<hbm>> -> memref<1x1x128xi32, #tpu.memory_space<hbm>>
        %dma_wait3A_283 = tpu.memref_squeeze %dma_wait3A_282 : memref<1x1x128xi32, #tpu.memory_space<hbm>> -> memref<128xi32, #tpu.memory_space<hbm>>
        tpu.wait_dma2 semaphore(%arg10 : memref<!tpu.dma_semaphore, #tpu.memory_space<semaphore_mem>>) src(%dma_wait3A_283 : memref<128xi32, #tpu.memory_space<hbm>>) dst(%dma_wait3A_280 : memref<128xi32, #tpu.memory_space<vmem>>)
        %dma_wait3A_284 = arith.constant 2 : i32
        %dma_wait3A_285 = arith.constant 1 : i32
        %dma_wait3A_286 = arith.constant 2 : i32
        %dma_wait3A_287 = arith.constant 0 : i32
        %dma_wait3A_288 = tpu.memref_slice %arg6[%dma_wait3A_285, %dma_wait3A_286, %dma_wait3A_287] : memref<2x3x128xi32, #tpu.memory_space<vmem>> -> memref<1x1x128xi32, #tpu.memory_space<vmem>>
        %dma_wait3A_289 = tpu.memref_squeeze %dma_wait3A_288 : memref<1x1x128xi32, #tpu.memory_space<vmem>> -> memref<128xi32, #tpu.memory_space<vmem>>
        %dma_wait3A_290 = arith.constant 0 : i32
        %dma_wait3A_291 = tpu.memref_slice %arg4[%dma_wait3A_284, %while3A_66, %dma_wait3A_290] : memref<3x782x128xi32, #tpu.memory_space<hbm>> -> memref<1x1x128xi32, #tpu.memory_space<hbm>>
        %dma_wait3A_292 = tpu.memref_squeeze %dma_wait3A_291 : memref<1x1x128xi32, #tpu.memory_space<hbm>> -> memref<128xi32, #tpu.memory_space<hbm>>
        %dma_wait3A_293 = arith.constant 0 : i32
        %dma_wait3A_294 = tpu.memref_slice %arg6[%dma_wait3A_285, %dma_wait3A_286, %dma_wait3A_293] : memref<2x3x128xi32, #tpu.memory_space<vmem>> -> memref<1x1x128xi32, #tpu.memory_space<vmem>>
        %dma_wait3A_295 = tpu.memref_squeeze %dma_wait3A_294 : memref<1x1x128xi32, #tpu.memory_space<vmem>> -> memref<128xi32, #tpu.memory_space<vmem>>
        %dma_wait3A_296 = arith.constant 0 : i32
        %dma_wait3A_297 = tpu.memref_slice %arg4[%dma_wait3A_284, %while3A_66, %dma_wait3A_296] : memref<3x782x128xi32, #tpu.memory_space<hbm>> -> memref<1x1x128xi32, #tpu.memory_space<hbm>>
        %dma_wait3A_298 = tpu.memref_squeeze %dma_wait3A_297 : memref<1x1x128xi32, #tpu.memory_space<hbm>> -> memref<128xi32, #tpu.memory_space<hbm>>
        tpu.wait_dma2 semaphore(%arg10 : memref<!tpu.dma_semaphore, #tpu.memory_space<semaphore_mem>>) src(%dma_wait3A_298 : memref<128xi32, #tpu.memory_space<hbm>>) dst(%dma_wait3A_295 : memref<128xi32, #tpu.memory_space<vmem>>)
        %sub3A_299 = arith.constant 2 : i32
        %sub3A_300 = arith.subi %while3A_66, %sub3A_299 : i32
        %ge3A = arith.cmpi sge, %sub3A_300, %select_n3A : i32
        %convert_element_type3A_301 = arith.extui %ge3A : i1 to i32
        %cond3A_302 = arith.constant 0 : i32
        %cond3A_303 = arith.cmpi ne, %convert_element_type3A_301, %cond3A_302 : i32
        scf.if %cond3A_303 {
          %sub3A_304 = arith.constant 2 : i32
          %sub3A_305 = arith.subi %while3A_66, %sub3A_304 : i32
          %mul3A_306 = arith.constant 128 : i32
          %mul3A_307 = arith.muli %sub3A_305, %mul3A_306 : i32
          %dma_wait3A_308 = arith.constant 1 : i32
          %dma_wait3A_309 = arith.constant 0 : i32
          %dma_wait3A_310 = arith.constant 0 : i32
          %dma_wait3A_311 = tpu.memref_slice %arg8[%dma_wait3A_308, %dma_wait3A_309, %dma_wait3A_310] : memref<2x128x16xf32, #tpu.memory_space<vmem>> -> memref<1x128x16xf32, #tpu.memory_space<vmem>>
          %dma_wait3A_312 = tpu.memref_squeeze %dma_wait3A_311 : memref<1x128x16xf32, #tpu.memory_space<vmem>> -> memref<128x16xf32, #tpu.memory_space<vmem>>
          %dma_wait3A_313 = arith.constant 0 : i32
          %dma_wait3A_314 = tpu.memref_slice %arg5[%mul3A_307, %dma_wait3A_313] : memref<100096x16xf32, #tpu.memory_space<hbm>> -> memref<128x16xf32, #tpu.memory_space<hbm>>
          %dma_wait3A_315 = arith.constant 0 : i32
          %dma_wait3A_316 = tpu.memref_slice %arg5[%mul3A_307, %dma_wait3A_315] : memref<100096x16xf32, #tpu.memory_space<hbm>> -> memref<128x16xf32, #tpu.memory_space<hbm>>
          %dma_wait3A_317 = arith.constant 0 : i32
          %dma_wait3A_318 = arith.constant 0 : i32
          %dma_wait3A_319 = tpu.memref_slice %arg8[%dma_wait3A_308, %dma_wait3A_317, %dma_wait3A_318] : memref<2x128x16xf32, #tpu.memory_space<vmem>> -> memref<1x128x16xf32, #tpu.memory_space<vmem>>
          %dma_wait3A_320 = tpu.memref_squeeze %dma_wait3A_319 : memref<1x128x16xf32, #tpu.memory_space<vmem>> -> memref<128x16xf32, #tpu.memory_space<vmem>>
          tpu.wait_dma2 semaphore(%arg13 : memref<!tpu.dma_semaphore, #tpu.memory_space<semaphore_mem>>) src(%dma_wait3A_320 : memref<128x16xf32, #tpu.memory_space<vmem>>) dst(%dma_wait3A_316 : memref<128x16xf32, #tpu.memory_space<hbm>>)
        } else {
        }
      } else {
      }
      %eq3A_79 = arith.constant 0 : i32
      %eq3A_80 = arith.cmpi eq, %rem3A_69, %eq3A_79 : i32
      %add3A_81 = arith.constant 1 : i32
      %add3A_82 = arith.addi %while3A_66, %add3A_81 : i32
      %lt3A_83 = arith.cmpi slt, %add3A_82, %select_n3A_46 : i32
      %and3A_84 = arith.andi %eq3A_80, %lt3A_83 : i1
      %convert_element_type3A_85 = arith.extui %and3A_84 : i1 to i32
      %cond3A_86 = arith.constant 0 : i32
      %cond3A_87 = arith.cmpi ne, %convert_element_type3A_85, %cond3A_86 : i32
      scf.if %cond3A_87 {
        %add3A_254 = arith.constant 1 : i32
        %add3A_255 = arith.addi %while3A_66, %add3A_254 : i32
        %dma_start3A_256 = arith.constant 0 : i32
        %dma_start3A_257 = arith.constant 1 : i32
        %dma_start3A_258 = arith.constant 0 : i32
        %dma_start3A_259 = arith.constant 0 : i32
        %dma_start3A_260 = tpu.memref_slice %arg6[%dma_start3A_257, %dma_start3A_258, %dma_start3A_259] : memref<2x3x128xi32, #tpu.memory_space<vmem>> -> memref<1x1x128xi32, #tpu.memory_space<vmem>>
        %dma_start3A_261 = tpu.memref_squeeze %dma_start3A_260 : memref<1x1x128xi32, #tpu.memory_space<vmem>> -> memref<128xi32, #tpu.memory_space<vmem>>
        %dma_start3A_262 = arith.constant 0 : i32
        %dma_start3A_263 = tpu.memref_slice %arg4[%dma_start3A_256, %add3A_255, %dma_start3A_262] : memref<3x782x128xi32, #tpu.memory_space<hbm>> -> memref<1x1x128xi32, #tpu.memory_space<hbm>>
        %dma_start3A_264 = tpu.memref_squeeze %dma_start3A_263 : memref<1x1x128xi32, #tpu.memory_space<hbm>> -> memref<128xi32, #tpu.memory_space<hbm>>
        %dma_start3A_265 = arith.constant 0 : i32
        %dma_start3A_266 = tpu.memref_slice %arg6[%dma_start3A_257, %dma_start3A_258, %dma_start3A_265] : memref<2x3x128xi32, #tpu.memory_space<vmem>> -> memref<1x1x128xi32, #tpu.memory_space<vmem>>
        %dma_start3A_267 = tpu.memref_squeeze %dma_start3A_266 : memref<1x1x128xi32, #tpu.memory_space<vmem>> -> memref<128xi32, #tpu.memory_space<vmem>>
        %dma_start3A_268 = arith.constant 0 : i32
        %dma_start3A_269 = tpu.memref_slice %arg4[%dma_start3A_256, %add3A_255, %dma_start3A_268] : memref<3x782x128xi32, #tpu.memory_space<hbm>> -> memref<1x1x128xi32, #tpu.memory_space<hbm>>
        %dma_start3A_270 = tpu.memref_squeeze %dma_start3A_269 : memref<1x1x128xi32, #tpu.memory_space<hbm>> -> memref<128xi32, #tpu.memory_space<hbm>>
        tpu.enqueue_dma source(%dma_start3A_270 : memref<128xi32, #tpu.memory_space<hbm>>) target(%dma_start3A_267 : memref<128xi32, #tpu.memory_space<vmem>>) target_semaphore(%arg10 : memref<!tpu.dma_semaphore, #tpu.memory_space<semaphore_mem>>)
        %dma_start3A_271 = arith.constant 1 : i32
        %dma_start3A_272 = arith.constant 1 : i32
        %dma_start3A_273 = arith.constant 1 : i32
        %dma_start3A_274 = arith.constant 0 : i32
        %dma_start3A_275 = tpu.memref_slice %arg6[%dma_start3A_272, %dma_start3A_273, %dma_start3A_274] : memref<2x3x128xi32, #tpu.memory_space<vmem>> -> memref<1x1x128xi32, #tpu.memory_space<vmem>>
        %dma_start3A_276 = tpu.memref_squeeze %dma_start3A_275 : memref<1x1x128xi32, #tpu.memory_space<vmem>> -> memref<128xi32, #tpu.memory_space<vmem>>
        %dma_start3A_277 = arith.constant 0 : i32
        %dma_start3A_278 = tpu.memref_slice %arg4[%dma_start3A_271, %add3A_255, %dma_start3A_277] : memref<3x782x128xi32, #tpu.memory_space<hbm>> -> memref<1x1x128xi32, #tpu.memory_space<hbm>>
        %dma_start3A_279 = tpu.memref_squeeze %dma_start3A_278 : memref<1x1x128xi32, #tpu.memory_space<hbm>> -> memref<128xi32, #tpu.memory_space<hbm>>
        %dma_start3A_280 = arith.constant 0 : i32
        %dma_start3A_281 = tpu.memref_slice %arg6[%dma_start3A_272, %dma_start3A_273, %dma_start3A_280] : memref<2x3x128xi32, #tpu.memory_space<vmem>> -> memref<1x1x128xi32, #tpu.memory_space<vmem>>
        %dma_start3A_282 = tpu.memref_squeeze %dma_start3A_281 : memref<1x1x128xi32, #tpu.memory_space<vmem>> -> memref<128xi32, #tpu.memory_space<vmem>>
        %dma_start3A_283 = arith.constant 0 : i32
        %dma_start3A_284 = tpu.memref_slice %arg4[%dma_start3A_271, %add3A_255, %dma_start3A_283] : memref<3x782x128xi32, #tpu.memory_space<hbm>> -> memref<1x1x128xi32, #tpu.memory_space<hbm>>
        %dma_start3A_285 = tpu.memref_squeeze %dma_start3A_284 : memref<1x1x128xi32, #tpu.memory_space<hbm>> -> memref<128xi32, #tpu.memory_space<hbm>>
        tpu.enqueue_dma source(%dma_start3A_285 : memref<128xi32, #tpu.memory_space<hbm>>) target(%dma_start3A_282 : memref<128xi32, #tpu.memory_space<vmem>>) target_semaphore(%arg10 : memref<!tpu.dma_semaphore, #tpu.memory_space<semaphore_mem>>)
        %dma_start3A_286 = arith.constant 2 : i32
        %dma_start3A_287 = arith.constant 1 : i32
        %dma_start3A_288 = arith.constant 2 : i32
        %dma_start3A_289 = arith.constant 0 : i32
        %dma_start3A_290 = tpu.memref_slice %arg6[%dma_start3A_287, %dma_start3A_288, %dma_start3A_289] : memref<2x3x128xi32, #tpu.memory_space<vmem>> -> memref<1x1x128xi32, #tpu.memory_space<vmem>>
        %dma_start3A_291 = tpu.memref_squeeze %dma_start3A_290 : memref<1x1x128xi32, #tpu.memory_space<vmem>> -> memref<128xi32, #tpu.memory_space<vmem>>
        %dma_start3A_292 = arith.constant 0 : i32
        %dma_start3A_293 = tpu.memref_slice %arg4[%dma_start3A_286, %add3A_255, %dma_start3A_292] : memref<3x782x128xi32, #tpu.memory_space<hbm>> -> memref<1x1x128xi32, #tpu.memory_space<hbm>>
        %dma_start3A_294 = tpu.memref_squeeze %dma_start3A_293 : memref<1x1x128xi32, #tpu.memory_space<hbm>> -> memref<128xi32, #tpu.memory_space<hbm>>
        %dma_start3A_295 = arith.constant 0 : i32
        %dma_start3A_296 = tpu.memref_slice %arg6[%dma_start3A_287, %dma_start3A_288, %dma_start3A_295] : memref<2x3x128xi32, #tpu.memory_space<vmem>> -> memref<1x1x128xi32, #tpu.memory_space<vmem>>
        %dma_start3A_297 = tpu.memref_squeeze %dma_start3A_296 : memref<1x1x128xi32, #tpu.memory_space<vmem>> -> memref<128xi32, #tpu.memory_space<vmem>>
        %dma_start3A_298 = arith.constant 0 : i32
        %dma_start3A_299 = tpu.memref_slice %arg4[%dma_start3A_286, %add3A_255, %dma_start3A_298] : memref<3x782x128xi32, #tpu.memory_space<hbm>> -> memref<1x1x128xi32, #tpu.memory_space<hbm>>
        %dma_start3A_300 = tpu.memref_squeeze %dma_start3A_299 : memref<1x1x128xi32, #tpu.memory_space<hbm>> -> memref<128xi32, #tpu.memory_space<hbm>>
        tpu.enqueue_dma source(%dma_start3A_300 : memref<128xi32, #tpu.memory_space<hbm>>) target(%dma_start3A_297 : memref<128xi32, #tpu.memory_space<vmem>>) target_semaphore(%arg10 : memref<!tpu.dma_semaphore, #tpu.memory_space<semaphore_mem>>)
      } else {
      }
      %eq3A_88 = arith.constant 1 : i32
      %eq3A_89 = arith.cmpi eq, %rem3A_69, %eq3A_88 : i32
      %add3A_90 = arith.constant 1 : i32
      %add3A_91 = arith.addi %while3A_66, %add3A_90 : i32
      %lt3A_92 = arith.cmpi slt, %add3A_91, %select_n3A_46 : i32
      %and3A_93 = arith.andi %eq3A_89, %lt3A_92 : i1
      %convert_element_type3A_94 = arith.extui %and3A_93 : i1 to i32
      %cond3A_95 = arith.constant 0 : i32
      %cond3A_96 = arith.cmpi ne, %convert_element_type3A_94, %cond3A_95 : i32
      scf.if %cond3A_96 {
        %add3A_254 = arith.constant 1 : i32
        %add3A_255 = arith.addi %while3A_66, %add3A_254 : i32
        %dma_start3A_256 = arith.constant 0 : i32
        %dma_start3A_257 = arith.constant 0 : i32
        %dma_start3A_258 = arith.constant 0 : i32
        %dma_start3A_259 = arith.constant 0 : i32
        %dma_start3A_260 = tpu.memref_slice %arg6[%dma_start3A_257, %dma_start3A_258, %dma_start3A_259] : memref<2x3x128xi32, #tpu.memory_space<vmem>> -> memref<1x1x128xi32, #tpu.memory_space<vmem>>
        %dma_start3A_261 = tpu.memref_squeeze %dma_start3A_260 : memref<1x1x128xi32, #tpu.memory_space<vmem>> -> memref<128xi32, #tpu.memory_space<vmem>>
        %dma_start3A_262 = arith.constant 0 : i32
        %dma_start3A_263 = tpu.memref_slice %arg4[%dma_start3A_256, %add3A_255, %dma_start3A_262] : memref<3x782x128xi32, #tpu.memory_space<hbm>> -> memref<1x1x128xi32, #tpu.memory_space<hbm>>
        %dma_start3A_264 = tpu.memref_squeeze %dma_start3A_263 : memref<1x1x128xi32, #tpu.memory_space<hbm>> -> memref<128xi32, #tpu.memory_space<hbm>>
        %dma_start3A_265 = arith.constant 0 : i32
        %dma_start3A_266 = tpu.memref_slice %arg6[%dma_start3A_257, %dma_start3A_258, %dma_start3A_265] : memref<2x3x128xi32, #tpu.memory_space<vmem>> -> memref<1x1x128xi32, #tpu.memory_space<vmem>>
        %dma_start3A_267 = tpu.memref_squeeze %dma_start3A_266 : memref<1x1x128xi32, #tpu.memory_space<vmem>> -> memref<128xi32, #tpu.memory_space<vmem>>
        %dma_start3A_268 = arith.constant 0 : i32
        %dma_start3A_269 = tpu.memref_slice %arg4[%dma_start3A_256, %add3A_255, %dma_start3A_268] : memref<3x782x128xi32, #tpu.memory_space<hbm>> -> memref<1x1x128xi32, #tpu.memory_space<hbm>>
        %dma_start3A_270 = tpu.memref_squeeze %dma_start3A_269 : memref<1x1x128xi32, #tpu.memory_space<hbm>> -> memref<128xi32, #tpu.memory_space<hbm>>
        tpu.enqueue_dma source(%dma_start3A_270 : memref<128xi32, #tpu.memory_space<hbm>>) target(%dma_start3A_267 : memref<128xi32, #tpu.memory_space<vmem>>) target_semaphore(%arg9 : memref<!tpu.dma_semaphore, #tpu.memory_space<semaphore_mem>>)
        %dma_start3A_271 = arith.constant 1 : i32
        %dma_start3A_272 = arith.constant 0 : i32
        %dma_start3A_273 = arith.constant 1 : i32
        %dma_start3A_274 = arith.constant 0 : i32
        %dma_start3A_275 = tpu.memref_slice %arg6[%dma_start3A_272, %dma_start3A_273, %dma_start3A_274] : memref<2x3x128xi32, #tpu.memory_space<vmem>> -> memref<1x1x128xi32, #tpu.memory_space<vmem>>
        %dma_start3A_276 = tpu.memref_squeeze %dma_start3A_275 : memref<1x1x128xi32, #tpu.memory_space<vmem>> -> memref<128xi32, #tpu.memory_space<vmem>>
        %dma_start3A_277 = arith.constant 0 : i32
        %dma_start3A_278 = tpu.memref_slice %arg4[%dma_start3A_271, %add3A_255, %dma_start3A_277] : memref<3x782x128xi32, #tpu.memory_space<hbm>> -> memref<1x1x128xi32, #tpu.memory_space<hbm>>
        %dma_start3A_279 = tpu.memref_squeeze %dma_start3A_278 : memref<1x1x128xi32, #tpu.memory_space<hbm>> -> memref<128xi32, #tpu.memory_space<hbm>>
        %dma_start3A_280 = arith.constant 0 : i32
        %dma_start3A_281 = tpu.memref_slice %arg6[%dma_start3A_272, %dma_start3A_273, %dma_start3A_280] : memref<2x3x128xi32, #tpu.memory_space<vmem>> -> memref<1x1x128xi32, #tpu.memory_space<vmem>>
        %dma_start3A_282 = tpu.memref_squeeze %dma_start3A_281 : memref<1x1x128xi32, #tpu.memory_space<vmem>> -> memref<128xi32, #tpu.memory_space<vmem>>
        %dma_start3A_283 = arith.constant 0 : i32
        %dma_start3A_284 = tpu.memref_slice %arg4[%dma_start3A_271, %add3A_255, %dma_start3A_283] : memref<3x782x128xi32, #tpu.memory_space<hbm>> -> memref<1x1x128xi32, #tpu.memory_space<hbm>>
        %dma_start3A_285 = tpu.memref_squeeze %dma_start3A_284 : memref<1x1x128xi32, #tpu.memory_space<hbm>> -> memref<128xi32, #tpu.memory_space<hbm>>
        tpu.enqueue_dma source(%dma_start3A_285 : memref<128xi32, #tpu.memory_space<hbm>>) target(%dma_start3A_282 : memref<128xi32, #tpu.memory_space<vmem>>) target_semaphore(%arg9 : memref<!tpu.dma_semaphore, #tpu.memory_space<semaphore_mem>>)
        %dma_start3A_286 = arith.constant 2 : i32
        %dma_start3A_287 = arith.constant 0 : i32
        %dma_start3A_288 = arith.constant 2 : i32
        %dma_start3A_289 = arith.constant 0 : i32
        %dma_start3A_290 = tpu.memref_slice %arg6[%dma_start3A_287, %dma_start3A_288, %dma_start3A_289] : memref<2x3x128xi32, #tpu.memory_space<vmem>> -> memref<1x1x128xi32, #tpu.memory_space<vmem>>
        %dma_start3A_291 = tpu.memref_squeeze %dma_start3A_290 : memref<1x1x128xi32, #tpu.memory_space<vmem>> -> memref<128xi32, #tpu.memory_space<vmem>>
        %dma_start3A_292 = arith.constant 0 : i32
        %dma_start3A_293 = tpu.memref_slice %arg4[%dma_start3A_286, %add3A_255, %dma_start3A_292] : memref<3x782x128xi32, #tpu.memory_space<hbm>> -> memref<1x1x128xi32, #tpu.memory_space<hbm>>
        %dma_start3A_294 = tpu.memref_squeeze %dma_start3A_293 : memref<1x1x128xi32, #tpu.memory_space<hbm>> -> memref<128xi32, #tpu.memory_space<hbm>>
        %dma_start3A_295 = arith.constant 0 : i32
        %dma_start3A_296 = tpu.memref_slice %arg6[%dma_start3A_287, %dma_start3A_288, %dma_start3A_295] : memref<2x3x128xi32, #tpu.memory_space<vmem>> -> memref<1x1x128xi32, #tpu.memory_space<vmem>>
        %dma_start3A_297 = tpu.memref_squeeze %dma_start3A_296 : memref<1x1x128xi32, #tpu.memory_space<vmem>> -> memref<128xi32, #tpu.memory_space<vmem>>
        %dma_start3A_298 = arith.constant 0 : i32
        %dma_start3A_299 = tpu.memref_slice %arg4[%dma_start3A_286, %add3A_255, %dma_start3A_298] : memref<3x782x128xi32, #tpu.memory_space<hbm>> -> memref<1x1x128xi32, #tpu.memory_space<hbm>>
        %dma_start3A_300 = tpu.memref_squeeze %dma_start3A_299 : memref<1x1x128xi32, #tpu.memory_space<hbm>> -> memref<128xi32, #tpu.memory_space<hbm>>
        tpu.enqueue_dma source(%dma_start3A_300 : memref<128xi32, #tpu.memory_space<hbm>>) target(%dma_start3A_297 : memref<128xi32, #tpu.memory_space<vmem>>) target_semaphore(%arg9 : memref<!tpu.dma_semaphore, #tpu.memory_space<semaphore_mem>>)
      } else {
      }
      %dma_start3A = arith.constant 0 : i32
      %dma_start3A_97 = arith.constant 0 : i32
      %dma_start3A_98 = arith.constant 0 : i32
      %dma_start3A_99 = arith.constant 0 : i32
      %dma_start3A_100 = tpu.memref_slice %arg7[%dma_start3A_97, %dma_start3A_98, %dma_start3A_99] : memref<6x128x16xf32, #tpu.memory_space<vmem>> -> memref<1x128x16xf32, #tpu.memory_space<vmem>>
      %dma_start3A_101 = tpu.memref_squeeze %dma_start3A_100 : memref<1x128x16xf32, #tpu.memory_space<vmem>> -> memref<128x16xf32, #tpu.memory_space<vmem>>
      %dma_start3A_102 = arith.constant 0 : i32
      %dma_start3A_103 = tpu.memref_slice %arg6[%rem3A_69, %dma_start3A, %dma_start3A_102] : memref<2x3x128xi32, #tpu.memory_space<vmem>> -> memref<1x1x128xi32, #tpu.memory_space<vmem>>
      %dma_start3A_104 = tpu.memref_squeeze %dma_start3A_103 : memref<1x1x128xi32, #tpu.memory_space<vmem>> -> memref<128xi32, #tpu.memory_space<vmem>>
      %dma_start3A_105 = arith.constant 0 : i32
      %dma_start3A_106 = arith.constant 0 : i32
      %dma_start3A_107 = tpu.memref_slice %arg2[%dma_start3A_105, %dma_start3A_106] : memref<50000x16xf32, #tpu.memory_space<hbm>> -> memref<50000x16xf32, #tpu.memory_space<hbm>>
      tpu.enqueue_indirect_dma source(%dma_start3A_107 : memref<50000x16xf32, #tpu.memory_space<hbm>>) target(%dma_start3A_101 : memref<128x16xf32, #tpu.memory_space<vmem>>) offsets(%dma_start3A_104 : memref<128xi32, #tpu.memory_space<vmem>>) semaphore(%arg11 : memref<!tpu.dma_semaphore, #tpu.memory_space<semaphore_mem>>)
      %dma_start3A_108 = arith.constant 0 : i32
      %dma_start3A_109 = arith.constant 3 : i32
      %dma_start3A_110 = arith.constant 0 : i32
      %dma_start3A_111 = arith.constant 0 : i32
      %dma_start3A_112 = tpu.memref_slice %arg7[%dma_start3A_109, %dma_start3A_110, %dma_start3A_111] : memref<6x128x16xf32, #tpu.memory_space<vmem>> -> memref<1x128x16xf32, #tpu.memory_space<vmem>>
      %dma_start3A_113 = tpu.memref_squeeze %dma_start3A_112 : memref<1x128x16xf32, #tpu.memory_space<vmem>> -> memref<128x16xf32, #tpu.memory_space<vmem>>
      %dma_start3A_114 = arith.constant 0 : i32
      %dma_start3A_115 = tpu.memref_slice %arg6[%rem3A_69, %dma_start3A_108, %dma_start3A_114] : memref<2x3x128xi32, #tpu.memory_space<vmem>> -> memref<1x1x128xi32, #tpu.memory_space<vmem>>
      %dma_start3A_116 = tpu.memref_squeeze %dma_start3A_115 : memref<1x1x128xi32, #tpu.memory_space<vmem>> -> memref<128xi32, #tpu.memory_space<vmem>>
      %dma_start3A_117 = arith.constant 0 : i32
      %dma_start3A_118 = arith.constant 0 : i32
      %dma_start3A_119 = tpu.memref_slice %arg3[%dma_start3A_117, %dma_start3A_118] : memref<50000x16xf32, #tpu.memory_space<hbm>> -> memref<50000x16xf32, #tpu.memory_space<hbm>>
      tpu.enqueue_indirect_dma source(%dma_start3A_119 : memref<50000x16xf32, #tpu.memory_space<hbm>>) target(%dma_start3A_113 : memref<128x16xf32, #tpu.memory_space<vmem>>) offsets(%dma_start3A_116 : memref<128xi32, #tpu.memory_space<vmem>>) semaphore(%arg11 : memref<!tpu.dma_semaphore, #tpu.memory_space<semaphore_mem>>)
      %dma_start3A_120 = arith.constant 1 : i32
      %dma_start3A_121 = arith.constant 1 : i32
      %dma_start3A_122 = arith.constant 0 : i32
      %dma_start3A_123 = arith.constant 0 : i32
      %dma_start3A_124 = tpu.memref_slice %arg7[%dma_start3A_121, %dma_start3A_122, %dma_start3A_123] : memref<6x128x16xf32, #tpu.memory_space<vmem>> -> memref<1x128x16xf32, #tpu.memory_space<vmem>>
      %dma_start3A_125 = tpu.memref_squeeze %dma_start3A_124 : memref<1x128x16xf32, #tpu.memory_space<vmem>> -> memref<128x16xf32, #tpu.memory_space<vmem>>
      %dma_start3A_126 = arith.constant 0 : i32
      %dma_start3A_127 = tpu.memref_slice %arg6[%rem3A_69, %dma_start3A_120, %dma_start3A_126] : memref<2x3x128xi32, #tpu.memory_space<vmem>> -> memref<1x1x128xi32, #tpu.memory_space<vmem>>
      %dma_start3A_128 = tpu.memref_squeeze %dma_start3A_127 : memref<1x1x128xi32, #tpu.memory_space<vmem>> -> memref<128xi32, #tpu.memory_space<vmem>>
      %dma_start3A_129 = arith.constant 0 : i32
      %dma_start3A_130 = arith.constant 0 : i32
      %dma_start3A_131 = tpu.memref_slice %arg2[%dma_start3A_129, %dma_start3A_130] : memref<50000x16xf32, #tpu.memory_space<hbm>> -> memref<50000x16xf32, #tpu.memory_space<hbm>>
      tpu.enqueue_indirect_dma source(%dma_start3A_131 : memref<50000x16xf32, #tpu.memory_space<hbm>>) target(%dma_start3A_125 : memref<128x16xf32, #tpu.memory_space<vmem>>) offsets(%dma_start3A_128 : memref<128xi32, #tpu.memory_space<vmem>>) semaphore(%arg11 : memref<!tpu.dma_semaphore, #tpu.memory_space<semaphore_mem>>)
      %dma_start3A_132 = arith.constant 1 : i32
      %dma_start3A_133 = arith.constant 4 : i32
      %dma_start3A_134 = arith.constant 0 : i32
      %dma_start3A_135 = arith.constant 0 : i32
      %dma_start3A_136 = tpu.memref_slice %arg7[%dma_start3A_133, %dma_start3A_134, %dma_start3A_135] : memref<6x128x16xf32, #tpu.memory_space<vmem>> -> memref<1x128x16xf32, #tpu.memory_space<vmem>>
      %dma_start3A_137 = tpu.memref_squeeze %dma_start3A_136 : memref<1x128x16xf32, #tpu.memory_space<vmem>> -> memref<128x16xf32, #tpu.memory_space<vmem>>
      %dma_start3A_138 = arith.constant 0 : i32
      %dma_start3A_139 = tpu.memref_slice %arg6[%rem3A_69, %dma_start3A_132, %dma_start3A_138] : memref<2x3x128xi32, #tpu.memory_space<vmem>> -> memref<1x1x128xi32, #tpu.memory_space<vmem>>
      %dma_start3A_140 = tpu.memref_squeeze %dma_start3A_139 : memref<1x1x128xi32, #tpu.memory_space<vmem>> -> memref<128xi32, #tpu.memory_space<vmem>>
      %dma_start3A_141 = arith.constant 0 : i32
      %dma_start3A_142 = arith.constant 0 : i32
      %dma_start3A_143 = tpu.memref_slice %arg3[%dma_start3A_141, %dma_start3A_142] : memref<50000x16xf32, #tpu.memory_space<hbm>> -> memref<50000x16xf32, #tpu.memory_space<hbm>>
      tpu.enqueue_indirect_dma source(%dma_start3A_143 : memref<50000x16xf32, #tpu.memory_space<hbm>>) target(%dma_start3A_137 : memref<128x16xf32, #tpu.memory_space<vmem>>) offsets(%dma_start3A_140 : memref<128xi32, #tpu.memory_space<vmem>>) semaphore(%arg11 : memref<!tpu.dma_semaphore, #tpu.memory_space<semaphore_mem>>)
      %dma_start3A_144 = arith.constant 2 : i32
      %dma_start3A_145 = arith.constant 2 : i32
      %dma_start3A_146 = arith.constant 0 : i32
      %dma_start3A_147 = arith.constant 0 : i32
      %dma_start3A_148 = tpu.memref_slice %arg7[%dma_start3A_145, %dma_start3A_146, %dma_start3A_147] : memref<6x128x16xf32, #tpu.memory_space<vmem>> -> memref<1x128x16xf32, #tpu.memory_space<vmem>>
      %dma_start3A_149 = tpu.memref_squeeze %dma_start3A_148 : memref<1x128x16xf32, #tpu.memory_space<vmem>> -> memref<128x16xf32, #tpu.memory_space<vmem>>
      %dma_start3A_150 = arith.constant 0 : i32
      %dma_start3A_151 = tpu.memref_slice %arg6[%rem3A_69, %dma_start3A_144, %dma_start3A_150] : memref<2x3x128xi32, #tpu.memory_space<vmem>> -> memref<1x1x128xi32, #tpu.memory_space<vmem>>
      %dma_start3A_152 = tpu.memref_squeeze %dma_start3A_151 : memref<1x1x128xi32, #tpu.memory_space<vmem>> -> memref<128xi32, #tpu.memory_space<vmem>>
      %dma_start3A_153 = arith.constant 0 : i32
      %dma_start3A_154 = arith.constant 0 : i32
      %dma_start3A_155 = tpu.memref_slice %arg2[%dma_start3A_153, %dma_start3A_154] : memref<50000x16xf32, #tpu.memory_space<hbm>> -> memref<50000x16xf32, #tpu.memory_space<hbm>>
      tpu.enqueue_indirect_dma source(%dma_start3A_155 : memref<50000x16xf32, #tpu.memory_space<hbm>>) target(%dma_start3A_149 : memref<128x16xf32, #tpu.memory_space<vmem>>) offsets(%dma_start3A_152 : memref<128xi32, #tpu.memory_space<vmem>>) semaphore(%arg11 : memref<!tpu.dma_semaphore, #tpu.memory_space<semaphore_mem>>)
      %dma_start3A_156 = arith.constant 2 : i32
      %dma_start3A_157 = arith.constant 5 : i32
      %dma_start3A_158 = arith.constant 0 : i32
      %dma_start3A_159 = arith.constant 0 : i32
      %dma_start3A_160 = tpu.memref_slice %arg7[%dma_start3A_157, %dma_start3A_158, %dma_start3A_159] : memref<6x128x16xf32, #tpu.memory_space<vmem>> -> memref<1x128x16xf32, #tpu.memory_space<vmem>>
      %dma_start3A_161 = tpu.memref_squeeze %dma_start3A_160 : memref<1x128x16xf32, #tpu.memory_space<vmem>> -> memref<128x16xf32, #tpu.memory_space<vmem>>
      %dma_start3A_162 = arith.constant 0 : i32
      %dma_start3A_163 = tpu.memref_slice %arg6[%rem3A_69, %dma_start3A_156, %dma_start3A_162] : memref<2x3x128xi32, #tpu.memory_space<vmem>> -> memref<1x1x128xi32, #tpu.memory_space<vmem>>
      %dma_start3A_164 = tpu.memref_squeeze %dma_start3A_163 : memref<1x1x128xi32, #tpu.memory_space<vmem>> -> memref<128xi32, #tpu.memory_space<vmem>>
      %dma_start3A_165 = arith.constant 0 : i32
      %dma_start3A_166 = arith.constant 0 : i32
      %dma_start3A_167 = tpu.memref_slice %arg3[%dma_start3A_165, %dma_start3A_166] : memref<50000x16xf32, #tpu.memory_space<hbm>> -> memref<50000x16xf32, #tpu.memory_space<hbm>>
      tpu.enqueue_indirect_dma source(%dma_start3A_167 : memref<50000x16xf32, #tpu.memory_space<hbm>>) target(%dma_start3A_161 : memref<128x16xf32, #tpu.memory_space<vmem>>) offsets(%dma_start3A_164 : memref<128xi32, #tpu.memory_space<vmem>>) semaphore(%arg11 : memref<!tpu.dma_semaphore, #tpu.memory_space<semaphore_mem>>)
      %dma_wait3A = arith.constant 0 : i32
      %dma_wait3A_168 = arith.constant 0 : i32
      %dma_wait3A_169 = arith.constant 0 : i32
      %dma_wait3A_170 = arith.constant 0 : i32
      %dma_wait3A_171 = tpu.memref_slice %arg7[%dma_wait3A_168, %dma_wait3A_169, %dma_wait3A_170] : memref<6x128x16xf32, #tpu.memory_space<vmem>> -> memref<1x128x16xf32, #tpu.memory_space<vmem>>
      %dma_wait3A_172 = tpu.memref_squeeze %dma_wait3A_171 : memref<1x128x16xf32, #tpu.memory_space<vmem>> -> memref<128x16xf32, #tpu.memory_space<vmem>>
      %dma_wait3A_173 = arith.constant 0 : i32
      %dma_wait3A_174 = tpu.memref_slice %arg6[%rem3A_69, %dma_wait3A, %dma_wait3A_173] : memref<2x3x128xi32, #tpu.memory_space<vmem>> -> memref<1x1x128xi32, #tpu.memory_space<vmem>>
      %dma_wait3A_175 = tpu.memref_squeeze %dma_wait3A_174 : memref<1x1x128xi32, #tpu.memory_space<vmem>> -> memref<128xi32, #tpu.memory_space<vmem>>
      %dma_wait3A_176 = arith.constant 0 : i32
      %dma_wait3A_177 = arith.constant 0 : i32
      %dma_wait3A_178 = tpu.memref_slice %arg2[%dma_wait3A_176, %dma_wait3A_177] : memref<50000x16xf32, #tpu.memory_space<hbm>> -> memref<50000x16xf32, #tpu.memory_space<hbm>>
      tpu.wait_indirect_dma semaphore(%arg11 : memref<!tpu.dma_semaphore, #tpu.memory_space<semaphore_mem>>) src(%dma_wait3A_178 : memref<50000x16xf32, #tpu.memory_space<hbm>>) dst(%dma_wait3A_172 : memref<128x16xf32, #tpu.memory_space<vmem>>)
      %dma_wait3A_179 = arith.constant 0 : i32
      %dma_wait3A_180 = arith.constant 3 : i32
      %dma_wait3A_181 = arith.constant 0 : i32
      %dma_wait3A_182 = arith.constant 0 : i32
      %dma_wait3A_183 = tpu.memref_slice %arg7[%dma_wait3A_180, %dma_wait3A_181, %dma_wait3A_182] : memref<6x128x16xf32, #tpu.memory_space<vmem>> -> memref<1x128x16xf32, #tpu.memory_space<vmem>>
      %dma_wait3A_184 = tpu.memref_squeeze %dma_wait3A_183 : memref<1x128x16xf32, #tpu.memory_space<vmem>> -> memref<128x16xf32, #tpu.memory_space<vmem>>
      %dma_wait3A_185 = arith.constant 0 : i32
      %dma_wait3A_186 = tpu.memref_slice %arg6[%rem3A_69, %dma_wait3A_179, %dma_wait3A_185] : memref<2x3x128xi32, #tpu.memory_space<vmem>> -> memref<1x1x128xi32, #tpu.memory_space<vmem>>
      %dma_wait3A_187 = tpu.memref_squeeze %dma_wait3A_186 : memref<1x1x128xi32, #tpu.memory_space<vmem>> -> memref<128xi32, #tpu.memory_space<vmem>>
      %dma_wait3A_188 = arith.constant 0 : i32
      %dma_wait3A_189 = arith.constant 0 : i32
      %dma_wait3A_190 = tpu.memref_slice %arg3[%dma_wait3A_188, %dma_wait3A_189] : memref<50000x16xf32, #tpu.memory_space<hbm>> -> memref<50000x16xf32, #tpu.memory_space<hbm>>
      tpu.wait_indirect_dma semaphore(%arg11 : memref<!tpu.dma_semaphore, #tpu.memory_space<semaphore_mem>>) src(%dma_wait3A_190 : memref<50000x16xf32, #tpu.memory_space<hbm>>) dst(%dma_wait3A_184 : memref<128x16xf32, #tpu.memory_space<vmem>>)
      %dma_wait3A_191 = arith.constant 1 : i32
      %dma_wait3A_192 = arith.constant 1 : i32
      %dma_wait3A_193 = arith.constant 0 : i32
      %dma_wait3A_194 = arith.constant 0 : i32
      %dma_wait3A_195 = tpu.memref_slice %arg7[%dma_wait3A_192, %dma_wait3A_193, %dma_wait3A_194] : memref<6x128x16xf32, #tpu.memory_space<vmem>> -> memref<1x128x16xf32, #tpu.memory_space<vmem>>
      %dma_wait3A_196 = tpu.memref_squeeze %dma_wait3A_195 : memref<1x128x16xf32, #tpu.memory_space<vmem>> -> memref<128x16xf32, #tpu.memory_space<vmem>>
      %dma_wait3A_197 = arith.constant 0 : i32
      %dma_wait3A_198 = tpu.memref_slice %arg6[%rem3A_69, %dma_wait3A_191, %dma_wait3A_197] : memref<2x3x128xi32, #tpu.memory_space<vmem>> -> memref<1x1x128xi32, #tpu.memory_space<vmem>>
      %dma_wait3A_199 = tpu.memref_squeeze %dma_wait3A_198 : memref<1x1x128xi32, #tpu.memory_space<vmem>> -> memref<128xi32, #tpu.memory_space<vmem>>
      %dma_wait3A_200 = arith.constant 0 : i32
      %dma_wait3A_201 = arith.constant 0 : i32
      %dma_wait3A_202 = tpu.memref_slice %arg2[%dma_wait3A_200, %dma_wait3A_201] : memref<50000x16xf32, #tpu.memory_space<hbm>> -> memref<50000x16xf32, #tpu.memory_space<hbm>>
      tpu.wait_indirect_dma semaphore(%arg11 : memref<!tpu.dma_semaphore, #tpu.memory_space<semaphore_mem>>) src(%dma_wait3A_202 : memref<50000x16xf32, #tpu.memory_space<hbm>>) dst(%dma_wait3A_196 : memref<128x16xf32, #tpu.memory_space<vmem>>)
      %dma_wait3A_203 = arith.constant 1 : i32
      %dma_wait3A_204 = arith.constant 4 : i32
      %dma_wait3A_205 = arith.constant 0 : i32
      %dma_wait3A_206 = arith.constant 0 : i32
      %dma_wait3A_207 = tpu.memref_slice %arg7[%dma_wait3A_204, %dma_wait3A_205, %dma_wait3A_206] : memref<6x128x16xf32, #tpu.memory_space<vmem>> -> memref<1x128x16xf32, #tpu.memory_space<vmem>>
      %dma_wait3A_208 = tpu.memref_squeeze %dma_wait3A_207 : memref<1x128x16xf32, #tpu.memory_space<vmem>> -> memref<128x16xf32, #tpu.memory_space<vmem>>
      %dma_wait3A_209 = arith.constant 0 : i32
      %dma_wait3A_210 = tpu.memref_slice %arg6[%rem3A_69, %dma_wait3A_203, %dma_wait3A_209] : memref<2x3x128xi32, #tpu.memory_space<vmem>> -> memref<1x1x128xi32, #tpu.memory_space<vmem>>
      %dma_wait3A_211 = tpu.memref_squeeze %dma_wait3A_210 : memref<1x1x128xi32, #tpu.memory_space<vmem>> -> memref<128xi32, #tpu.memory_space<vmem>>
      %dma_wait3A_212 = arith.constant 0 : i32
      %dma_wait3A_213 = arith.constant 0 : i32
      %dma_wait3A_214 = tpu.memref_slice %arg3[%dma_wait3A_212, %dma_wait3A_213] : memref<50000x16xf32, #tpu.memory_space<hbm>> -> memref<50000x16xf32, #tpu.memory_space<hbm>>
      tpu.wait_indirect_dma semaphore(%arg11 : memref<!tpu.dma_semaphore, #tpu.memory_space<semaphore_mem>>) src(%dma_wait3A_214 : memref<50000x16xf32, #tpu.memory_space<hbm>>) dst(%dma_wait3A_208 : memref<128x16xf32, #tpu.memory_space<vmem>>)
      %dma_wait3A_215 = arith.constant 2 : i32
      %dma_wait3A_216 = arith.constant 2 : i32
      %dma_wait3A_217 = arith.constant 0 : i32
      %dma_wait3A_218 = arith.constant 0 : i32
      %dma_wait3A_219 = tpu.memref_slice %arg7[%dma_wait3A_216, %dma_wait3A_217, %dma_wait3A_218] : memref<6x128x16xf32, #tpu.memory_space<vmem>> -> memref<1x128x16xf32, #tpu.memory_space<vmem>>
      %dma_wait3A_220 = tpu.memref_squeeze %dma_wait3A_219 : memref<1x128x16xf32, #tpu.memory_space<vmem>> -> memref<128x16xf32, #tpu.memory_space<vmem>>
      %dma_wait3A_221 = arith.constant 0 : i32
      %dma_wait3A_222 = tpu.memref_slice %arg6[%rem3A_69, %dma_wait3A_215, %dma_wait3A_221] : memref<2x3x128xi32, #tpu.memory_space<vmem>> -> memref<1x1x128xi32, #tpu.memory_space<vmem>>
      %dma_wait3A_223 = tpu.memref_squeeze %dma_wait3A_222 : memref<1x1x128xi32, #tpu.memory_space<vmem>> -> memref<128xi32, #tpu.memory_space<vmem>>
      %dma_wait3A_224 = arith.constant 0 : i32
      %dma_wait3A_225 = arith.constant 0 : i32
      %dma_wait3A_226 = tpu.memref_slice %arg2[%dma_wait3A_224, %dma_wait3A_225] : memref<50000x16xf32, #tpu.memory_space<hbm>> -> memref<50000x16xf32, #tpu.memory_space<hbm>>
      tpu.wait_indirect_dma semaphore(%arg11 : memref<!tpu.dma_semaphore, #tpu.memory_space<semaphore_mem>>) src(%dma_wait3A_226 : memref<50000x16xf32, #tpu.memory_space<hbm>>) dst(%dma_wait3A_220 : memref<128x16xf32, #tpu.memory_space<vmem>>)
      %dma_wait3A_227 = arith.constant 2 : i32
      %dma_wait3A_228 = arith.constant 5 : i32
      %dma_wait3A_229 = arith.constant 0 : i32
      %dma_wait3A_230 = arith.constant 0 : i32
      %dma_wait3A_231 = tpu.memref_slice %arg7[%dma_wait3A_228, %dma_wait3A_229, %dma_wait3A_230] : memref<6x128x16xf32, #tpu.memory_space<vmem>> -> memref<1x128x16xf32, #tpu.memory_space<vmem>>
      %dma_wait3A_232 = tpu.memref_squeeze %dma_wait3A_231 : memref<1x128x16xf32, #tpu.memory_space<vmem>> -> memref<128x16xf32, #tpu.memory_space<vmem>>
      %dma_wait3A_233 = arith.constant 0 : i32
      %dma_wait3A_234 = tpu.memref_slice %arg6[%rem3A_69, %dma_wait3A_227, %dma_wait3A_233] : memref<2x3x128xi32, #tpu.memory_space<vmem>> -> memref<1x1x128xi32, #tpu.memory_space<vmem>>
      %dma_wait3A_235 = tpu.memref_squeeze %dma_wait3A_234 : memref<1x1x128xi32, #tpu.memory_space<vmem>> -> memref<128xi32, #tpu.memory_space<vmem>>
      %dma_wait3A_236 = arith.constant 0 : i32
      %dma_wait3A_237 = arith.constant 0 : i32
      %dma_wait3A_238 = tpu.memref_slice %arg3[%dma_wait3A_236, %dma_wait3A_237] : memref<50000x16xf32, #tpu.memory_space<hbm>> -> memref<50000x16xf32, #tpu.memory_space<hbm>>
      tpu.wait_indirect_dma semaphore(%arg11 : memref<!tpu.dma_semaphore, #tpu.memory_space<semaphore_mem>>) src(%dma_wait3A_238 : memref<50000x16xf32, #tpu.memory_space<hbm>>) dst(%dma_wait3A_232 : memref<128x16xf32, #tpu.memory_space<vmem>>)
      %scan3A = arith.constant 0 : i32
      %scan3A_239 = arith.constant 0 : i32
      %scan3A_240 = arith.constant 128 : i32
      %scan3A_241 = arith.addi %scan3A_239, %scan3A_240 : i32
      %scan3A_242 = arith.constant 1 : i32
      scf.for %scan3A_254 = %scan3A_239 to %scan3A_241 step %scan3A_242  : i32 {
        %get3A = arith.constant 0 : i32
        %get3A_255 = arith.index_cast %get3A : i32 to index
        %get3A_256 = arith.index_cast %scan3A_254 : i32 to index
        %get3A_257 = arith.constant 0 : index
        %get3A_258 = tpu.vector_load %arg7[%get3A_255, %get3A_256, %get3A_257] {strides = array<i32>} : memref<6x128x16xf32, #tpu.memory_space<vmem>>, vector<1x1x16xf32>,
        %get3A_259 = vector.shape_cast %get3A_258 : vector<1x1x16xf32> to vector<16xf32>
        %get3A_260 = arith.constant 1 : i32
        %get3A_261 = arith.index_cast %get3A_260 : i32 to index
        %get3A_262 = arith.index_cast %scan3A_254 : i32 to index
        %get3A_263 = arith.constant 0 : index
        %get3A_264 = tpu.vector_load %arg7[%get3A_261, %get3A_262, %get3A_263] {strides = array<i32>} : memref<6x128x16xf32, #tpu.memory_space<vmem>>, vector<1x1x16xf32>,
        %get3A_265 = vector.shape_cast %get3A_264 : vector<1x1x16xf32> to vector<16xf32>
        %add3A_266 = arith.addf %get3A_259, %get3A_265 : vector<16xf32>
        %get3A_267 = arith.constant 2 : i32
        %get3A_268 = arith.index_cast %get3A_267 : i32 to index
        %get3A_269 = arith.index_cast %scan3A_254 : i32 to index
        %get3A_270 = arith.constant 0 : index
        %get3A_271 = tpu.vector_load %arg7[%get3A_268, %get3A_269, %get3A_270] {strides = array<i32>} : memref<6x128x16xf32, #tpu.memory_space<vmem>>, vector<1x1x16xf32>,
        %get3A_272 = vector.shape_cast %get3A_271 : vector<1x1x16xf32> to vector<16xf32>
        %get3A_273 = arith.constant 3 : i32
        %get3A_274 = arith.index_cast %get3A_273 : i32 to index
        %get3A_275 = arith.index_cast %scan3A_254 : i32 to index
        %get3A_276 = arith.constant 0 : index
        %get3A_277 = tpu.vector_load %arg7[%get3A_274, %get3A_275, %get3A_276] {strides = array<i32>} : memref<6x128x16xf32, #tpu.memory_space<vmem>>, vector<1x1x16xf32>,
        %get3A_278 = vector.shape_cast %get3A_277 : vector<1x1x16xf32> to vector<16xf32>
        %add3A_279 = arith.addf %get3A_272, %get3A_278 : vector<16xf32>
        %add3A_280 = arith.addf %add3A_266, %add3A_279 : vector<16xf32>
        %get3A_281 = arith.constant 4 : i32
        %get3A_282 = arith.index_cast %get3A_281 : i32 to index
        %get3A_283 = arith.index_cast %scan3A_254 : i32 to index
        %get3A_284 = arith.constant 0 : index
        %get3A_285 = tpu.vector_load %arg7[%get3A_282, %get3A_283, %get3A_284] {strides = array<i32>} : memref<6x128x16xf32, #tpu.memory_space<vmem>>, vector<1x1x16xf32>,
        %get3A_286 = vector.shape_cast %get3A_285 : vector<1x1x16xf32> to vector<16xf32>
        %get3A_287 = arith.constant 5 : i32
        %get3A_288 = arith.index_cast %get3A_287 : i32 to index
        %get3A_289 = arith.index_cast %scan3A_254 : i32 to index
        %get3A_290 = arith.constant 0 : index
        %get3A_291 = tpu.vector_load %arg7[%get3A_288, %get3A_289, %get3A_290] {strides = array<i32>} : memref<6x128x16xf32, #tpu.memory_space<vmem>>, vector<1x1x16xf32>,
        %get3A_292 = vector.shape_cast %get3A_291 : vector<1x1x16xf32> to vector<16xf32>
        %add3A_293 = arith.addf %get3A_286, %get3A_292 : vector<16xf32>
        %add3A_294 = arith.addf %add3A_280, %add3A_293 : vector<16xf32>
        %swap3A = arith.index_cast %rem3A_69 : i32 to index
        %swap3A_295 = arith.index_cast %scan3A_254 : i32 to index
        %swap3A_296 = arith.constant 0 : index
        %swap3A_297 = tpu.vector_load %arg8[%swap3A, %swap3A_295, %swap3A_296] {strides = array<i32>} : memref<2x128x16xf32, #tpu.memory_space<vmem>>, vector<1x1x16xf32>,
        %swap3A_298 = vector.shape_cast %swap3A_297 : vector<1x1x16xf32> to vector<16xf32>
        %swap3A_299 = vector.shape_cast %add3A_294 : vector<16xf32> to vector<1x1x16xf32>
        tpu.vector_store %arg8[%swap3A, %swap3A_295, %swap3A_296], %swap3A_299 {strides = array<i32>} : memref<2x128x16xf32, #tpu.memory_space<vmem>>, vector<1x1x16xf32>,
      }
      %scan3A_243 = arith.constant 128 : i32
      %eq3A_244 = arith.constant 0 : i32
      %eq3A_245 = arith.cmpi eq, %rem3A_69, %eq3A_244 : i32
      %convert_element_type3A_246 = arith.extui %eq3A_245 : i1 to i32
      %cond3A_247 = arith.constant 0 : i32
      %cond3A_248 = arith.cmpi ne, %convert_element_type3A_246, %cond3A_247 : i32
      scf.if %cond3A_248 {
        %mul3A_254 = arith.constant 128 : i32
        %mul3A_255 = arith.muli %while3A_66, %mul3A_254 : i32
        %dma_start3A_256 = arith.constant 0 : i32
        %dma_start3A_257 = arith.constant 0 : i32
        %dma_start3A_258 = arith.constant 0 : i32
        %dma_start3A_259 = tpu.memref_slice %arg8[%dma_start3A_256, %dma_start3A_257, %dma_start3A_258] : memref<2x128x16xf32, #tpu.memory_space<vmem>> -> memref<1x128x16xf32, #tpu.memory_space<vmem>>
        %dma_start3A_260 = tpu.memref_squeeze %dma_start3A_259 : memref<1x128x16xf32, #tpu.memory_space<vmem>> -> memref<128x16xf32, #tpu.memory_space<vmem>>
        %dma_start3A_261 = arith.constant 0 : i32
        %dma_start3A_262 = tpu.memref_slice %arg5[%mul3A_255, %dma_start3A_261] : memref<100096x16xf32, #tpu.memory_space<hbm>> -> memref<128x16xf32, #tpu.memory_space<hbm>>
        %dma_start3A_263 = arith.constant 0 : i32
        %dma_start3A_264 = tpu.memref_slice %arg5[%mul3A_255, %dma_start3A_263] : memref<100096x16xf32, #tpu.memory_space<hbm>> -> memref<128x16xf32, #tpu.memory_space<hbm>>
        %dma_start3A_265 = arith.constant 0 : i32
        %dma_start3A_266 = arith.constant 0 : i32
        %dma_start3A_267 = tpu.memref_slice %arg8[%dma_start3A_256, %dma_start3A_265, %dma_start3A_266] : memref<2x128x16xf32, #tpu.memory_space<vmem>> -> memref<1x128x16xf32, #tpu.memory_space<vmem>>
        %dma_start3A_268 = tpu.memref_squeeze %dma_start3A_267 : memref<1x128x16xf32, #tpu.memory_space<vmem>> -> memref<128x16xf32, #tpu.memory_space<vmem>>
        tpu.enqueue_dma source(%dma_start3A_268 : memref<128x16xf32, #tpu.memory_space<vmem>>) target(%dma_start3A_264 : memref<128x16xf32, #tpu.memory_space<hbm>>) target_semaphore(%arg12 : memref<!tpu.dma_semaphore, #tpu.memory_space<semaphore_mem>>)
      } else {
      }
      %eq3A_249 = arith.constant 1 : i32
      %eq3A_250 = arith.cmpi eq, %rem3A_69, %eq3A_249 : i32
      %convert_element_type3A_251 = arith.extui %eq3A_250 : i1 to i32
      %cond3A_252 = arith.constant 0 : i32
      %cond3A_253 = arith.cmpi ne, %convert_element_type3A_251, %cond3A_252 : i32
      scf.if %cond3A_253 {
        %mul3A_254 = arith.constant 128 : i32
        %mul3A_255 = arith.muli %while3A_66, %mul3A_254 : i32
        %dma_start3A_256 = arith.constant 1 : i32
        %dma_start3A_257 = arith.constant 0 : i32
        %dma_start3A_258 = arith.constant 0 : i32
        %dma_start3A_259 = tpu.memref_slice %arg8[%dma_start3A_256, %dma_start3A_257, %dma_start3A_258] : memref<2x128x16xf32, #tpu.memory_space<vmem>> -> memref<1x128x16xf32, #tpu.memory_space<vmem>>
        %dma_start3A_260 = tpu.memref_squeeze %dma_start3A_259 : memref<1x128x16xf32, #tpu.memory_space<vmem>> -> memref<128x16xf32, #tpu.memory_space<vmem>>
        %dma_start3A_261 = arith.constant 0 : i32
        %dma_start3A_262 = tpu.memref_slice %arg5[%mul3A_255, %dma_start3A_261] : memref<100096x16xf32, #tpu.memory_space<hbm>> -> memref<128x16xf32, #tpu.memory_space<hbm>>
        %dma_start3A_263 = arith.constant 0 : i32
        %dma_start3A_264 = tpu.memref_slice %arg5[%mul3A_255, %dma_start3A_263] : memref<100096x16xf32, #tpu.memory_space<hbm>> -> memref<128x16xf32, #tpu.memory_space<hbm>>
        %dma_start3A_265 = arith.constant 0 : i32
        %dma_start3A_266 = arith.constant 0 : i32
        %dma_start3A_267 = tpu.memref_slice %arg8[%dma_start3A_256, %dma_start3A_265, %dma_start3A_266] : memref<2x128x16xf32, #tpu.memory_space<vmem>> -> memref<1x128x16xf32, #tpu.memory_space<vmem>>
        %dma_start3A_268 = tpu.memref_squeeze %dma_start3A_267 : memref<1x128x16xf32, #tpu.memory_space<vmem>> -> memref<128x16xf32, #tpu.memory_space<vmem>>
        tpu.enqueue_dma source(%dma_start3A_268 : memref<128x16xf32, #tpu.memory_space<vmem>>) target(%dma_start3A_264 : memref<128x16xf32, #tpu.memory_space<hbm>>) target_semaphore(%arg13 : memref<!tpu.dma_semaphore, #tpu.memory_space<semaphore_mem>>)
      } else {
      }
    }
    %lt3A_56 = arith.cmpi slt, %select_n3A, %select_n3A_46 : i32
    %convert_element_type3A_57 = arith.extui %lt3A_56 : i1 to i32
    %cond3A_58 = arith.constant 0 : i32
    %cond3A_59 = arith.cmpi ne, %convert_element_type3A_57, %cond3A_58 : i32
    scf.if %cond3A_59 {
      %sub3A_66 = arith.subi %select_n3A_46, %select_n3A : i32
      %sub3A_67 = arith.constant 1 : i32
      %sub3A_68 = arith.subi %sub3A_66, %sub3A_67 : i32
      %rem3A_69 = arith.constant 2 : i32
      %rem3A_70 = arith.remsi %sub3A_68, %rem3A_69 : i32
      %eq3A = arith.constant 0 : i32
      %eq3A_71 = arith.cmpi eq, %rem3A_70, %eq3A : i32
      %convert_element_type3A_72 = arith.extui %eq3A_71 : i1 to i32
      %cond3A_73 = arith.constant 0 : i32
      %cond3A_74 = arith.cmpi ne, %convert_element_type3A_72, %cond3A_73 : i32
      scf.if %cond3A_74 {
        %sub3A_80 = arith.constant 1 : i32
        %sub3A_81 = arith.subi %select_n3A_46, %sub3A_80 : i32
        %mul3A_82 = arith.constant 128 : i32
        %mul3A_83 = arith.muli %sub3A_81, %mul3A_82 : i32
        %dma_wait3A = arith.constant 0 : i32
        %dma_wait3A_84 = arith.constant 0 : i32
        %dma_wait3A_85 = arith.constant 0 : i32
        %dma_wait3A_86 = tpu.memref_slice %arg8[%dma_wait3A, %dma_wait3A_84, %dma_wait3A_85] : memref<2x128x16xf32, #tpu.memory_space<vmem>> -> memref<1x128x16xf32, #tpu.memory_space<vmem>>
        %dma_wait3A_87 = tpu.memref_squeeze %dma_wait3A_86 : memref<1x128x16xf32, #tpu.memory_space<vmem>> -> memref<128x16xf32, #tpu.memory_space<vmem>>
        %dma_wait3A_88 = arith.constant 0 : i32
        %dma_wait3A_89 = tpu.memref_slice %arg5[%mul3A_83, %dma_wait3A_88] : memref<100096x16xf32, #tpu.memory_space<hbm>> -> memref<128x16xf32, #tpu.memory_space<hbm>>
        %dma_wait3A_90 = arith.constant 0 : i32
        %dma_wait3A_91 = tpu.memref_slice %arg5[%mul3A_83, %dma_wait3A_90] : memref<100096x16xf32, #tpu.memory_space<hbm>> -> memref<128x16xf32, #tpu.memory_space<hbm>>
        %dma_wait3A_92 = arith.constant 0 : i32
        %dma_wait3A_93 = arith.constant 0 : i32
        %dma_wait3A_94 = tpu.memref_slice %arg8[%dma_wait3A, %dma_wait3A_92, %dma_wait3A_93] : memref<2x128x16xf32, #tpu.memory_space<vmem>> -> memref<1x128x16xf32, #tpu.memory_space<vmem>>
        %dma_wait3A_95 = tpu.memref_squeeze %dma_wait3A_94 : memref<1x128x16xf32, #tpu.memory_space<vmem>> -> memref<128x16xf32, #tpu.memory_space<vmem>>
        tpu.wait_dma2 semaphore(%arg12 : memref<!tpu.dma_semaphore, #tpu.memory_space<semaphore_mem>>) src(%dma_wait3A_95 : memref<128x16xf32, #tpu.memory_space<vmem>>) dst(%dma_wait3A_91 : memref<128x16xf32, #tpu.memory_space<hbm>>)
      } else {
      }
      %eq3A_75 = arith.constant 1 : i32
      %eq3A_76 = arith.cmpi eq, %rem3A_70, %eq3A_75 : i32
      %convert_element_type3A_77 = arith.extui %eq3A_76 : i1 to i32
      %cond3A_78 = arith.constant 0 : i32
      %cond3A_79 = arith.cmpi ne, %convert_element_type3A_77, %cond3A_78 : i32
      scf.if %cond3A_79 {
        %sub3A_80 = arith.constant 1 : i32
        %sub3A_81 = arith.subi %select_n3A_46, %sub3A_80 : i32
        %mul3A_82 = arith.constant 128 : i32
        %mul3A_83 = arith.muli %sub3A_81, %mul3A_82 : i32
        %dma_wait3A = arith.constant 1 : i32
        %dma_wait3A_84 = arith.constant 0 : i32
        %dma_wait3A_85 = arith.constant 0 : i32
        %dma_wait3A_86 = tpu.memref_slice %arg8[%dma_wait3A, %dma_wait3A_84, %dma_wait3A_85] : memref<2x128x16xf32, #tpu.memory_space<vmem>> -> memref<1x128x16xf32, #tpu.memory_space<vmem>>
        %dma_wait3A_87 = tpu.memref_squeeze %dma_wait3A_86 : memref<1x128x16xf32, #tpu.memory_space<vmem>> -> memref<128x16xf32, #tpu.memory_space<vmem>>
        %dma_wait3A_88 = arith.constant 0 : i32
        %dma_wait3A_89 = tpu.memref_slice %arg5[%mul3A_83, %dma_wait3A_88] : memref<100096x16xf32, #tpu.memory_space<hbm>> -> memref<128x16xf32, #tpu.memory_space<hbm>>
        %dma_wait3A_90 = arith.constant 0 : i32
        %dma_wait3A_91 = tpu.memref_slice %arg5[%mul3A_83, %dma_wait3A_90] : memref<100096x16xf32, #tpu.memory_space<hbm>> -> memref<128x16xf32, #tpu.memory_space<hbm>>
        %dma_wait3A_92 = arith.constant 0 : i32
        %dma_wait3A_93 = arith.constant 0 : i32
        %dma_wait3A_94 = tpu.memref_slice %arg8[%dma_wait3A, %dma_wait3A_92, %dma_wait3A_93] : memref<2x128x16xf32, #tpu.memory_space<vmem>> -> memref<1x128x16xf32, #tpu.memory_space<vmem>>
        %dma_wait3A_95 = tpu.memref_squeeze %dma_wait3A_94 : memref<1x128x16xf32, #tpu.memory_space<vmem>> -> memref<128x16xf32, #tpu.memory_space<vmem>>
        tpu.wait_dma2 semaphore(%arg13 : memref<!tpu.dma_semaphore, #tpu.memory_space<semaphore_mem>>) src(%dma_wait3A_95 : memref<128x16xf32, #tpu.memory_space<vmem>>) dst(%dma_wait3A_91 : memref<128x16xf32, #tpu.memory_space<hbm>>)
      } else {
      }
    } else {
    }
    %sub3A_60 = arith.constant 1 : i32
    %sub3A_61 = arith.subi %select_n3A_46, %sub3A_60 : i32
    %lt3A_62 = arith.cmpi slt, %select_n3A, %sub3A_61 : i32
    %convert_element_type3A_63 = arith.extui %lt3A_62 : i1 to i32
    %cond3A_64 = arith.constant 0 : i32
    %cond3A_65 = arith.cmpi ne, %convert_element_type3A_63, %cond3A_64 : i32
    scf.if %cond3A_65 {
      %sub3A_66 = arith.subi %select_n3A_46, %select_n3A : i32
      %sub3A_67 = arith.constant 2 : i32
      %sub3A_68 = arith.subi %sub3A_66, %sub3A_67 : i32
      %rem3A_69 = arith.constant 2 : i32
      %rem3A_70 = arith.remsi %sub3A_68, %rem3A_69 : i32
      %eq3A = arith.constant 0 : i32
      %eq3A_71 = arith.cmpi eq, %rem3A_70, %eq3A : i32
      %convert_element_type3A_72 = arith.extui %eq3A_71 : i1 to i32
      %cond3A_73 = arith.constant 0 : i32
      %cond3A_74 = arith.cmpi ne, %convert_element_type3A_72, %cond3A_73 : i32
      scf.if %cond3A_74 {
        %sub3A_80 = arith.constant 2 : i32
        %sub3A_81 = arith.subi %select_n3A_46, %sub3A_80 : i32
        %mul3A_82 = arith.constant 128 : i32
        %mul3A_83 = arith.muli %sub3A_81, %mul3A_82 : i32
        %dma_wait3A = arith.constant 0 : i32
        %dma_wait3A_84 = arith.constant 0 : i32
        %dma_wait3A_85 = arith.constant 0 : i32
        %dma_wait3A_86 = tpu.memref_slice %arg8[%dma_wait3A, %dma_wait3A_84, %dma_wait3A_85] : memref<2x128x16xf32, #tpu.memory_space<vmem>> -> memref<1x128x16xf32, #tpu.memory_space<vmem>>
        %dma_wait3A_87 = tpu.memref_squeeze %dma_wait3A_86 : memref<1x128x16xf32, #tpu.memory_space<vmem>> -> memref<128x16xf32, #tpu.memory_space<vmem>>
        %dma_wait3A_88 = arith.constant 0 : i32
        %dma_wait3A_89 = tpu.memref_slice %arg5[%mul3A_83, %dma_wait3A_88] : memref<100096x16xf32, #tpu.memory_space<hbm>> -> memref<128x16xf32, #tpu.memory_space<hbm>>
        %dma_wait3A_90 = arith.constant 0 : i32
        %dma_wait3A_91 = tpu.memref_slice %arg5[%mul3A_83, %dma_wait3A_90] : memref<100096x16xf32, #tpu.memory_space<hbm>> -> memref<128x16xf32, #tpu.memory_space<hbm>>
        %dma_wait3A_92 = arith.constant 0 : i32
        %dma_wait3A_93 = arith.constant 0 : i32
        %dma_wait3A_94 = tpu.memref_slice %arg8[%dma_wait3A, %dma_wait3A_92, %dma_wait3A_93] : memref<2x128x16xf32, #tpu.memory_space<vmem>> -> memref<1x128x16xf32, #tpu.memory_space<vmem>>
        %dma_wait3A_95 = tpu.memref_squeeze %dma_wait3A_94 : memref<1x128x16xf32, #tpu.memory_space<vmem>> -> memref<128x16xf32, #tpu.memory_space<vmem>>
        tpu.wait_dma2 semaphore(%arg12 : memref<!tpu.dma_semaphore, #tpu.memory_space<semaphore_mem>>) src(%dma_wait3A_95 : memref<128x16xf32, #tpu.memory_space<vmem>>) dst(%dma_wait3A_91 : memref<128x16xf32, #tpu.memory_space<hbm>>)
      } else {
      }
      %eq3A_75 = arith.constant 1 : i32
      %eq3A_76 = arith.cmpi eq, %rem3A_70, %eq3A_75 : i32
      %convert_element_type3A_77 = arith.extui %eq3A_76 : i1 to i32
      %cond3A_78 = arith.constant 0 : i32
      %cond3A_79 = arith.cmpi ne, %convert_element_type3A_77, %cond3A_78 : i32
      scf.if %cond3A_79 {
        %sub3A_80 = arith.constant 2 : i32
        %sub3A_81 = arith.subi %select_n3A_46, %sub3A_80 : i32
        %mul3A_82 = arith.constant 128 : i32
        %mul3A_83 = arith.muli %sub3A_81, %mul3A_82 : i32
        %dma_wait3A = arith.constant 1 : i32
        %dma_wait3A_84 = arith.constant 0 : i32
        %dma_wait3A_85 = arith.constant 0 : i32
        %dma_wait3A_86 = tpu.memref_slice %arg8[%dma_wait3A, %dma_wait3A_84, %dma_wait3A_85] : memref<2x128x16xf32, #tpu.memory_space<vmem>> -> memref<1x128x16xf32, #tpu.memory_space<vmem>>
        %dma_wait3A_87 = tpu.memref_squeeze %dma_wait3A_86 : memref<1x128x16xf32, #tpu.memory_space<vmem>> -> memref<128x16xf32, #tpu.memory_space<vmem>>
        %dma_wait3A_88 = arith.constant 0 : i32
        %dma_wait3A_89 = tpu.memref_slice %arg5[%mul3A_83, %dma_wait3A_88] : memref<100096x16xf32, #tpu.memory_space<hbm>> -> memref<128x16xf32, #tpu.memory_space<hbm>>
        %dma_wait3A_90 = arith.constant 0 : i32
        %dma_wait3A_91 = tpu.memref_slice %arg5[%mul3A_83, %dma_wait3A_90] : memref<100096x16xf32, #tpu.memory_space<hbm>> -> memref<128x16xf32, #tpu.memory_space<hbm>>
        %dma_wait3A_92 = arith.constant 0 : i32
        %dma_wait3A_93 = arith.constant 0 : i32
        %dma_wait3A_94 = tpu.memref_slice %arg8[%dma_wait3A, %dma_wait3A_92, %dma_wait3A_93] : memref<2x128x16xf32, #tpu.memory_space<vmem>> -> memref<1x128x16xf32, #tpu.memory_space<vmem>>
        %dma_wait3A_95 = tpu.memref_squeeze %dma_wait3A_94 : memref<1x128x16xf32, #tpu.memory_space<vmem>> -> memref<128x16xf32, #tpu.memory_space<vmem>>
        tpu.wait_dma2 semaphore(%arg13 : memref<!tpu.dma_semaphore, #tpu.memory_space<semaphore_mem>>) src(%dma_wait3A_95 : memref<128x16xf32, #tpu.memory_space<vmem>>) dst(%dma_wait3A_91 : memref<128x16xf32, #tpu.memory_space<hbm>>)
      } else {
      }
    } else {
    }
    return
  }
}

module attributes {stable_mosaic.version = 14 : i64} {
  func.func @_mm_body(%arg0: i32, %arg1: memref<2000x128xf32, #tpu.memory_space<vmem>>, %arg2: memref<2000x16xf32, #tpu.memory_space<vmem>>, %arg3: memref<128x128xf32, #tpu.memory_space<vmem>>, %arg4: memref<16x128xf32, #tpu.memory_space<vmem>>, %arg5: memref<1x128xf32, #tpu.memory_space<vmem>>, %arg6: memref<2000x128xf32, #tpu.memory_space<vmem>>) attributes {dimension_semantics = [#tpu.dimension_semantics<arbitrary>], iteration_bounds = array<i64: 50>, scalar_prefetch = 0 : i64, scratch_operands = 0 : i64, tpu.core_type = #tpu.core_type<tc>, window_params = [{transform_indices = @transform_0, window_bounds = array<i64: 2000, 128>}, {transform_indices = @transform_1, window_bounds = array<i64: 2000, 16>}, {pipeline_mode = #tpu.pipeline_mode<synchronous>, transform_indices = @transform_2, window_bounds = array<i64: 128, 128>}, {pipeline_mode = #tpu.pipeline_mode<synchronous>, transform_indices = @transform_3, window_bounds = array<i64: 16, 128>}, {pipeline_mode = #tpu.pipeline_mode<synchronous>, transform_indices = @transform_4, window_bounds = array<i64: 1, 128>}, {transform_indices = @transform_5, window_bounds = array<i64: 2000, 128>}]} {
    %get3A = arith.constant 0 : index
    %get3A_0 = arith.constant 0 : index
    %get3A_1 = vector.load %arg1[%get3A, %get3A_0] : memref<2000x128xf32, #tpu.memory_space<vmem>>, vector<2000x128xf32>
    %get3A_2 = arith.constant 0 : index
    %get3A_3 = arith.constant 0 : index
    %get3A_4 = vector.load %arg3[%get3A_2, %get3A_3] : memref<128x128xf32, #tpu.memory_space<vmem>>, vector<128x128xf32>
    %dot_general3A = arith.constant dense<0.000000e+00> : vector<2000x128xf32>
    %dot_general3A_5 = tpu.matmul %get3A_1, %get3A_4, %dot_general3A {dimension_numbers = #tpu.dot_dimension_numbers<[1], [0], [0], [1], [0, 0, 1, 1], [], []>, transpose_lhs_hint = false} : vector<2000x128xf32>, vector<128x128xf32>, vector<2000x128xf32> -> vector<2000x128xf32>
    %get3A_6 = arith.constant 0 : index
    %get3A_7 = arith.constant 0 : index
    %get3A_8 = vector.load %arg2[%get3A_6, %get3A_7] : memref<2000x16xf32, #tpu.memory_space<vmem>>, vector<2000x16xf32>
    %get3A_9 = arith.constant 0 : index
    %get3A_10 = arith.constant 0 : index
    %get3A_11 = vector.load %arg4[%get3A_9, %get3A_10] : memref<16x128xf32, #tpu.memory_space<vmem>>, vector<16x128xf32>
    %dot_general3A_12 = arith.constant dense<0.000000e+00> : vector<2000x128xf32>
    %dot_general3A_13 = tpu.matmul %get3A_8, %get3A_11, %dot_general3A_12 {dimension_numbers = #tpu.dot_dimension_numbers<[1], [0], [0], [1], [0, 0, 1, 1], [], []>, transpose_lhs_hint = false} : vector<2000x16xf32>, vector<16x128xf32>, vector<2000x128xf32> -> vector<2000x128xf32>
    %add3A = arith.addf %dot_general3A_5, %dot_general3A_13 : vector<2000x128xf32>
    %get3A_14 = arith.constant 0 : index
    %get3A_15 = arith.constant 0 : index
    %get3A_16 = vector.load %arg5[%get3A_14, %get3A_15] : memref<1x128xf32, #tpu.memory_space<vmem>>, vector<1x128xf32>
    %add3A_17 = vector.broadcast %get3A_16 : vector<1x128xf32> to vector<2000x128xf32>
    %add3A_18 = arith.addf %add3A, %add3A_17 : vector<2000x128xf32>
    %swap3A = arith.constant 0 : index
    %swap3A_19 = arith.constant 0 : index
    %swap3A_20 = vector.load %arg6[%swap3A, %swap3A_19] : memref<2000x128xf32, #tpu.memory_space<vmem>>, vector<2000x128xf32>
    tpu.vector_store %arg6[%swap3A, %swap3A_19], %add3A_18 {strides = array<i32>} : memref<2000x128xf32, #tpu.memory_space<vmem>>, vector<2000x128xf32>,
    return
  }
  func.func @transform_0(%arg0: i32) -> (i32, i32) {
    %c0_i32 = arith.constant 0 : i32
    %c0_i32_0 = arith.constant 0 : i32
    return %arg0, %c0_i32 : i32, i32
  }
  func.func @transform_1(%arg0: i32) -> (i32, i32) {
    %c0_i32 = arith.constant 0 : i32
    %c0_i32_0 = arith.constant 0 : i32
    return %arg0, %c0_i32 : i32, i32
  }
  func.func @transform_2(%arg0: i32) -> (i32, i32) {
    %c0_i32 = arith.constant 0 : i32
    %c0_i32_0 = arith.constant 0 : i32
    %c0_i32_1 = arith.constant 0 : i32
    return %c0_i32, %c0_i32_0 : i32, i32
  }
  func.func @transform_3(%arg0: i32) -> (i32, i32) {
    %c0_i32 = arith.constant 0 : i32
    %c0_i32_0 = arith.constant 0 : i32
    %c0_i32_1 = arith.constant 0 : i32
    return %c0_i32, %c0_i32_0 : i32, i32
  }
  func.func @transform_4(%arg0: i32) -> (i32, i32) {
    %c0_i32 = arith.constant 0 : i32
    %c0_i32_0 = arith.constant 0 : i32
    %c0_i32_1 = arith.constant 0 : i32
    return %c0_i32, %c0_i32_0 : i32, i32
  }
  func.func @transform_5(%arg0: i32) -> (i32, i32) {
    %c0_i32 = arith.constant 0 : i32
    %c0_i32_0 = arith.constant 0 : i32
    return %arg0, %c0_i32 : i32, i32
  }
}

</mosaic_0001>

<sc_bundles>
// kernel: kernel.5.cloned.1.call-start
scs
__scs_entry_jumppad:
0x0: {  	(pc) =	sbr.rel $0x88, $3  }
0x1: {  	(tag) =	ssettag $0x0;
	lr =	simm.s32 $0x1  }
0x2: {  	[smem:$0x3F9A] =	sst lr;
	_ =	strace $0xD0000000  }
0x3: {  	_ = 	snop  }
0x4: {  	_ = 	snop  }
0x5: {  	_ = 	snop  }
0x6: {  	_ = 	snop  }
0x7: {  	_ = 	snop  }
__scs_overlays_trampoline_lowered:
0x8: {  	[smem:$0x3FA9] =	sst s0  }
0x9: {  	[smem:$0x3FAA] =	sst s1  }
0xa: {  	[smem:$0x3FAB] =	sst s2  }
0xb: {  	[smem:$0x3FAC] =	sst s3  }
0xc: {  	[smem:$0x3FAD] =	sst s4  }
0xd: {  	[smem:$0x3FAE] =	sst s5  }
0xe: {  	[smem:$0x3FAF] =	sst s6  }
0xf: {  	[smem:$0x3FB0] =	sst s7  }
0x10: {  	[smem:$0x3FB1] =	sst s8  }
0x11: {  	[smem:$0x3FB2] =	sst s9;
	s0 =	simm.s32 @!p0 $0x0  }
0x12: {  	s1 =	sld [smem:$0x3F98];
	s0 =	simm.s32 @p0 $0x1  }
0x13: {  	[smem:$0x3FB3] =	sst s0;
	s0 =	simm.s32 @!p1 $0x0  }
0x14: {  	s2 =	sld [smem:$0x3F97];
	s0 =	simm.s32 @p1 $0x1  }
0x15: {  	[smem:$0x3FB4] =	sst s0;
	s0 =	simm.s32 @!p2 $0x0  }
0x16: {  	s3 =	sld [smem:$0x3FDB];
	s0 =	simm.s32 @p2 $0x1  }
0x17: {  	s4 =	simm.s32 $0x1BF5;
	[smem:$0x3FB6] =	sst s0  }
0x18: {  	s0 =	sld [smem:$0x3F99];
	_ =	swait.ge [sflag:s4], $0x0  }
0x19: {  	s7 =	sld [smem:$0x3F9A]  }
0x1a: {  	s8 =	sadd.s32 $0xFFFFE003, lr  }
0x1b: {  	s9 =	sadd.s32 $0xFFFFFEF7, lr;
	s5 =	simm.s32 $0xFFFFFFFF;
	p2 =	slt.u32 s8, $0xFFFFF086  }
0x1c: {  	p1 =	slt.u32 s9, $0xF7A;
	s5 =	simm.s32 @!p2 $0x0  }
0x1d: {  	s5 =	simm.s32 @p1 $0x1;
	p0 =	seq.s32 s7, s2  }
0x1e: {  	s7 =	smul.u32 @!p0 $0xF7A, s2;
	p2 =	seq.s32 @!p0 s5, $0x0  }
0x1f: {  	s9 =	smul.u32 $0xF7A, s1;
	s8 =	simm.s32 @!p0 $0x1BF5;
	p2 =	por !p2, p0  }
0x20: {  	[sflag:s8] =	ssyncset.s32 @!p0 $0xFFFFF086;
	s6 =	sadd.s32 @!p0 s3, s7;
	s7 =	simm.s32 @!p0 $0x108  }
0x21: {  	s3 =	sadd.s32 s3, s9;
	s6 =	sadd.s32 @!p0 $0x88, s6;
	s7 =	simm.s32 @p2 $0x1082  }
0x22: {  	[simem:s7], [sflag:s8] =	dma.local @!p0 [hbm:s6], $0xF7A  }
0x23: {  	s9 =	sor.u32 $0xD0000000, s2;
	s6 =	simm.s32 $0x108;
	_ =	swait.ge @!p0 [sflag:s8], $0x0  }
0x24: {  	s3 =	sadd.s32 $0x88, s3;
	s6 =	simm.s32 @!p1 $0x1082;
	[sflag:s4] =	ssyncset.s32 $0xFFFFF086  }
0x25: {  	[simem:s6], [sflag:s4] =	dma.local [hbm:s3], $0xF7A  }
0x26: {  	[smem:$0x3F9A] =	sst s1;
	(tag) =	ssettag s2;
	_ =	strace s9  }
0x27: {  	s1 =	sld [smem:$0x3FAA]  }
0x28: {  	s2 =	sld [smem:$0x3FAB]  }
0x29: {  	s4 =	sld [smem:$0x3FAD]  }
0x2a: {  	p0 =	seq.s32 s5, $0x0;
	s5 =	sld [smem:$0x3FAE]  }
0x2b: {  	s6 =	sld [smem:$0x3FAF]  }
0x2c: {  	s7 =	sld [smem:$0x3FB0]  }
0x2d: {  	s3 =	simm.s32 $0x108;
	s8 =	sld [smem:$0x3FB1]  }
0x2e: {  	s3 =	simm.s32 @!p0 $0x1082;
	s9 =	sld [smem:$0x3FB2]  }
0x2f: {  	lr =	sadd.s32 s0, s3;
	s0 =	sld [smem:$0x3FA9]  }
0x30: {  	s3 =	sld [smem:$0x3FAC]  }
0x31: {  	[smem:$0x3FB5] =	sst s10  }
0x32: {  	s10 =	sld [smem:$0x3FB3];
	_ =	sdelay $0x3  }
0x33: {  	p0 =	seq.s32 s10, $0x1;
	s10 =	sld [smem:$0x3FB5];
	_ =	sdelay $0x3  }
0x34: {  	[smem:$0x3FB5] =	sst s10  }
0x35: {  	s10 =	sld [smem:$0x3FB4];
	_ =	sdelay $0x3  }
0x36: {  	p1 =	seq.s32 s10, $0x1;
	s10 =	sld [smem:$0x3FB5];
	_ =	sdelay $0x3  }
0x37: {  	[smem:$0x3FB5] =	sst s10  }
0x38: {  	s10 =	sld [smem:$0x3FB6]  }
0x39: {  	_ = 	snop;
	(pc) =	sbr.ind lr, $3  }
0x3a: {  	_ = 	snop  }
0x3b: {  	_ = 	snop  }
0x3c: {  	p2 =	seq.s32 s10, $0x1;
	s10 =	sld [smem:$0x3FB5]  }
0x3d: {  	_ =	shalt  }
0x3e: {  	_ =	shalt  }
0x3f: {  	_ =	shalt  }
0x40: {  	_ =	shalt  }
0x41: {  	_ =	shalt  }
0x42: {  	_ =	shalt  }
0x43: {  	_ =	shalt  }
0x44: {  	_ =	shalt  }
0x45: {  	_ =	shalt  }
0x46: {  	_ =	shalt  }
0x47: {  	_ =	shalt  }
0x48: {  	_ =	shalt  }
0x49: {  	_ =	shalt  }
0x4a: {  	_ =	shalt  }
0x4b: {  	_ =	shalt  }
0x4c: {  	_ =	shalt  }
0x4d: {  	_ =	shalt  }
0x4e: {  	_ =	shalt  }
0x4f: {  	_ =	shalt  }
0x50: {  	_ =	shalt  }
0x51: {  	_ =	shalt  }
0x52: {  	_ =	shalt  }
0x53: {  	_ =	shalt  }
0x54: {  	_ =	shalt  }
0x55: {  	_ =	shalt  }
0x56: {  	_ =	shalt  }
0x57: {  	_ =	shalt  }
0x58: {  	_ =	shalt  }
0x59: {  	_ =	shalt  }
0x5a: {  	_ =	shalt  }
0x5b: {  	_ =	shalt  }
0x5c: {  	_ =	shalt  }
0x5d: {  	_ =	shalt  }
0x5e: {  	_ =	shalt  }
0x5f: {  	_ =	shalt  }
0x60: {  	_ =	shalt  }
0x61: {  	_ =	shalt  }
0x62: {  	_ =	shalt  }
0x63: {  	_ =	shalt  }
0x64: {  	_ =	shalt  }
0x65: {  	_ =	shalt  }
0x66: {  	_ =	shalt  }
0x67: {  	_ =	shalt  }
0x68: {  	_ =	shalt  }
0x69: {  	_ =	shalt  }
0x6a: {  	_ =	shalt  }
0x6b: {  	_ =	shalt  }
0x6c: {  	_ =	shalt  }
0x6d: {  	_ =	shalt  }
0x6e: {  	_ =	shalt  }
0x6f: {  	_ =	shalt  }
0x70: {  	_ =	shalt  }
0x71: {  	_ =	shalt  }
0x72: {  	_ =	shalt  }
0x73: {  	_ =	shalt  }
0x74: {  	_ =	shalt  }
0x75: {  	_ =	shalt  }
0x76: {  	_ =	shalt  }
0x77: {  	_ =	shalt  }
0x78: {  	_ =	shalt  }
0x79: {  	_ =	shalt  }
0x7a: {  	_ =	shalt  }
0x7b: {  	_ =	shalt  }
0x7c: {  	_ =	shalt  }
0x7d: {  	_ =	shalt  }
0x7e: {  	_ =	shalt  }
0x7f: {  	_ =	shalt  }
0x80: {  	_ =	shalt  }
0x81: {  	_ =	shalt  }
0x82: {  	_ =	shalt  }
0x83: {  	_ =	shalt  }
0x84: {  	_ =	shalt  }
0x85: {  	_ =	shalt  }
0x86: {  	_ =	shalt  }
0x87: {  	_ =	shalt  }
.Lfunc_end0:
.L_simem_size_0:
called_computation_lowered:
.L_overlay_start_0:
0x88: {  	s2 =	sld [smem:$0x3FD9]  }
0x89: {  	s3 =	sld [smem:$0x3FFE];
	_ =	sdelay $0x1  }
0x8a: {  	s1 =	srdreg.scid  }
0x8b: {  	s0 =	sand.u32 $0x1, s1  }
0x8c: {  	s14 =	sshll.u32 s0, $0xA;
	s2 =	sadd.s32 s3, s2  }
0x8d: {  	s2 =	sadd.s32 s2, s14  }
0x8e: {  	[smem:$0x3FC1] =	sst s2  }
0x8f: {  	_ = 	snop  }
0x90: {  	s2 =	sld [smem:$0x3FD0];
	_ =	sdelay $0x2  }
0x91: {  	s15 =	simm.s32 $0xA;
	s4 =	simm.s32 $0x10  }
0x92: {  	[smem:s4], [sflag:s15] =	dma.local [hbm:s2], $0x1  }
0x93: {  	_ =	swait.eq [sflag:s15], $0x1  }
0x94: {  	s16 =	sld [smem:$0x10];
	[sflag:s15] =	ssyncset.done $0x0  }
0x95: {  	s17 =	sld [smem:$0x11];
	[sflag:s15] =	ssyncadd.s32 $0xFFFFFFFF  }
0x96: {  	s18 =	sld [smem:$0x12];
	(tm) =	ssettm $0x1  }
0x97: {  	s5 =	sld [smem:$0x3FFB];
	_ =	sdelay $0x3  }
0x98: {  	_ =	strace s5  }
0x99: {  	s5 =	sld [smem:$0x3FFC];
	_ =	sdelay $0x3  }
0x9a: {  	_ =	strace s5  }
0x9b: {  	s5 =	sld [smem:$0x3FFD];
	_ =	sdelay $0x3  }
0x9c: {  	_ =	strace s5  }
0x9d: {  	_ =	strace $0x8FFFFFFF  }
0x9e: {  	s19 =	sld [smem:$0x3FDB];
	_ =	sdelay $0x1  }
0x9f: {  	s6 =	simm.s32 $_scs_section_size  }
0xa0: {  	s7 =	simm.s32 $_size__tile_overlayer_lowered;
	s8 =	simm.s32 $_tile_overlayer_lowered  }
0xa1: {  	s22 =	simm.s32 $0x1BFF;
	s21 =	sshll.u32 s8, $0x1;
	s5 =	sadd.s32 s6, s19  }
0xa2: {  	s9 =	simm.s32 $0x0;
	s20 =	sshll.u32 s7, $0x1;
	s7 =	sadd.s32 s21, s5  }
0xa3: {  	[timem:s9], [sflag:s22] =	dma.local [hbm:s7], s20  }
0xa4: {  	_ =	swait.ge [sflag:s22], s20  }
0xa5: {  	s6 =	ssub.s32 $0x0, s20;
	[sflag:s22] =	ssyncset.done $0x0  }
0xa6: {  	[sflag:s22] =	ssyncadd.s32 s6;
	_ =	sdelay $0x1  }
0xa7: {  	s23 =	simm.s32 $0x1B8B  }
0xa8: {  	_ =	swait.ge [sflag:s23], $0x1  }
0xa9: {  	[sflag:s23] =	ssyncset.done $0x0  }
0xaa: {  	s25 =	simm.s32 $0x1B8E;
	s24 =	sld [smem:$0x3FFE];
	[sflag:s23] =	ssyncadd.s32 $0xFFFFFFFF  }
0xab: {  	s26 =	simm.s32 $execute0_lowered;
	[smem:$0x3FD2] =	sst s25  }
0xac: {  	s7 =	sshll.u32 s26, $0x1;
	_ =	strace $0x80000046;
	[dreg:$0x1] =	wrdreg $0xFFFFFFFF  }
0xad: {  	s28 =	simm.s32 $_size_execute0_lowered;
	s5 =	sadd.s32 s5, s7;
	[dreg:$0x0] =	wrdreg $0x0  }
0xae: {  	s7 =	sshll.u32 s28, $0x1;
	[dreg:$0x2] =	wrdreg s5  }
0xaf: {  	[dreg:$0x3] =	wrdreg s7  }
0xb0: {  	[dreg:$0x4] =	wrdreg $0xC0  }
0xb1: {  	_ =	task [dreg:s9], $0x5FFFF  }
0xb2: {  	[dreg:$0x1] =	wrdreg $0xFFFFFFFF  }
0xb3: {  	[dreg:$0x0] =	wrdreg $0x60  }
0xb4: {  	[dreg:$0x2] =	wrdreg s17  }
0xb5: {  	[dreg:$0x3] =	wrdreg s18  }
0xb6: {  	[dreg:$0x4] =	wrdreg s16  }
0xb7: {  	[dreg:$0x5] =	wrdreg s24  }
0xb8: {  	[dreg:$0x6] =	wrdreg $0x137100  }
0xb9: {  	[dreg:$0x7] =	wrdreg $0x9  }
0xba: {  	_ =	task.clear_ibuf [dreg:s9], $0x8FFFF;
	_ =	strace $0x90000046  }
0xbb: {  	s29 =	simm.s32 $0x9;
	_ =	strace $0x80000048  }
0xbc: {  	_ =	swait.ge [sflag:s29], $0x1  }
0xbd: {  	[sflag:s29] =	ssyncadd.s32 $0xFFFFFFFF  }
0xbe: {  	_ =	strace $0x90000048  }
0xbf: {  	_ =	sfence  }
0xc0: {  	s30 =	sld [smem:$0x0];
	_ =	sdelay $0x2  }
0xc1: {  	s31 =	sshll.u32 s1, $0xD;
	s1 =	sshrl.u32 s1, $0x2  }
0xc2: {  	s3 =	sand.u32 $0x4000, s31;
	s1 =	sadd.s32 s1, s30  }
0xc3: {  	s0 =	sor.u32 s3, s0;
	s1 =	sshll.u32 s1, $0x11  }
0xc4: {  	s0 =	sor.u32 s1, s0  }
0xc5: {  	s0 =	sadd.s32 $0x8F2B, s0  }
0xc6: {  	[sflag:s0] =	ssyncadd.remote.s32 $0x1  }
0xc7: {  	_ =	sfence.sel $0xFFFF  }
0xc8: {  	[dreg:$0x0] =	wrdreg $0xFFFFFFFF;
	(pc) =	sbr.abs _section_cstart, $3  }
0xc9: {  	[dreg:$0x1] =	wrdreg $0xFFFFFFFF  }
0xca: {  	_ =	task.clear_ibuf [dreg:s9], $0x2FFFF;
	_ =	strace $0x9FFFFFFF  }
0xcb: {  	(tm) =	ssettm $0x7FFFFFFF  }
tec
execute0_lowered:
.L_overlay_start_1:
0x0: {  	(tag) =	ssettag $0x1  }
0x1: {  	s0 =	rddreg [dreg:$0x0]  }
0x2: {  	s14 =	rddreg [dreg:$0x1]  }
0x3: {  	s15 =	rddreg [dreg:$0x2]  }
0x4: {  	s4 =	rddreg [dreg:$0x3]  }
0x5: {  	s1 =	rddreg [dreg:$0x4];
	s3 =	simm.s32 $0x0  }
0x6: {  	s5 =	srdreg.scid;
	s2 =	stileid.u32;
	s28 =	simm.s32 $0x8000  }
0x7: {  	s29 =	simm.s32 $0x10000;
	s30 =	simm.s32 $0x10800;
	s31 =	simm.s32 $0x80  }
0x8: {  	[smem:$0x7FF] =	sst s3;
	s16 =	sand.u32 $0x1, s5;
	s6 =	smul.u32 $0x30D40, s2  }
0x9: {  	s17 =	sadd.s32 $0x1600, s4;
	s7 =	sshll.u32 s2, $0x1;
	s18 =	smul.u32 $0xC350, s2  }
0xa: {  	s20 =	smul.u32 $0xC34, s2;
	s11 =	sadd.s32 $0x61A000, s0;
	_ =	strace $0x80000047  }
0xb: {  	s5 =	ssub.s32 $0x2, s16;
	s21 =	sor.u32 s16, s7;
	s23 =	smul.u32 $0x61A, s16  }
0xc: {  	[dreg:$0xa] =	wrdreg s11;
	p0 =	seq.s32 s16, $0x1;
	s24 =	sshrl.u32 s5, $0x1  }
0xd: {  	s6 =	sshrl.u32 s6, $0x2;
	s9 =	smul.u32 $0x61A, s21;
	s4 =	sadd.s32 s18, s1  }
0xe: {  	s15 =	smov.u32 @p0 s17;
	s17 =	sadd.s32 $0x30D00, s14;
	p1 =	sne.s32 s21, $0x0  }
0xf: {  	s19 =	ssub.s32 s5, s24;
	s8 =	sadd.s32 s6, s1;
	s20 =	sadd.s32 s23, s20  }
0x10: {  	[dreg:$0xc] =	wrdreg s17;
	s24 =	sadd.s32 $0x61A40, s14;
	s5 =	sadd.s32 $0x2710, s8  }
0x11: {  	s6 =	sadd.s32 $0x4E20, s8;
	s7 =	sadd.s32 $0x7530, s8;
	s8 =	sadd.s32 $0x9C40, s8  }
0x12: {  	s22 =	sshrl.u32 s9, $0x5;
	s10 =	sadd.s32 $0x61A, s9;
	s16 =	sshrl.u32 s20, $0x5  }
0x13: {  	[dreg:$0xd] =	wrdreg s24;
	s19 =	smax.u32 s19, $0x1;
	s24 =	simm.s32 $0x4  }
0x14: {  	s25 =	sshll.u32 s22, $0xC;
	s12 =	sshll.u32 s22, $0x7;
	s10 =	sshrl.u32 s10, $0x5  }
0x15: {  	s13 =	sshll.u32 s16, $0xC;
	s20 =	sshll.u32 s16, $0x7;
	s26 =	sadd.s32 s0, s25  }
0x16: {  	s9 =	sadd.s32 s14, s12;
	s12 =	sadd.s32 $0x61A002, s0;
	s0 =	sadd.s32 s13, s0  }
0x17: {  	s23 =	sadd.s32 s20, s14;
	s25 =	sshrl.u32 s18, $0x3;
	[dreg:$0x6] =	wrdreg s26  }
0x18: {  	p0 =	sge.u32 s22, s10;
	s14 =	simm.s32 $0x0;
	[dreg:$0x8] =	wrdreg s9  }
.Ltmp0:
0x19: {  	s2 =	sadd.s32 $0x2, s26;
	[dreg:$0xb] =	wrdreg s12;
	(pc) =	sbr.rel .LBB2_1-.Ltmp0, $4  }
0x1a: {  	s20 =	sadd.s32 s15, s25;
	s0 =	sadd.s32 $0x1000, s0;
	[dreg:$0x7] =	wrdreg s2  }
0x1b: {  	s26 =	sadd.s32 $0x30DC0, s23;
	s23 =	simm.s32 $0x11000;
	[dreg:$0xe] =	wrdreg s0  }
0x1c: {  	s25 =	simm.s32 $0x10;
	s2 =	sadd.s32 $0x30D40, s9;
	[dreg:$0xf] =	wrdreg s26  }
0x1d: {  	v0 =	vimm.f32 $0.0e+00;
	s26 =	simm.s32 $0x20;
	s0 =	simm.s32 $0x3;
	[dreg:$0x9] =	wrdreg s2  }
.LBB2_8:
0x1e: {  	s2 =	stileid.u32;
	s14 =	sadd.s32 $0x1, s14  }
0x1f: {  	[bflag:$0x0] =	sbarrier.arrive $0xFFFF;
	s2 =	sshll.u32 s2, $0x6;
	p2 =	sne.s32 s14, s19  }
.Ltmp1:
0x20: {  	s9 =	sshrl.u32 s4, $0x3;
	s2 =	sor.u32 $0x1C04, s2;
	(pc) =	sbr.rel @!p2 .LBB2_9-.Ltmp1, $4  }
0x21: {  	[hbm:s20], [sflag:s2] =	dma.local [spmem:s9], $0x186A  }
0x22: {  	_ =	swait.ge [sflag:s24], $0x186A  }
0x23: {  	[sflag:s24] =	ssyncset.done $0x0  }
0x24: {  	[sflag:s24] =	ssyncadd.s32 $0xFFFFE796  }
.LBB2_1:
0x25: {  	s15 =	simm.s32 $0x40;
	s21 =	simm.s32 $0x0  }
.LBB2_2:
0x26: {  	p2 =	sne.s32 s15, $0x9C00;
	[tilespmem:s21+$0x11000] =	vst v0;
	s21 =	smov.u32 s15;
	s15 =	sadd.s32 $0x40, s15  }
.Ltmp2:
0x27: {  	(pc) =	sbr.rel @p2 .LBB2_2-.Ltmp2, $2  }
0x28: {  	_ =	sdelay $0x2  }
0x29: {  	s21 =	sshra.s32 s21, $0x2  }
0x2a: {  	[tilespmem:s21+$0x11000] =	vst v0  }
0x2b: {  	[spmem:s4] =	stream.linear.scatter [tilespmem:s23], [sflag:$0x4], $0x2710, $0x38;
	[tilespmem:$0x1FA60] =	vst v63  }
0x2c: {  	_ =	swait.ge [sflag:s24], $0x2710  }
0x2d: {  	[sflag:s24] =	ssyncset.done $0x0  }
0x2e: {  	[sflag:s24] =	ssyncadd.s32 $0xFFFFD8F0  }
0x2f: {  	[spmem:s5] =	stream.linear.scatter [tilespmem:s23], [sflag:$0x4], $0x2710, $0x38;
	[tilespmem:$0x1FA60] =	vst v63  }
0x30: {  	_ =	swait.ge [sflag:s24], $0x2710  }
0x31: {  	[sflag:s24] =	ssyncset.done $0x0  }
0x32: {  	[sflag:s24] =	ssyncadd.s32 $0xFFFFD8F0  }
0x33: {  	[spmem:s6] =	stream.linear.scatter [tilespmem:s23], [sflag:$0x4], $0x2710, $0x38;
	[tilespmem:$0x1FA60] =	vst v63  }
0x34: {  	_ =	swait.ge [sflag:s24], $0x2710  }
0x35: {  	[sflag:s24] =	ssyncset.done $0x0  }
0x36: {  	[sflag:s24] =	ssyncadd.s32 $0xFFFFD8F0  }
0x37: {  	[spmem:s7] =	stream.linear.scatter [tilespmem:s23], [sflag:$0x4], $0x2710, $0x38;
	[tilespmem:$0x1FA60] =	vst v63  }
0x38: {  	_ =	swait.ge [sflag:s24], $0x2710  }
0x39: {  	[sflag:s24] =	ssyncset.done $0x0  }
0x3a: {  	[sflag:s24] =	ssyncadd.s32 $0xFFFFD8F0  }
0x3b: {  	[spmem:s8] =	stream.linear.scatter [tilespmem:s23], [sflag:$0x4], $0x2710, $0x38;
	[tilespmem:$0x1FA60] =	vst v63  }
.Ltmp3:
0x3c: {  	_ =	swait.ge [sflag:s24], $0x2710;
	(pc) =	sbr.rel @p0 .LBB2_6-.Ltmp3, $3  }
0x3d: {  	[sflag:s24] =	ssyncset.done $0x0  }
0x3e: {  	[sflag:s24] =	ssyncadd.s32 $0xFFFFD8F0  }
0x3f: {  	[bflag:$0x0] =	sbarrier.arrive $0xFFFF;
	_ =	sdelay $0x1  }
0x40: {  	s2 =	rddreg [dreg:$0x6]  }
0x41: {  	s15 =	simm.s32 $0x0;
	s18 =	rddreg [dreg:$0x7]  }
0x42: {  	[tilespmem:s15], [sflag:$0x1] =	stream.strided.gather [hbm4b:s2+s25], $0x4000, s26, s25, $0x38;
	[tilespmem:$0x1FA60] =	vst v63  }
0x43: {  	s21 =	rddreg [dreg:$0x8]  }
0x44: {  	[tilespmem:s28], [sflag:$0x1] =	stream.strided.gather [hbm4b:s18+s25], $0x4000, s26, s25, $0x38;
	[tilespmem:$0x1FA60] =	vst v63  }
0x45: {  	s22 =	rddreg [dreg:$0x9]  }
0x46: {  	[tilespmem:s29], [sflag:$0x1] =	stream.linear.gather [hbm4b:s21+s15], $0x400, $0x38;
	[tilespmem:$0x1FA60] =	vst v63  }
0x47: {  	s21 =	rddreg [dreg:$0xe]  }
0x48: {  	[tilespmem:s30], [sflag:$0x1] =	stream.linear.gather [hbm4b:s22+s15], $0x400, $0x38;
	[tilespmem:$0x1FA60] =	vst v63  }
0x49: {  	s22 =	rddreg [dreg:$0xf]  }
.LBB2_5:
0x4a: {  	s11 =	sand.u32 $0x1, s15  }
0x4b: {  	p2 =	seq.s32 s11, $0x1  }
0x4c: {  	s13 =	simm.s32 @p2 $0x2  }
0x4d: {  	_ =	swait.ge @p2 [sflag:s13], $0x4000  }
0x4e: {  	[sflag:s13] =	ssyncset.done @p2 $0x0  }
0x4f: {  	[sflag:s13] =	ssyncadd.s32 @p2 $0xFFFFC000  }
0x50: {  	_ =	swait.ge @p2 [sflag:s13], $0x4000  }
0x51: {  	[sflag:s13] =	ssyncset.done @p2 $0x0  }
0x52: {  	[sflag:s13] =	ssyncadd.s32 @p2 $0xFFFFC000  }
0x53: {  	s2 =	sadd.s32 s15, s16;
	_ =	swait.ge @p2 [sflag:s13], $0x400  }
0x54: {  	s2 =	sadd.s32 $0x1, s2;
	[sflag:s13] =	ssyncset.done @p2 $0x0  }
0x55: {  	p3 =	sge.u32 @p2 s2, s10;
	[sflag:s13] =	ssyncadd.s32 @p2 $0xFFFFFC00  }
0x56: {  	p3 =	por p3, !p2;
	_ =	swait.ge @p2 [sflag:s13], $0x400  }
0x57: {  	s9 =	simm.s32 @!p3 $0x20;
	[sflag:s13] =	ssyncset.done @p2 $0x0  }
0x58: {  	s12 =	simm.s32 @!p3 $0x0;
	[sflag:s13] =	ssyncadd.s32 @p2 $0xFFFFFC00;
	s13 =	simm.s32 @!p3 $0x10  }
0x59: {  	[tilespmem:s12], [sflag:$0x1] =	stream.strided.gather @!p3 [hbm4b:s21+s13], $0x4000, s9, s13, $0x38;
	[tilespmem:$0x1FA60] =	vst v63  }
0x5a: {  	s18 =	sadd.s32 @!p3 $0x2, s21;
	s17 =	simm.s32 @!p3 $0x8000  }
0x5b: {  	[tilespmem:s17], [sflag:$0x1] =	stream.strided.gather @!p3 [hbm4b:s18+s13], $0x4000, s9, s13, $0x38;
	[tilespmem:$0x1FA60] =	vst v63  }
0x5c: {  	s9 =	sadd.s32 @!p3 $0xFFFCF2C0, s22;
	s13 =	simm.s32 @!p3 $0x10000  }
0x5d: {  	[tilespmem:s13], [sflag:$0x1] =	stream.linear.gather @!p3 [hbm4b:s9+s12], $0x400, $0x38;
	[tilespmem:$0x1FA60] =	vst v63  }
0x5e: {  	s9 =	simm.s32 @!p3 $0x10800  }
0x5f: {  	[tilespmem:s9], [sflag:$0x1] =	stream.linear.gather @!p3 [hbm4b:s22+s12], $0x400, $0x38;
	[tilespmem:$0x1FA60] =	vst v63  }
0x60: {  	s9 =	simm.s32 @!p2 $0x1  }
0x61: {  	_ =	swait.ge @!p2 [sflag:s9], $0x4000  }
0x62: {  	[sflag:s9] =	ssyncset.done @!p2 $0x0  }
0x63: {  	[sflag:s9] =	ssyncadd.s32 @!p2 $0xFFFFC000  }
0x64: {  	_ =	swait.ge @!p2 [sflag:s9], $0x4000  }
0x65: {  	[sflag:s9] =	ssyncset.done @!p2 $0x0  }
0x66: {  	[sflag:s9] =	ssyncadd.s32 @!p2 $0xFFFFC000  }
0x67: {  	_ =	swait.ge @!p2 [sflag:s9], $0x400  }
0x68: {  	[sflag:s9] =	ssyncset.done @!p2 $0x0  }
0x69: {  	[sflag:s9] =	ssyncadd.s32 @!p2 $0xFFFFFC00  }
0x6a: {  	_ =	swait.ge @!p2 [sflag:s9], $0x400  }
0x6b: {  	p3 =	sge.u32 @!p2 s2, s10;
	[sflag:s9] =	ssyncset.done @!p2 $0x0  }
0x6c: {  	[sflag:s9] =	ssyncadd.s32 @!p2 $0xFFFFFC00;
	p2 =	por p3, p2  }
0x6d: {  	s2 =	simm.s32 @!p2 $0x10;
	s9 =	simm.s32 @!p2 $0x20;
	s12 =	simm.s32 @!p2 $0x4000  }
0x6e: {  	[tilespmem:s12], [sflag:$0x2] =	stream.strided.gather @!p2 [hbm4b:s21+s2], $0x4000, s9, s2, $0x38;
	[tilespmem:$0x1FA60] =	vst v63  }
0x6f: {  	s13 =	simm.s32 @!p2 $0xC000;
	s12 =	sadd.s32 @!p2 $0x2, s21  }
0x70: {  	[tilespmem:s13], [sflag:$0x2] =	stream.strided.gather @!p2 [hbm4b:s12+s2], $0x4000, s9, s2, $0x38;
	[tilespmem:$0x1FA60] =	vst v63  }
0x71: {  	s2 =	sadd.s32 @!p2 $0xFFFCF2C0, s22;
	s9 =	simm.s32 @!p2 $0x0;
	s12 =	simm.s32 @!p2 $0x10400  }
0x72: {  	[tilespmem:s12], [sflag:$0x2] =	stream.linear.gather @!p2 [hbm4b:s2+s9], $0x400, $0x38;
	[tilespmem:$0x1FA60] =	vst v63  }
0x73: {  	s2 =	simm.s32 @!p2 $0x10C00  }
0x74: {  	[tilespmem:s2], [sflag:$0x2] =	stream.linear.gather @!p2 [hbm4b:s22+s9], $0x400, $0x38;
	[tilespmem:$0x1FA60] =	vst v63  }
0x75: {  	s2 =	sshll.u32 s11, $0xA  }
0x76: {  	s9 =	sshll.u32 s11, $0xE;
	s13 =	sor.u32 $0x10000, s2  }
0x77: {  	[spmem:s1] =	stream.indirect.scatter.add.f32 [tilespmem:s9], [sflag:$0x3], $0x10, s13, s31, $0xb8;
	[tilespmem:$0x1FA60] =	vst v63  }
0x78: {  	s17 =	sor.u32 $0x8000, s9;
	s18 =	sor.u32 $0x10800, s2  }
0x79: {  	[spmem:s1] =	stream.indirect.scatter.add.f32 [tilespmem:s17], [sflag:$0x3], $0x10, s18, s31, $0xb8;
	[tilespmem:$0x1FA60] =	vst v63  }
0x7a: {  	s12 =	sor.u32 $0x800, s9;
	s13 =	sor.u32 $0x10080, s2  }
0x7b: {  	[spmem:s1] =	stream.indirect.scatter.add.f32 [tilespmem:s12], [sflag:$0x3], $0x10, s13, s31, $0xb8;
	[tilespmem:$0x1FA60] =	vst v63  }
0x7c: {  	s17 =	sor.u32 $0x8800, s9;
	s18 =	sor.u32 $0x10880, s2  }
0x7d: {  	[spmem:s1] =	stream.indirect.scatter.add.f32 [tilespmem:s17], [sflag:$0x3], $0x10, s18, s31, $0xb8;
	[tilespmem:$0x1FA60] =	vst v63  }
0x7e: {  	s12 =	sor.u32 $0x1000, s9;
	s13 =	sor.u32 $0x10100, s2  }
0x7f: {  	[spmem:s1] =	stream.indirect.scatter.add.f32 [tilespmem:s12], [sflag:$0x3], $0x10, s13, s31, $0xb8;
	[tilespmem:$0x1FA60] =	vst v63  }
0x80: {  	s17 =	sor.u32 $0x9000, s9;
	s18 =	sor.u32 $0x10900, s2  }
0x81: {  	[spmem:s1] =	stream.indirect.scatter.add.f32 [tilespmem:s17], [sflag:$0x3], $0x10, s18, s31, $0xb8;
	[tilespmem:$0x1FA60] =	vst v63  }
0x82: {  	s12 =	sor.u32 $0x1800, s9;
	s13 =	sor.u32 $0x10180, s2  }
0x83: {  	[spmem:s1] =	stream.indirect.scatter.add.f32 [tilespmem:s12], [sflag:$0x3], $0x10, s13, s31, $0xb8;
	[tilespmem:$0x1FA60] =	vst v63  }
0x84: {  	s17 =	sor.u32 $0x9800, s9;
	s18 =	sor.u32 $0x10980, s2  }
0x85: {  	[spmem:s1] =	stream.indirect.scatter.add.f32 [tilespmem:s17], [sflag:$0x3], $0x10, s18, s31, $0xb8;
	[tilespmem:$0x1FA60] =	vst v63  }
0x86: {  	s12 =	sor.u32 $0x2000, s9;
	s13 =	sor.u32 $0x10200, s2  }
0x87: {  	[spmem:s1] =	stream.indirect.scatter.add.f32 [tilespmem:s12], [sflag:$0x3], $0x10, s13, s31, $0xb8;
	[tilespmem:$0x1FA60] =	vst v63  }
0x88: {  	s17 =	sor.u32 $0xA000, s9;
	s18 =	sor.u32 $0x10A00, s2  }
0x89: {  	[spmem:s1] =	stream.indirect.scatter.add.f32 [tilespmem:s17], [sflag:$0x3], $0x10, s18, s31, $0xb8;
	[tilespmem:$0x1FA60] =	vst v63  }
0x8a: {  	s12 =	sor.u32 $0x2800, s9;
	s13 =	sor.u32 $0x10280, s2  }
0x8b: {  	[spmem:s1] =	stream.indirect.scatter.add.f32 [tilespmem:s12], [sflag:$0x3], $0x10, s13, s31, $0xb8;
	[tilespmem:$0x1FA60] =	vst v63  }
0x8c: {  	s17 =	sor.u32 $0xA800, s9;
	s18 =	sor.u32 $0x10A80, s2  }
0x8d: {  	[spmem:s1] =	stream.indirect.scatter.add.f32 [tilespmem:s17], [sflag:$0x3], $0x10, s18, s31, $0xb8;
	[tilespmem:$0x1FA60] =	vst v63  }
0x8e: {  	s12 =	sor.u32 $0x3000, s9;
	s13 =	sor.u32 $0x10300, s2  }
0x8f: {  	[spmem:s1] =	stream.indirect.scatter.add.f32 [tilespmem:s12], [sflag:$0x3], $0x10, s13, s31, $0xb8;
	[tilespmem:$0x1FA60] =	vst v63  }
0x90: {  	s17 =	sor.u32 $0xB000, s9;
	s18 =	sor.u32 $0x10B00, s2  }
0x91: {  	[spmem:s1] =	stream.indirect.scatter.add.f32 [tilespmem:s17], [sflag:$0x3], $0x10, s18, s31, $0xb8;
	[tilespmem:$0x1FA60] =	vst v63  }
0x92: {  	s13 =	sor.u32 $0x3800, s9;
	s17 =	sor.u32 $0x10380, s2  }
0x93: {  	[spmem:s1] =	stream.indirect.scatter.add.f32 [tilespmem:s13], [sflag:$0x3], $0x10, s17, s31, $0xb8;
	[tilespmem:$0x1FA60] =	vst v63  }
0x94: {  	s9 =	sor.u32 $0xB800, s9;
	s2 =	sor.u32 $0x10B80, s2  }
0x95: {  	[spmem:s1] =	stream.indirect.scatter.add.f32 [tilespmem:s9], [sflag:$0x3], $0x10, s2, s31, $0xb8;
	[tilespmem:$0x1FA60] =	vst v63  }
0x96: {  	_ =	swait.ge [sflag:s0], $0x800  }
0x97: {  	[sflag:s0] =	ssyncset.done $0x0  }
0x98: {  	[sflag:s0] =	ssyncadd.s32 $0xFFFFF800  }
0x99: {  	_ =	swait.ge [sflag:s0], $0x800  }
0x9a: {  	[sflag:s0] =	ssyncset.done $0x0  }
0x9b: {  	[sflag:s0] =	ssyncadd.s32 $0xFFFFF800  }
0x9c: {  	_ =	swait.ge [sflag:s0], $0x800  }
0x9d: {  	[sflag:s0] =	ssyncset.done $0x0  }
0x9e: {  	[sflag:s0] =	ssyncadd.s32 $0xFFFFF800  }
0x9f: {  	_ =	swait.ge [sflag:s0], $0x800  }
0xa0: {  	[sflag:s0] =	ssyncset.done $0x0  }
0xa1: {  	[sflag:s0] =	ssyncadd.s32 $0xFFFFF800  }
0xa2: {  	_ =	swait.ge [sflag:s0], $0x800  }
0xa3: {  	[sflag:s0] =	ssyncset.done $0x0  }
0xa4: {  	[sflag:s0] =	ssyncadd.s32 $0xFFFFF800  }
0xa5: {  	_ =	swait.ge [sflag:s0], $0x800  }
0xa6: {  	[sflag:s0] =	ssyncset.done $0x0  }
0xa7: {  	[sflag:s0] =	ssyncadd.s32 $0xFFFFF800  }
0xa8: {  	_ =	swait.ge [sflag:s0], $0x800  }
0xa9: {  	[sflag:s0] =	ssyncset.done $0x0  }
0xaa: {  	[sflag:s0] =	ssyncadd.s32 $0xFFFFF800  }
0xab: {  	_ =	swait.ge [sflag:s0], $0x800  }
0xac: {  	[sflag:s0] =	ssyncset.done $0x0  }
0xad: {  	[sflag:s0] =	ssyncadd.s32 $0xFFFFF800  }
0xae: {  	_ =	swait.ge [sflag:s0], $0x800  }
0xaf: {  	[sflag:s0] =	ssyncset.done $0x0  }
0xb0: {  	[sflag:s0] =	ssyncadd.s32 $0xFFFFF800  }
0xb1: {  	_ =	swait.ge [sflag:s0], $0x800  }
0xb2: {  	[sflag:s0] =	ssyncset.done $0x0  }
0xb3: {  	[sflag:s0] =	ssyncadd.s32 $0xFFFFF800  }
0xb4: {  	_ =	swait.ge [sflag:s0], $0x800  }
0xb5: {  	[sflag:s0] =	ssyncset.done $0x0  }
0xb6: {  	[sflag:s0] =	ssyncadd.s32 $0xFFFFF800  }
0xb7: {  	_ =	swait.ge [sflag:s0], $0x800  }
0xb8: {  	[sflag:s0] =	ssyncset.done $0x0  }
0xb9: {  	[sflag:s0] =	ssyncadd.s32 $0xFFFFF800  }
0xba: {  	_ =	swait.ge [sflag:s0], $0x800  }
0xbb: {  	[sflag:s0] =	ssyncset.done $0x0  }
0xbc: {  	[sflag:s0] =	ssyncadd.s32 $0xFFFFF800  }
0xbd: {  	_ =	swait.ge [sflag:s0], $0x800  }
0xbe: {  	s15 =	sadd.s32 $0x1, s15;
	[sflag:s0] =	ssyncset.done $0x0  }
0xbf: {  	s18 =	sadd.s32 s15, s16;
	[sflag:s0] =	ssyncadd.s32 $0xFFFFF800  }
0xc0: {  	p2 =	slt.u32 s18, s10;
	_ =	swait.ge [sflag:s0], $0x800  }
.Ltmp4:
0xc1: {  	[sflag:s0] =	ssyncset.done $0x0;
	(pc) =	sbr.rel @p2 .LBB2_5-.Ltmp4, $4  }
0xc2: {  	[sflag:s0] =	ssyncadd.s32 $0xFFFFF800  }
0xc3: {  	_ =	swait.ge [sflag:s0], $0x800  }
0xc4: {  	[sflag:s0] =	ssyncset.done $0x0  }
0xc5: {  	s21 =	sadd.s32 $0x1000, s21;
	s22 =	sadd.s32 $0x80, s22;
	[sflag:s0] =	ssyncadd.s32 $0xFFFFF800  }
.LBB2_6:
.Ltmp5:
0xc6: {  	(pc) =	sbr.rel @p1 .LBB2_8-.Ltmp5, $1  }
0xc7: {  	_ =	sdelay $0x3  }
0xc8: {  	s2 =	rddreg [dreg:$0xa]  }
0xc9: {  	[tilespmem:s3], [sflag:$0x4] =	stream.strided.gather [hbm4b:s2+s25], $0x2000, s26, s25, $0x38;
	[tilespmem:$0x1FA60] =	vst v63  }
0xca: {  	_ =	swait.ge [sflag:s24], $0x2000  }
0xcb: {  	[sflag:s24] =	ssyncset.done $0x0  }
0xcc: {  	s13 =	rddreg [dreg:$0xb];
	[sflag:s24] =	ssyncadd.s32 $0xFFFFE000  }
0xcd: {  	[tilespmem:s28], [sflag:$0x4] =	stream.strided.gather [hbm4b:s13+s25], $0x2000, s26, s25, $0x38;
	[tilespmem:$0x1FA60] =	vst v63  }
0xce: {  	_ =	swait.ge [sflag:s24], $0x2000  }
0xcf: {  	[sflag:s24] =	ssyncset.done $0x0  }
0xd0: {  	s15 =	rddreg [dreg:$0xc];
	[sflag:s24] =	ssyncadd.s32 $0xFFFFE000  }
0xd1: {  	[tilespmem:s29], [sflag:$0x4] =	stream.linear.gather [hbm4b:s15+s3], $0x200, $0x38;
	[tilespmem:$0x1FA60] =	vst v63  }
0xd2: {  	_ =	swait.ge [sflag:s24], $0x200  }
0xd3: {  	[sflag:s24] =	ssyncset.done $0x0  }
0xd4: {  	s17 =	rddreg [dreg:$0xd];
	[sflag:s24] =	ssyncadd.s32 $0xFFFFFE00  }
0xd5: {  	[tilespmem:s30], [sflag:$0x4] =	stream.linear.gather [hbm4b:s17+s3], $0x200, $0x38;
	[tilespmem:$0x1FA60] =	vst v63  }
0xd6: {  	_ =	swait.ge [sflag:s24], $0x200  }
0xd7: {  	[sflag:s24] =	ssyncset.done $0x0  }
0xd8: {  	[sflag:s24] =	ssyncadd.s32 $0xFFFFFE00  }
0xd9: {  	[spmem:s1] =	stream.indirect.scatter.add.f32 [tilespmem:s3], [sflag:$0x4], $0x10, s29, s31, $0xb8;
	[tilespmem:$0x1FA60] =	vst v63  }
0xda: {  	_ =	swait.ge [sflag:s24], $0x800  }
0xdb: {  	[sflag:s24] =	ssyncset.done $0x0  }
0xdc: {  	[sflag:s24] =	ssyncadd.s32 $0xFFFFF800  }
0xdd: {  	[spmem:s1] =	stream.indirect.scatter.add.f32 [tilespmem:s28], [sflag:$0x4], $0x10, s30, s31, $0xb8;
	[tilespmem:$0x1FA60] =	vst v63  }
0xde: {  	_ =	swait.ge [sflag:s24], $0x800  }
0xdf: {  	[sflag:s24] =	ssyncset.done $0x0  }
0xe0: {  	s18 =	simm.s32 $0x10080;
	s9 =	simm.s32 $0x800;
	[sflag:s24] =	ssyncadd.s32 $0xFFFFF800  }
0xe1: {  	[spmem:s1] =	stream.indirect.scatter.add.f32 [tilespmem:s9], [sflag:$0x4], $0x10, s18, s31, $0xb8;
	[tilespmem:$0x1FA60] =	vst v63  }
0xe2: {  	_ =	swait.ge [sflag:s24], $0x800  }
0xe3: {  	[sflag:s24] =	ssyncset.done $0x0  }
0xe4: {  	s21 =	simm.s32 $0x10880;
	s22 =	simm.s32 $0x8800;
	[sflag:s24] =	ssyncadd.s32 $0xFFFFF800  }
0xe5: {  	[spmem:s1] =	stream.indirect.scatter.add.f32 [tilespmem:s22], [sflag:$0x4], $0x10, s21, s31, $0xb8;
	[tilespmem:$0x1FA60] =	vst v63  }
0xe6: {  	_ =	swait.ge [sflag:s24], $0x800  }
0xe7: {  	[sflag:s24] =	ssyncset.done $0x0  }
0xe8: {  	s11 =	simm.s32 $0x10100;
	s12 =	simm.s32 $0x1000;
	[sflag:s24] =	ssyncadd.s32 $0xFFFFF800  }
0xe9: {  	[spmem:s1] =	stream.indirect.scatter.add.f32 [tilespmem:s12], [sflag:$0x4], $0x10, s11, s31, $0xb8;
	[tilespmem:$0x1FA60] =	vst v63  }
0xea: {  	_ =	swait.ge [sflag:s24], $0x800  }
0xeb: {  	[sflag:s24] =	ssyncset.done $0x0  }
0xec: {  	s13 =	simm.s32 $0x10900;
	s15 =	simm.s32 $0x9000;
	[sflag:s24] =	ssyncadd.s32 $0xFFFFF800  }
0xed: {  	[spmem:s1] =	stream.indirect.scatter.add.f32 [tilespmem:s15], [sflag:$0x4], $0x10, s13, s31, $0xb8;
	[tilespmem:$0x1FA60] =	vst v63  }
0xee: {  	_ =	swait.ge [sflag:s24], $0x800  }
0xef: {  	[sflag:s24] =	ssyncset.done $0x0  }
0xf0: {  	s17 =	simm.s32 $0x10180;
	s18 =	simm.s32 $0x1800;
	[sflag:s24] =	ssyncadd.s32 $0xFFFFF800  }
0xf1: {  	[spmem:s1] =	stream.indirect.scatter.add.f32 [tilespmem:s18], [sflag:$0x4], $0x10, s17, s31, $0xb8;
	[tilespmem:$0x1FA60] =	vst v63  }
0xf2: {  	_ =	swait.ge [sflag:s24], $0x800  }
0xf3: {  	s21 =	simm.s32 $0x10980;
	[sflag:s24] =	ssyncset.done $0x0  }
.Ltmp6:
0xf4: {  	s22 =	simm.s32 $0x9800;
	[sflag:s24] =	ssyncadd.s32 $0xFFFFF800;
	(pc) =	sbr.rel .LBB2_8-.Ltmp6, $4  }
0xf5: {  	[spmem:s1] =	stream.indirect.scatter.add.f32 [tilespmem:s22], [sflag:$0x4], $0x10, s21, s31, $0xb8;
	[tilespmem:$0x1FA60] =	vst v63  }
0xf6: {  	_ =	swait.ge [sflag:s24], $0x800  }
0xf7: {  	[sflag:s24] =	ssyncset.done $0x0  }
0xf8: {  	[sflag:s24] =	ssyncadd.s32 $0xFFFFF800  }
.LBB2_9:
0xf9: {  	_ =	sfence.sel $0x180000  }
0xfa: {  	[bflag:$0x0] =	sbarrier.arrive $0xFFFF  }
0xfb: {  	_ =	strace $0x90000047  }
0xfc: {  	s0 =	stileid.u32;
	[bflag:$0x2] =	sbarrier.arrive $0xFFFF  }
0xfd: {  	p0 =	sne.s32 s0, $0x0;
	s0 =	rddreg [dreg:$0x5]  }
0xfe: {  	s0 =	sadd.s32 @!p0 $0x100000, s0  }
0xff: {  	[sflag:s0] =	ssyncadd.tile.s32 @!p0 $0x1;
	_ =	shalt  }
.Lfunc_end2:
_tile_overlayer_lowered:
.L_overlay_start_2:
0x100: {  	(tag) =	ssettag $0x2  }
0x101: {  	s0 =	rddreg [dreg:$0x0];
	s2 =	stileid.u32  }
0x102: {  	s1 =	rddreg [dreg:$0x1];
	p0 =	sne.s32 s2, $0x0  }
0x103: {  	s3 =	rddreg [dreg:$0x2];
	[bflag:$0x3] =	sbarrier.arrive $0xFFFF;
	s2 =	simm.s32 @!p0 $0x1C04  }
0x104: {  	[timem:s3], [sflag:s2] =	dma.local @!p0 [hbm:s0], s1  }
0x105: {  	s0 =	simm.s32 @!p0 $0x4  }
0x106: {  	_ =	swait.ge @!p0 [sflag:s0], s1  }
0x107: {  	s1 =	ssub.s32 @!p0 $0x0, s1;
	[sflag:s0] =	ssyncset.done @!p0 $0x0  }
0x108: {  	[sflag:s0] =	ssyncadd.s32 @!p0 s1  }
0x109: {  	[bflag:$0x3] =	sbarrier.arrive $0xFFFF  }
0x10a: {  	_ =	shalt  }

// kernel: kernel.8.cloned.1.call-start
scs
__scs_entry_jumppad:
0x0: {  	(pc) =	sbr.rel $0x88, $3  }
0x1: {  	(tag) =	ssettag $0x0;
	lr =	simm.s32 $0x1  }
0x2: {  	[smem:$0x3F9A] =	sst lr;
	_ =	strace $0xD0000000  }
0x3: {  	_ = 	snop  }
0x4: {  	_ = 	snop  }
0x5: {  	_ = 	snop  }
0x6: {  	_ = 	snop  }
0x7: {  	_ = 	snop  }
__scs_overlays_trampoline_lowered:
0x8: {  	[smem:$0x3FA9] =	sst s0  }
0x9: {  	[smem:$0x3FAA] =	sst s1  }
0xa: {  	[smem:$0x3FAB] =	sst s2  }
0xb: {  	[smem:$0x3FAC] =	sst s3  }
0xc: {  	[smem:$0x3FAD] =	sst s4  }
0xd: {  	[smem:$0x3FAE] =	sst s5  }
0xe: {  	[smem:$0x3FAF] =	sst s6  }
0xf: {  	[smem:$0x3FB0] =	sst s7  }
0x10: {  	[smem:$0x3FB1] =	sst s8  }
0x11: {  	[smem:$0x3FB2] =	sst s9;
	s0 =	simm.s32 @!p0 $0x0  }
0x12: {  	s1 =	sld [smem:$0x3F98];
	s0 =	simm.s32 @p0 $0x1  }
0x13: {  	[smem:$0x3FB3] =	sst s0;
	s0 =	simm.s32 @!p1 $0x0  }
0x14: {  	s2 =	sld [smem:$0x3F97];
	s0 =	simm.s32 @p1 $0x1  }
0x15: {  	[smem:$0x3FB4] =	sst s0;
	s0 =	simm.s32 @!p2 $0x0  }
0x16: {  	s3 =	sld [smem:$0x3FDB];
	s0 =	simm.s32 @p2 $0x1  }
0x17: {  	s4 =	simm.s32 $0x1BF5;
	[smem:$0x3FB6] =	sst s0  }
0x18: {  	s0 =	sld [smem:$0x3F99];
	_ =	swait.ge [sflag:s4], $0x0  }
0x19: {  	s7 =	sld [smem:$0x3F9A]  }
0x1a: {  	s8 =	sadd.s32 $0xFFFFE003, lr  }
0x1b: {  	s9 =	sadd.s32 $0xFFFFFEF7, lr;
	s5 =	simm.s32 $0xFFFFFFFF;
	p2 =	slt.u32 s8, $0xFFFFF086  }
0x1c: {  	p1 =	slt.u32 s9, $0xF7A;
	s5 =	simm.s32 @!p2 $0x0  }
0x1d: {  	s5 =	simm.s32 @p1 $0x1;
	p0 =	seq.s32 s7, s2  }
0x1e: {  	s7 =	smul.u32 @!p0 $0xF7A, s2;
	p2 =	seq.s32 @!p0 s5, $0x0  }
0x1f: {  	s9 =	smul.u32 $0xF7A, s1;
	s8 =	simm.s32 @!p0 $0x1BF5;
	p2 =	por !p2, p0  }
0x20: {  	[sflag:s8] =	ssyncset.s32 @!p0 $0xFFFFF086;
	s6 =	sadd.s32 @!p0 s3, s7;
	s7 =	simm.s32 @!p0 $0x108  }
0x21: {  	s3 =	sadd.s32 s3, s9;
	s6 =	sadd.s32 @!p0 $0x88, s6;
	s7 =	simm.s32 @p2 $0x1082  }
0x22: {  	[simem:s7], [sflag:s8] =	dma.local @!p0 [hbm:s6], $0xF7A  }
0x23: {  	s9 =	sor.u32 $0xD0000000, s2;
	s6 =	simm.s32 $0x108;
	_ =	swait.ge @!p0 [sflag:s8], $0x0  }
0x24: {  	s3 =	sadd.s32 $0x88, s3;
	s6 =	simm.s32 @!p1 $0x1082;
	[sflag:s4] =	ssyncset.s32 $0xFFFFF086  }
0x25: {  	[simem:s6], [sflag:s4] =	dma.local [hbm:s3], $0xF7A  }
0x26: {  	[smem:$0x3F9A] =	sst s1;
	(tag) =	ssettag s2;
	_ =	strace s9  }
0x27: {  	s1 =	sld [smem:$0x3FAA]  }
0x28: {  	s2 =	sld [smem:$0x3FAB]  }
0x29: {  	s4 =	sld [smem:$0x3FAD]  }
0x2a: {  	p0 =	seq.s32 s5, $0x0;
	s5 =	sld [smem:$0x3FAE]  }
0x2b: {  	s6 =	sld [smem:$0x3FAF]  }
0x2c: {  	s7 =	sld [smem:$0x3FB0]  }
0x2d: {  	s3 =	simm.s32 $0x108;
	s8 =	sld [smem:$0x3FB1]  }
0x2e: {  	s3 =	simm.s32 @!p0 $0x1082;
	s9 =	sld [smem:$0x3FB2]  }
0x2f: {  	lr =	sadd.s32 s0, s3;
	s0 =	sld [smem:$0x3FA9]  }
0x30: {  	s3 =	sld [smem:$0x3FAC]  }
0x31: {  	[smem:$0x3FB5] =	sst s10  }
0x32: {  	s10 =	sld [smem:$0x3FB3];
	_ =	sdelay $0x3  }
0x33: {  	p0 =	seq.s32 s10, $0x1;
	s10 =	sld [smem:$0x3FB5];
	_ =	sdelay $0x3  }
0x34: {  	[smem:$0x3FB5] =	sst s10  }
0x35: {  	s10 =	sld [smem:$0x3FB4];
	_ =	sdelay $0x3  }
0x36: {  	p1 =	seq.s32 s10, $0x1;
	s10 =	sld [smem:$0x3FB5];
	_ =	sdelay $0x3  }
0x37: {  	[smem:$0x3FB5] =	sst s10  }
0x38: {  	s10 =	sld [smem:$0x3FB6]  }
0x39: {  	_ = 	snop;
	(pc) =	sbr.ind lr, $3  }
0x3a: {  	_ = 	snop  }
0x3b: {  	_ = 	snop  }
0x3c: {  	p2 =	seq.s32 s10, $0x1;
	s10 =	sld [smem:$0x3FB5]  }
0x3d: {  	_ =	shalt  }
0x3e: {  	_ =	shalt  }
0x3f: {  	_ =	shalt  }
0x40: {  	_ =	shalt  }
0x41: {  	_ =	shalt  }
0x42: {  	_ =	shalt  }
0x43: {  	_ =	shalt  }
0x44: {  	_ =	shalt  }
0x45: {  	_ =	shalt  }
0x46: {  	_ =	shalt  }
0x47: {  	_ =	shalt  }
0x48: {  	_ =	shalt  }
0x49: {  	_ =	shalt  }
0x4a: {  	_ =	shalt  }
0x4b: {  	_ =	shalt  }
0x4c: {  	_ =	shalt  }
0x4d: {  	_ =	shalt  }
0x4e: {  	_ =	shalt  }
0x4f: {  	_ =	shalt  }
0x50: {  	_ =	shalt  }
0x51: {  	_ =	shalt  }
0x52: {  	_ =	shalt  }
0x53: {  	_ =	shalt  }
0x54: {  	_ =	shalt  }
0x55: {  	_ =	shalt  }
0x56: {  	_ =	shalt  }
0x57: {  	_ =	shalt  }
0x58: {  	_ =	shalt  }
0x59: {  	_ =	shalt  }
0x5a: {  	_ =	shalt  }
0x5b: {  	_ =	shalt  }
0x5c: {  	_ =	shalt  }
0x5d: {  	_ =	shalt  }
0x5e: {  	_ =	shalt  }
0x5f: {  	_ =	shalt  }
0x60: {  	_ =	shalt  }
0x61: {  	_ =	shalt  }
0x62: {  	_ =	shalt  }
0x63: {  	_ =	shalt  }
0x64: {  	_ =	shalt  }
0x65: {  	_ =	shalt  }
0x66: {  	_ =	shalt  }
0x67: {  	_ =	shalt  }
0x68: {  	_ =	shalt  }
0x69: {  	_ =	shalt  }
0x6a: {  	_ =	shalt  }
0x6b: {  	_ =	shalt  }
0x6c: {  	_ =	shalt  }
0x6d: {  	_ =	shalt  }
0x6e: {  	_ =	shalt  }
0x6f: {  	_ =	shalt  }
0x70: {  	_ =	shalt  }
0x71: {  	_ =	shalt  }
0x72: {  	_ =	shalt  }
0x73: {  	_ =	shalt  }
0x74: {  	_ =	shalt  }
0x75: {  	_ =	shalt  }
0x76: {  	_ =	shalt  }
0x77: {  	_ =	shalt  }
0x78: {  	_ =	shalt  }
0x79: {  	_ =	shalt  }
0x7a: {  	_ =	shalt  }
0x7b: {  	_ =	shalt  }
0x7c: {  	_ =	shalt  }
0x7d: {  	_ =	shalt  }
0x7e: {  	_ =	shalt  }
0x7f: {  	_ =	shalt  }
0x80: {  	_ =	shalt  }
0x81: {  	_ =	shalt  }
0x82: {  	_ =	shalt  }
0x83: {  	_ =	shalt  }
0x84: {  	_ =	shalt  }
0x85: {  	_ =	shalt  }
0x86: {  	_ =	shalt  }
0x87: {  	_ =	shalt  }
.Lfunc_end0:
.L_simem_size_0:
called_computation.1_lowered:
.L_overlay_start_0:
0x88: {  	s2 =	sld [smem:$0x3FD9]  }
0x89: {  	s3 =	sld [smem:$0x3FFE];
	_ =	sdelay $0x1  }
0x8a: {  	s1 =	srdreg.scid  }
0x8b: {  	s0 =	sand.u32 $0x1, s1  }
0x8c: {  	s14 =	sshll.u32 s0, $0xA;
	s2 =	sadd.s32 s3, s2  }
0x8d: {  	s2 =	sadd.s32 s2, s14  }
0x8e: {  	[smem:$0x3FC1] =	sst s2  }
0x8f: {  	_ = 	snop  }
0x90: {  	s2 =	sld [smem:$0x3FD0];
	_ =	sdelay $0x2  }
0x91: {  	s15 =	simm.s32 $0xA;
	s4 =	simm.s32 $0x10  }
0x92: {  	[smem:s4], [sflag:s15] =	dma.local [hbm:s2], $0x1  }
0x93: {  	_ =	swait.eq [sflag:s15], $0x1  }
0x94: {  	[sflag:s15] =	ssyncset.done $0x0  }
0x95: {  	s16 =	sld [smem:$0x10];
	[sflag:s15] =	ssyncadd.s32 $0xFFFFFFFF  }
0x96: {  	s17 =	sld [smem:$0x12];
	(tm) =	ssettm $0x1  }
0x97: {  	s18 =	sld [smem:$0x3FFB];
	_ =	sdelay $0x3  }
0x98: {  	_ =	strace s18  }
0x99: {  	s4 =	sld [smem:$0x3FFC];
	_ =	sdelay $0x3  }
0x9a: {  	_ =	strace s4  }
0x9b: {  	s4 =	sld [smem:$0x3FFD];
	_ =	sdelay $0x3  }
0x9c: {  	_ =	strace s4  }
0x9d: {  	_ =	strace $0x8FFFFFFF  }
0x9e: {  	s19 =	sld [smem:$0x3FDB];
	_ =	sdelay $0x1  }
0x9f: {  	s5 =	simm.s32 $_scs_section_size  }
0xa0: {  	s6 =	simm.s32 $_size__tile_overlayer_lowered;
	s7 =	simm.s32 $_tile_overlayer_lowered  }
0xa1: {  	s22 =	simm.s32 $0x1BFF;
	s21 =	sshll.u32 s7, $0x1;
	s4 =	sadd.s32 s5, s19  }
0xa2: {  	s8 =	simm.s32 $0x0;
	s20 =	sshll.u32 s6, $0x1;
	s6 =	sadd.s32 s21, s4  }
0xa3: {  	[timem:s8], [sflag:s22] =	dma.local [hbm:s6], s20  }
0xa4: {  	_ =	swait.ge [sflag:s22], s20  }
0xa5: {  	s5 =	ssub.s32 $0x0, s20;
	[sflag:s22] =	ssyncset.done $0x0  }
0xa6: {  	[sflag:s22] =	ssyncadd.s32 s5;
	_ =	sdelay $0x1  }
0xa7: {  	s23 =	simm.s32 $0x1B8B  }
0xa8: {  	_ =	swait.ge [sflag:s23], $0x1  }
0xa9: {  	[sflag:s23] =	ssyncset.done $0x0  }
0xaa: {  	s25 =	simm.s32 $0x1B8E;
	s24 =	sld [smem:$0x3FFE];
	[sflag:s23] =	ssyncadd.s32 $0xFFFFFFFF  }
0xab: {  	s26 =	simm.s32 $execute0_lowered;
	[smem:$0x3FD2] =	sst s25  }
0xac: {  	s6 =	sshll.u32 s26, $0x1;
	_ =	strace $0x80000049;
	[dreg:$0x1] =	wrdreg $0xFFFFFFFF  }
0xad: {  	s28 =	simm.s32 $_size_execute0_lowered;
	s4 =	sadd.s32 s4, s6;
	[dreg:$0x0] =	wrdreg $0x0  }
0xae: {  	s6 =	sshll.u32 s28, $0x1;
	[dreg:$0x2] =	wrdreg s4  }
0xaf: {  	[dreg:$0x3] =	wrdreg s6  }
0xb0: {  	[dreg:$0x4] =	wrdreg $0xC0  }
0xb1: {  	_ =	task [dreg:s8], $0x5FFFF  }
0xb2: {  	[dreg:$0x1] =	wrdreg $0xFFFFFFFF  }
0xb3: {  	[dreg:$0x0] =	wrdreg $0x60  }
0xb4: {  	[dreg:$0x2] =	wrdreg s16  }
0xb5: {  	[dreg:$0x3] =	wrdreg s24  }
0xb6: {  	[dreg:$0x4] =	wrdreg s17  }
0xb7: {  	[dreg:$0x5] =	wrdreg $0x9  }
0xb8: {  	_ =	task.clear_ibuf [dreg:s8], $0x6FFFF;
	_ =	strace $0x90000049  }
0xb9: {  	s29 =	simm.s32 $0x9;
	_ =	strace $0x8000004B  }
0xba: {  	_ =	swait.ge [sflag:s29], $0x1  }
0xbb: {  	[sflag:s29] =	ssyncadd.s32 $0xFFFFFFFF  }
0xbc: {  	_ =	strace $0x9000004B  }
0xbd: {  	_ =	sfence  }
0xbe: {  	s30 =	sld [smem:$0x0];
	_ =	sdelay $0x2  }
0xbf: {  	s31 =	sshll.u32 s1, $0xD;
	s1 =	sshrl.u32 s1, $0x2  }
0xc0: {  	s3 =	sand.u32 $0x4000, s31;
	s1 =	sadd.s32 s1, s30  }
0xc1: {  	s0 =	sor.u32 s3, s0;
	s1 =	sshll.u32 s1, $0x11  }
0xc2: {  	s0 =	sor.u32 s1, s0  }
0xc3: {  	s0 =	sadd.s32 $0x8F2B, s0  }
0xc4: {  	[sflag:s0] =	ssyncadd.remote.s32 $0x1  }
0xc5: {  	_ =	sfence.sel $0xFFFF  }
0xc6: {  	[dreg:$0x0] =	wrdreg $0xFFFFFFFF;
	(pc) =	sbr.abs _section_cstart, $3  }
0xc7: {  	[dreg:$0x1] =	wrdreg $0xFFFFFFFF  }
0xc8: {  	_ =	task.clear_ibuf [dreg:s8], $0x2FFFF;
	_ =	strace $0x9FFFFFFF  }
0xc9: {  	(tm) =	ssettm $0x7FFFFFFF  }
tec
execute0_lowered:
.L_overlay_start_1:
0x0: {  	(tag) =	ssettag $0x1  }
0x1: {  	s1 =	rddreg [dreg:$0x0]  }
0x2: {  	s6 =	rddreg [dreg:$0x1];
	s2 =	srdreg.scid  }
0x3: {  	s0 =	stileid.u32;
	s3 =	rddreg [dreg:$0x2]  }
0x4: {  	s4 =	simm.s32 $0x0;
	s18 =	simm.s32 $0x1B00;
	s19 =	simm.s32 $0xB00  }
0x5: {  	s20 =	simm.s32 $0x2300;
	s7 =	sand.u32 $0x1, s2;
	s5 =	sshll.u32 s0, $0x1  }
0x6: {  	s21 =	simm.s32 $0x1300;
	s22 =	simm.s32 $0x2B00;
	s5 =	sor.u32 s7, s5  }
0x7: {  	[smem:$0x7FF] =	sst s4;
	s9 =	ssub.s32 $0x2, s7;
	s8 =	smul.u32 $0x30E, s5  }
0x8: {  	_ =	strace $0x8000004A;
	s5 =	sadd.s32 $0x1600, s6;
	s11 =	sshrl.u32 s9, $0x1  }
0x9: {  	s6 =	sadd.s32 $0x19E00, s6;
	s13 =	ssub.s32 s9, s11;
	s10 =	sadd.s32 $0x30E, s8  }
0xa: {  	s7 =	sshrl.u32 s8, $0x5;
	s13 =	smax.u32 s13, $0x1;
	s8 =	sshrl.u32 s10, $0x5  }
0xb: {  	s29 =	sxor.u32 $0xFFFFFFFF, s7;
	s30 =	sshll.u32 s7, $0x4;
	s10 =	ssub.s32 s8, s7  }
0xc: {  	s14 =	sadd.s32 s29, s8;
	s9 =	sadd.s32 s6, s30;
	s24 =	sadd.s32 $0xFFFFFFFF, s8  }
0xd: {  	p0 =	sle.u32 s8, s7;
	s15 =	sadd.s32 $0xFFFFFFFE, s10;
	s31 =	sand.u32 $0x8000, s14  }
0xe: {  	s10 =	sadd.s32 $0x30E0, s9;
	s11 =	sadd.s32 $0x61C0, s9;
	s16 =	sshrl.u32 s31, $0xF  }
0xf: {  	p3 =	sge.u32 s7, s24;
	s12 =	sand.u32 $0x8000, s15;
	s16 =	sadd.s32 s16, s14  }
0x10: {  	s24 =	simm.s32 $0x2;
	s12 =	sshrl.u32 s12, $0xF;
	s16 =	sand.u32 $0xFFFFFFFE, s16  }
0x11: {  	s17 =	sadd.s32 s12, s15;
	s12 =	sadd.s32 $0x2, s7;
	s23 =	ssub.s32 s14, s16  }
0x12: {  	s17 =	sand.u32 $0xFFFFFFFE, s17;
	s14 =	simm.s32 $0x80;
	s23 =	sand.u32 $0xFFFF, s23  }
0x13: {  	s16 =	simm.s32 $0x1;
	s25 =	ssub.s32 s15, s17;
	p2 =	sne.s32 s23, $0x1  }
.Ltmp0:
0x14: {  	s25 =	sand.u32 $0xFFFF, s25;
	s0 =	simm.s32 @!p2 $0x0;
	(pc) =	sbr.rel .LBB2_1-.Ltmp0, $4  }
0x15: {  	s15 =	simm.s32 $0x100;
	s0 =	simm.s32 @p2 $0x1;
	p2 =	sne.s32 s25, $0x1  }
0x16: {  	s17 =	simm.s32 $0x300;
	[smem:$0x7FC] =	sst s0;
	s0 =	simm.s32 @!p2 $0x0  }
0x17: {  	p1 =	seq.s32 s23, $0x0;
	s23 =	simm.s32 $0x3;
	s0 =	simm.s32 @p2 $0x1  }
0x18: {  	p4 =	seq.s32 s25, $0x0;
	s25 =	simm.s32 $0x0;
	[smem:$0x7FD] =	sst s0  }
.LBB2_16:
0x19: {  	s26 =	simm.s32 $0x4  }
.LBB2_19:
0x1a: {  	_ =	swait.ge [sflag:s26], $0x800  }
0x1b: {  	[sflag:s26] =	ssyncset.done $0x0  }
0x1c: {  	[sflag:s26] =	ssyncadd.s32 $0xFFFFF800  }
.LBB2_20:
0x1d: {  	s25 =	sadd.s32 $0x1, s25  }
0x1e: {  	p2 =	sne.s32 s25, s13  }
.Ltmp1:
0x1f: {  	_ = 	snop;
	(pc) =	sbr.rel @!p2 .LBB2_21-.Ltmp1, $1  }
0x20: {  	_ =	sdelay $0x3  }
.LBB2_1:
.Ltmp2:
0x21: {  	(pc) =	sbr.rel @p0 .LBB2_14-.Ltmp2, $1  }
0x22: {  	_ =	sdelay $0x3  }
0x23: {  	[tilespmem:s4], [sflag:$0x1] =	stream.linear.gather [hbm4b:s9+s4], $0x80, $0x38;
	[tilespmem:$0x4300] =	vst v63  }
0x24: {  	_ = 	snop  }
0x25: {  	[tilespmem:s14], [sflag:$0x1] =	stream.linear.gather [hbm4b:s10+s4], $0x80, $0x38;
	[tilespmem:$0x4300] =	vst v63  }
0x26: {  	p6 =	por $0x0, $0x0;
	s26 =	smov.u32 s7  }
0x27: {  	[tilespmem:s15], [sflag:$0x1] =	stream.linear.gather [hbm4b:s11+s4], $0x80, $0x38;
	[tilespmem:$0x4300] =	vst v63  }
.LBB2_3:
0x28: {  	s28 =	ssub.s32 s26, s7  }
0x29: {  	s28 =	sand.u32 $0x1, s28  }
0x2a: {  	p5 =	seq.s32 s28, $0x1  }
.Ltmp3:
0x2b: {  	_ = 	snop;
	(pc) =	sbr.rel @p5 .LBB2_5-.Ltmp3, $2  }
0x2c: {  	_ =	sdelay $0x2  }
0x2d: {  	p2 =	slt.u32 s26, s12  }
0x2e: {  	_ =	swait.ge [sflag:s16], $0x80  }
0x2f: {  	[sflag:s16] =	ssyncset.done $0x0  }
0x30: {  	[sflag:s16] =	ssyncadd.s32 $0xFFFFFF80  }
0x31: {  	_ =	swait.ge [sflag:s16], $0x80  }
0x32: {  	[sflag:s16] =	ssyncset.done $0x0  }
0x33: {  	[sflag:s16] =	ssyncadd.s32 $0xFFFFFF80  }
0x34: {  	_ =	swait.ge [sflag:s16], $0x80  }
0x35: {  	[sflag:s16] =	ssyncset.done $0x0  }
0x36: {  	s29 =	simm.s32 @!p2 $0x4;
	[sflag:s16] =	ssyncadd.s32 $0xFFFFFF80  }
0x37: {  	_ =	swait.ge @!p2 [sflag:s29], $0x800  }
0x38: {  	[sflag:s29] =	ssyncset.done @!p2 $0x0  }
0x39: {  	[sflag:s29] =	ssyncadd.s32 @!p2 $0xFFFFF800;
	s29 =	sadd.s32 $0x1, s26  }
0x3a: {  	p2 =	sge.u32 s29, s8  }
0x3b: {  	s30 =	sshll.u32 @!p2 s29, $0x4  }
0x3c: {  	s2 =	simm.s32 @!p2 $0x0;
	s0 =	simm.s32 @!p2 $0x180;
	s31 =	sadd.s32 @!p2 s6, s30  }
0x3d: {  	[tilespmem:s0], [sflag:$0x2] =	stream.linear.gather @!p2 [hbm4b:s31+s2], $0x80, $0x38;
	[tilespmem:$0x4300] =	vst v63  }
0x3e: {  	s0 =	sand.u32 @!p2 $0x1FFFFFF0, s30  }
.Ltmp4:
0x3f: {  	s0 =	sadd.s32 @!p2 s6, s0;
	(pc) =	sbr.rel .LBB2_6-.Ltmp4, $4  }
0x40: {  	s31 =	simm.s32 @!p2 $0x200;
	s30 =	sadd.s32 @!p2 $0x30E0, s0  }
0x41: {  	[tilespmem:s31], [sflag:$0x2] =	stream.linear.gather @!p2 [hbm4b:s30+s2], $0x80, $0x38;
	[tilespmem:$0x4300] =	vst v63  }
0x42: {  	s0 =	sadd.s32 @!p2 $0x61C0, s0;
	s30 =	simm.s32 @!p2 $0x280  }
0x43: {  	[tilespmem:s30], [sflag:$0x2] =	stream.linear.gather @!p2 [hbm4b:s0+s2], $0x80, $0x38;
	[tilespmem:$0x4300] =	vst v63  }
.LBB2_5:
0x44: {  	_ =	swait.ge [sflag:s24], $0x80  }
0x45: {  	[sflag:s24] =	ssyncset.done $0x0  }
0x46: {  	[sflag:s24] =	ssyncadd.s32 $0xFFFFFF80  }
0x47: {  	_ =	swait.ge [sflag:s24], $0x80  }
0x48: {  	[sflag:s24] =	ssyncset.done $0x0  }
0x49: {  	[sflag:s24] =	ssyncadd.s32 $0xFFFFFF80  }
0x4a: {  	_ =	swait.ge [sflag:s24], $0x80  }
0x4b: {  	[sflag:s24] =	ssyncset.done $0x0  }
0x4c: {  	s29 =	simm.s32 @!p2 $0x5;
	[sflag:s24] =	ssyncadd.s32 $0xFFFFFF80  }
0x4d: {  	_ =	swait.ge @!p2 [sflag:s29], $0x800  }
0x4e: {  	[sflag:s29] =	ssyncset.done @!p2 $0x0  }
0x4f: {  	[sflag:s29] =	ssyncadd.s32 @!p2 $0xFFFFF800;
	s29 =	sadd.s32 $0x1, s26  }
0x50: {  	p2 =	sge.u32 s29, s8  }
0x51: {  	s0 =	sshll.u32 @!p2 s29, $0x4  }
0x52: {  	s0 =	sand.u32 @!p2 $0x1FFFFFF0, s0  }
0x53: {  	s2 =	simm.s32 @!p2 $0x0;
	s0 =	sadd.s32 @!p2 s6, s0  }
0x54: {  	[tilespmem:s2], [sflag:$0x1] =	stream.linear.gather @!p2 [hbm4b:s0+s2], $0x80, $0x38;
	[tilespmem:$0x4300] =	vst v63  }
0x55: {  	s31 =	simm.s32 @!p2 $0x80;
	s30 =	sadd.s32 @!p2 $0x30E0, s0  }
0x56: {  	[tilespmem:s31], [sflag:$0x1] =	stream.linear.gather @!p2 [hbm4b:s30+s2], $0x80, $0x38;
	[tilespmem:$0x4300] =	vst v63  }
0x57: {  	s0 =	sadd.s32 @!p2 $0x61C0, s0;
	s30 =	simm.s32 @!p2 $0x100  }
0x58: {  	[tilespmem:s30], [sflag:$0x1] =	stream.linear.gather @!p2 [hbm4b:s0+s2], $0x80, $0x38;
	[tilespmem:$0x4300] =	vst v63  }
.LBB2_6:
0x59: {  	s0 =	smul.u32 $0x600, s28;
	_ =	sdelay $0x1  }
0x5a: {  	s0 =	sshrl.u32 s0, $0x2  }
0x5b: {  	[tilespmem:s17], [sflag:$0x3] =	stream.indirect.gather [hbm4b:s1+s14], $0x10, s0, s14, $0xb8;
	[tilespmem:$0x4300] =	vst v63  }
0x5c: {  	_ = 	snop  }
0x5d: {  	[tilespmem:s18], [sflag:$0x3] =	stream.indirect.gather [hbm4b:s5+s14], $0x10, s0, s14, $0xb8;
	[tilespmem:$0x4300] =	vst v63  }
0x5e: {  	s2 =	sadd.s32 $0x80, s0  }
0x5f: {  	[tilespmem:s19], [sflag:$0x3] =	stream.indirect.gather [hbm4b:s1+s14], $0x10, s2, s14, $0xb8;
	[tilespmem:$0x4300] =	vst v63  }
0x60: {  	_ = 	snop  }
0x61: {  	[tilespmem:s20], [sflag:$0x3] =	stream.indirect.gather [hbm4b:s5+s14], $0x10, s2, s14, $0xb8;
	[tilespmem:$0x4300] =	vst v63  }
0x62: {  	s0 =	sadd.s32 $0x100, s0  }
0x63: {  	[tilespmem:s21], [sflag:$0x3] =	stream.indirect.gather [hbm4b:s1+s14], $0x10, s0, s14, $0xb8;
	[tilespmem:$0x4300] =	vst v63  }
0x64: {  	_ = 	snop  }
0x65: {  	[tilespmem:s22], [sflag:$0x3] =	stream.indirect.gather [hbm4b:s5+s14], $0x10, s0, s14, $0xb8;
	[tilespmem:$0x4300] =	vst v63  }
0x66: {  	_ =	swait.ge [sflag:s23], $0x800  }
0x67: {  	[sflag:s23] =	ssyncset.done $0x0  }
0x68: {  	[sflag:s23] =	ssyncadd.s32 $0xFFFFF800  }
0x69: {  	_ =	swait.ge [sflag:s23], $0x800  }
0x6a: {  	[sflag:s23] =	ssyncset.done $0x0  }
0x6b: {  	[sflag:s23] =	ssyncadd.s32 $0xFFFFF800  }
0x6c: {  	_ =	swait.ge [sflag:s23], $0x800  }
0x6d: {  	[sflag:s23] =	ssyncset.done $0x0  }
0x6e: {  	[sflag:s23] =	ssyncadd.s32 $0xFFFFF800  }
0x6f: {  	_ =	swait.ge [sflag:s23], $0x800  }
0x70: {  	[sflag:s23] =	ssyncset.done $0x0  }
0x71: {  	[sflag:s23] =	ssyncadd.s32 $0xFFFFF800  }
0x72: {  	_ =	swait.ge [sflag:s23], $0x800  }
0x73: {  	[sflag:s23] =	ssyncset.done $0x0  }
0x74: {  	[sflag:s23] =	ssyncadd.s32 $0xFFFFF800  }
0x75: {  	_ =	swait.ge [sflag:s23], $0x800  }
0x76: {  	s0 =	simm.s32 $0x1;
	[sflag:s23] =	ssyncset.done $0x0  }
0x77: {  	s30 =	simm.s32 $0x0;
	s0 =	simm.s32 @!p6 $0x0;
	[sflag:s23] =	ssyncadd.s32 $0xFFFFF800  }
0x78: {  	s0 =	sshll.u32 s0, $0xB;
	v1 =	vld [tilespmem:s30+$0xB00]  }
0x79: {  	s0 =	sor.u32 $0x3300, s0;
	v2 =	vld [tilespmem:s30+$0x300]  }
0x7a: {  	s31 =	simm.s32 $0x40;
	v0 =	vmov s0;
	v3 =	vld [tilespmem:s30+$0x1300]  }
.LBB2_7:
0x7b: {  	p2 =	sne.s32 s31, $0x1FC0;
	v4 =	vld [tilespmem:s30+$0x1B00]  }
0x7c: {  	v5 =	vld [tilespmem:s30+$0x2300]  }
0x7d: {  	v6 =	vld [tilespmem:s30+$0x2B00];
	_ =	sdelay $0x2  }
0x7e: {  	v1 =	vadd.f32 v1, v2;
	v2 =	vadd.f32 v4, v3;
	_ =	sdelay $0x1  }
0x7f: {  	v1 =	vadd.f32 v2, v1;
	v2 =	vadd.f32 v6, v5;
	_ =	sdelay $0x1  }
0x80: {  	v1 =	vadd.f32 v2, v1  }
.Ltmp5:
0x81: {  	(pc) =	sbr.rel @p2 .LBB2_7-.Ltmp5, $4  }
0x82: {  	[tilespmem:v0+s30+$0x0 ss:$0x1] =	vst.idx.msk $0xffff, v1;
	s30 =	sshra.s32 s31, $0x2  }
0x83: {  	v1 =	vld [tilespmem:s30+$0xB00]  }
0x84: {  	v2 =	vld [tilespmem:s30+$0x300]  }
0x85: {  	s31 =	sadd.s32 $0x40, s31;
	v3 =	vld [tilespmem:s30+$0x1300]  }
0x86: {  	v4 =	vld [tilespmem:s30+$0x1B00]  }
0x87: {  	v5 =	vld [tilespmem:s30+$0x2300]  }
0x88: {  	v6 =	vld [tilespmem:s30+$0x2B00];
	_ =	sdelay $0x2  }
0x89: {  	v1 =	vadd.f32 v1, v2;
	v62 =	vadd.f32 v4, v3;
	_ =	sdelay $0x1  }
0x8a: {  	v63 =	vadd.f32 v6, v5;
	v1 =	vadd.f32 v62, v1;
	_ =	sdelay $0x1  }
0x8b: {  	v1 =	vadd.f32 v63, v1  }
0x8c: {  	p2 =	sne.s32 s28, $0x0;
	s0 =	sshll.u32 s26, $0x8  }
0x8d: {  	s0 =	sadd.s32 s3, s0;
	s2 =	simm.s32 @p2 $0x0;
	s26 =	simm.s32 @p2 $0x3B00;
	[tilespmem:v0+s30+$0x0 ss:$0x1] =	vst.idx.msk $0xffff, v1  }
0x8e: {  	[hbm4b:s0+s2] =	stream.linear.scatter @p2 [tilespmem:s26], [sflag:$0x5], $0x800, $0x38;
	[tilespmem:$0x4300] =	vst v63  }
0x8f: {  	s2 =	simm.s32 @!p2 $0x0;
	s26 =	simm.s32 @!p2 $0x3300  }
0x90: {  	[hbm4b:s0+s2] =	stream.linear.scatter @!p2 [tilespmem:s26], [sflag:$0x4], $0x800, $0x38;
	[tilespmem:$0x4300] =	vst v63  }
0x91: {  	p2 =	slt.u32 s29, s8  }
.Ltmp6:
0x92: {  	_ = 	snop;
	(pc) =	sbr.rel @p2 .LBB2_3-.Ltmp6, $2  }
0x93: {  	_ =	sdelay $0x2  }
0x94: {  	p6 =	por !p6, !p6;
	s26 =	smov.u32 s29  }
.Ltmp7:
0x95: {  	(pc) =	sbr.rel @p1 .LBB2_10-.Ltmp7, $1  }
0x96: {  	_ =	sdelay $0x3  }
0x97: {  	s0 =	sld [smem:$0x7FC];
	_ =	sdelay $0x2  }
0x98: {  	p2 =	seq.s32 s0, $0x1  }
.Ltmp8:
0x99: {  	_ = 	snop;
	(pc) =	sbr.rel @p2 .LBB2_14-.Ltmp8, $1  }
0x9a: {  	_ =	sdelay $0x3  }
.Ltmp9:
0x9b: {  	(pc) =	sbr.rel .LBB2_13-.Ltmp9, $2  }
0x9c: {  	_ =	sdelay $0x2  }
0x9d: {  	s26 =	simm.s32 $0x5  }
.LBB2_10:
0x9e: {  	s26 =	simm.s32 $0x4  }
.LBB2_13:
0x9f: {  	_ =	swait.ge [sflag:s26], $0x800  }
0xa0: {  	[sflag:s26] =	ssyncset.done $0x0  }
0xa1: {  	[sflag:s26] =	ssyncadd.s32 $0xFFFFF800  }
.LBB2_14:
.Ltmp10:
0xa2: {  	(pc) =	sbr.rel @p3 .LBB2_20-.Ltmp10, $1  }
0xa3: {  	_ =	sdelay $0x3  }
.Ltmp11:
0xa4: {  	(pc) =	sbr.rel @p4 .LBB2_16-.Ltmp11, $1  }
0xa5: {  	_ =	sdelay $0x3  }
0xa6: {  	s0 =	sld [smem:$0x7FD];
	_ =	sdelay $0x2  }
0xa7: {  	p2 =	seq.s32 s0, $0x1  }
.Ltmp12:
0xa8: {  	_ = 	snop;
	(pc) =	sbr.rel @p2 .LBB2_20-.Ltmp12, $1  }
0xa9: {  	_ =	sdelay $0x3  }
.Ltmp13:
0xaa: {  	(pc) =	sbr.rel .LBB2_19-.Ltmp13, $2  }
0xab: {  	_ =	sdelay $0x2  }
0xac: {  	s26 =	simm.s32 $0x5  }
.LBB2_21:
0xad: {  	_ =	sfence.sel $0x180000  }
0xae: {  	[bflag:$0x0] =	sbarrier.arrive $0xFFFF  }
0xaf: {  	_ =	strace $0x9000004A  }
0xb0: {  	s0 =	stileid.u32;
	[bflag:$0x2] =	sbarrier.arrive $0xFFFF  }
0xb1: {  	p0 =	sne.s32 s0, $0x0;
	s0 =	rddreg [dreg:$0x3]  }
0xb2: {  	s0 =	sadd.s32 @!p0 $0x100000, s0  }
0xb3: {  	[sflag:s0] =	ssyncadd.tile.s32 @!p0 $0x1;
	_ =	shalt  }
.Lfunc_end2:
_tile_overlayer_lowered:
.L_overlay_start_2:
0xb4: {  	(tag) =	ssettag $0x2  }
0xb5: {  	s0 =	rddreg [dreg:$0x0];
	s2 =	stileid.u32  }
0xb6: {  	s1 =	rddreg [dreg:$0x1];
	p0 =	sne.s32 s2, $0x0  }
0xb7: {  	s3 =	rddreg [dreg:$0x2];
	[bflag:$0x3] =	sbarrier.arrive $0xFFFF;
	s2 =	simm.s32 @!p0 $0x1C06  }
0xb8: {  	[timem:s3], [sflag:s2] =	dma.local @!p0 [hbm:s0], s1  }
0xb9: {  	s0 =	simm.s32 @!p0 $0x6  }
0xba: {  	_ =	swait.ge @!p0 [sflag:s0], s1  }
0xbb: {  	s1 =	ssub.s32 @!p0 $0x0, s1;
	[sflag:s0] =	ssyncset.done @!p0 $0x0  }
0xbc: {  	[sflag:s0] =	ssyncadd.s32 @!p0 s1  }
0xbd: {  	[bflag:$0x3] =	sbarrier.arrive $0xFFFF  }
0xbe: {  	_ =	shalt  }

</sc_bundles>
